<compile_context>
chip_gen: v7x
topology: tpu7x:2x2x1
jax: 0.10.2.dev20260603
libtpu: 0.0.44.dev20260713+nightly
codegen_flags: <defaults>
</compile_context>

<pallas_src>
import functools

import jax
import jax.numpy as jnp
from jax import lax
from jax.experimental import pallas as pl
from jax.experimental.pallas import tpu as pltpu
from jax.experimental.pallas import tpu_sc as plsc

B = 32
N = 2048
C = 256
NF = N * C
K = N // 3
KPAD = 688
WIN = 16384
NW = NF // WIN
VPW = WIN // 16
U = 8
NB0 = 32768
NBX = 8192
CAP = 2048
CBUF = 3456
L = 16


def _sortable(x):
    u = plsc.bitcast(x, jnp.int32)
    return u ^ ((u >> 31) & jnp.int32(0x7FFFFFFF))


def _keybits(x):
    p = 1.0 / (1.0 + jnp.exp(-x))
    return plsc.bitcast(p, jnp.int32)


def _lane(vec, i, i16):
    return jnp.sum(jnp.where(i16 == i, vec, vec.dtype.type(0)))


def _scan_hist(hist, top_v, target, i16):

    def cond(st):
        acc, _ = st
        return acc < target

    def body(st):
        acc, v = st
        hv = hist[pl.ds(v * L, L)]
        return acc + jnp.sum(hv), v - 1

    acc, vend = lax.while_loop(cond, body, (jnp.int32(0), jnp.int32(top_v)))
    vc = vend + 1
    hv = hist[pl.ds(vc * L, L)]
    accx = acc - jnp.sum(hv)
    suf = lax.rev(plsc.cumsum(lax.rev(hv, (0,))), (0,))
    mk = (accx + suf) >= target
    i0 = jnp.sum(mk.astype(jnp.int32)) - 1
    suf_i0 = _lane(suf, i0, i16)
    h_i0 = _lane(hv, i0, i16)
    return vc * L + i0, accx + suf_i0 - h_i0, h_i0


def _make_call():
    mesh = plsc.VectorSubcoreMesh(core_axis_name="c", subcore_axis_name="s")

    @functools.partial(
        pl.kernel,
        compiler_params=pltpu.CompilerParams(needs_layout_passes=False),
        out_type=[
            jax.ShapeDtypeStruct((B, KPAD * 5), jnp.float32),
            jax.ShapeDtypeStruct((B, KPAD), jnp.int32),
            jax.ShapeDtypeStruct((B, KPAD), jnp.float32),
        ],
        mesh=mesh,
        scratch_types=[
            pltpu.VMEM((WIN,), jnp.float32),
            pltpu.VMEM((WIN,), jnp.float32),
            pltpu.VMEM((NB0,), jnp.int32),
            pltpu.VMEM((4096,), jnp.int32),
            pltpu.VMEM((CBUF,), jnp.int32),
            pltpu.VMEM((CBUF,), jnp.int32),
            pltpu.VMEM((CBUF,), jnp.int32),
            pltpu.VMEM((CBUF,), jnp.int32),
            pltpu.VMEM((N * 5,), jnp.float32),
            pltpu.VMEM((KPAD * 5,), jnp.float32),
            pltpu.VMEM((KPAD,), jnp.int32),
            pltpu.VMEM((KPAD,), jnp.float32),
            pltpu.VMEM((L,), jnp.float32),
            pltpu.SemaphoreType.DMA,
            pltpu.SemaphoreType.DMA,
        ],
    )
    def call(lg, mom, scale, mo_o, lab_o, sco_o,
             win0, win1, hist, counts, ckey, cidx, skey, sidx,
             momv, movout, labv, scov, scalev, sem0, sem1):
        r = lax.axis_index("s") * 2 + lax.axis_index("c")
        i16 = lax.iota(jnp.int32, L)
        zeros = jnp.zeros((L,), jnp.int32)
        ones = jnp.ones((L,), jnp.int32)

        def clear(ref, nwords):
            def f(i, _):
                ref[pl.ds(i * L, L)] = zeros
                return 0
            lax.fori_loop(0, nwords // L, f, 0)

        def _issue(w, buf, sem):
            pltpu.async_copy(lg.at[r, pl.ds(w * WIN, WIN)], buf, sem)

        def _wait(w, buf, sem):
            pltpu.make_async_copy(lg.at[r, pl.ds(w * WIN, WIN)], buf,
                                  sem).wait()

        def stream(vbody, carry_init):
            _issue(jnp.int32(0), win0, sem0)
            _issue(jnp.int32(1), win1, sem1)

            def pair(g, carry):
                w0 = g * 2
                _wait(w0, win0, sem0)
                carry = vbody(win0, w0, carry)

                @pl.when(w0 + 2 < NW)
                def _():
                    _issue(w0 + 2, win0, sem0)

                _wait(w0 + 1, win1, sem1)
                carry = vbody(win1, w0 + 1, carry)

                @pl.when(w0 + 3 < NW)
                def _():
                    _issue(w0 + 3, win1, sem1)

                return carry

            return lax.fori_loop(0, NW // 2, pair, carry_init)

        clear(hist, 4 * NBX)

        def hx_body(win, w, carry):
            def hx(i):
                s = _sortable(win[pl.ds(i * L, L)])
                b0 = (s >> 19) + 4096 + (i & 3) * NBX
                plsc.addupdate_scatter(hist, [b0], ones)
            plsc.parallel_loop(0, VPW, unroll=16)(hx)
            return carry

        stream(hx_body, 0)

        def merge(v, _):
            hv = (hist[pl.ds(v * L, L)]
                  + hist[pl.ds(NBX + v * L, L)]
                  + hist[pl.ds(2 * NBX + v * L, L)]
                  + hist[pl.ds(3 * NBX + v * L, L)])
            hist[pl.ds(v * L, L)] = hv
            return 0

        lax.fori_loop(0, NBX // L, merge, 0)
        btx, abovex, binxn = _scan_hist(hist, NBX // L - 1, jnp.int32(K), i16)

        def fast_rest():
            clear(ckey, CBUF)
            clear(cidx, CBUF)

            def cx_body(win, w, offv):
                def cx(i, offv):
                    s = _sortable(win[pl.ds(i * L, L)])
                    m = ((s >> 19) + 4096) >= btx
                    pos = offv + plsc.cumsum(m.astype(jnp.int32)) - 1
                    plsc.store_scatter(ckey, [pos], s, mask=m)
                    idxv = w * WIN + i * L + i16
                    plsc.store_scatter(cidx, [pos], idxv, mask=m)
                    return offv + plsc.all_reduce_population_count(m)
                return plsc.parallel_loop(0, VPW, unroll=8, carry=offv)(cx)

            offv = stream(cx_body, jnp.zeros((L,), jnp.int32))
            ncand = _lane(offv, jnp.int32(0), i16)

            nvc = (ncand + L - 1) // L

            def conv(v, _):
                s = ckey[pl.ds(v * L, L)]
                x = plsc.bitcast(s ^ ((s >> 31) & jnp.int32(0x7FFFFFFF)),
                                 jnp.float32)
                pk = _keybits(x)
                ckey[pl.ds(v * L, L)] = jnp.where(v * L + i16 < ncand, pk, 0)
                return 0

            lax.fori_loop(0, nvc, conv, 0)
            _radix_sort(ncand)

            kv = ckey[pl.ds((K - 1) // L * L, L)]
            p_k = _lane(kv, jnp.int32((K - 1) % L), i16)
            bm1 = jnp.maximum(btx - 4096 - 1, jnp.int32(-4096))
            s_edge = jnp.full((L,), (bm1 << 19) | 0x7FFFF, jnp.int32)
            x_edge = plsc.bitcast(
                s_edge ^ ((s_edge >> 31) & jnp.int32(0x7FFFFFFF)),
                jnp.float32)
            p_edge = _lane(_keybits(x_edge), jnp.int32(0), i16)
            return ((btx == 0) | (p_edge < p_k)).astype(jnp.int32)

        def _radix_sort(ncand):
            ns = jnp.maximum((ncand + L - 1) // L, KPAD // L)

            def radix(srck, srci, dstk, dsti, shift):
                clear(counts, 4096)

                def cnt(i, _):
                    e = i16 * ns + i
                    kk = plsc.load_gather(srck, [e])
                    d = 255 - (lax.shift_right_logical(kk, shift) & 255)
                    plsc.addupdate_scatter(counts, [d * L + i16], ones)
                    return 0

                lax.fori_loop(0, ns, cnt, 0)

                def scan(g, carry):
                    hv = counts[pl.ds(g * L, L)]
                    cs = plsc.cumsum(hv)
                    counts[pl.ds(g * L, L)] = carry + cs - hv
                    return carry + _lane(cs, jnp.int32(L - 1), i16)

                lax.fori_loop(0, 256, scan, jnp.int32(0))

                def scat(i, _):
                    e = i16 * ns + i
                    kk = plsc.load_gather(srck, [e])
                    vv = plsc.load_gather(srci, [e])
                    d = 255 - (lax.shift_right_logical(kk, shift) & 255)
                    pos = plsc.load_gather(counts, [d * L + i16])
                    plsc.store_scatter(dstk, [pos], kk)
                    plsc.store_scatter(dsti, [pos], vv)
                    plsc.addupdate_scatter(counts, [d * L + i16], ones)
                    return 0

                lax.fori_loop(0, ns, scat, 0)

            radix(ckey, cidx, skey, sidx, 0)
            radix(skey, sidx, ckey, cidx, 8)
            radix(ckey, cidx, skey, sidx, 16)
            radix(skey, sidx, ckey, cidx, 24)

        def exact_path():
            clear(hist, NB0)

            def h0_body(win, w, carry):
                def v(i, _):
                    s = _keybits(win[pl.ds(i * L, L)])
                    plsc.addupdate_scatter(
                        hist, [lax.shift_right_logical(s, 15)], ones)
                    return 0
                return lax.fori_loop(0, VPW, v, carry)

            stream(h0_body, 0)
            bt0, above0, bin0n = _scan_hist(hist, NB0 // L - 1, jnp.int32(K),
                                            i16)
            quota0 = K - above0

            def lvl1():
                clear(hist, 2048)

                def h1_body(win, w, carry):
                    def v(i, _):
                        s = _keybits(win[pl.ds(i * L, L)])
                        b0 = lax.shift_right_logical(s, 15)
                        d1 = lax.shift_right_logical(s, 4) & 0x7FF
                        plsc.addupdate_scatter(hist, [d1], ones,
                                               mask=b0 == bt0)
                        return 0
                    return lax.fori_loop(0, VPW, v, carry)

                stream(h1_body, 0)
                return _scan_hist(hist, 2048 // L - 1, quota0, i16)

            bt1, above1, bin1n = lax.cond(
                bin0n > CAP, lvl1,
                lambda: (jnp.int32(-1), jnp.int32(0), jnp.int32(0)))
            quota1 = quota0 - above1

            def lvl2():
                clear(hist, L)

                def h2_body(win, w, carry):
                    def v(i, _):
                        s = _keybits(win[pl.ds(i * L, L)])
                        b0 = lax.shift_right_logical(s, 15)
                        d1 = lax.shift_right_logical(s, 4) & 0x7FF
                        d2 = s & 0xF
                        plsc.addupdate_scatter(
                            hist, [d2], ones, mask=(b0 == bt0) & (d1 == bt1))
                        return 0
                    return lax.fori_loop(0, VPW, v, carry)

                stream(h2_body, 0)
                return _scan_hist(hist, 0, quota1, i16)

            bt2, above2, bin2n = lax.cond(
                bin1n > CAP, lvl2,
                lambda: (jnp.int32(-1), jnp.int32(0), jnp.int32(0)))
            quota2 = quota1 - above2

            is1 = bin0n > CAP
            is2 = bin1n > CAP
            bt1p = jnp.where(is2, bt1,
                             jnp.where(is1, bt1 - 1, jnp.int32(-1)))
            bt2p = jnp.where(is2, bt2, jnp.int32(16))
            qeq = jnp.where(is2, quota2, jnp.int32(K + CAP + 16))

            clear(ckey, CBUF)
            clear(cidx, CBUF)

            def c_body(win, w, st):
                def v(i, st):
                    off, eqseen = st
                    s = _keybits(win[pl.ds(i * L, L)])
                    b0 = lax.shift_right_logical(s, 15)
                    d1 = lax.shift_right_logical(s, 4) & 0x7FF
                    d2 = s & 0xF
                    w_in = (b0 > bt0) | (
                        (b0 == bt0)
                        & ((d1 > bt1p) | ((d1 == bt1p) & (d2 > bt2p))))
                    eqm = (b0 == bt0) & (d1 == bt1p) & (d2 == bt2p)
                    occ = plsc.cumsum(eqm.astype(jnp.int32))
                    m = w_in | (eqm & ((eqseen + occ) <= qeq))
                    plsc.store_compressed(ckey.at[pl.ds(off, L)], s, mask=m)
                    idxv = w * WIN + i * L + i16
                    plsc.store_compressed(cidx.at[pl.ds(off, L)], idxv,
                                          mask=m)
                    return (off + jnp.sum(m.astype(jnp.int32)),
                            eqseen + jnp.sum(eqm.astype(jnp.int32)))
                return lax.fori_loop(0, VPW, v, st)

            ncand, _ = stream(c_body, (jnp.int32(0), jnp.int32(0)))
            _radix_sort(ncand)

        ok = lax.cond(binxn <= CAP, fast_rest, lambda: jnp.int32(0))
        lax.cond(ok == 0, exact_path, lambda: None)

        pltpu.sync_copy(mom.at[r], momv)
        pltpu.sync_copy(scale.at[r], scalev)
        sv = scalev[...]
        w_img = _lane(sv, jnp.int32(0), i16)
        h_img = _lane(sv, jnp.int32(1), i16)
        scale_a = (w_img, h_img, jnp.float32(150.0), jnp.float32(2.0),
                   jnp.float32(10.0))
        scale_b = (0.0, 0.0, 0.0, -1.0, 0.0)

        def outp(i, _):
            s = ckey[pl.ds(i * L, L)]
            ix = cidx[pl.ds(i * L, L)]
            scov[pl.ds(i * L, L)] = plsc.bitcast(s, jnp.float32)
            labv[pl.ds(i * L, L)] = ix & (C - 1)
            base5 = lax.shift_right_logical(ix, 8) * 5
            pos5 = (i * L + i16) * 5
            for j in range(5):
                mj = plsc.load_gather(momv, [base5 + j])
                plsc.store_scatter(movout, [pos5 + j],
                                   mj * scale_a[j] + scale_b[j])
            return 0

        lax.fori_loop(0, KPAD // L, outp, 0)
        pltpu.sync_copy(scov, sco_o.at[r])
        pltpu.sync_copy(labv, lab_o.at[r])
        pltpu.sync_copy(movout, mo_o.at[r])

    return call


_CALL = _make_call()


def kernel(pred_logits, pred_moments, target_sizes):
    b, n, c = pred_logits.shape
    lg = pred_logits.reshape(b, n * c)
    mom = pred_moments.reshape(b, n * 5)
    ts = target_sizes.astype(jnp.float32)
    scale = jnp.zeros((b, L), jnp.float32)
    scale = scale.at[:, 0].set(ts[:, 1]).at[:, 1].set(ts[:, 0])
    mo, lab, sco = _CALL(lg, mom, scale)
    moments = mo.reshape(b, KPAD, 5)[:, :K, :]
    return (moments, lab[:, :K], sco[:, :K])

# --- scband reference (transcript-rebuilt; emitter-appended) ---
"""Pipeline reference for scband-post-process-74294344286918 (READ-ONLY COPY).

The authoritative reference and input builder live on the scoring server;
editing this copy changes nothing except your own understanding.
"""

import jax, jax.numpy as jnp
import numpy as np

# Globals referenced by the original torch module (length-3: moments[..., 2:])
MOMENT_MIN_VALUES = jnp.array([0.0, -1.0, 0.0], dtype=jnp.float32)
MOMENT_MAX_VALUES = jnp.array([150.0, 1.0, 10.0], dtype=jnp.float32)


def setup_inputs(seed: int = 0) -> dict:
    key = jax.random.key(seed)
    k1, k2, k3 = jax.random.split(key, 3)
    pred_logits = jax.random.normal(k1, (32, 2048, 256), dtype=jnp.float32)
    pred_moments = jax.random.uniform(k2, (32, 2048, 5), dtype=jnp.float32)
    target_sizes = jax.random.randint(k3, (32, 2), 1, 1333, dtype=jnp.int32)
    return {"pred_logits": pred_logits, "pred_moments": pred_moments, "target_sizes": target_sizes}


def reference(pred_logits, pred_moments, target_sizes):
    # postprocess_topk path (method='topk')
    prob = jax.nn.sigmoid(pred_logits)                      # [B, N, C]
    B, N, C = pred_logits.shape
    k = N // 3
    topk_values, topk_indexes = jax.lax.top_k(prob.reshape(B, N * C), k)
    scores = topk_values                                    # [B, k]
    topk_moments = topk_indexes // C                        # query index
    labels = topk_indexes % C                               # class index
    # gather moments along query axis; broadcast over last dim (5)
    moments = jnp.take_along_axis(pred_moments, topk_moments[:, :, None], axis=1)  # [B, k, 5]
    # scale first two coords by image size
    ts = target_sizes.astype(jnp.float32)
    img_h = ts[:, 0]
    img_w = ts[:, 1]
    scale_fct = jnp.stack([img_w, img_h, img_w, img_h], axis=1)  # [B, 4]
    m01 = moments[..., :2] * scale_fct[:, None, :2]
    m2 = moments[..., 2:] * (MOMENT_MAX_VALUES - MOMENT_MIN_VALUES)[None, None, :] + MOMENT_MIN_VALUES[None, None, :]
    moments = jnp.concatenate([m01, m2], axis=-1)
    return (moments, labels, scores)

if __name__ == "__main__":
    import jax
    _d = setup_inputs()
    print(jax.jit(kernel)(*tuple(_d.values())))

</pallas_src>

<mosaic_0001>
#map = affine_map<(d0, d1) -> (0, 0)>
module attributes {stable_mosaic.version = 14 : i64} {
  func.func @call(%arg0: i32, %arg1: i32, %arg2: memref<32x524288xf32, #tpu.memory_space<hbm>>, %arg3: memref<32x10240xf32, #tpu.memory_space<hbm>>, %arg4: memref<32x16xf32, #tpu.memory_space<hbm>>, %arg5: memref<32x3440xf32, #tpu.memory_space<hbm>>, %arg6: memref<32x688xi32, #tpu.memory_space<hbm>>, %arg7: memref<32x688xf32, #tpu.memory_space<hbm>>, %arg8: memref<16384xf32, #tpu.memory_space<vmem>>, %arg9: memref<16384xf32, #tpu.memory_space<vmem>>, %arg10: memref<32768xi32, #tpu.memory_space<vmem>>, %arg11: memref<4096xi32, #tpu.memory_space<vmem>>, %arg12: memref<3456xi32, #tpu.memory_space<vmem>>, %arg13: memref<3456xi32, #tpu.memory_space<vmem>>, %arg14: memref<3456xi32, #tpu.memory_space<vmem>>, %arg15: memref<3456xi32, #tpu.memory_space<vmem>>, %arg16: memref<10240xf32, #tpu.memory_space<vmem>>, %arg17: memref<3440xf32, #tpu.memory_space<vmem>>, %arg18: memref<688xi32, #tpu.memory_space<vmem>>, %arg19: memref<688xf32, #tpu.memory_space<vmem>>, %arg20: memref<16xf32, #tpu.memory_space<vmem>>, %arg21: memref<!tpu.dma_semaphore, #tpu.memory_space<semaphore_mem>>, %arg22: memref<!tpu.dma_semaphore, #tpu.memory_space<semaphore_mem>>) attributes {dimension_semantics = [#tpu.dimension_semantics<core_parallel>, #tpu.dimension_semantics<subcore_parallel>], iteration_bounds = array<i64: 2, 16>, scalar_prefetch = 0 : i64, scratch_operands = 15 : i64, tpu.core_type = #tpu.core_type<sc_vector_subcore>, window_params = [{transform_indices = #map}, {transform_indices = #map}, {transform_indices = #map}, {transform_indices = #map}, {transform_indices = #map}, {transform_indices = #map}]} {
    %mul3A = arith.constant 2 : i32
    %mul3A_0 = arith.muli %arg1, %mul3A : i32
    %add3A = arith.addi %mul3A_0, %arg0 : i32
    %iota3A = tpu.iota {dimensions = array<i32: 0>} : vector<16xi32>
    %broadcast_in_dim3A = arith.constant 0 : i32
    %broadcast_in_dim3A_1 = vector.broadcast %broadcast_in_dim3A : i32 to vector<16xi32>
    %broadcast_in_dim3A_2 = arith.constant 1 : i32
    %broadcast_in_dim3A_3 = vector.broadcast %broadcast_in_dim3A_2 : i32 to vector<16xi32>
    %scan3A = arith.constant 0 : i32
    %scan3A_4 = arith.constant 0 : i32
    %scan3A_5 = arith.constant 2048 : i32
    %scan3A_6 = arith.addi %scan3A_4, %scan3A_5 : i32
    %scan3A_7 = arith.constant 1 : i32
    %scan3A_8 = scf.for %scan3A_129 = %scan3A_4 to %scan3A_6 step %scan3A_7 iter_args(%scan3A_130 = %scan3A) -> (i32)  : i32 {
      %mul3A_131 = arith.constant 16 : i32
      %mul3A_132 = arith.muli %scan3A_129, %mul3A_131 : i32
      %swap3A = arith.index_cast %mul3A_132 : i32 to index
      %swap3A_133 = tpu.vector_load %arg10[%swap3A] {strides = array<i32>} : memref<32768xi32, #tpu.memory_space<vmem>>, vector<16xi32>,
      tpu.vector_store %arg10[%swap3A], %broadcast_in_dim3A_1 {strides = array<i32>} : memref<32768xi32, #tpu.memory_space<vmem>>, vector<16xi32>,
      %scan3A_134 = arith.constant 0 : i32
      scf.yield %scan3A_134 : i32
    }
    %scan3A_9 = arith.constant 2048 : i32
    %mul3A_10 = arith.constant 0 : i32
    %mul3A_11 = arith.constant 16384 : i32
    %mul3A_12 = arith.muli %mul3A_10, %mul3A_11 : i32
    %dma_start3A = tpu.memref_slice %arg2[%add3A, %mul3A_12] : memref<32x524288xf32, #tpu.memory_space<hbm>> -> memref<1x16384xf32, #tpu.memory_space<hbm>>
    %dma_start3A_13 = tpu.memref_squeeze %dma_start3A : memref<1x16384xf32, #tpu.memory_space<hbm>> -> memref<16384xf32, #tpu.memory_space<hbm>>
    %dma_start3A_14 = tpu.memref_slice %arg2[%add3A, %mul3A_12] : memref<32x524288xf32, #tpu.memory_space<hbm>> -> memref<1x16384xf32, #tpu.memory_space<hbm>>
    %dma_start3A_15 = tpu.memref_squeeze %dma_start3A_14 : memref<1x16384xf32, #tpu.memory_space<hbm>> -> memref<16384xf32, #tpu.memory_space<hbm>>
    tpu.enqueue_dma source(%dma_start3A_15 : memref<16384xf32, #tpu.memory_space<hbm>>) target(%arg8 : memref<16384xf32, #tpu.memory_space<vmem>>) target_semaphore(%arg21 : memref<!tpu.dma_semaphore, #tpu.memory_space<semaphore_mem>>)
    %mul3A_16 = arith.constant 1 : i32
    %mul3A_17 = arith.constant 16384 : i32
    %mul3A_18 = arith.muli %mul3A_16, %mul3A_17 : i32
    %dma_start3A_19 = tpu.memref_slice %arg2[%add3A, %mul3A_18] : memref<32x524288xf32, #tpu.memory_space<hbm>> -> memref<1x16384xf32, #tpu.memory_space<hbm>>
    %dma_start3A_20 = tpu.memref_squeeze %dma_start3A_19 : memref<1x16384xf32, #tpu.memory_space<hbm>> -> memref<16384xf32, #tpu.memory_space<hbm>>
    %dma_start3A_21 = tpu.memref_slice %arg2[%add3A, %mul3A_18] : memref<32x524288xf32, #tpu.memory_space<hbm>> -> memref<1x16384xf32, #tpu.memory_space<hbm>>
    %dma_start3A_22 = tpu.memref_squeeze %dma_start3A_21 : memref<1x16384xf32, #tpu.memory_space<hbm>> -> memref<16384xf32, #tpu.memory_space<hbm>>
    tpu.enqueue_dma source(%dma_start3A_22 : memref<16384xf32, #tpu.memory_space<hbm>>) target(%arg9 : memref<16384xf32, #tpu.memory_space<vmem>>) target_semaphore(%arg22 : memref<!tpu.dma_semaphore, #tpu.memory_space<semaphore_mem>>)
    %scan3A_23 = arith.constant 0 : i32
    %scan3A_24 = arith.constant 0 : i32
    %scan3A_25 = arith.constant 16 : i32
    %scan3A_26 = arith.addi %scan3A_24, %scan3A_25 : i32
    %scan3A_27 = arith.constant 1 : i32
    scf.for %scan3A_129 = %scan3A_24 to %scan3A_26 step %scan3A_27  : i32 {
      %mul3A_130 = arith.constant 2 : i32
      %mul3A_131 = arith.muli %scan3A_129, %mul3A_130 : i32
      %mul3A_132 = arith.constant 16384 : i32
      %mul3A_133 = arith.muli %mul3A_131, %mul3A_132 : i32
      %dma_wait3A = tpu.memref_slice %arg2[%add3A, %mul3A_133] : memref<32x524288xf32, #tpu.memory_space<hbm>> -> memref<1x16384xf32, #tpu.memory_space<hbm>>
      %dma_wait3A_134 = tpu.memref_squeeze %dma_wait3A : memref<1x16384xf32, #tpu.memory_space<hbm>> -> memref<16384xf32, #tpu.memory_space<hbm>>
      %dma_wait3A_135 = tpu.memref_slice %arg2[%add3A, %mul3A_133] : memref<32x524288xf32, #tpu.memory_space<hbm>> -> memref<1x16384xf32, #tpu.memory_space<hbm>>
      %dma_wait3A_136 = tpu.memref_squeeze %dma_wait3A_135 : memref<1x16384xf32, #tpu.memory_space<hbm>> -> memref<16384xf32, #tpu.memory_space<hbm>>
      tpu.wait_dma2 semaphore(%arg21 : memref<!tpu.dma_semaphore, #tpu.memory_space<semaphore_mem>>) src(%dma_wait3A_136 : memref<16384xf32, #tpu.memory_space<hbm>>) dst(%arg8 : memref<16384xf32, #tpu.memory_space<vmem>>)
      %parallel_loop3A = arith.constant 0 : i32
      %parallel_loop3A_137 = arith.constant 1024 : i32
      %parallel_loop3A_138 = arith.constant 1 : i32
      scf.for %parallel_loop3A_165 = %parallel_loop3A to %parallel_loop3A_137 step %parallel_loop3A_138  : i32 {
        %parallel_loop3A_166 = arith.constant 16 : i32
        %parallel_loop3A_167 = arith.muli %parallel_loop3A_165, %parallel_loop3A_166 : i32
        %parallel_loop3A_168 = arith.index_cast %parallel_loop3A_167 : i32 to index
        %parallel_loop3A_169 = tpu.vector_load %arg8[%parallel_loop3A_168] {strides = array<i32>} : memref<16384xf32, #tpu.memory_space<vmem>>, vector<16xf32>,
        %parallel_loop3A_170 = vector.bitcast %parallel_loop3A_169 : vector<16xf32> to vector<16xi32>
        %parallel_loop3A_171 = arith.constant 31 : i32
        %parallel_loop3A_172 = vector.broadcast %parallel_loop3A_171 : i32 to vector<16xi32>
        %parallel_loop3A_173 = arith.shrsi %parallel_loop3A_170, %parallel_loop3A_172 : vector<16xi32>
        %parallel_loop3A_174 = arith.constant 2147483647 : i32
        %parallel_loop3A_175 = vector.broadcast %parallel_loop3A_174 : i32 to vector<16xi32>
        %parallel_loop3A_176 = arith.andi %parallel_loop3A_173, %parallel_loop3A_175 : vector<16xi32>
        %parallel_loop3A_177 = arith.xori %parallel_loop3A_170, %parallel_loop3A_176 : vector<16xi32>
        %parallel_loop3A_178 = arith.constant 19 : i32
        %parallel_loop3A_179 = vector.broadcast %parallel_loop3A_178 : i32 to vector<16xi32>
        %parallel_loop3A_180 = arith.shrsi %parallel_loop3A_177, %parallel_loop3A_179 : vector<16xi32>
        %parallel_loop3A_181 = arith.constant 4096 : i32
        %parallel_loop3A_182 = vector.broadcast %parallel_loop3A_181 : i32 to vector<16xi32>
        %parallel_loop3A_183 = arith.addi %parallel_loop3A_180, %parallel_loop3A_182 : vector<16xi32>
        %parallel_loop3A_184 = arith.constant 3 : i32
        %parallel_loop3A_185 = arith.andi %parallel_loop3A_165, %parallel_loop3A_184 : i32
        %parallel_loop3A_186 = arith.constant 8192 : i32
        %parallel_loop3A_187 = arith.muli %parallel_loop3A_185, %parallel_loop3A_186 : i32
        %parallel_loop3A_188 = vector.broadcast %parallel_loop3A_187 : i32 to vector<16xi32>
        %parallel_loop3A_189 = arith.addi %parallel_loop3A_183, %parallel_loop3A_188 : vector<16xi32>
        tpu.vector_store_idx %arg10[%parallel_loop3A_189], %broadcast_in_dim3A_3 {add = true} : memref<32768xi32, #tpu.memory_space<vmem>>[vector<16xi32>], vector<16xi32>,
      } {sc.loop_unroll_factor = 16 : i64, sc.parallel_access}
      %add3A_139 = arith.constant 2 : i32
      %add3A_140 = arith.addi %mul3A_131, %add3A_139 : i32
      %lt3A = arith.constant 32 : i32
      %lt3A_141 = arith.cmpi slt, %add3A_140, %lt3A : i32
      %convert_element_type3A_142 = arith.extui %lt3A_141 : i1 to i32
      %cond3A_143 = arith.constant 0 : i32
      %cond3A_144 = arith.cmpi ne, %convert_element_type3A_142, %cond3A_143 : i32
      scf.if %cond3A_144 {
        %add3A_165 = arith.constant 2 : i32
        %add3A_166 = arith.addi %mul3A_131, %add3A_165 : i32
        %mul3A_167 = arith.constant 16384 : i32
        %mul3A_168 = arith.muli %add3A_166, %mul3A_167 : i32
        %dma_start3A_169 = tpu.memref_slice %arg2[%add3A, %mul3A_168] : memref<32x524288xf32, #tpu.memory_space<hbm>> -> memref<1x16384xf32, #tpu.memory_space<hbm>>
        %dma_start3A_170 = tpu.memref_squeeze %dma_start3A_169 : memref<1x16384xf32, #tpu.memory_space<hbm>> -> memref<16384xf32, #tpu.memory_space<hbm>>
        %dma_start3A_171 = tpu.memref_slice %arg2[%add3A, %mul3A_168] : memref<32x524288xf32, #tpu.memory_space<hbm>> -> memref<1x16384xf32, #tpu.memory_space<hbm>>
        %dma_start3A_172 = tpu.memref_squeeze %dma_start3A_171 : memref<1x16384xf32, #tpu.memory_space<hbm>> -> memref<16384xf32, #tpu.memory_space<hbm>>
        tpu.enqueue_dma source(%dma_start3A_172 : memref<16384xf32, #tpu.memory_space<hbm>>) target(%arg8 : memref<16384xf32, #tpu.memory_space<vmem>>) target_semaphore(%arg21 : memref<!tpu.dma_semaphore, #tpu.memory_space<semaphore_mem>>)
      } else {
      }
      %add3A_145 = arith.constant 1 : i32
      %add3A_146 = arith.addi %mul3A_131, %add3A_145 : i32
      %mul3A_147 = arith.constant 16384 : i32
      %mul3A_148 = arith.muli %add3A_146, %mul3A_147 : i32
      %dma_wait3A_149 = tpu.memref_slice %arg2[%add3A, %mul3A_148] : memref<32x524288xf32, #tpu.memory_space<hbm>> -> memref<1x16384xf32, #tpu.memory_space<hbm>>
      %dma_wait3A_150 = tpu.memref_squeeze %dma_wait3A_149 : memref<1x16384xf32, #tpu.memory_space<hbm>> -> memref<16384xf32, #tpu.memory_space<hbm>>
      %dma_wait3A_151 = tpu.memref_slice %arg2[%add3A, %mul3A_148] : memref<32x524288xf32, #tpu.memory_space<hbm>> -> memref<1x16384xf32, #tpu.memory_space<hbm>>
      %dma_wait3A_152 = tpu.memref_squeeze %dma_wait3A_151 : memref<1x16384xf32, #tpu.memory_space<hbm>> -> memref<16384xf32, #tpu.memory_space<hbm>>
      tpu.wait_dma2 semaphore(%arg22 : memref<!tpu.dma_semaphore, #tpu.memory_space<semaphore_mem>>) src(%dma_wait3A_152 : memref<16384xf32, #tpu.memory_space<hbm>>) dst(%arg9 : memref<16384xf32, #tpu.memory_space<vmem>>)
      %add3A_153 = arith.constant 1 : i32
      %add3A_154 = arith.addi %mul3A_131, %add3A_153 : i32
      %parallel_loop3A_155 = arith.constant 0 : i32
      %parallel_loop3A_156 = arith.constant 1024 : i32
      %parallel_loop3A_157 = arith.constant 1 : i32
      scf.for %parallel_loop3A_165 = %parallel_loop3A_155 to %parallel_loop3A_156 step %parallel_loop3A_157  : i32 {
        %parallel_loop3A_166 = arith.constant 16 : i32
        %parallel_loop3A_167 = arith.muli %parallel_loop3A_165, %parallel_loop3A_166 : i32
        %parallel_loop3A_168 = arith.index_cast %parallel_loop3A_167 : i32 to index
        %parallel_loop3A_169 = tpu.vector_load %arg9[%parallel_loop3A_168] {strides = array<i32>} : memref<16384xf32, #tpu.memory_space<vmem>>, vector<16xf32>,
        %parallel_loop3A_170 = vector.bitcast %parallel_loop3A_169 : vector<16xf32> to vector<16xi32>
        %parallel_loop3A_171 = arith.constant 31 : i32
        %parallel_loop3A_172 = vector.broadcast %parallel_loop3A_171 : i32 to vector<16xi32>
        %parallel_loop3A_173 = arith.shrsi %parallel_loop3A_170, %parallel_loop3A_172 : vector<16xi32>
        %parallel_loop3A_174 = arith.constant 2147483647 : i32
        %parallel_loop3A_175 = vector.broadcast %parallel_loop3A_174 : i32 to vector<16xi32>
        %parallel_loop3A_176 = arith.andi %parallel_loop3A_173, %parallel_loop3A_175 : vector<16xi32>
        %parallel_loop3A_177 = arith.xori %parallel_loop3A_170, %parallel_loop3A_176 : vector<16xi32>
        %parallel_loop3A_178 = arith.constant 19 : i32
        %parallel_loop3A_179 = vector.broadcast %parallel_loop3A_178 : i32 to vector<16xi32>
        %parallel_loop3A_180 = arith.shrsi %parallel_loop3A_177, %parallel_loop3A_179 : vector<16xi32>
        %parallel_loop3A_181 = arith.constant 4096 : i32
        %parallel_loop3A_182 = vector.broadcast %parallel_loop3A_181 : i32 to vector<16xi32>
        %parallel_loop3A_183 = arith.addi %parallel_loop3A_180, %parallel_loop3A_182 : vector<16xi32>
        %parallel_loop3A_184 = arith.constant 3 : i32
        %parallel_loop3A_185 = arith.andi %parallel_loop3A_165, %parallel_loop3A_184 : i32
        %parallel_loop3A_186 = arith.constant 8192 : i32
        %parallel_loop3A_187 = arith.muli %parallel_loop3A_185, %parallel_loop3A_186 : i32
        %parallel_loop3A_188 = vector.broadcast %parallel_loop3A_187 : i32 to vector<16xi32>
        %parallel_loop3A_189 = arith.addi %parallel_loop3A_183, %parallel_loop3A_188 : vector<16xi32>
        tpu.vector_store_idx %arg10[%parallel_loop3A_189], %broadcast_in_dim3A_3 {add = true} : memref<32768xi32, #tpu.memory_space<vmem>>[vector<16xi32>], vector<16xi32>,
      } {sc.loop_unroll_factor = 16 : i64, sc.parallel_access}
      %add3A_158 = arith.constant 3 : i32
      %add3A_159 = arith.addi %mul3A_131, %add3A_158 : i32
      %lt3A_160 = arith.constant 32 : i32
      %lt3A_161 = arith.cmpi slt, %add3A_159, %lt3A_160 : i32
      %convert_element_type3A_162 = arith.extui %lt3A_161 : i1 to i32
      %cond3A_163 = arith.constant 0 : i32
      %cond3A_164 = arith.cmpi ne, %convert_element_type3A_162, %cond3A_163 : i32
      scf.if %cond3A_164 {
        %add3A_165 = arith.constant 3 : i32
        %add3A_166 = arith.addi %mul3A_131, %add3A_165 : i32
        %mul3A_167 = arith.constant 16384 : i32
        %mul3A_168 = arith.muli %add3A_166, %mul3A_167 : i32
        %dma_start3A_169 = tpu.memref_slice %arg2[%add3A, %mul3A_168] : memref<32x524288xf32, #tpu.memory_space<hbm>> -> memref<1x16384xf32, #tpu.memory_space<hbm>>
        %dma_start3A_170 = tpu.memref_squeeze %dma_start3A_169 : memref<1x16384xf32, #tpu.memory_space<hbm>> -> memref<16384xf32, #tpu.memory_space<hbm>>
        %dma_start3A_171 = tpu.memref_slice %arg2[%add3A, %mul3A_168] : memref<32x524288xf32, #tpu.memory_space<hbm>> -> memref<1x16384xf32, #tpu.memory_space<hbm>>
        %dma_start3A_172 = tpu.memref_squeeze %dma_start3A_171 : memref<1x16384xf32, #tpu.memory_space<hbm>> -> memref<16384xf32, #tpu.memory_space<hbm>>
        tpu.enqueue_dma source(%dma_start3A_172 : memref<16384xf32, #tpu.memory_space<hbm>>) target(%arg9 : memref<16384xf32, #tpu.memory_space<vmem>>) target_semaphore(%arg22 : memref<!tpu.dma_semaphore, #tpu.memory_space<semaphore_mem>>)
      } else {
      }
    }
    %scan3A_28 = arith.constant 16 : i32
    %scan3A_29 = arith.constant 0 : i32
    %scan3A_30 = arith.constant 0 : i32
    %scan3A_31 = arith.constant 512 : i32
    %scan3A_32 = arith.addi %scan3A_30, %scan3A_31 : i32
    %scan3A_33 = arith.constant 1 : i32
    %scan3A_34 = scf.for %scan3A_129 = %scan3A_30 to %scan3A_32 step %scan3A_33 iter_args(%scan3A_130 = %scan3A_29) -> (i32)  : i32 {
      %mul3A_131 = arith.constant 16 : i32
      %mul3A_132 = arith.muli %scan3A_129, %mul3A_131 : i32
      %get3A_133 = arith.index_cast %mul3A_132 : i32 to index
      %get3A_134 = tpu.vector_load %arg10[%get3A_133] {strides = array<i32>} : memref<32768xi32, #tpu.memory_space<vmem>>, vector<16xi32>,
      %mul3A_135 = arith.constant 16 : i32
      %mul3A_136 = arith.muli %scan3A_129, %mul3A_135 : i32
      %add3A_137 = arith.constant 8192 : i32
      %add3A_138 = arith.addi %add3A_137, %mul3A_136 : i32
      %get3A_139 = arith.index_cast %add3A_138 : i32 to index
      %get3A_140 = tpu.vector_load %arg10[%get3A_139] {strides = array<i32>} : memref<32768xi32, #tpu.memory_space<vmem>>, vector<16xi32>,
      %add3A_141 = arith.addi %get3A_134, %get3A_140 : vector<16xi32>
      %mul3A_142 = arith.constant 16 : i32
      %mul3A_143 = arith.muli %scan3A_129, %mul3A_142 : i32
      %add3A_144 = arith.constant 16384 : i32
      %add3A_145 = arith.addi %add3A_144, %mul3A_143 : i32
      %get3A_146 = arith.index_cast %add3A_145 : i32 to index
      %get3A_147 = tpu.vector_load %arg10[%get3A_146] {strides = array<i32>} : memref<32768xi32, #tpu.memory_space<vmem>>, vector<16xi32>,
      %add3A_148 = arith.addi %add3A_141, %get3A_147 : vector<16xi32>
      %mul3A_149 = arith.constant 16 : i32
      %mul3A_150 = arith.muli %scan3A_129, %mul3A_149 : i32
      %add3A_151 = arith.constant 24576 : i32
      %add3A_152 = arith.addi %add3A_151, %mul3A_150 : i32
      %get3A_153 = arith.index_cast %add3A_152 : i32 to index
      %get3A_154 = tpu.vector_load %arg10[%get3A_153] {strides = array<i32>} : memref<32768xi32, #tpu.memory_space<vmem>>, vector<16xi32>,
      %add3A_155 = arith.addi %add3A_148, %get3A_154 : vector<16xi32>
      %mul3A_156 = arith.constant 16 : i32
      %mul3A_157 = arith.muli %scan3A_129, %mul3A_156 : i32
      %swap3A = arith.index_cast %mul3A_157 : i32 to index
      %swap3A_158 = tpu.vector_load %arg10[%swap3A] {strides = array<i32>} : memref<32768xi32, #tpu.memory_space<vmem>>, vector<16xi32>,
      tpu.vector_store %arg10[%swap3A], %add3A_155 {strides = array<i32>} : memref<32768xi32, #tpu.memory_space<vmem>>, vector<16xi32>,
      %scan3A_159 = arith.constant 0 : i32
      scf.yield %scan3A_159 : i32
    }
    %scan3A_35 = arith.constant 512 : i32
    %while3A = arith.constant 682 : i32
    %while3A_36 = arith.constant 0 : i32
    %while3A_37 = arith.constant 511 : i32
    %while3A_38:2 = scf.while (%while3A_129 = %while3A_36, %while3A_130 = %while3A_37) : (i32, i32) -> (i32, i32) {
      %lt3A = arith.cmpi slt, %while3A_129, %while3A : i32
      scf.condition(%lt3A) %while3A_129, %while3A_130 : i32, i32
    } do {
    ^bb0(%while3A_129: i32, %while3A_130: i32):
      %mul3A_131 = arith.constant 16 : i32
      %mul3A_132 = arith.muli %while3A_130, %mul3A_131 : i32
      %get3A_133 = arith.index_cast %mul3A_132 : i32 to index
      %get3A_134 = tpu.vector_load %arg10[%get3A_133] {strides = array<i32>} : memref<32768xi32, #tpu.memory_space<vmem>>, vector<16xi32>,
      %reduce_sum3A_135 = arith.constant true
      %reduce_sum3A_136 = vector.broadcast %reduce_sum3A_135 : i1 to vector<16xi1>
      %reduce_sum3A_137 = tpu.scan <sum>, %get3A_134 masked %reduce_sum3A_136 : vector<16xi32>, vector<16xi1> -> vector<16xi32>
      %reduce_sum3A_138 = vector.extract %reduce_sum3A_137[15] : i32 from vector<16xi32>
      %add3A_139 = arith.addi %while3A_129, %reduce_sum3A_138 : i32
      %sub3A_140 = arith.constant 1 : i32
      %sub3A_141 = arith.subi %while3A_130, %sub3A_140 : i32
      scf.yield %add3A_139, %sub3A_141 : i32, i32
    }
    %add3A_39 = arith.constant 1 : i32
    %add3A_40 = arith.addi %while3A_38#1, %add3A_39 : i32
    %mul3A_41 = arith.constant 16 : i32
    %mul3A_42 = arith.muli %add3A_40, %mul3A_41 : i32
    %get3A = arith.index_cast %mul3A_42 : i32 to index
    %get3A_43 = tpu.vector_load %arg10[%get3A] {strides = array<i32>} : memref<32768xi32, #tpu.memory_space<vmem>>, vector<16xi32>,
    %reduce_sum3A = arith.constant true
    %reduce_sum3A_44 = vector.broadcast %reduce_sum3A : i1 to vector<16xi1>
    %reduce_sum3A_45 = tpu.scan <sum>, %get3A_43 masked %reduce_sum3A_44 : vector<16xi32>, vector<16xi1> -> vector<16xi32>
    %reduce_sum3A_46 = vector.extract %reduce_sum3A_45[15] : i32 from vector<16xi32>
    %sub3A = arith.subi %while3A_38#0, %reduce_sum3A_46 : i32
    %rev3A = arith.constant 15 : i32
    %rev3A_47 = vector.broadcast %rev3A : i32 to vector<16xi32>
    %rev3A_48 = tpu.iota {dimensions = array<i32: 0>} : vector<16xi32>
    %rev3A_49 = arith.subi %rev3A_47, %rev3A_48 : vector<16xi32>
    %rev3A_50 = tpu.dynamic_gather %get3A_43[%rev3A_49] in [0] : vector<16xi32>, vector<16xi32> -> vector<16xi32>
    %broadcast_in_dim3A_51 = arith.constant true
    %broadcast_in_dim3A_52 = vector.broadcast %broadcast_in_dim3A_51 : i1 to vector<16xi1>
    %masked_cumsum3A = tpu.scan <sum>, %rev3A_50 masked %broadcast_in_dim3A_52 : vector<16xi32>, vector<16xi1> -> vector<16xi32>
    %rev3A_53 = arith.constant 15 : i32
    %rev3A_54 = vector.broadcast %rev3A_53 : i32 to vector<16xi32>
    %rev3A_55 = tpu.iota {dimensions = array<i32: 0>} : vector<16xi32>
    %rev3A_56 = arith.subi %rev3A_54, %rev3A_55 : vector<16xi32>
    %rev3A_57 = tpu.dynamic_gather %masked_cumsum3A[%rev3A_56] in [0] : vector<16xi32>, vector<16xi32> -> vector<16xi32>
    %add3A_58 = vector.broadcast %sub3A : i32 to vector<16xi32>
    %add3A_59 = arith.addi %add3A_58, %rev3A_57 : vector<16xi32>
    %ge3A = arith.constant 682 : i32
    %ge3A_60 = vector.broadcast %ge3A : i32 to vector<16xi32>
    %ge3A_61 = arith.cmpi sge, %add3A_59, %ge3A_60 : vector<16xi32>
    %convert_element_type3A = arith.extui %ge3A_61 : vector<16xi1> to vector<16xi32>
    %reduce_sum3A_62 = arith.constant true
    %reduce_sum3A_63 = vector.broadcast %reduce_sum3A_62 : i1 to vector<16xi1>
    %reduce_sum3A_64 = tpu.scan <sum>, %convert_element_type3A masked %reduce_sum3A_63 : vector<16xi32>, vector<16xi1> -> vector<16xi32>
    %reduce_sum3A_65 = vector.extract %reduce_sum3A_64[15] : i32 from vector<16xi32>
    %sub3A_66 = arith.constant 1 : i32
    %sub3A_67 = arith.subi %reduce_sum3A_65, %sub3A_66 : i32
    %eq3A = vector.broadcast %sub3A_67 : i32 to vector<16xi32>
    %eq3A_68 = arith.cmpi eq, %iota3A, %eq3A : vector<16xi32>
    %jit3A = arith.constant 0 : i32
    %broadcast_in_dim3A_69 = vector.broadcast %jit3A : i32 to vector<16xi32>
    %select_n3A = arith.select %eq3A_68, %rev3A_57, %broadcast_in_dim3A_69 : vector<16xi1>, vector<16xi32>
    %reduce_sum3A_70 = arith.constant true
    %reduce_sum3A_71 = vector.broadcast %reduce_sum3A_70 : i1 to vector<16xi1>
    %reduce_sum3A_72 = tpu.scan <sum>, %select_n3A masked %reduce_sum3A_71 : vector<16xi32>, vector<16xi1> -> vector<16xi32>
    %reduce_sum3A_73 = vector.extract %reduce_sum3A_72[15] : i32 from vector<16xi32>
    %eq3A_74 = vector.broadcast %sub3A_67 : i32 to vector<16xi32>
    %eq3A_75 = arith.cmpi eq, %iota3A, %eq3A_74 : vector<16xi32>
    %jit3A_76 = arith.constant 0 : i32
    %broadcast_in_dim3A_77 = vector.broadcast %jit3A_76 : i32 to vector<16xi32>
    %select_n3A_78 = arith.select %eq3A_75, %get3A_43, %broadcast_in_dim3A_77 : vector<16xi1>, vector<16xi32>
    %reduce_sum3A_79 = arith.constant true
    %reduce_sum3A_80 = vector.broadcast %reduce_sum3A_79 : i1 to vector<16xi1>
    %reduce_sum3A_81 = tpu.scan <sum>, %select_n3A_78 masked %reduce_sum3A_80 : vector<16xi32>, vector<16xi1> -> vector<16xi32>
    %reduce_sum3A_82 = vector.extract %reduce_sum3A_81[15] : i32 from vector<16xi32>
    %mul3A_83 = arith.constant 16 : i32
    %mul3A_84 = arith.muli %add3A_40, %mul3A_83 : i32
    %add3A_85 = arith.addi %mul3A_84, %sub3A_67 : i32
    %add3A_86 = arith.addi %sub3A, %reduce_sum3A_73 : i32
    %sub3A_87 = arith.subi %add3A_86, %reduce_sum3A_82 : i32
    %le3A = arith.constant 2048 : i32
    %le3A_88 = arith.cmpi sle, %reduce_sum3A_82, %le3A : i32
    %convert_element_type3A_89 = arith.extui %le3A_88 : i1 to i32
    %cond3A = arith.constant 0 : i32
    %cond3A_90 = arith.cmpi ne, %convert_element_type3A_89, %cond3A : i32
    %cond3A_91 = scf.if %cond3A_90 -> (i32) {
      %scan3A_129 = arith.constant 0 : i32
      %scan3A_130 = arith.constant 0 : i32
      %scan3A_131 = arith.constant 216 : i32
      %scan3A_132 = arith.addi %scan3A_130, %scan3A_131 : i32
      %scan3A_133 = arith.constant 1 : i32
      %scan3A_134 = scf.for %scan3A_440 = %scan3A_130 to %scan3A_132 step %scan3A_133 iter_args(%scan3A_441 = %scan3A_129) -> (i32)  : i32 {
        %mul3A_442 = arith.constant 16 : i32
        %mul3A_443 = arith.muli %scan3A_440, %mul3A_442 : i32
        %swap3A = arith.index_cast %mul3A_443 : i32 to index
        %swap3A_444 = tpu.vector_load %arg12[%swap3A] {strides = array<i32>} : memref<3456xi32, #tpu.memory_space<vmem>>, vector<16xi32>,
        tpu.vector_store %arg12[%swap3A], %broadcast_in_dim3A_1 {strides = array<i32>} : memref<3456xi32, #tpu.memory_space<vmem>>, vector<16xi32>,
        %scan3A_445 = arith.constant 0 : i32
        scf.yield %scan3A_445 : i32
      }
      %scan3A_135 = arith.constant 216 : i32
      %scan3A_136 = arith.constant 0 : i32
      %scan3A_137 = arith.constant 0 : i32
      %scan3A_138 = arith.constant 216 : i32
      %scan3A_139 = arith.addi %scan3A_137, %scan3A_138 : i32
      %scan3A_140 = arith.constant 1 : i32
      %scan3A_141 = scf.for %scan3A_440 = %scan3A_137 to %scan3A_139 step %scan3A_140 iter_args(%scan3A_441 = %scan3A_136) -> (i32)  : i32 {
        %mul3A_442 = arith.constant 16 : i32
        %mul3A_443 = arith.muli %scan3A_440, %mul3A_442 : i32
        %swap3A = arith.index_cast %mul3A_443 : i32 to index
        %swap3A_444 = tpu.vector_load %arg13[%swap3A] {strides = array<i32>} : memref<3456xi32, #tpu.memory_space<vmem>>, vector<16xi32>,
        tpu.vector_store %arg13[%swap3A], %broadcast_in_dim3A_1 {strides = array<i32>} : memref<3456xi32, #tpu.memory_space<vmem>>, vector<16xi32>,
        %scan3A_445 = arith.constant 0 : i32
        scf.yield %scan3A_445 : i32
      }
      %scan3A_142 = arith.constant 216 : i32
      %broadcast_in_dim3A_143 = arith.constant 0 : i32
      %broadcast_in_dim3A_144 = vector.broadcast %broadcast_in_dim3A_143 : i32 to vector<16xi32>
      %mul3A_145 = arith.constant 0 : i32
      %mul3A_146 = arith.constant 16384 : i32
      %mul3A_147 = arith.muli %mul3A_145, %mul3A_146 : i32
      %dma_start3A_148 = tpu.memref_slice %arg2[%add3A, %mul3A_147] : memref<32x524288xf32, #tpu.memory_space<hbm>> -> memref<1x16384xf32, #tpu.memory_space<hbm>>
      %dma_start3A_149 = tpu.memref_squeeze %dma_start3A_148 : memref<1x16384xf32, #tpu.memory_space<hbm>> -> memref<16384xf32, #tpu.memory_space<hbm>>
      %dma_start3A_150 = tpu.memref_slice %arg2[%add3A, %mul3A_147] : memref<32x524288xf32, #tpu.memory_space<hbm>> -> memref<1x16384xf32, #tpu.memory_space<hbm>>
      %dma_start3A_151 = tpu.memref_squeeze %dma_start3A_150 : memref<1x16384xf32, #tpu.memory_space<hbm>> -> memref<16384xf32, #tpu.memory_space<hbm>>
      tpu.enqueue_dma source(%dma_start3A_151 : memref<16384xf32, #tpu.memory_space<hbm>>) target(%arg8 : memref<16384xf32, #tpu.memory_space<vmem>>) target_semaphore(%arg21 : memref<!tpu.dma_semaphore, #tpu.memory_space<semaphore_mem>>)
      %mul3A_152 = arith.constant 1 : i32
      %mul3A_153 = arith.constant 16384 : i32
      %mul3A_154 = arith.muli %mul3A_152, %mul3A_153 : i32
      %dma_start3A_155 = tpu.memref_slice %arg2[%add3A, %mul3A_154] : memref<32x524288xf32, #tpu.memory_space<hbm>> -> memref<1x16384xf32, #tpu.memory_space<hbm>>
      %dma_start3A_156 = tpu.memref_squeeze %dma_start3A_155 : memref<1x16384xf32, #tpu.memory_space<hbm>> -> memref<16384xf32, #tpu.memory_space<hbm>>
      %dma_start3A_157 = tpu.memref_slice %arg2[%add3A, %mul3A_154] : memref<32x524288xf32, #tpu.memory_space<hbm>> -> memref<1x16384xf32, #tpu.memory_space<hbm>>
      %dma_start3A_158 = tpu.memref_squeeze %dma_start3A_157 : memref<1x16384xf32, #tpu.memory_space<hbm>> -> memref<16384xf32, #tpu.memory_space<hbm>>
      tpu.enqueue_dma source(%dma_start3A_158 : memref<16384xf32, #tpu.memory_space<hbm>>) target(%arg9 : memref<16384xf32, #tpu.memory_space<vmem>>) target_semaphore(%arg22 : memref<!tpu.dma_semaphore, #tpu.memory_space<semaphore_mem>>)
      %scan3A_159 = arith.constant 0 : i32
      %scan3A_160 = arith.constant 16 : i32
      %scan3A_161 = arith.addi %scan3A_159, %scan3A_160 : i32
      %scan3A_162 = arith.constant 1 : i32
      %scan3A_163 = scf.for %scan3A_440 = %scan3A_159 to %scan3A_161 step %scan3A_162 iter_args(%scan3A_441 = %broadcast_in_dim3A_144) -> (vector<16xi32>)  : i32 {
        %mul3A_442 = arith.constant 2 : i32
        %mul3A_443 = arith.muli %scan3A_440, %mul3A_442 : i32
        %mul3A_444 = arith.constant 16384 : i32
        %mul3A_445 = arith.muli %mul3A_443, %mul3A_444 : i32
        %dma_wait3A = tpu.memref_slice %arg2[%add3A, %mul3A_445] : memref<32x524288xf32, #tpu.memory_space<hbm>> -> memref<1x16384xf32, #tpu.memory_space<hbm>>
        %dma_wait3A_446 = tpu.memref_squeeze %dma_wait3A : memref<1x16384xf32, #tpu.memory_space<hbm>> -> memref<16384xf32, #tpu.memory_space<hbm>>
        %dma_wait3A_447 = tpu.memref_slice %arg2[%add3A, %mul3A_445] : memref<32x524288xf32, #tpu.memory_space<hbm>> -> memref<1x16384xf32, #tpu.memory_space<hbm>>
        %dma_wait3A_448 = tpu.memref_squeeze %dma_wait3A_447 : memref<1x16384xf32, #tpu.memory_space<hbm>> -> memref<16384xf32, #tpu.memory_space<hbm>>
        tpu.wait_dma2 semaphore(%arg21 : memref<!tpu.dma_semaphore, #tpu.memory_space<semaphore_mem>>) src(%dma_wait3A_448 : memref<16384xf32, #tpu.memory_space<hbm>>) dst(%arg8 : memref<16384xf32, #tpu.memory_space<vmem>>)
        %parallel_loop3A = arith.constant 0 : i32
        %parallel_loop3A_449 = arith.constant 1024 : i32
        %parallel_loop3A_450 = arith.constant 1 : i32
        %parallel_loop3A_451 = scf.for %parallel_loop3A_480 = %parallel_loop3A to %parallel_loop3A_449 step %parallel_loop3A_450 iter_args(%parallel_loop3A_481 = %scan3A_441) -> (vector<16xi32>)  : i32 {
          %parallel_loop3A_482 = arith.constant 16 : i32
          %parallel_loop3A_483 = arith.muli %parallel_loop3A_480, %parallel_loop3A_482 : i32
          %parallel_loop3A_484 = arith.index_cast %parallel_loop3A_483 : i32 to index
          %parallel_loop3A_485 = tpu.vector_load %arg8[%parallel_loop3A_484] {strides = array<i32>} : memref<16384xf32, #tpu.memory_space<vmem>>, vector<16xf32>,
          %parallel_loop3A_486 = vector.bitcast %parallel_loop3A_485 : vector<16xf32> to vector<16xi32>
          %parallel_loop3A_487 = arith.constant 31 : i32
          %parallel_loop3A_488 = vector.broadcast %parallel_loop3A_487 : i32 to vector<16xi32>
          %parallel_loop3A_489 = arith.shrsi %parallel_loop3A_486, %parallel_loop3A_488 : vector<16xi32>
          %parallel_loop3A_490 = arith.constant 2147483647 : i32
          %parallel_loop3A_491 = vector.broadcast %parallel_loop3A_490 : i32 to vector<16xi32>
          %parallel_loop3A_492 = arith.andi %parallel_loop3A_489, %parallel_loop3A_491 : vector<16xi32>
          %parallel_loop3A_493 = arith.xori %parallel_loop3A_486, %parallel_loop3A_492 : vector<16xi32>
          %parallel_loop3A_494 = arith.constant 19 : i32
          %parallel_loop3A_495 = vector.broadcast %parallel_loop3A_494 : i32 to vector<16xi32>
          %parallel_loop3A_496 = arith.shrsi %parallel_loop3A_493, %parallel_loop3A_495 : vector<16xi32>
          %parallel_loop3A_497 = arith.constant 4096 : i32
          %parallel_loop3A_498 = vector.broadcast %parallel_loop3A_497 : i32 to vector<16xi32>
          %parallel_loop3A_499 = arith.addi %parallel_loop3A_496, %parallel_loop3A_498 : vector<16xi32>
          %parallel_loop3A_500 = vector.broadcast %add3A_85 : i32 to vector<16xi32>
          %parallel_loop3A_501 = arith.cmpi sge, %parallel_loop3A_499, %parallel_loop3A_500 : vector<16xi32>
          %parallel_loop3A_502 = arith.extui %parallel_loop3A_501 : vector<16xi1> to vector<16xi32>
          %parallel_loop3A_503 = arith.constant true
          %parallel_loop3A_504 = vector.broadcast %parallel_loop3A_503 : i1 to vector<16xi1>
          %parallel_loop3A_505 = tpu.scan <sum>, %parallel_loop3A_502 masked %parallel_loop3A_504 : vector<16xi32>, vector<16xi1> -> vector<16xi32>
          %parallel_loop3A_506 = arith.addi %parallel_loop3A_481, %parallel_loop3A_505 : vector<16xi32>
          %parallel_loop3A_507 = arith.constant 1 : i32
          %parallel_loop3A_508 = vector.broadcast %parallel_loop3A_507 : i32 to vector<16xi32>
          %parallel_loop3A_509 = arith.subi %parallel_loop3A_506, %parallel_loop3A_508 : vector<16xi32>
          tpu.vector_store_idx %arg12[%parallel_loop3A_509], %parallel_loop3A_493 masked %parallel_loop3A_501 : memref<3456xi32, #tpu.memory_space<vmem>>[vector<16xi32>], vector<16xi32>, vector<16xi1>
          %parallel_loop3A_510 = arith.constant 16384 : i32
          %parallel_loop3A_511 = arith.muli %mul3A_443, %parallel_loop3A_510 : i32
          %parallel_loop3A_512 = arith.constant 16 : i32
          %parallel_loop3A_513 = arith.muli %parallel_loop3A_480, %parallel_loop3A_512 : i32
          %parallel_loop3A_514 = arith.addi %parallel_loop3A_511, %parallel_loop3A_513 : i32
          %parallel_loop3A_515 = vector.broadcast %parallel_loop3A_514 : i32 to vector<16xi32>
          %parallel_loop3A_516 = arith.addi %parallel_loop3A_515, %iota3A : vector<16xi32>
          tpu.vector_store_idx %arg13[%parallel_loop3A_509], %parallel_loop3A_516 masked %parallel_loop3A_501 : memref<3456xi32, #tpu.memory_space<vmem>>[vector<16xi32>], vector<16xi32>, vector<16xi1>
          %parallel_loop3A_517 = tpu.all_reduce %parallel_loop3A_501 {dim = 0 : i64, kind = #tpu.reduction_kind<sum>} : vector<16xi1> -> vector<16xi32>
          %parallel_loop3A_518 = arith.addi %parallel_loop3A_481, %parallel_loop3A_517 : vector<16xi32>
          scf.yield %parallel_loop3A_518 : vector<16xi32>
        } {sc.loop_unroll_factor = 8 : i64, sc.parallel_access}
        %add3A_452 = arith.constant 2 : i32
        %add3A_453 = arith.addi %mul3A_443, %add3A_452 : i32
        %lt3A_454 = arith.constant 32 : i32
        %lt3A_455 = arith.cmpi slt, %add3A_453, %lt3A_454 : i32
        %convert_element_type3A_456 = arith.extui %lt3A_455 : i1 to i32
        %cond3A_457 = arith.constant 0 : i32
        %cond3A_458 = arith.cmpi ne, %convert_element_type3A_456, %cond3A_457 : i32
        scf.if %cond3A_458 {
          %add3A_480 = arith.constant 2 : i32
          %add3A_481 = arith.addi %mul3A_443, %add3A_480 : i32
          %mul3A_482 = arith.constant 16384 : i32
          %mul3A_483 = arith.muli %add3A_481, %mul3A_482 : i32
          %dma_start3A_484 = tpu.memref_slice %arg2[%add3A, %mul3A_483] : memref<32x524288xf32, #tpu.memory_space<hbm>> -> memref<1x16384xf32, #tpu.memory_space<hbm>>
          %dma_start3A_485 = tpu.memref_squeeze %dma_start3A_484 : memref<1x16384xf32, #tpu.memory_space<hbm>> -> memref<16384xf32, #tpu.memory_space<hbm>>
          %dma_start3A_486 = tpu.memref_slice %arg2[%add3A, %mul3A_483] : memref<32x524288xf32, #tpu.memory_space<hbm>> -> memref<1x16384xf32, #tpu.memory_space<hbm>>
          %dma_start3A_487 = tpu.memref_squeeze %dma_start3A_486 : memref<1x16384xf32, #tpu.memory_space<hbm>> -> memref<16384xf32, #tpu.memory_space<hbm>>
          tpu.enqueue_dma source(%dma_start3A_487 : memref<16384xf32, #tpu.memory_space<hbm>>) target(%arg8 : memref<16384xf32, #tpu.memory_space<vmem>>) target_semaphore(%arg21 : memref<!tpu.dma_semaphore, #tpu.memory_space<semaphore_mem>>)
        } else {
        }
        %add3A_459 = arith.constant 1 : i32
        %add3A_460 = arith.addi %mul3A_443, %add3A_459 : i32
        %mul3A_461 = arith.constant 16384 : i32
        %mul3A_462 = arith.muli %add3A_460, %mul3A_461 : i32
        %dma_wait3A_463 = tpu.memref_slice %arg2[%add3A, %mul3A_462] : memref<32x524288xf32, #tpu.memory_space<hbm>> -> memref<1x16384xf32, #tpu.memory_space<hbm>>
        %dma_wait3A_464 = tpu.memref_squeeze %dma_wait3A_463 : memref<1x16384xf32, #tpu.memory_space<hbm>> -> memref<16384xf32, #tpu.memory_space<hbm>>
        %dma_wait3A_465 = tpu.memref_slice %arg2[%add3A, %mul3A_462] : memref<32x524288xf32, #tpu.memory_space<hbm>> -> memref<1x16384xf32, #tpu.memory_space<hbm>>
        %dma_wait3A_466 = tpu.memref_squeeze %dma_wait3A_465 : memref<1x16384xf32, #tpu.memory_space<hbm>> -> memref<16384xf32, #tpu.memory_space<hbm>>
        tpu.wait_dma2 semaphore(%arg22 : memref<!tpu.dma_semaphore, #tpu.memory_space<semaphore_mem>>) src(%dma_wait3A_466 : memref<16384xf32, #tpu.memory_space<hbm>>) dst(%arg9 : memref<16384xf32, #tpu.memory_space<vmem>>)
        %add3A_467 = arith.constant 1 : i32
        %add3A_468 = arith.addi %mul3A_443, %add3A_467 : i32
        %parallel_loop3A_469 = arith.constant 0 : i32
        %parallel_loop3A_470 = arith.constant 1024 : i32
        %parallel_loop3A_471 = arith.constant 1 : i32
        %parallel_loop3A_472 = scf.for %parallel_loop3A_480 = %parallel_loop3A_469 to %parallel_loop3A_470 step %parallel_loop3A_471 iter_args(%parallel_loop3A_481 = %parallel_loop3A_451) -> (vector<16xi32>)  : i32 {
          %parallel_loop3A_482 = arith.constant 16 : i32
          %parallel_loop3A_483 = arith.muli %parallel_loop3A_480, %parallel_loop3A_482 : i32
          %parallel_loop3A_484 = arith.index_cast %parallel_loop3A_483 : i32 to index
          %parallel_loop3A_485 = tpu.vector_load %arg9[%parallel_loop3A_484] {strides = array<i32>} : memref<16384xf32, #tpu.memory_space<vmem>>, vector<16xf32>,
          %parallel_loop3A_486 = vector.bitcast %parallel_loop3A_485 : vector<16xf32> to vector<16xi32>
          %parallel_loop3A_487 = arith.constant 31 : i32
          %parallel_loop3A_488 = vector.broadcast %parallel_loop3A_487 : i32 to vector<16xi32>
          %parallel_loop3A_489 = arith.shrsi %parallel_loop3A_486, %parallel_loop3A_488 : vector<16xi32>
          %parallel_loop3A_490 = arith.constant 2147483647 : i32
          %parallel_loop3A_491 = vector.broadcast %parallel_loop3A_490 : i32 to vector<16xi32>
          %parallel_loop3A_492 = arith.andi %parallel_loop3A_489, %parallel_loop3A_491 : vector<16xi32>
          %parallel_loop3A_493 = arith.xori %parallel_loop3A_486, %parallel_loop3A_492 : vector<16xi32>
          %parallel_loop3A_494 = arith.constant 19 : i32
          %parallel_loop3A_495 = vector.broadcast %parallel_loop3A_494 : i32 to vector<16xi32>
          %parallel_loop3A_496 = arith.shrsi %parallel_loop3A_493, %parallel_loop3A_495 : vector<16xi32>
          %parallel_loop3A_497 = arith.constant 4096 : i32
          %parallel_loop3A_498 = vector.broadcast %parallel_loop3A_497 : i32 to vector<16xi32>
          %parallel_loop3A_499 = arith.addi %parallel_loop3A_496, %parallel_loop3A_498 : vector<16xi32>
          %parallel_loop3A_500 = vector.broadcast %add3A_85 : i32 to vector<16xi32>
          %parallel_loop3A_501 = arith.cmpi sge, %parallel_loop3A_499, %parallel_loop3A_500 : vector<16xi32>
          %parallel_loop3A_502 = arith.extui %parallel_loop3A_501 : vector<16xi1> to vector<16xi32>
          %parallel_loop3A_503 = arith.constant true
          %parallel_loop3A_504 = vector.broadcast %parallel_loop3A_503 : i1 to vector<16xi1>
          %parallel_loop3A_505 = tpu.scan <sum>, %parallel_loop3A_502 masked %parallel_loop3A_504 : vector<16xi32>, vector<16xi1> -> vector<16xi32>
          %parallel_loop3A_506 = arith.addi %parallel_loop3A_481, %parallel_loop3A_505 : vector<16xi32>
          %parallel_loop3A_507 = arith.constant 1 : i32
          %parallel_loop3A_508 = vector.broadcast %parallel_loop3A_507 : i32 to vector<16xi32>
          %parallel_loop3A_509 = arith.subi %parallel_loop3A_506, %parallel_loop3A_508 : vector<16xi32>
          tpu.vector_store_idx %arg12[%parallel_loop3A_509], %parallel_loop3A_493 masked %parallel_loop3A_501 : memref<3456xi32, #tpu.memory_space<vmem>>[vector<16xi32>], vector<16xi32>, vector<16xi1>
          %parallel_loop3A_510 = arith.constant 16384 : i32
          %parallel_loop3A_511 = arith.muli %add3A_468, %parallel_loop3A_510 : i32
          %parallel_loop3A_512 = arith.constant 16 : i32
          %parallel_loop3A_513 = arith.muli %parallel_loop3A_480, %parallel_loop3A_512 : i32
          %parallel_loop3A_514 = arith.addi %parallel_loop3A_511, %parallel_loop3A_513 : i32
          %parallel_loop3A_515 = vector.broadcast %parallel_loop3A_514 : i32 to vector<16xi32>
          %parallel_loop3A_516 = arith.addi %parallel_loop3A_515, %iota3A : vector<16xi32>
          tpu.vector_store_idx %arg13[%parallel_loop3A_509], %parallel_loop3A_516 masked %parallel_loop3A_501 : memref<3456xi32, #tpu.memory_space<vmem>>[vector<16xi32>], vector<16xi32>, vector<16xi1>
          %parallel_loop3A_517 = tpu.all_reduce %parallel_loop3A_501 {dim = 0 : i64, kind = #tpu.reduction_kind<sum>} : vector<16xi1> -> vector<16xi32>
          %parallel_loop3A_518 = arith.addi %parallel_loop3A_481, %parallel_loop3A_517 : vector<16xi32>
          scf.yield %parallel_loop3A_518 : vector<16xi32>
        } {sc.loop_unroll_factor = 8 : i64, sc.parallel_access}
        %add3A_473 = arith.constant 3 : i32
        %add3A_474 = arith.addi %mul3A_443, %add3A_473 : i32
        %lt3A_475 = arith.constant 32 : i32
        %lt3A_476 = arith.cmpi slt, %add3A_474, %lt3A_475 : i32
        %convert_element_type3A_477 = arith.extui %lt3A_476 : i1 to i32
        %cond3A_478 = arith.constant 0 : i32
        %cond3A_479 = arith.cmpi ne, %convert_element_type3A_477, %cond3A_478 : i32
        scf.if %cond3A_479 {
          %add3A_480 = arith.constant 3 : i32
          %add3A_481 = arith.addi %mul3A_443, %add3A_480 : i32
          %mul3A_482 = arith.constant 16384 : i32
          %mul3A_483 = arith.muli %add3A_481, %mul3A_482 : i32
          %dma_start3A_484 = tpu.memref_slice %arg2[%add3A, %mul3A_483] : memref<32x524288xf32, #tpu.memory_space<hbm>> -> memref<1x16384xf32, #tpu.memory_space<hbm>>
          %dma_start3A_485 = tpu.memref_squeeze %dma_start3A_484 : memref<1x16384xf32, #tpu.memory_space<hbm>> -> memref<16384xf32, #tpu.memory_space<hbm>>
          %dma_start3A_486 = tpu.memref_slice %arg2[%add3A, %mul3A_483] : memref<32x524288xf32, #tpu.memory_space<hbm>> -> memref<1x16384xf32, #tpu.memory_space<hbm>>
          %dma_start3A_487 = tpu.memref_squeeze %dma_start3A_486 : memref<1x16384xf32, #tpu.memory_space<hbm>> -> memref<16384xf32, #tpu.memory_space<hbm>>
          tpu.enqueue_dma source(%dma_start3A_487 : memref<16384xf32, #tpu.memory_space<hbm>>) target(%arg9 : memref<16384xf32, #tpu.memory_space<vmem>>) target_semaphore(%arg22 : memref<!tpu.dma_semaphore, #tpu.memory_space<semaphore_mem>>)
        } else {
        }
        scf.yield %parallel_loop3A_472 : vector<16xi32>
      }
      %scan3A_164 = arith.constant 16 : i32
      %eq3A_165 = arith.constant 0 : i32
      %eq3A_166 = vector.broadcast %eq3A_165 : i32 to vector<16xi32>
      %eq3A_167 = arith.cmpi eq, %iota3A, %eq3A_166 : vector<16xi32>
      %jit3A_168 = arith.constant 0 : i32
      %broadcast_in_dim3A_169 = vector.broadcast %jit3A_168 : i32 to vector<16xi32>
      %select_n3A_170 = arith.select %eq3A_167, %scan3A_163, %broadcast_in_dim3A_169 : vector<16xi1>, vector<16xi32>
      %reduce_sum3A_171 = arith.constant true
      %reduce_sum3A_172 = vector.broadcast %reduce_sum3A_171 : i1 to vector<16xi1>
      %reduce_sum3A_173 = tpu.scan <sum>, %select_n3A_170 masked %reduce_sum3A_172 : vector<16xi32>, vector<16xi1> -> vector<16xi32>
      %reduce_sum3A_174 = vector.extract %reduce_sum3A_173[15] : i32 from vector<16xi32>
      %add3A_175 = arith.constant 16 : i32
      %add3A_176 = arith.addi %reduce_sum3A_174, %add3A_175 : i32
      %sub3A_177 = arith.constant 1 : i32
      %sub3A_178 = arith.subi %add3A_176, %sub3A_177 : i32
      %jit3A_179 = arith.constant 16 : i32
      %div3A = arith.divsi %sub3A_178, %jit3A_179 : i32
      %sign3A = arith.constant 0 : i32
      %sign3A_180 = arith.cmpi sgt, %sub3A_178, %sign3A : i32
      %sign3A_181 = arith.extui %sign3A_180 : i1 to i32
      %sign3A_182 = arith.constant 0 : i32
      %sign3A_183 = arith.cmpi slt, %sub3A_178, %sign3A_182 : i32
      %sign3A_184 = arith.extui %sign3A_183 : i1 to i32
      %sign3A_185 = arith.subi %sign3A_181, %sign3A_184 : i32
      %sign3A_186 = arith.constant 0 : i32
      %sign3A_187 = arith.cmpi sgt, %jit3A_179, %sign3A_186 : i32
      %sign3A_188 = arith.extui %sign3A_187 : i1 to i32
      %sign3A_189 = arith.constant 0 : i32
      %sign3A_190 = arith.cmpi slt, %jit3A_179, %sign3A_189 : i32
      %sign3A_191 = arith.extui %sign3A_190 : i1 to i32
      %sign3A_192 = arith.subi %sign3A_188, %sign3A_191 : i32
      %ne3A = arith.cmpi ne, %sign3A_185, %sign3A_192 : i32
      %rem3A = arith.remsi %sub3A_178, %jit3A_179 : i32
      %ne3A_193 = arith.constant 0 : i32
      %ne3A_194 = arith.cmpi ne, %rem3A, %ne3A_193 : i32
      %and3A = arith.andi %ne3A, %ne3A_194 : i1
      %sub3A_195 = arith.constant 1 : i32
      %sub3A_196 = arith.subi %div3A, %sub3A_195 : i32
      %select_n3A_197 = arith.select %and3A, %sub3A_196, %div3A : i32
      %while3A_198 = arith.constant 0 : i32
      %while3A_199 = arith.constant 0 : i32
      %while3A_200 = arith.subi %select_n3A_197, %while3A_198 : i32
      %while3A_201 = arith.addi %while3A_198, %while3A_200 : i32
      %while3A_202 = arith.constant 1 : i32
      %while3A_203 = arith.divsi %while3A_200, %while3A_202 : i32
      %while3A_204 = arith.muli %while3A_203, %while3A_202 : i32
      %while3A_205 = arith.addi %while3A_198, %while3A_204 : i32
      %while3A_206 = arith.constant 1 : i32
      %while3A_207 = scf.for %while3A_440 = %while3A_198 to %while3A_205 step %while3A_206 iter_args(%while3A_441 = %while3A_199) -> (i32)  : i32 {
        %mul3A_442 = arith.constant 16 : i32
        %mul3A_443 = arith.muli %while3A_440, %mul3A_442 : i32
        %get3A_444 = arith.index_cast %mul3A_443 : i32 to index
        %get3A_445 = tpu.vector_load %arg12[%get3A_444] {strides = array<i32>} : memref<3456xi32, #tpu.memory_space<vmem>>, vector<16xi32>,
        %shift_right_arithmetic3A_446 = arith.constant 31 : i32
        %shift_right_arithmetic3A_447 = vector.broadcast %shift_right_arithmetic3A_446 : i32 to vector<16xi32>
        %shift_right_arithmetic3A_448 = arith.shrsi %get3A_445, %shift_right_arithmetic3A_447 : vector<16xi32>
        %and3A_449 = arith.constant 2147483647 : i32
        %and3A_450 = vector.broadcast %and3A_449 : i32 to vector<16xi32>
        %and3A_451 = arith.andi %shift_right_arithmetic3A_448, %and3A_450 : vector<16xi32>
        %xor3A_452 = arith.xori %get3A_445, %and3A_451 : vector<16xi32>
        %bitcast3A_453 = vector.bitcast %xor3A_452 : vector<16xi32> to vector<16xf32>
        %neg3A_454 = arith.constant 0.000000e+00 : f32
        %neg3A_455 = vector.broadcast %neg3A_454 : f32 to vector<16xf32>
        %neg3A_456 = arith.subf %neg3A_455, %bitcast3A_453 : vector<16xf32>
        %exp3A_457 = math.exp %neg3A_456 : vector<16xf32>
        %add3A_458 = arith.constant 1.000000e+00 : f32
        %add3A_459 = vector.broadcast %add3A_458 : f32 to vector<16xf32>
        %add3A_460 = arith.addf %add3A_459, %exp3A_457 : vector<16xf32>
        %div3A_461 = arith.constant 1.000000e+00 : f32
        %div3A_462 = vector.broadcast %div3A_461 : f32 to vector<16xf32>
        %div3A_463 = arith.divf %div3A_462, %add3A_460 : vector<16xf32>
        %bitcast3A_464 = vector.bitcast %div3A_463 : vector<16xf32> to vector<16xi32>
        %mul3A_465 = arith.constant 16 : i32
        %mul3A_466 = arith.muli %while3A_440, %mul3A_465 : i32
        %add3A_467 = vector.broadcast %mul3A_466 : i32 to vector<16xi32>
        %add3A_468 = arith.addi %add3A_467, %iota3A : vector<16xi32>
        %lt3A_469 = vector.broadcast %reduce_sum3A_174 : i32 to vector<16xi32>
        %lt3A_470 = arith.cmpi slt, %add3A_468, %lt3A_469 : vector<16xi32>
        %jit3A_471 = arith.constant 0 : i32
        %broadcast_in_dim3A_472 = vector.broadcast %jit3A_471 : i32 to vector<16xi32>
        %select_n3A_473 = arith.select %lt3A_470, %bitcast3A_464, %broadcast_in_dim3A_472 : vector<16xi1>, vector<16xi32>
        %mul3A_474 = arith.constant 16 : i32
        %mul3A_475 = arith.muli %while3A_440, %mul3A_474 : i32
        %swap3A = arith.index_cast %mul3A_475 : i32 to index
        %swap3A_476 = tpu.vector_load %arg12[%swap3A] {strides = array<i32>} : memref<3456xi32, #tpu.memory_space<vmem>>, vector<16xi32>,
        tpu.vector_store %arg12[%swap3A], %select_n3A_473 {strides = array<i32>} : memref<3456xi32, #tpu.memory_space<vmem>>, vector<16xi32>,
        %while3A_477 = arith.constant 0 : i32
        scf.yield %while3A_477 : i32
      }
      %while3A_208 = arith.constant 1 : i32
      %while3A_209 = scf.for %while3A_440 = %while3A_205 to %while3A_201 step %while3A_208 iter_args(%while3A_441 = %while3A_207) -> (i32)  : i32 {
        %mul3A_442 = arith.constant 16 : i32
        %mul3A_443 = arith.muli %while3A_440, %mul3A_442 : i32
        %get3A_444 = arith.index_cast %mul3A_443 : i32 to index
        %get3A_445 = tpu.vector_load %arg12[%get3A_444] {strides = array<i32>} : memref<3456xi32, #tpu.memory_space<vmem>>, vector<16xi32>,
        %shift_right_arithmetic3A_446 = arith.constant 31 : i32
        %shift_right_arithmetic3A_447 = vector.broadcast %shift_right_arithmetic3A_446 : i32 to vector<16xi32>
        %shift_right_arithmetic3A_448 = arith.shrsi %get3A_445, %shift_right_arithmetic3A_447 : vector<16xi32>
        %and3A_449 = arith.constant 2147483647 : i32
        %and3A_450 = vector.broadcast %and3A_449 : i32 to vector<16xi32>
        %and3A_451 = arith.andi %shift_right_arithmetic3A_448, %and3A_450 : vector<16xi32>
        %xor3A_452 = arith.xori %get3A_445, %and3A_451 : vector<16xi32>
        %bitcast3A_453 = vector.bitcast %xor3A_452 : vector<16xi32> to vector<16xf32>
        %neg3A_454 = arith.constant 0.000000e+00 : f32
        %neg3A_455 = vector.broadcast %neg3A_454 : f32 to vector<16xf32>
        %neg3A_456 = arith.subf %neg3A_455, %bitcast3A_453 : vector<16xf32>
        %exp3A_457 = math.exp %neg3A_456 : vector<16xf32>
        %add3A_458 = arith.constant 1.000000e+00 : f32
        %add3A_459 = vector.broadcast %add3A_458 : f32 to vector<16xf32>
        %add3A_460 = arith.addf %add3A_459, %exp3A_457 : vector<16xf32>
        %div3A_461 = arith.constant 1.000000e+00 : f32
        %div3A_462 = vector.broadcast %div3A_461 : f32 to vector<16xf32>
        %div3A_463 = arith.divf %div3A_462, %add3A_460 : vector<16xf32>
        %bitcast3A_464 = vector.bitcast %div3A_463 : vector<16xf32> to vector<16xi32>
        %mul3A_465 = arith.constant 16 : i32
        %mul3A_466 = arith.muli %while3A_440, %mul3A_465 : i32
        %add3A_467 = vector.broadcast %mul3A_466 : i32 to vector<16xi32>
        %add3A_468 = arith.addi %add3A_467, %iota3A : vector<16xi32>
        %lt3A_469 = vector.broadcast %reduce_sum3A_174 : i32 to vector<16xi32>
        %lt3A_470 = arith.cmpi slt, %add3A_468, %lt3A_469 : vector<16xi32>
        %jit3A_471 = arith.constant 0 : i32
        %broadcast_in_dim3A_472 = vector.broadcast %jit3A_471 : i32 to vector<16xi32>
        %select_n3A_473 = arith.select %lt3A_470, %bitcast3A_464, %broadcast_in_dim3A_472 : vector<16xi1>, vector<16xi32>
        %mul3A_474 = arith.constant 16 : i32
        %mul3A_475 = arith.muli %while3A_440, %mul3A_474 : i32
        %swap3A = arith.index_cast %mul3A_475 : i32 to index
        %swap3A_476 = tpu.vector_load %arg12[%swap3A] {strides = array<i32>} : memref<3456xi32, #tpu.memory_space<vmem>>, vector<16xi32>,
        tpu.vector_store %arg12[%swap3A], %select_n3A_473 {strides = array<i32>} : memref<3456xi32, #tpu.memory_space<vmem>>, vector<16xi32>,
        %while3A_477 = arith.constant 0 : i32
        scf.yield %while3A_477 : i32
      }
      %add3A_210 = arith.constant 16 : i32
      %add3A_211 = arith.addi %reduce_sum3A_174, %add3A_210 : i32
      %sub3A_212 = arith.constant 1 : i32
      %sub3A_213 = arith.subi %add3A_211, %sub3A_212 : i32
      %jit3A_214 = arith.constant 16 : i32
      %div3A_215 = arith.divsi %sub3A_213, %jit3A_214 : i32
      %sign3A_216 = arith.constant 0 : i32
      %sign3A_217 = arith.cmpi sgt, %sub3A_213, %sign3A_216 : i32
      %sign3A_218 = arith.extui %sign3A_217 : i1 to i32
      %sign3A_219 = arith.constant 0 : i32
      %sign3A_220 = arith.cmpi slt, %sub3A_213, %sign3A_219 : i32
      %sign3A_221 = arith.extui %sign3A_220 : i1 to i32
      %sign3A_222 = arith.subi %sign3A_218, %sign3A_221 : i32
      %sign3A_223 = arith.constant 0 : i32
      %sign3A_224 = arith.cmpi sgt, %jit3A_214, %sign3A_223 : i32
      %sign3A_225 = arith.extui %sign3A_224 : i1 to i32
      %sign3A_226 = arith.constant 0 : i32
      %sign3A_227 = arith.cmpi slt, %jit3A_214, %sign3A_226 : i32
      %sign3A_228 = arith.extui %sign3A_227 : i1 to i32
      %sign3A_229 = arith.subi %sign3A_225, %sign3A_228 : i32
      %ne3A_230 = arith.cmpi ne, %sign3A_222, %sign3A_229 : i32
      %rem3A_231 = arith.remsi %sub3A_213, %jit3A_214 : i32
      %ne3A_232 = arith.constant 0 : i32
      %ne3A_233 = arith.cmpi ne, %rem3A_231, %ne3A_232 : i32
      %and3A_234 = arith.andi %ne3A_230, %ne3A_233 : i1
      %sub3A_235 = arith.constant 1 : i32
      %sub3A_236 = arith.subi %div3A_215, %sub3A_235 : i32
      %select_n3A_237 = arith.select %and3A_234, %sub3A_236, %div3A_215 : i32
      %max3A = arith.constant 43 : i32
      %max3A_238 = arith.maxsi %select_n3A_237, %max3A : i32
      %scan3A_239 = arith.constant 0 : i32
      %scan3A_240 = arith.constant 0 : i32
      %scan3A_241 = arith.constant 256 : i32
      %scan3A_242 = arith.addi %scan3A_240, %scan3A_241 : i32
      %scan3A_243 = arith.constant 1 : i32
      %scan3A_244 = scf.for %scan3A_440 = %scan3A_240 to %scan3A_242 step %scan3A_243 iter_args(%scan3A_441 = %scan3A_239) -> (i32)  : i32 {
        %mul3A_442 = arith.constant 16 : i32
        %mul3A_443 = arith.muli %scan3A_440, %mul3A_442 : i32
        %swap3A = arith.index_cast %mul3A_443 : i32 to index
        %swap3A_444 = tpu.vector_load %arg11[%swap3A] {strides = array<i32>} : memref<4096xi32, #tpu.memory_space<vmem>>, vector<16xi32>,
        tpu.vector_store %arg11[%swap3A], %broadcast_in_dim3A_1 {strides = array<i32>} : memref<4096xi32, #tpu.memory_space<vmem>>, vector<16xi32>,
        %scan3A_445 = arith.constant 0 : i32
        scf.yield %scan3A_445 : i32
      }
      %scan3A_245 = arith.constant 256 : i32
      %while3A_246 = arith.constant 0 : i32
      %while3A_247 = arith.constant 0 : i32
      %while3A_248 = arith.subi %max3A_238, %while3A_246 : i32
      %while3A_249 = arith.addi %while3A_246, %while3A_248 : i32
      %while3A_250 = arith.constant 1 : i32
      %while3A_251 = arith.divsi %while3A_248, %while3A_250 : i32
      %while3A_252 = arith.muli %while3A_251, %while3A_250 : i32
      %while3A_253 = arith.addi %while3A_246, %while3A_252 : i32
      %while3A_254 = arith.constant 1 : i32
      %while3A_255 = scf.for %while3A_440 = %while3A_246 to %while3A_253 step %while3A_254 iter_args(%while3A_441 = %while3A_247) -> (i32)  : i32 {
        %mul3A_442 = vector.broadcast %max3A_238 : i32 to vector<16xi32>
        %mul3A_443 = arith.muli %iota3A, %mul3A_442 : vector<16xi32>
        %add3A_444 = vector.broadcast %while3A_440 : i32 to vector<16xi32>
        %add3A_445 = arith.addi %mul3A_443, %add3A_444 : vector<16xi32>
        %gather3A = tpu.vector_load_idx %arg12[%add3A_445] : memref<3456xi32, #tpu.memory_space<vmem>>[vector<16xi32>], vector<16xi32>,
        %shift_right_logical3A = arith.constant 0 : i32
        %shift_right_logical3A_446 = vector.broadcast %shift_right_logical3A : i32 to vector<16xi32>
        %shift_right_logical3A_447 = arith.shrui %gather3A, %shift_right_logical3A_446 : vector<16xi32>
        %and3A_448 = arith.constant 255 : i32
        %and3A_449 = vector.broadcast %and3A_448 : i32 to vector<16xi32>
        %and3A_450 = arith.andi %shift_right_logical3A_447, %and3A_449 : vector<16xi32>
        %sub3A_451 = arith.constant 255 : i32
        %sub3A_452 = vector.broadcast %sub3A_451 : i32 to vector<16xi32>
        %sub3A_453 = arith.subi %sub3A_452, %and3A_450 : vector<16xi32>
        %mul3A_454 = arith.constant 16 : i32
        %mul3A_455 = vector.broadcast %mul3A_454 : i32 to vector<16xi32>
        %mul3A_456 = arith.muli %sub3A_453, %mul3A_455 : vector<16xi32>
        %add3A_457 = arith.addi %mul3A_456, %iota3A : vector<16xi32>
        tpu.vector_store_idx %arg11[%add3A_457], %broadcast_in_dim3A_3 {add = true} : memref<4096xi32, #tpu.memory_space<vmem>>[vector<16xi32>], vector<16xi32>,
        %while3A_458 = arith.constant 0 : i32
        scf.yield %while3A_458 : i32
      }
      %while3A_256 = arith.constant 1 : i32
      %while3A_257 = scf.for %while3A_440 = %while3A_253 to %while3A_249 step %while3A_256 iter_args(%while3A_441 = %while3A_255) -> (i32)  : i32 {
        %mul3A_442 = vector.broadcast %max3A_238 : i32 to vector<16xi32>
        %mul3A_443 = arith.muli %iota3A, %mul3A_442 : vector<16xi32>
        %add3A_444 = vector.broadcast %while3A_440 : i32 to vector<16xi32>
        %add3A_445 = arith.addi %mul3A_443, %add3A_444 : vector<16xi32>
        %gather3A = tpu.vector_load_idx %arg12[%add3A_445] : memref<3456xi32, #tpu.memory_space<vmem>>[vector<16xi32>], vector<16xi32>,
        %shift_right_logical3A = arith.constant 0 : i32
        %shift_right_logical3A_446 = vector.broadcast %shift_right_logical3A : i32 to vector<16xi32>
        %shift_right_logical3A_447 = arith.shrui %gather3A, %shift_right_logical3A_446 : vector<16xi32>
        %and3A_448 = arith.constant 255 : i32
        %and3A_449 = vector.broadcast %and3A_448 : i32 to vector<16xi32>
        %and3A_450 = arith.andi %shift_right_logical3A_447, %and3A_449 : vector<16xi32>
        %sub3A_451 = arith.constant 255 : i32
        %sub3A_452 = vector.broadcast %sub3A_451 : i32 to vector<16xi32>
        %sub3A_453 = arith.subi %sub3A_452, %and3A_450 : vector<16xi32>
        %mul3A_454 = arith.constant 16 : i32
        %mul3A_455 = vector.broadcast %mul3A_454 : i32 to vector<16xi32>
        %mul3A_456 = arith.muli %sub3A_453, %mul3A_455 : vector<16xi32>
        %add3A_457 = arith.addi %mul3A_456, %iota3A : vector<16xi32>
        tpu.vector_store_idx %arg11[%add3A_457], %broadcast_in_dim3A_3 {add = true} : memref<4096xi32, #tpu.memory_space<vmem>>[vector<16xi32>], vector<16xi32>,
        %while3A_458 = arith.constant 0 : i32
        scf.yield %while3A_458 : i32
      }
      %scan3A_258 = arith.constant 0 : i32
      %scan3A_259 = arith.constant 0 : i32
      %scan3A_260 = arith.constant 256 : i32
      %scan3A_261 = arith.addi %scan3A_259, %scan3A_260 : i32
      %scan3A_262 = arith.constant 1 : i32
      %scan3A_263 = scf.for %scan3A_440 = %scan3A_259 to %scan3A_261 step %scan3A_262 iter_args(%scan3A_441 = %scan3A_258) -> (i32)  : i32 {
        %mul3A_442 = arith.constant 16 : i32
        %mul3A_443 = arith.muli %scan3A_440, %mul3A_442 : i32
        %get3A_444 = arith.index_cast %mul3A_443 : i32 to index
        %get3A_445 = tpu.vector_load %arg11[%get3A_444] {strides = array<i32>} : memref<4096xi32, #tpu.memory_space<vmem>>, vector<16xi32>,
        %broadcast_in_dim3A_446 = arith.constant true
        %broadcast_in_dim3A_447 = vector.broadcast %broadcast_in_dim3A_446 : i1 to vector<16xi1>
        %masked_cumsum3A_448 = tpu.scan <sum>, %get3A_445 masked %broadcast_in_dim3A_447 : vector<16xi32>, vector<16xi1> -> vector<16xi32>
        %add3A_449 = vector.broadcast %scan3A_441 : i32 to vector<16xi32>
        %add3A_450 = arith.addi %add3A_449, %masked_cumsum3A_448 : vector<16xi32>
        %sub3A_451 = arith.subi %add3A_450, %get3A_445 : vector<16xi32>
        %mul3A_452 = arith.constant 16 : i32
        %mul3A_453 = arith.muli %scan3A_440, %mul3A_452 : i32
        %swap3A = arith.index_cast %mul3A_453 : i32 to index
        %swap3A_454 = tpu.vector_load %arg11[%swap3A] {strides = array<i32>} : memref<4096xi32, #tpu.memory_space<vmem>>, vector<16xi32>,
        tpu.vector_store %arg11[%swap3A], %sub3A_451 {strides = array<i32>} : memref<4096xi32, #tpu.memory_space<vmem>>, vector<16xi32>,
        %eq3A_455 = arith.constant 15 : i32
        %eq3A_456 = vector.broadcast %eq3A_455 : i32 to vector<16xi32>
        %eq3A_457 = arith.cmpi eq, %iota3A, %eq3A_456 : vector<16xi32>
        %jit3A_458 = arith.constant 0 : i32
        %broadcast_in_dim3A_459 = vector.broadcast %jit3A_458 : i32 to vector<16xi32>
        %select_n3A_460 = arith.select %eq3A_457, %masked_cumsum3A_448, %broadcast_in_dim3A_459 : vector<16xi1>, vector<16xi32>
        %reduce_sum3A_461 = arith.constant true
        %reduce_sum3A_462 = vector.broadcast %reduce_sum3A_461 : i1 to vector<16xi1>
        %reduce_sum3A_463 = tpu.scan <sum>, %select_n3A_460 masked %reduce_sum3A_462 : vector<16xi32>, vector<16xi1> -> vector<16xi32>
        %reduce_sum3A_464 = vector.extract %reduce_sum3A_463[15] : i32 from vector<16xi32>
        %add3A_465 = arith.addi %scan3A_441, %reduce_sum3A_464 : i32
        scf.yield %add3A_465 : i32
      }
      %scan3A_264 = arith.constant 256 : i32
      %while3A_265 = arith.constant 0 : i32
      %while3A_266 = arith.constant 0 : i32
      %while3A_267 = arith.subi %max3A_238, %while3A_265 : i32
      %while3A_268 = arith.addi %while3A_265, %while3A_267 : i32
      %while3A_269 = arith.constant 1 : i32
      %while3A_270 = arith.divsi %while3A_267, %while3A_269 : i32
      %while3A_271 = arith.muli %while3A_270, %while3A_269 : i32
      %while3A_272 = arith.addi %while3A_265, %while3A_271 : i32
      %while3A_273 = arith.constant 1 : i32
      %while3A_274 = scf.for %while3A_440 = %while3A_265 to %while3A_272 step %while3A_273 iter_args(%while3A_441 = %while3A_266) -> (i32)  : i32 {
        %mul3A_442 = vector.broadcast %max3A_238 : i32 to vector<16xi32>
        %mul3A_443 = arith.muli %iota3A, %mul3A_442 : vector<16xi32>
        %add3A_444 = vector.broadcast %while3A_440 : i32 to vector<16xi32>
        %add3A_445 = arith.addi %mul3A_443, %add3A_444 : vector<16xi32>
        %gather3A = tpu.vector_load_idx %arg12[%add3A_445] : memref<3456xi32, #tpu.memory_space<vmem>>[vector<16xi32>], vector<16xi32>,
        %gather3A_446 = tpu.vector_load_idx %arg13[%add3A_445] : memref<3456xi32, #tpu.memory_space<vmem>>[vector<16xi32>], vector<16xi32>,
        %shift_right_logical3A = arith.constant 0 : i32
        %shift_right_logical3A_447 = vector.broadcast %shift_right_logical3A : i32 to vector<16xi32>
        %shift_right_logical3A_448 = arith.shrui %gather3A, %shift_right_logical3A_447 : vector<16xi32>
        %and3A_449 = arith.constant 255 : i32
        %and3A_450 = vector.broadcast %and3A_449 : i32 to vector<16xi32>
        %and3A_451 = arith.andi %shift_right_logical3A_448, %and3A_450 : vector<16xi32>
        %sub3A_452 = arith.constant 255 : i32
        %sub3A_453 = vector.broadcast %sub3A_452 : i32 to vector<16xi32>
        %sub3A_454 = arith.subi %sub3A_453, %and3A_451 : vector<16xi32>
        %mul3A_455 = arith.constant 16 : i32
        %mul3A_456 = vector.broadcast %mul3A_455 : i32 to vector<16xi32>
        %mul3A_457 = arith.muli %sub3A_454, %mul3A_456 : vector<16xi32>
        %add3A_458 = arith.addi %mul3A_457, %iota3A : vector<16xi32>
        %gather3A_459 = tpu.vector_load_idx %arg11[%add3A_458] : memref<4096xi32, #tpu.memory_space<vmem>>[vector<16xi32>], vector<16xi32>,
        tpu.vector_store_idx %arg14[%gather3A_459], %gather3A : memref<3456xi32, #tpu.memory_space<vmem>>[vector<16xi32>], vector<16xi32>,
        tpu.vector_store_idx %arg15[%gather3A_459], %gather3A_446 : memref<3456xi32, #tpu.memory_space<vmem>>[vector<16xi32>], vector<16xi32>,
        %mul3A_460 = arith.constant 16 : i32
        %mul3A_461 = vector.broadcast %mul3A_460 : i32 to vector<16xi32>
        %mul3A_462 = arith.muli %sub3A_454, %mul3A_461 : vector<16xi32>
        %add3A_463 = arith.addi %mul3A_462, %iota3A : vector<16xi32>
        tpu.vector_store_idx %arg11[%add3A_463], %broadcast_in_dim3A_3 {add = true} : memref<4096xi32, #tpu.memory_space<vmem>>[vector<16xi32>], vector<16xi32>,
        %while3A_464 = arith.constant 0 : i32
        scf.yield %while3A_464 : i32
      }
      %while3A_275 = arith.constant 1 : i32
      %while3A_276 = scf.for %while3A_440 = %while3A_272 to %while3A_268 step %while3A_275 iter_args(%while3A_441 = %while3A_274) -> (i32)  : i32 {
        %mul3A_442 = vector.broadcast %max3A_238 : i32 to vector<16xi32>
        %mul3A_443 = arith.muli %iota3A, %mul3A_442 : vector<16xi32>
        %add3A_444 = vector.broadcast %while3A_440 : i32 to vector<16xi32>
        %add3A_445 = arith.addi %mul3A_443, %add3A_444 : vector<16xi32>
        %gather3A = tpu.vector_load_idx %arg12[%add3A_445] : memref<3456xi32, #tpu.memory_space<vmem>>[vector<16xi32>], vector<16xi32>,
        %gather3A_446 = tpu.vector_load_idx %arg13[%add3A_445] : memref<3456xi32, #tpu.memory_space<vmem>>[vector<16xi32>], vector<16xi32>,
        %shift_right_logical3A = arith.constant 0 : i32
        %shift_right_logical3A_447 = vector.broadcast %shift_right_logical3A : i32 to vector<16xi32>
        %shift_right_logical3A_448 = arith.shrui %gather3A, %shift_right_logical3A_447 : vector<16xi32>
        %and3A_449 = arith.constant 255 : i32
        %and3A_450 = vector.broadcast %and3A_449 : i32 to vector<16xi32>
        %and3A_451 = arith.andi %shift_right_logical3A_448, %and3A_450 : vector<16xi32>
        %sub3A_452 = arith.constant 255 : i32
        %sub3A_453 = vector.broadcast %sub3A_452 : i32 to vector<16xi32>
        %sub3A_454 = arith.subi %sub3A_453, %and3A_451 : vector<16xi32>
        %mul3A_455 = arith.constant 16 : i32
        %mul3A_456 = vector.broadcast %mul3A_455 : i32 to vector<16xi32>
        %mul3A_457 = arith.muli %sub3A_454, %mul3A_456 : vector<16xi32>
        %add3A_458 = arith.addi %mul3A_457, %iota3A : vector<16xi32>
        %gather3A_459 = tpu.vector_load_idx %arg11[%add3A_458] : memref<4096xi32, #tpu.memory_space<vmem>>[vector<16xi32>], vector<16xi32>,
        tpu.vector_store_idx %arg14[%gather3A_459], %gather3A : memref<3456xi32, #tpu.memory_space<vmem>>[vector<16xi32>], vector<16xi32>,
        tpu.vector_store_idx %arg15[%gather3A_459], %gather3A_446 : memref<3456xi32, #tpu.memory_space<vmem>>[vector<16xi32>], vector<16xi32>,
        %mul3A_460 = arith.constant 16 : i32
        %mul3A_461 = vector.broadcast %mul3A_460 : i32 to vector<16xi32>
        %mul3A_462 = arith.muli %sub3A_454, %mul3A_461 : vector<16xi32>
        %add3A_463 = arith.addi %mul3A_462, %iota3A : vector<16xi32>
        tpu.vector_store_idx %arg11[%add3A_463], %broadcast_in_dim3A_3 {add = true} : memref<4096xi32, #tpu.memory_space<vmem>>[vector<16xi32>], vector<16xi32>,
        %while3A_464 = arith.constant 0 : i32
        scf.yield %while3A_464 : i32
      }
      %scan3A_277 = arith.constant 0 : i32
      %scan3A_278 = arith.constant 0 : i32
      %scan3A_279 = arith.constant 256 : i32
      %scan3A_280 = arith.addi %scan3A_278, %scan3A_279 : i32
      %scan3A_281 = arith.constant 1 : i32
      %scan3A_282 = scf.for %scan3A_440 = %scan3A_278 to %scan3A_280 step %scan3A_281 iter_args(%scan3A_441 = %scan3A_277) -> (i32)  : i32 {
        %mul3A_442 = arith.constant 16 : i32
        %mul3A_443 = arith.muli %scan3A_440, %mul3A_442 : i32
        %swap3A = arith.index_cast %mul3A_443 : i32 to index
        %swap3A_444 = tpu.vector_load %arg11[%swap3A] {strides = array<i32>} : memref<4096xi32, #tpu.memory_space<vmem>>, vector<16xi32>,
        tpu.vector_store %arg11[%swap3A], %broadcast_in_dim3A_1 {strides = array<i32>} : memref<4096xi32, #tpu.memory_space<vmem>>, vector<16xi32>,
        %scan3A_445 = arith.constant 0 : i32
        scf.yield %scan3A_445 : i32
      }
      %scan3A_283 = arith.constant 256 : i32
      %while3A_284 = arith.constant 0 : i32
      %while3A_285 = arith.constant 0 : i32
      %while3A_286 = arith.subi %max3A_238, %while3A_284 : i32
      %while3A_287 = arith.addi %while3A_284, %while3A_286 : i32
      %while3A_288 = arith.constant 1 : i32
      %while3A_289 = arith.divsi %while3A_286, %while3A_288 : i32
      %while3A_290 = arith.muli %while3A_289, %while3A_288 : i32
      %while3A_291 = arith.addi %while3A_284, %while3A_290 : i32
      %while3A_292 = arith.constant 1 : i32
      %while3A_293 = scf.for %while3A_440 = %while3A_284 to %while3A_291 step %while3A_292 iter_args(%while3A_441 = %while3A_285) -> (i32)  : i32 {
        %mul3A_442 = vector.broadcast %max3A_238 : i32 to vector<16xi32>
        %mul3A_443 = arith.muli %iota3A, %mul3A_442 : vector<16xi32>
        %add3A_444 = vector.broadcast %while3A_440 : i32 to vector<16xi32>
        %add3A_445 = arith.addi %mul3A_443, %add3A_444 : vector<16xi32>
        %gather3A = tpu.vector_load_idx %arg14[%add3A_445] : memref<3456xi32, #tpu.memory_space<vmem>>[vector<16xi32>], vector<16xi32>,
        %shift_right_logical3A = arith.constant 8 : i32
        %shift_right_logical3A_446 = vector.broadcast %shift_right_logical3A : i32 to vector<16xi32>
        %shift_right_logical3A_447 = arith.shrui %gather3A, %shift_right_logical3A_446 : vector<16xi32>
        %and3A_448 = arith.constant 255 : i32
        %and3A_449 = vector.broadcast %and3A_448 : i32 to vector<16xi32>
        %and3A_450 = arith.andi %shift_right_logical3A_447, %and3A_449 : vector<16xi32>
        %sub3A_451 = arith.constant 255 : i32
        %sub3A_452 = vector.broadcast %sub3A_451 : i32 to vector<16xi32>
        %sub3A_453 = arith.subi %sub3A_452, %and3A_450 : vector<16xi32>
        %mul3A_454 = arith.constant 16 : i32
        %mul3A_455 = vector.broadcast %mul3A_454 : i32 to vector<16xi32>
        %mul3A_456 = arith.muli %sub3A_453, %mul3A_455 : vector<16xi32>
        %add3A_457 = arith.addi %mul3A_456, %iota3A : vector<16xi32>
        tpu.vector_store_idx %arg11[%add3A_457], %broadcast_in_dim3A_3 {add = true} : memref<4096xi32, #tpu.memory_space<vmem>>[vector<16xi32>], vector<16xi32>,
        %while3A_458 = arith.constant 0 : i32
        scf.yield %while3A_458 : i32
      }
      %while3A_294 = arith.constant 1 : i32
      %while3A_295 = scf.for %while3A_440 = %while3A_291 to %while3A_287 step %while3A_294 iter_args(%while3A_441 = %while3A_293) -> (i32)  : i32 {
        %mul3A_442 = vector.broadcast %max3A_238 : i32 to vector<16xi32>
        %mul3A_443 = arith.muli %iota3A, %mul3A_442 : vector<16xi32>
        %add3A_444 = vector.broadcast %while3A_440 : i32 to vector<16xi32>
        %add3A_445 = arith.addi %mul3A_443, %add3A_444 : vector<16xi32>
        %gather3A = tpu.vector_load_idx %arg14[%add3A_445] : memref<3456xi32, #tpu.memory_space<vmem>>[vector<16xi32>], vector<16xi32>,
        %shift_right_logical3A = arith.constant 8 : i32
        %shift_right_logical3A_446 = vector.broadcast %shift_right_logical3A : i32 to vector<16xi32>
        %shift_right_logical3A_447 = arith.shrui %gather3A, %shift_right_logical3A_446 : vector<16xi32>
        %and3A_448 = arith.constant 255 : i32
        %and3A_449 = vector.broadcast %and3A_448 : i32 to vector<16xi32>
        %and3A_450 = arith.andi %shift_right_logical3A_447, %and3A_449 : vector<16xi32>
        %sub3A_451 = arith.constant 255 : i32
        %sub3A_452 = vector.broadcast %sub3A_451 : i32 to vector<16xi32>
        %sub3A_453 = arith.subi %sub3A_452, %and3A_450 : vector<16xi32>
        %mul3A_454 = arith.constant 16 : i32
        %mul3A_455 = vector.broadcast %mul3A_454 : i32 to vector<16xi32>
        %mul3A_456 = arith.muli %sub3A_453, %mul3A_455 : vector<16xi32>
        %add3A_457 = arith.addi %mul3A_456, %iota3A : vector<16xi32>
        tpu.vector_store_idx %arg11[%add3A_457], %broadcast_in_dim3A_3 {add = true} : memref<4096xi32, #tpu.memory_space<vmem>>[vector<16xi32>], vector<16xi32>,
        %while3A_458 = arith.constant 0 : i32
        scf.yield %while3A_458 : i32
      }
      %scan3A_296 = arith.constant 0 : i32
      %scan3A_297 = arith.constant 0 : i32
      %scan3A_298 = arith.constant 256 : i32
      %scan3A_299 = arith.addi %scan3A_297, %scan3A_298 : i32
      %scan3A_300 = arith.constant 1 : i32
      %scan3A_301 = scf.for %scan3A_440 = %scan3A_297 to %scan3A_299 step %scan3A_300 iter_args(%scan3A_441 = %scan3A_296) -> (i32)  : i32 {
        %mul3A_442 = arith.constant 16 : i32
        %mul3A_443 = arith.muli %scan3A_440, %mul3A_442 : i32
        %get3A_444 = arith.index_cast %mul3A_443 : i32 to index
        %get3A_445 = tpu.vector_load %arg11[%get3A_444] {strides = array<i32>} : memref<4096xi32, #tpu.memory_space<vmem>>, vector<16xi32>,
        %broadcast_in_dim3A_446 = arith.constant true
        %broadcast_in_dim3A_447 = vector.broadcast %broadcast_in_dim3A_446 : i1 to vector<16xi1>
        %masked_cumsum3A_448 = tpu.scan <sum>, %get3A_445 masked %broadcast_in_dim3A_447 : vector<16xi32>, vector<16xi1> -> vector<16xi32>
        %add3A_449 = vector.broadcast %scan3A_441 : i32 to vector<16xi32>
        %add3A_450 = arith.addi %add3A_449, %masked_cumsum3A_448 : vector<16xi32>
        %sub3A_451 = arith.subi %add3A_450, %get3A_445 : vector<16xi32>
        %mul3A_452 = arith.constant 16 : i32
        %mul3A_453 = arith.muli %scan3A_440, %mul3A_452 : i32
        %swap3A = arith.index_cast %mul3A_453 : i32 to index
        %swap3A_454 = tpu.vector_load %arg11[%swap3A] {strides = array<i32>} : memref<4096xi32, #tpu.memory_space<vmem>>, vector<16xi32>,
        tpu.vector_store %arg11[%swap3A], %sub3A_451 {strides = array<i32>} : memref<4096xi32, #tpu.memory_space<vmem>>, vector<16xi32>,
        %eq3A_455 = arith.constant 15 : i32
        %eq3A_456 = vector.broadcast %eq3A_455 : i32 to vector<16xi32>
        %eq3A_457 = arith.cmpi eq, %iota3A, %eq3A_456 : vector<16xi32>
        %jit3A_458 = arith.constant 0 : i32
        %broadcast_in_dim3A_459 = vector.broadcast %jit3A_458 : i32 to vector<16xi32>
        %select_n3A_460 = arith.select %eq3A_457, %masked_cumsum3A_448, %broadcast_in_dim3A_459 : vector<16xi1>, vector<16xi32>
        %reduce_sum3A_461 = arith.constant true
        %reduce_sum3A_462 = vector.broadcast %reduce_sum3A_461 : i1 to vector<16xi1>
        %reduce_sum3A_463 = tpu.scan <sum>, %select_n3A_460 masked %reduce_sum3A_462 : vector<16xi32>, vector<16xi1> -> vector<16xi32>
        %reduce_sum3A_464 = vector.extract %reduce_sum3A_463[15] : i32 from vector<16xi32>
        %add3A_465 = arith.addi %scan3A_441, %reduce_sum3A_464 : i32
        scf.yield %add3A_465 : i32
      }
      %scan3A_302 = arith.constant 256 : i32
      %while3A_303 = arith.constant 0 : i32
      %while3A_304 = arith.constant 0 : i32
      %while3A_305 = arith.subi %max3A_238, %while3A_303 : i32
      %while3A_306 = arith.addi %while3A_303, %while3A_305 : i32
      %while3A_307 = arith.constant 1 : i32
      %while3A_308 = arith.divsi %while3A_305, %while3A_307 : i32
      %while3A_309 = arith.muli %while3A_308, %while3A_307 : i32
      %while3A_310 = arith.addi %while3A_303, %while3A_309 : i32
      %while3A_311 = arith.constant 1 : i32
      %while3A_312 = scf.for %while3A_440 = %while3A_303 to %while3A_310 step %while3A_311 iter_args(%while3A_441 = %while3A_304) -> (i32)  : i32 {
        %mul3A_442 = vector.broadcast %max3A_238 : i32 to vector<16xi32>
        %mul3A_443 = arith.muli %iota3A, %mul3A_442 : vector<16xi32>
        %add3A_444 = vector.broadcast %while3A_440 : i32 to vector<16xi32>
        %add3A_445 = arith.addi %mul3A_443, %add3A_444 : vector<16xi32>
        %gather3A = tpu.vector_load_idx %arg14[%add3A_445] : memref<3456xi32, #tpu.memory_space<vmem>>[vector<16xi32>], vector<16xi32>,
        %gather3A_446 = tpu.vector_load_idx %arg15[%add3A_445] : memref<3456xi32, #tpu.memory_space<vmem>>[vector<16xi32>], vector<16xi32>,
        %shift_right_logical3A = arith.constant 8 : i32
        %shift_right_logical3A_447 = vector.broadcast %shift_right_logical3A : i32 to vector<16xi32>
        %shift_right_logical3A_448 = arith.shrui %gather3A, %shift_right_logical3A_447 : vector<16xi32>
        %and3A_449 = arith.constant 255 : i32
        %and3A_450 = vector.broadcast %and3A_449 : i32 to vector<16xi32>
        %and3A_451 = arith.andi %shift_right_logical3A_448, %and3A_450 : vector<16xi32>
        %sub3A_452 = arith.constant 255 : i32
        %sub3A_453 = vector.broadcast %sub3A_452 : i32 to vector<16xi32>
        %sub3A_454 = arith.subi %sub3A_453, %and3A_451 : vector<16xi32>
        %mul3A_455 = arith.constant 16 : i32
        %mul3A_456 = vector.broadcast %mul3A_455 : i32 to vector<16xi32>
        %mul3A_457 = arith.muli %sub3A_454, %mul3A_456 : vector<16xi32>
        %add3A_458 = arith.addi %mul3A_457, %iota3A : vector<16xi32>
        %gather3A_459 = tpu.vector_load_idx %arg11[%add3A_458] : memref<4096xi32, #tpu.memory_space<vmem>>[vector<16xi32>], vector<16xi32>,
        tpu.vector_store_idx %arg12[%gather3A_459], %gather3A : memref<3456xi32, #tpu.memory_space<vmem>>[vector<16xi32>], vector<16xi32>,
        tpu.vector_store_idx %arg13[%gather3A_459], %gather3A_446 : memref<3456xi32, #tpu.memory_space<vmem>>[vector<16xi32>], vector<16xi32>,
        %mul3A_460 = arith.constant 16 : i32
        %mul3A_461 = vector.broadcast %mul3A_460 : i32 to vector<16xi32>
        %mul3A_462 = arith.muli %sub3A_454, %mul3A_461 : vector<16xi32>
        %add3A_463 = arith.addi %mul3A_462, %iota3A : vector<16xi32>
        tpu.vector_store_idx %arg11[%add3A_463], %broadcast_in_dim3A_3 {add = true} : memref<4096xi32, #tpu.memory_space<vmem>>[vector<16xi32>], vector<16xi32>,
        %while3A_464 = arith.constant 0 : i32
        scf.yield %while3A_464 : i32
      }
      %while3A_313 = arith.constant 1 : i32
      %while3A_314 = scf.for %while3A_440 = %while3A_310 to %while3A_306 step %while3A_313 iter_args(%while3A_441 = %while3A_312) -> (i32)  : i32 {
        %mul3A_442 = vector.broadcast %max3A_238 : i32 to vector<16xi32>
        %mul3A_443 = arith.muli %iota3A, %mul3A_442 : vector<16xi32>
        %add3A_444 = vector.broadcast %while3A_440 : i32 to vector<16xi32>
        %add3A_445 = arith.addi %mul3A_443, %add3A_444 : vector<16xi32>
        %gather3A = tpu.vector_load_idx %arg14[%add3A_445] : memref<3456xi32, #tpu.memory_space<vmem>>[vector<16xi32>], vector<16xi32>,
        %gather3A_446 = tpu.vector_load_idx %arg15[%add3A_445] : memref<3456xi32, #tpu.memory_space<vmem>>[vector<16xi32>], vector<16xi32>,
        %shift_right_logical3A = arith.constant 8 : i32
        %shift_right_logical3A_447 = vector.broadcast %shift_right_logical3A : i32 to vector<16xi32>
        %shift_right_logical3A_448 = arith.shrui %gather3A, %shift_right_logical3A_447 : vector<16xi32>
        %and3A_449 = arith.constant 255 : i32
        %and3A_450 = vector.broadcast %and3A_449 : i32 to vector<16xi32>
        %and3A_451 = arith.andi %shift_right_logical3A_448, %and3A_450 : vector<16xi32>
        %sub3A_452 = arith.constant 255 : i32
        %sub3A_453 = vector.broadcast %sub3A_452 : i32 to vector<16xi32>
        %sub3A_454 = arith.subi %sub3A_453, %and3A_451 : vector<16xi32>
        %mul3A_455 = arith.constant 16 : i32
        %mul3A_456 = vector.broadcast %mul3A_455 : i32 to vector<16xi32>
        %mul3A_457 = arith.muli %sub3A_454, %mul3A_456 : vector<16xi32>
        %add3A_458 = arith.addi %mul3A_457, %iota3A : vector<16xi32>
        %gather3A_459 = tpu.vector_load_idx %arg11[%add3A_458] : memref<4096xi32, #tpu.memory_space<vmem>>[vector<16xi32>], vector<16xi32>,
        tpu.vector_store_idx %arg12[%gather3A_459], %gather3A : memref<3456xi32, #tpu.memory_space<vmem>>[vector<16xi32>], vector<16xi32>,
        tpu.vector_store_idx %arg13[%gather3A_459], %gather3A_446 : memref<3456xi32, #tpu.memory_space<vmem>>[vector<16xi32>], vector<16xi32>,
        %mul3A_460 = arith.constant 16 : i32
        %mul3A_461 = vector.broadcast %mul3A_460 : i32 to vector<16xi32>
        %mul3A_462 = arith.muli %sub3A_454, %mul3A_461 : vector<16xi32>
        %add3A_463 = arith.addi %mul3A_462, %iota3A : vector<16xi32>
        tpu.vector_store_idx %arg11[%add3A_463], %broadcast_in_dim3A_3 {add = true} : memref<4096xi32, #tpu.memory_space<vmem>>[vector<16xi32>], vector<16xi32>,
        %while3A_464 = arith.constant 0 : i32
        scf.yield %while3A_464 : i32
      }
      %scan3A_315 = arith.constant 0 : i32
      %scan3A_316 = arith.constant 0 : i32
      %scan3A_317 = arith.constant 256 : i32
      %scan3A_318 = arith.addi %scan3A_316, %scan3A_317 : i32
      %scan3A_319 = arith.constant 1 : i32
      %scan3A_320 = scf.for %scan3A_440 = %scan3A_316 to %scan3A_318 step %scan3A_319 iter_args(%scan3A_441 = %scan3A_315) -> (i32)  : i32 {
        %mul3A_442 = arith.constant 16 : i32
        %mul3A_443 = arith.muli %scan3A_440, %mul3A_442 : i32
        %swap3A = arith.index_cast %mul3A_443 : i32 to index
        %swap3A_444 = tpu.vector_load %arg11[%swap3A] {strides = array<i32>} : memref<4096xi32, #tpu.memory_space<vmem>>, vector<16xi32>,
        tpu.vector_store %arg11[%swap3A], %broadcast_in_dim3A_1 {strides = array<i32>} : memref<4096xi32, #tpu.memory_space<vmem>>, vector<16xi32>,
        %scan3A_445 = arith.constant 0 : i32
        scf.yield %scan3A_445 : i32
      }
      %scan3A_321 = arith.constant 256 : i32
      %while3A_322 = arith.constant 0 : i32
      %while3A_323 = arith.constant 0 : i32
      %while3A_324 = arith.subi %max3A_238, %while3A_322 : i32
      %while3A_325 = arith.addi %while3A_322, %while3A_324 : i32
      %while3A_326 = arith.constant 1 : i32
      %while3A_327 = arith.divsi %while3A_324, %while3A_326 : i32
      %while3A_328 = arith.muli %while3A_327, %while3A_326 : i32
      %while3A_329 = arith.addi %while3A_322, %while3A_328 : i32
      %while3A_330 = arith.constant 1 : i32
      %while3A_331 = scf.for %while3A_440 = %while3A_322 to %while3A_329 step %while3A_330 iter_args(%while3A_441 = %while3A_323) -> (i32)  : i32 {
        %mul3A_442 = vector.broadcast %max3A_238 : i32 to vector<16xi32>
        %mul3A_443 = arith.muli %iota3A, %mul3A_442 : vector<16xi32>
        %add3A_444 = vector.broadcast %while3A_440 : i32 to vector<16xi32>
        %add3A_445 = arith.addi %mul3A_443, %add3A_444 : vector<16xi32>
        %gather3A = tpu.vector_load_idx %arg12[%add3A_445] : memref<3456xi32, #tpu.memory_space<vmem>>[vector<16xi32>], vector<16xi32>,
        %shift_right_logical3A = arith.constant 16 : i32
        %shift_right_logical3A_446 = vector.broadcast %shift_right_logical3A : i32 to vector<16xi32>
        %shift_right_logical3A_447 = arith.shrui %gather3A, %shift_right_logical3A_446 : vector<16xi32>
        %and3A_448 = arith.constant 255 : i32
        %and3A_449 = vector.broadcast %and3A_448 : i32 to vector<16xi32>
        %and3A_450 = arith.andi %shift_right_logical3A_447, %and3A_449 : vector<16xi32>
        %sub3A_451 = arith.constant 255 : i32
        %sub3A_452 = vector.broadcast %sub3A_451 : i32 to vector<16xi32>
        %sub3A_453 = arith.subi %sub3A_452, %and3A_450 : vector<16xi32>
        %mul3A_454 = arith.constant 16 : i32
        %mul3A_455 = vector.broadcast %mul3A_454 : i32 to vector<16xi32>
        %mul3A_456 = arith.muli %sub3A_453, %mul3A_455 : vector<16xi32>
        %add3A_457 = arith.addi %mul3A_456, %iota3A : vector<16xi32>
        tpu.vector_store_idx %arg11[%add3A_457], %broadcast_in_dim3A_3 {add = true} : memref<4096xi32, #tpu.memory_space<vmem>>[vector<16xi32>], vector<16xi32>,
        %while3A_458 = arith.constant 0 : i32
        scf.yield %while3A_458 : i32
      }
      %while3A_332 = arith.constant 1 : i32
      %while3A_333 = scf.for %while3A_440 = %while3A_329 to %while3A_325 step %while3A_332 iter_args(%while3A_441 = %while3A_331) -> (i32)  : i32 {
        %mul3A_442 = vector.broadcast %max3A_238 : i32 to vector<16xi32>
        %mul3A_443 = arith.muli %iota3A, %mul3A_442 : vector<16xi32>
        %add3A_444 = vector.broadcast %while3A_440 : i32 to vector<16xi32>
        %add3A_445 = arith.addi %mul3A_443, %add3A_444 : vector<16xi32>
        %gather3A = tpu.vector_load_idx %arg12[%add3A_445] : memref<3456xi32, #tpu.memory_space<vmem>>[vector<16xi32>], vector<16xi32>,
        %shift_right_logical3A = arith.constant 16 : i32
        %shift_right_logical3A_446 = vector.broadcast %shift_right_logical3A : i32 to vector<16xi32>
        %shift_right_logical3A_447 = arith.shrui %gather3A, %shift_right_logical3A_446 : vector<16xi32>
        %and3A_448 = arith.constant 255 : i32
        %and3A_449 = vector.broadcast %and3A_448 : i32 to vector<16xi32>
        %and3A_450 = arith.andi %shift_right_logical3A_447, %and3A_449 : vector<16xi32>
        %sub3A_451 = arith.constant 255 : i32
        %sub3A_452 = vector.broadcast %sub3A_451 : i32 to vector<16xi32>
        %sub3A_453 = arith.subi %sub3A_452, %and3A_450 : vector<16xi32>
        %mul3A_454 = arith.constant 16 : i32
        %mul3A_455 = vector.broadcast %mul3A_454 : i32 to vector<16xi32>
        %mul3A_456 = arith.muli %sub3A_453, %mul3A_455 : vector<16xi32>
        %add3A_457 = arith.addi %mul3A_456, %iota3A : vector<16xi32>
        tpu.vector_store_idx %arg11[%add3A_457], %broadcast_in_dim3A_3 {add = true} : memref<4096xi32, #tpu.memory_space<vmem>>[vector<16xi32>], vector<16xi32>,
        %while3A_458 = arith.constant 0 : i32
        scf.yield %while3A_458 : i32
      }
      %scan3A_334 = arith.constant 0 : i32
      %scan3A_335 = arith.constant 0 : i32
      %scan3A_336 = arith.constant 256 : i32
      %scan3A_337 = arith.addi %scan3A_335, %scan3A_336 : i32
      %scan3A_338 = arith.constant 1 : i32
      %scan3A_339 = scf.for %scan3A_440 = %scan3A_335 to %scan3A_337 step %scan3A_338 iter_args(%scan3A_441 = %scan3A_334) -> (i32)  : i32 {
        %mul3A_442 = arith.constant 16 : i32
        %mul3A_443 = arith.muli %scan3A_440, %mul3A_442 : i32
        %get3A_444 = arith.index_cast %mul3A_443 : i32 to index
        %get3A_445 = tpu.vector_load %arg11[%get3A_444] {strides = array<i32>} : memref<4096xi32, #tpu.memory_space<vmem>>, vector<16xi32>,
        %broadcast_in_dim3A_446 = arith.constant true
        %broadcast_in_dim3A_447 = vector.broadcast %broadcast_in_dim3A_446 : i1 to vector<16xi1>
        %masked_cumsum3A_448 = tpu.scan <sum>, %get3A_445 masked %broadcast_in_dim3A_447 : vector<16xi32>, vector<16xi1> -> vector<16xi32>
        %add3A_449 = vector.broadcast %scan3A_441 : i32 to vector<16xi32>
        %add3A_450 = arith.addi %add3A_449, %masked_cumsum3A_448 : vector<16xi32>
        %sub3A_451 = arith.subi %add3A_450, %get3A_445 : vector<16xi32>
        %mul3A_452 = arith.constant 16 : i32
        %mul3A_453 = arith.muli %scan3A_440, %mul3A_452 : i32
        %swap3A = arith.index_cast %mul3A_453 : i32 to index
        %swap3A_454 = tpu.vector_load %arg11[%swap3A] {strides = array<i32>} : memref<4096xi32, #tpu.memory_space<vmem>>, vector<16xi32>,
        tpu.vector_store %arg11[%swap3A], %sub3A_451 {strides = array<i32>} : memref<4096xi32, #tpu.memory_space<vmem>>, vector<16xi32>,
        %eq3A_455 = arith.constant 15 : i32
        %eq3A_456 = vector.broadcast %eq3A_455 : i32 to vector<16xi32>
        %eq3A_457 = arith.cmpi eq, %iota3A, %eq3A_456 : vector<16xi32>
        %jit3A_458 = arith.constant 0 : i32
        %broadcast_in_dim3A_459 = vector.broadcast %jit3A_458 : i32 to vector<16xi32>
        %select_n3A_460 = arith.select %eq3A_457, %masked_cumsum3A_448, %broadcast_in_dim3A_459 : vector<16xi1>, vector<16xi32>
        %reduce_sum3A_461 = arith.constant true
        %reduce_sum3A_462 = vector.broadcast %reduce_sum3A_461 : i1 to vector<16xi1>
        %reduce_sum3A_463 = tpu.scan <sum>, %select_n3A_460 masked %reduce_sum3A_462 : vector<16xi32>, vector<16xi1> -> vector<16xi32>
        %reduce_sum3A_464 = vector.extract %reduce_sum3A_463[15] : i32 from vector<16xi32>
        %add3A_465 = arith.addi %scan3A_441, %reduce_sum3A_464 : i32
        scf.yield %add3A_465 : i32
      }
      %scan3A_340 = arith.constant 256 : i32
      %while3A_341 = arith.constant 0 : i32
      %while3A_342 = arith.constant 0 : i32
      %while3A_343 = arith.subi %max3A_238, %while3A_341 : i32
      %while3A_344 = arith.addi %while3A_341, %while3A_343 : i32
      %while3A_345 = arith.constant 1 : i32
      %while3A_346 = arith.divsi %while3A_343, %while3A_345 : i32
      %while3A_347 = arith.muli %while3A_346, %while3A_345 : i32
      %while3A_348 = arith.addi %while3A_341, %while3A_347 : i32
      %while3A_349 = arith.constant 1 : i32
      %while3A_350 = scf.for %while3A_440 = %while3A_341 to %while3A_348 step %while3A_349 iter_args(%while3A_441 = %while3A_342) -> (i32)  : i32 {
        %mul3A_442 = vector.broadcast %max3A_238 : i32 to vector<16xi32>
        %mul3A_443 = arith.muli %iota3A, %mul3A_442 : vector<16xi32>
        %add3A_444 = vector.broadcast %while3A_440 : i32 to vector<16xi32>
        %add3A_445 = arith.addi %mul3A_443, %add3A_444 : vector<16xi32>
        %gather3A = tpu.vector_load_idx %arg12[%add3A_445] : memref<3456xi32, #tpu.memory_space<vmem>>[vector<16xi32>], vector<16xi32>,
        %gather3A_446 = tpu.vector_load_idx %arg13[%add3A_445] : memref<3456xi32, #tpu.memory_space<vmem>>[vector<16xi32>], vector<16xi32>,
        %shift_right_logical3A = arith.constant 16 : i32
        %shift_right_logical3A_447 = vector.broadcast %shift_right_logical3A : i32 to vector<16xi32>
        %shift_right_logical3A_448 = arith.shrui %gather3A, %shift_right_logical3A_447 : vector<16xi32>
        %and3A_449 = arith.constant 255 : i32
        %and3A_450 = vector.broadcast %and3A_449 : i32 to vector<16xi32>
        %and3A_451 = arith.andi %shift_right_logical3A_448, %and3A_450 : vector<16xi32>
        %sub3A_452 = arith.constant 255 : i32
        %sub3A_453 = vector.broadcast %sub3A_452 : i32 to vector<16xi32>
        %sub3A_454 = arith.subi %sub3A_453, %and3A_451 : vector<16xi32>
        %mul3A_455 = arith.constant 16 : i32
        %mul3A_456 = vector.broadcast %mul3A_455 : i32 to vector<16xi32>
        %mul3A_457 = arith.muli %sub3A_454, %mul3A_456 : vector<16xi32>
        %add3A_458 = arith.addi %mul3A_457, %iota3A : vector<16xi32>
        %gather3A_459 = tpu.vector_load_idx %arg11[%add3A_458] : memref<4096xi32, #tpu.memory_space<vmem>>[vector<16xi32>], vector<16xi32>,
        tpu.vector_store_idx %arg14[%gather3A_459], %gather3A : memref<3456xi32, #tpu.memory_space<vmem>>[vector<16xi32>], vector<16xi32>,
        tpu.vector_store_idx %arg15[%gather3A_459], %gather3A_446 : memref<3456xi32, #tpu.memory_space<vmem>>[vector<16xi32>], vector<16xi32>,
        %mul3A_460 = arith.constant 16 : i32
        %mul3A_461 = vector.broadcast %mul3A_460 : i32 to vector<16xi32>
        %mul3A_462 = arith.muli %sub3A_454, %mul3A_461 : vector<16xi32>
        %add3A_463 = arith.addi %mul3A_462, %iota3A : vector<16xi32>
        tpu.vector_store_idx %arg11[%add3A_463], %broadcast_in_dim3A_3 {add = true} : memref<4096xi32, #tpu.memory_space<vmem>>[vector<16xi32>], vector<16xi32>,
        %while3A_464 = arith.constant 0 : i32
        scf.yield %while3A_464 : i32
      }
      %while3A_351 = arith.constant 1 : i32
      %while3A_352 = scf.for %while3A_440 = %while3A_348 to %while3A_344 step %while3A_351 iter_args(%while3A_441 = %while3A_350) -> (i32)  : i32 {
        %mul3A_442 = vector.broadcast %max3A_238 : i32 to vector<16xi32>
        %mul3A_443 = arith.muli %iota3A, %mul3A_442 : vector<16xi32>
        %add3A_444 = vector.broadcast %while3A_440 : i32 to vector<16xi32>
        %add3A_445 = arith.addi %mul3A_443, %add3A_444 : vector<16xi32>
        %gather3A = tpu.vector_load_idx %arg12[%add3A_445] : memref<3456xi32, #tpu.memory_space<vmem>>[vector<16xi32>], vector<16xi32>,
        %gather3A_446 = tpu.vector_load_idx %arg13[%add3A_445] : memref<3456xi32, #tpu.memory_space<vmem>>[vector<16xi32>], vector<16xi32>,
        %shift_right_logical3A = arith.constant 16 : i32
        %shift_right_logical3A_447 = vector.broadcast %shift_right_logical3A : i32 to vector<16xi32>
        %shift_right_logical3A_448 = arith.shrui %gather3A, %shift_right_logical3A_447 : vector<16xi32>
        %and3A_449 = arith.constant 255 : i32
        %and3A_450 = vector.broadcast %and3A_449 : i32 to vector<16xi32>
        %and3A_451 = arith.andi %shift_right_logical3A_448, %and3A_450 : vector<16xi32>
        %sub3A_452 = arith.constant 255 : i32
        %sub3A_453 = vector.broadcast %sub3A_452 : i32 to vector<16xi32>
        %sub3A_454 = arith.subi %sub3A_453, %and3A_451 : vector<16xi32>
        %mul3A_455 = arith.constant 16 : i32
        %mul3A_456 = vector.broadcast %mul3A_455 : i32 to vector<16xi32>
        %mul3A_457 = arith.muli %sub3A_454, %mul3A_456 : vector<16xi32>
        %add3A_458 = arith.addi %mul3A_457, %iota3A : vector<16xi32>
        %gather3A_459 = tpu.vector_load_idx %arg11[%add3A_458] : memref<4096xi32, #tpu.memory_space<vmem>>[vector<16xi32>], vector<16xi32>,
        tpu.vector_store_idx %arg14[%gather3A_459], %gather3A : memref<3456xi32, #tpu.memory_space<vmem>>[vector<16xi32>], vector<16xi32>,
        tpu.vector_store_idx %arg15[%gather3A_459], %gather3A_446 : memref<3456xi32, #tpu.memory_space<vmem>>[vector<16xi32>], vector<16xi32>,
        %mul3A_460 = arith.constant 16 : i32
        %mul3A_461 = vector.broadcast %mul3A_460 : i32 to vector<16xi32>
        %mul3A_462 = arith.muli %sub3A_454, %mul3A_461 : vector<16xi32>
        %add3A_463 = arith.addi %mul3A_462, %iota3A : vector<16xi32>
        tpu.vector_store_idx %arg11[%add3A_463], %broadcast_in_dim3A_3 {add = true} : memref<4096xi32, #tpu.memory_space<vmem>>[vector<16xi32>], vector<16xi32>,
        %while3A_464 = arith.constant 0 : i32
        scf.yield %while3A_464 : i32
      }
      %scan3A_353 = arith.constant 0 : i32
      %scan3A_354 = arith.constant 0 : i32
      %scan3A_355 = arith.constant 256 : i32
      %scan3A_356 = arith.addi %scan3A_354, %scan3A_355 : i32
      %scan3A_357 = arith.constant 1 : i32
      %scan3A_358 = scf.for %scan3A_440 = %scan3A_354 to %scan3A_356 step %scan3A_357 iter_args(%scan3A_441 = %scan3A_353) -> (i32)  : i32 {
        %mul3A_442 = arith.constant 16 : i32
        %mul3A_443 = arith.muli %scan3A_440, %mul3A_442 : i32
        %swap3A = arith.index_cast %mul3A_443 : i32 to index
        %swap3A_444 = tpu.vector_load %arg11[%swap3A] {strides = array<i32>} : memref<4096xi32, #tpu.memory_space<vmem>>, vector<16xi32>,
        tpu.vector_store %arg11[%swap3A], %broadcast_in_dim3A_1 {strides = array<i32>} : memref<4096xi32, #tpu.memory_space<vmem>>, vector<16xi32>,
        %scan3A_445 = arith.constant 0 : i32
        scf.yield %scan3A_445 : i32
      }
      %scan3A_359 = arith.constant 256 : i32
      %while3A_360 = arith.constant 0 : i32
      %while3A_361 = arith.constant 0 : i32
      %while3A_362 = arith.subi %max3A_238, %while3A_360 : i32
      %while3A_363 = arith.addi %while3A_360, %while3A_362 : i32
      %while3A_364 = arith.constant 1 : i32
      %while3A_365 = arith.divsi %while3A_362, %while3A_364 : i32
      %while3A_366 = arith.muli %while3A_365, %while3A_364 : i32
      %while3A_367 = arith.addi %while3A_360, %while3A_366 : i32
      %while3A_368 = arith.constant 1 : i32
      %while3A_369 = scf.for %while3A_440 = %while3A_360 to %while3A_367 step %while3A_368 iter_args(%while3A_441 = %while3A_361) -> (i32)  : i32 {
        %mul3A_442 = vector.broadcast %max3A_238 : i32 to vector<16xi32>
        %mul3A_443 = arith.muli %iota3A, %mul3A_442 : vector<16xi32>
        %add3A_444 = vector.broadcast %while3A_440 : i32 to vector<16xi32>
        %add3A_445 = arith.addi %mul3A_443, %add3A_444 : vector<16xi32>
        %gather3A = tpu.vector_load_idx %arg14[%add3A_445] : memref<3456xi32, #tpu.memory_space<vmem>>[vector<16xi32>], vector<16xi32>,
        %shift_right_logical3A = arith.constant 24 : i32
        %shift_right_logical3A_446 = vector.broadcast %shift_right_logical3A : i32 to vector<16xi32>
        %shift_right_logical3A_447 = arith.shrui %gather3A, %shift_right_logical3A_446 : vector<16xi32>
        %and3A_448 = arith.constant 255 : i32
        %and3A_449 = vector.broadcast %and3A_448 : i32 to vector<16xi32>
        %and3A_450 = arith.andi %shift_right_logical3A_447, %and3A_449 : vector<16xi32>
        %sub3A_451 = arith.constant 255 : i32
        %sub3A_452 = vector.broadcast %sub3A_451 : i32 to vector<16xi32>
        %sub3A_453 = arith.subi %sub3A_452, %and3A_450 : vector<16xi32>
        %mul3A_454 = arith.constant 16 : i32
        %mul3A_455 = vector.broadcast %mul3A_454 : i32 to vector<16xi32>
        %mul3A_456 = arith.muli %sub3A_453, %mul3A_455 : vector<16xi32>
        %add3A_457 = arith.addi %mul3A_456, %iota3A : vector<16xi32>
        tpu.vector_store_idx %arg11[%add3A_457], %broadcast_in_dim3A_3 {add = true} : memref<4096xi32, #tpu.memory_space<vmem>>[vector<16xi32>], vector<16xi32>,
        %while3A_458 = arith.constant 0 : i32
        scf.yield %while3A_458 : i32
      }
      %while3A_370 = arith.constant 1 : i32
      %while3A_371 = scf.for %while3A_440 = %while3A_367 to %while3A_363 step %while3A_370 iter_args(%while3A_441 = %while3A_369) -> (i32)  : i32 {
        %mul3A_442 = vector.broadcast %max3A_238 : i32 to vector<16xi32>
        %mul3A_443 = arith.muli %iota3A, %mul3A_442 : vector<16xi32>
        %add3A_444 = vector.broadcast %while3A_440 : i32 to vector<16xi32>
        %add3A_445 = arith.addi %mul3A_443, %add3A_444 : vector<16xi32>
        %gather3A = tpu.vector_load_idx %arg14[%add3A_445] : memref<3456xi32, #tpu.memory_space<vmem>>[vector<16xi32>], vector<16xi32>,
        %shift_right_logical3A = arith.constant 24 : i32
        %shift_right_logical3A_446 = vector.broadcast %shift_right_logical3A : i32 to vector<16xi32>
        %shift_right_logical3A_447 = arith.shrui %gather3A, %shift_right_logical3A_446 : vector<16xi32>
        %and3A_448 = arith.constant 255 : i32
        %and3A_449 = vector.broadcast %and3A_448 : i32 to vector<16xi32>
        %and3A_450 = arith.andi %shift_right_logical3A_447, %and3A_449 : vector<16xi32>
        %sub3A_451 = arith.constant 255 : i32
        %sub3A_452 = vector.broadcast %sub3A_451 : i32 to vector<16xi32>
        %sub3A_453 = arith.subi %sub3A_452, %and3A_450 : vector<16xi32>
        %mul3A_454 = arith.constant 16 : i32
        %mul3A_455 = vector.broadcast %mul3A_454 : i32 to vector<16xi32>
        %mul3A_456 = arith.muli %sub3A_453, %mul3A_455 : vector<16xi32>
        %add3A_457 = arith.addi %mul3A_456, %iota3A : vector<16xi32>
        tpu.vector_store_idx %arg11[%add3A_457], %broadcast_in_dim3A_3 {add = true} : memref<4096xi32, #tpu.memory_space<vmem>>[vector<16xi32>], vector<16xi32>,
        %while3A_458 = arith.constant 0 : i32
        scf.yield %while3A_458 : i32
      }
      %scan3A_372 = arith.constant 0 : i32
      %scan3A_373 = arith.constant 0 : i32
      %scan3A_374 = arith.constant 256 : i32
      %scan3A_375 = arith.addi %scan3A_373, %scan3A_374 : i32
      %scan3A_376 = arith.constant 1 : i32
      %scan3A_377 = scf.for %scan3A_440 = %scan3A_373 to %scan3A_375 step %scan3A_376 iter_args(%scan3A_441 = %scan3A_372) -> (i32)  : i32 {
        %mul3A_442 = arith.constant 16 : i32
        %mul3A_443 = arith.muli %scan3A_440, %mul3A_442 : i32
        %get3A_444 = arith.index_cast %mul3A_443 : i32 to index
        %get3A_445 = tpu.vector_load %arg11[%get3A_444] {strides = array<i32>} : memref<4096xi32, #tpu.memory_space<vmem>>, vector<16xi32>,
        %broadcast_in_dim3A_446 = arith.constant true
        %broadcast_in_dim3A_447 = vector.broadcast %broadcast_in_dim3A_446 : i1 to vector<16xi1>
        %masked_cumsum3A_448 = tpu.scan <sum>, %get3A_445 masked %broadcast_in_dim3A_447 : vector<16xi32>, vector<16xi1> -> vector<16xi32>
        %add3A_449 = vector.broadcast %scan3A_441 : i32 to vector<16xi32>
        %add3A_450 = arith.addi %add3A_449, %masked_cumsum3A_448 : vector<16xi32>
        %sub3A_451 = arith.subi %add3A_450, %get3A_445 : vector<16xi32>
        %mul3A_452 = arith.constant 16 : i32
        %mul3A_453 = arith.muli %scan3A_440, %mul3A_452 : i32
        %swap3A = arith.index_cast %mul3A_453 : i32 to index
        %swap3A_454 = tpu.vector_load %arg11[%swap3A] {strides = array<i32>} : memref<4096xi32, #tpu.memory_space<vmem>>, vector<16xi32>,
        tpu.vector_store %arg11[%swap3A], %sub3A_451 {strides = array<i32>} : memref<4096xi32, #tpu.memory_space<vmem>>, vector<16xi32>,
        %eq3A_455 = arith.constant 15 : i32
        %eq3A_456 = vector.broadcast %eq3A_455 : i32 to vector<16xi32>
        %eq3A_457 = arith.cmpi eq, %iota3A, %eq3A_456 : vector<16xi32>
        %jit3A_458 = arith.constant 0 : i32
        %broadcast_in_dim3A_459 = vector.broadcast %jit3A_458 : i32 to vector<16xi32>
        %select_n3A_460 = arith.select %eq3A_457, %masked_cumsum3A_448, %broadcast_in_dim3A_459 : vector<16xi1>, vector<16xi32>
        %reduce_sum3A_461 = arith.constant true
        %reduce_sum3A_462 = vector.broadcast %reduce_sum3A_461 : i1 to vector<16xi1>
        %reduce_sum3A_463 = tpu.scan <sum>, %select_n3A_460 masked %reduce_sum3A_462 : vector<16xi32>, vector<16xi1> -> vector<16xi32>
        %reduce_sum3A_464 = vector.extract %reduce_sum3A_463[15] : i32 from vector<16xi32>
        %add3A_465 = arith.addi %scan3A_441, %reduce_sum3A_464 : i32
        scf.yield %add3A_465 : i32
      }
      %scan3A_378 = arith.constant 256 : i32
      %while3A_379 = arith.constant 0 : i32
      %while3A_380 = arith.constant 0 : i32
      %while3A_381 = arith.subi %max3A_238, %while3A_379 : i32
      %while3A_382 = arith.addi %while3A_379, %while3A_381 : i32
      %while3A_383 = arith.constant 1 : i32
      %while3A_384 = arith.divsi %while3A_381, %while3A_383 : i32
      %while3A_385 = arith.muli %while3A_384, %while3A_383 : i32
      %while3A_386 = arith.addi %while3A_379, %while3A_385 : i32
      %while3A_387 = arith.constant 1 : i32
      %while3A_388 = scf.for %while3A_440 = %while3A_379 to %while3A_386 step %while3A_387 iter_args(%while3A_441 = %while3A_380) -> (i32)  : i32 {
        %mul3A_442 = vector.broadcast %max3A_238 : i32 to vector<16xi32>
        %mul3A_443 = arith.muli %iota3A, %mul3A_442 : vector<16xi32>
        %add3A_444 = vector.broadcast %while3A_440 : i32 to vector<16xi32>
        %add3A_445 = arith.addi %mul3A_443, %add3A_444 : vector<16xi32>
        %gather3A = tpu.vector_load_idx %arg14[%add3A_445] : memref<3456xi32, #tpu.memory_space<vmem>>[vector<16xi32>], vector<16xi32>,
        %gather3A_446 = tpu.vector_load_idx %arg15[%add3A_445] : memref<3456xi32, #tpu.memory_space<vmem>>[vector<16xi32>], vector<16xi32>,
        %shift_right_logical3A = arith.constant 24 : i32
        %shift_right_logical3A_447 = vector.broadcast %shift_right_logical3A : i32 to vector<16xi32>
        %shift_right_logical3A_448 = arith.shrui %gather3A, %shift_right_logical3A_447 : vector<16xi32>
        %and3A_449 = arith.constant 255 : i32
        %and3A_450 = vector.broadcast %and3A_449 : i32 to vector<16xi32>
        %and3A_451 = arith.andi %shift_right_logical3A_448, %and3A_450 : vector<16xi32>
        %sub3A_452 = arith.constant 255 : i32
        %sub3A_453 = vector.broadcast %sub3A_452 : i32 to vector<16xi32>
        %sub3A_454 = arith.subi %sub3A_453, %and3A_451 : vector<16xi32>
        %mul3A_455 = arith.constant 16 : i32
        %mul3A_456 = vector.broadcast %mul3A_455 : i32 to vector<16xi32>
        %mul3A_457 = arith.muli %sub3A_454, %mul3A_456 : vector<16xi32>
        %add3A_458 = arith.addi %mul3A_457, %iota3A : vector<16xi32>
        %gather3A_459 = tpu.vector_load_idx %arg11[%add3A_458] : memref<4096xi32, #tpu.memory_space<vmem>>[vector<16xi32>], vector<16xi32>,
        tpu.vector_store_idx %arg12[%gather3A_459], %gather3A : memref<3456xi32, #tpu.memory_space<vmem>>[vector<16xi32>], vector<16xi32>,
        tpu.vector_store_idx %arg13[%gather3A_459], %gather3A_446 : memref<3456xi32, #tpu.memory_space<vmem>>[vector<16xi32>], vector<16xi32>,
        %mul3A_460 = arith.constant 16 : i32
        %mul3A_461 = vector.broadcast %mul3A_460 : i32 to vector<16xi32>
        %mul3A_462 = arith.muli %sub3A_454, %mul3A_461 : vector<16xi32>
        %add3A_463 = arith.addi %mul3A_462, %iota3A : vector<16xi32>
        tpu.vector_store_idx %arg11[%add3A_463], %broadcast_in_dim3A_3 {add = true} : memref<4096xi32, #tpu.memory_space<vmem>>[vector<16xi32>], vector<16xi32>,
        %while3A_464 = arith.constant 0 : i32
        scf.yield %while3A_464 : i32
      }
      %while3A_389 = arith.constant 1 : i32
      %while3A_390 = scf.for %while3A_440 = %while3A_386 to %while3A_382 step %while3A_389 iter_args(%while3A_441 = %while3A_388) -> (i32)  : i32 {
        %mul3A_442 = vector.broadcast %max3A_238 : i32 to vector<16xi32>
        %mul3A_443 = arith.muli %iota3A, %mul3A_442 : vector<16xi32>
        %add3A_444 = vector.broadcast %while3A_440 : i32 to vector<16xi32>
        %add3A_445 = arith.addi %mul3A_443, %add3A_444 : vector<16xi32>
        %gather3A = tpu.vector_load_idx %arg14[%add3A_445] : memref<3456xi32, #tpu.memory_space<vmem>>[vector<16xi32>], vector<16xi32>,
        %gather3A_446 = tpu.vector_load_idx %arg15[%add3A_445] : memref<3456xi32, #tpu.memory_space<vmem>>[vector<16xi32>], vector<16xi32>,
        %shift_right_logical3A = arith.constant 24 : i32
        %shift_right_logical3A_447 = vector.broadcast %shift_right_logical3A : i32 to vector<16xi32>
        %shift_right_logical3A_448 = arith.shrui %gather3A, %shift_right_logical3A_447 : vector<16xi32>
        %and3A_449 = arith.constant 255 : i32
        %and3A_450 = vector.broadcast %and3A_449 : i32 to vector<16xi32>
        %and3A_451 = arith.andi %shift_right_logical3A_448, %and3A_450 : vector<16xi32>
        %sub3A_452 = arith.constant 255 : i32
        %sub3A_453 = vector.broadcast %sub3A_452 : i32 to vector<16xi32>
        %sub3A_454 = arith.subi %sub3A_453, %and3A_451 : vector<16xi32>
        %mul3A_455 = arith.constant 16 : i32
        %mul3A_456 = vector.broadcast %mul3A_455 : i32 to vector<16xi32>
        %mul3A_457 = arith.muli %sub3A_454, %mul3A_456 : vector<16xi32>
        %add3A_458 = arith.addi %mul3A_457, %iota3A : vector<16xi32>
        %gather3A_459 = tpu.vector_load_idx %arg11[%add3A_458] : memref<4096xi32, #tpu.memory_space<vmem>>[vector<16xi32>], vector<16xi32>,
        tpu.vector_store_idx %arg12[%gather3A_459], %gather3A : memref<3456xi32, #tpu.memory_space<vmem>>[vector<16xi32>], vector<16xi32>,
        tpu.vector_store_idx %arg13[%gather3A_459], %gather3A_446 : memref<3456xi32, #tpu.memory_space<vmem>>[vector<16xi32>], vector<16xi32>,
        %mul3A_460 = arith.constant 16 : i32
        %mul3A_461 = vector.broadcast %mul3A_460 : i32 to vector<16xi32>
        %mul3A_462 = arith.muli %sub3A_454, %mul3A_461 : vector<16xi32>
        %add3A_463 = arith.addi %mul3A_462, %iota3A : vector<16xi32>
        tpu.vector_store_idx %arg11[%add3A_463], %broadcast_in_dim3A_3 {add = true} : memref<4096xi32, #tpu.memory_space<vmem>>[vector<16xi32>], vector<16xi32>,
        %while3A_464 = arith.constant 0 : i32
        scf.yield %while3A_464 : i32
      }
      %get3A_391 = arith.constant 672 : index
      %get3A_392 = tpu.vector_load %arg12[%get3A_391] {strides = array<i32>} : memref<3456xi32, #tpu.memory_space<vmem>>, vector<16xi32>,
      %eq3A_393 = arith.constant 9 : i32
      %eq3A_394 = vector.broadcast %eq3A_393 : i32 to vector<16xi32>
      %eq3A_395 = arith.cmpi eq, %iota3A, %eq3A_394 : vector<16xi32>
      %jit3A_396 = arith.constant 0 : i32
      %broadcast_in_dim3A_397 = vector.broadcast %jit3A_396 : i32 to vector<16xi32>
      %select_n3A_398 = arith.select %eq3A_395, %get3A_392, %broadcast_in_dim3A_397 : vector<16xi1>, vector<16xi32>
      %reduce_sum3A_399 = arith.constant true
      %reduce_sum3A_400 = vector.broadcast %reduce_sum3A_399 : i1 to vector<16xi1>
      %reduce_sum3A_401 = tpu.scan <sum>, %select_n3A_398 masked %reduce_sum3A_400 : vector<16xi32>, vector<16xi1> -> vector<16xi32>
      %reduce_sum3A_402 = vector.extract %reduce_sum3A_401[15] : i32 from vector<16xi32>
      %sub3A_403 = arith.constant 4096 : i32
      %sub3A_404 = arith.subi %add3A_85, %sub3A_403 : i32
      %sub3A_405 = arith.constant 1 : i32
      %sub3A_406 = arith.subi %sub3A_404, %sub3A_405 : i32
      %max3A_407 = arith.constant -4096 : i32
      %max3A_408 = arith.maxsi %sub3A_406, %max3A_407 : i32
      %shift_left3A = arith.constant 19 : i32
      %shift_left3A_409 = arith.shli %max3A_408, %shift_left3A : i32
      %or3A = arith.constant 524287 : i32
      %or3A_410 = arith.ori %shift_left3A_409, %or3A : i32
      %broadcast_in_dim3A_411 = vector.broadcast %or3A_410 : i32 to vector<16xi32>
      %shift_right_arithmetic3A = arith.constant 31 : i32
      %shift_right_arithmetic3A_412 = vector.broadcast %shift_right_arithmetic3A : i32 to vector<16xi32>
      %shift_right_arithmetic3A_413 = arith.shrsi %broadcast_in_dim3A_411, %shift_right_arithmetic3A_412 : vector<16xi32>
      %and3A_414 = arith.constant 2147483647 : i32
      %and3A_415 = vector.broadcast %and3A_414 : i32 to vector<16xi32>
      %and3A_416 = arith.andi %shift_right_arithmetic3A_413, %and3A_415 : vector<16xi32>
      %xor3A = arith.xori %broadcast_in_dim3A_411, %and3A_416 : vector<16xi32>
      %bitcast3A = vector.bitcast %xor3A : vector<16xi32> to vector<16xf32>
      %neg3A = arith.constant 0.000000e+00 : f32
      %neg3A_417 = vector.broadcast %neg3A : f32 to vector<16xf32>
      %neg3A_418 = arith.subf %neg3A_417, %bitcast3A : vector<16xf32>
      %exp3A = math.exp %neg3A_418 : vector<16xf32>
      %add3A_419 = arith.constant 1.000000e+00 : f32
      %add3A_420 = vector.broadcast %add3A_419 : f32 to vector<16xf32>
      %add3A_421 = arith.addf %add3A_420, %exp3A : vector<16xf32>
      %div3A_422 = arith.constant 1.000000e+00 : f32
      %div3A_423 = vector.broadcast %div3A_422 : f32 to vector<16xf32>
      %div3A_424 = arith.divf %div3A_423, %add3A_421 : vector<16xf32>
      %bitcast3A_425 = vector.bitcast %div3A_424 : vector<16xf32> to vector<16xi32>
      %eq3A_426 = arith.constant 0 : i32
      %eq3A_427 = vector.broadcast %eq3A_426 : i32 to vector<16xi32>
      %eq3A_428 = arith.cmpi eq, %iota3A, %eq3A_427 : vector<16xi32>
      %jit3A_429 = arith.constant 0 : i32
      %broadcast_in_dim3A_430 = vector.broadcast %jit3A_429 : i32 to vector<16xi32>
      %select_n3A_431 = arith.select %eq3A_428, %bitcast3A_425, %broadcast_in_dim3A_430 : vector<16xi1>, vector<16xi32>
      %reduce_sum3A_432 = arith.constant true
      %reduce_sum3A_433 = vector.broadcast %reduce_sum3A_432 : i1 to vector<16xi1>
      %reduce_sum3A_434 = tpu.scan <sum>, %select_n3A_431 masked %reduce_sum3A_433 : vector<16xi32>, vector<16xi1> -> vector<16xi32>
      %reduce_sum3A_435 = vector.extract %reduce_sum3A_434[15] : i32 from vector<16xi32>
      %eq3A_436 = arith.constant 0 : i32
      %eq3A_437 = arith.cmpi eq, %add3A_85, %eq3A_436 : i32
      %lt3A = arith.cmpi slt, %reduce_sum3A_435, %reduce_sum3A_402 : i32
      %or3A_438 = arith.ori %eq3A_437, %lt3A : i1
      %convert_element_type3A_439 = arith.extui %or3A_438 : i1 to i32
      scf.yield %convert_element_type3A_439 : i32
    } else {
      %cond3A_129 = arith.constant 0 : i32
      scf.yield %cond3A_129 : i32
    }
    %eq3A_92 = arith.constant 0 : i32
    %eq3A_93 = arith.cmpi eq, %cond3A_91, %eq3A_92 : i32
    %convert_element_type3A_94 = arith.extui %eq3A_93 : i1 to i32
    %cond3A_95 = arith.constant 0 : i32
    %cond3A_96 = arith.cmpi ne, %convert_element_type3A_94, %cond3A_95 : i32
    scf.if %cond3A_96 {
      %scan3A_129 = arith.constant 0 : i32
      %scan3A_130 = arith.constant 0 : i32
      %scan3A_131 = arith.constant 2048 : i32
      %scan3A_132 = arith.addi %scan3A_130, %scan3A_131 : i32
      %scan3A_133 = arith.constant 1 : i32
      %scan3A_134 = scf.for %scan3A_460 = %scan3A_130 to %scan3A_132 step %scan3A_133 iter_args(%scan3A_461 = %scan3A_129) -> (i32)  : i32 {
        %mul3A_462 = arith.constant 16 : i32
        %mul3A_463 = arith.muli %scan3A_460, %mul3A_462 : i32
        %swap3A = arith.index_cast %mul3A_463 : i32 to index
        %swap3A_464 = tpu.vector_load %arg10[%swap3A] {strides = array<i32>} : memref<32768xi32, #tpu.memory_space<vmem>>, vector<16xi32>,
        tpu.vector_store %arg10[%swap3A], %broadcast_in_dim3A_1 {strides = array<i32>} : memref<32768xi32, #tpu.memory_space<vmem>>, vector<16xi32>,
        %scan3A_465 = arith.constant 0 : i32
        scf.yield %scan3A_465 : i32
      }
      %scan3A_135 = arith.constant 2048 : i32
      %mul3A_136 = arith.constant 0 : i32
      %mul3A_137 = arith.constant 16384 : i32
      %mul3A_138 = arith.muli %mul3A_136, %mul3A_137 : i32
      %dma_start3A_139 = tpu.memref_slice %arg2[%add3A, %mul3A_138] : memref<32x524288xf32, #tpu.memory_space<hbm>> -> memref<1x16384xf32, #tpu.memory_space<hbm>>
      %dma_start3A_140 = tpu.memref_squeeze %dma_start3A_139 : memref<1x16384xf32, #tpu.memory_space<hbm>> -> memref<16384xf32, #tpu.memory_space<hbm>>
      %dma_start3A_141 = tpu.memref_slice %arg2[%add3A, %mul3A_138] : memref<32x524288xf32, #tpu.memory_space<hbm>> -> memref<1x16384xf32, #tpu.memory_space<hbm>>
      %dma_start3A_142 = tpu.memref_squeeze %dma_start3A_141 : memref<1x16384xf32, #tpu.memory_space<hbm>> -> memref<16384xf32, #tpu.memory_space<hbm>>
      tpu.enqueue_dma source(%dma_start3A_142 : memref<16384xf32, #tpu.memory_space<hbm>>) target(%arg8 : memref<16384xf32, #tpu.memory_space<vmem>>) target_semaphore(%arg21 : memref<!tpu.dma_semaphore, #tpu.memory_space<semaphore_mem>>)
      %mul3A_143 = arith.constant 1 : i32
      %mul3A_144 = arith.constant 16384 : i32
      %mul3A_145 = arith.muli %mul3A_143, %mul3A_144 : i32
      %dma_start3A_146 = tpu.memref_slice %arg2[%add3A, %mul3A_145] : memref<32x524288xf32, #tpu.memory_space<hbm>> -> memref<1x16384xf32, #tpu.memory_space<hbm>>
      %dma_start3A_147 = tpu.memref_squeeze %dma_start3A_146 : memref<1x16384xf32, #tpu.memory_space<hbm>> -> memref<16384xf32, #tpu.memory_space<hbm>>
      %dma_start3A_148 = tpu.memref_slice %arg2[%add3A, %mul3A_145] : memref<32x524288xf32, #tpu.memory_space<hbm>> -> memref<1x16384xf32, #tpu.memory_space<hbm>>
      %dma_start3A_149 = tpu.memref_squeeze %dma_start3A_148 : memref<1x16384xf32, #tpu.memory_space<hbm>> -> memref<16384xf32, #tpu.memory_space<hbm>>
      tpu.enqueue_dma source(%dma_start3A_149 : memref<16384xf32, #tpu.memory_space<hbm>>) target(%arg9 : memref<16384xf32, #tpu.memory_space<vmem>>) target_semaphore(%arg22 : memref<!tpu.dma_semaphore, #tpu.memory_space<semaphore_mem>>)
      %scan3A_150 = arith.constant 0 : i32
      %scan3A_151 = arith.constant 0 : i32
      %scan3A_152 = arith.constant 16 : i32
      %scan3A_153 = arith.addi %scan3A_151, %scan3A_152 : i32
      %scan3A_154 = arith.constant 1 : i32
      %scan3A_155 = scf.for %scan3A_460 = %scan3A_151 to %scan3A_153 step %scan3A_154 iter_args(%scan3A_461 = %scan3A_150) -> (i32)  : i32 {
        %mul3A_462 = arith.constant 2 : i32
        %mul3A_463 = arith.muli %scan3A_460, %mul3A_462 : i32
        %mul3A_464 = arith.constant 16384 : i32
        %mul3A_465 = arith.muli %mul3A_463, %mul3A_464 : i32
        %dma_wait3A = tpu.memref_slice %arg2[%add3A, %mul3A_465] : memref<32x524288xf32, #tpu.memory_space<hbm>> -> memref<1x16384xf32, #tpu.memory_space<hbm>>
        %dma_wait3A_466 = tpu.memref_squeeze %dma_wait3A : memref<1x16384xf32, #tpu.memory_space<hbm>> -> memref<16384xf32, #tpu.memory_space<hbm>>
        %dma_wait3A_467 = tpu.memref_slice %arg2[%add3A, %mul3A_465] : memref<32x524288xf32, #tpu.memory_space<hbm>> -> memref<1x16384xf32, #tpu.memory_space<hbm>>
        %dma_wait3A_468 = tpu.memref_squeeze %dma_wait3A_467 : memref<1x16384xf32, #tpu.memory_space<hbm>> -> memref<16384xf32, #tpu.memory_space<hbm>>
        tpu.wait_dma2 semaphore(%arg21 : memref<!tpu.dma_semaphore, #tpu.memory_space<semaphore_mem>>) src(%dma_wait3A_468 : memref<16384xf32, #tpu.memory_space<hbm>>) dst(%arg8 : memref<16384xf32, #tpu.memory_space<vmem>>)
        %scan3A_469 = arith.constant 0 : i32
        %scan3A_470 = arith.constant 1024 : i32
        %scan3A_471 = arith.addi %scan3A_469, %scan3A_470 : i32
        %scan3A_472 = arith.constant 1 : i32
        %scan3A_473 = scf.for %scan3A_504 = %scan3A_469 to %scan3A_471 step %scan3A_472 iter_args(%scan3A_505 = %scan3A_461) -> (i32)  : i32 {
          %mul3A_506 = arith.constant 16 : i32
          %mul3A_507 = arith.muli %scan3A_504, %mul3A_506 : i32
          %get3A_508 = arith.index_cast %mul3A_507 : i32 to index
          %get3A_509 = tpu.vector_load %arg8[%get3A_508] {strides = array<i32>} : memref<16384xf32, #tpu.memory_space<vmem>>, vector<16xf32>,
          %neg3A = arith.constant 0.000000e+00 : f32
          %neg3A_510 = vector.broadcast %neg3A : f32 to vector<16xf32>
          %neg3A_511 = arith.subf %neg3A_510, %get3A_509 : vector<16xf32>
          %exp3A = math.exp %neg3A_511 : vector<16xf32>
          %add3A_512 = arith.constant 1.000000e+00 : f32
          %add3A_513 = vector.broadcast %add3A_512 : f32 to vector<16xf32>
          %add3A_514 = arith.addf %add3A_513, %exp3A : vector<16xf32>
          %div3A_515 = arith.constant 1.000000e+00 : f32
          %div3A_516 = vector.broadcast %div3A_515 : f32 to vector<16xf32>
          %div3A_517 = arith.divf %div3A_516, %add3A_514 : vector<16xf32>
          %bitcast3A = vector.bitcast %div3A_517 : vector<16xf32> to vector<16xi32>
          %shift_right_logical3A = arith.constant 15 : i32
          %shift_right_logical3A_518 = vector.broadcast %shift_right_logical3A : i32 to vector<16xi32>
          %shift_right_logical3A_519 = arith.shrui %bitcast3A, %shift_right_logical3A_518 : vector<16xi32>
          tpu.vector_store_idx %arg10[%shift_right_logical3A_519], %broadcast_in_dim3A_3 {add = true} : memref<32768xi32, #tpu.memory_space<vmem>>[vector<16xi32>], vector<16xi32>,
          %scan3A_520 = arith.constant 0 : i32
          scf.yield %scan3A_520 : i32
        }
        %scan3A_474 = arith.constant 1024 : i32
        %add3A_475 = arith.constant 2 : i32
        %add3A_476 = arith.addi %mul3A_463, %add3A_475 : i32
        %lt3A = arith.constant 32 : i32
        %lt3A_477 = arith.cmpi slt, %add3A_476, %lt3A : i32
        %convert_element_type3A_478 = arith.extui %lt3A_477 : i1 to i32
        %cond3A_479 = arith.constant 0 : i32
        %cond3A_480 = arith.cmpi ne, %convert_element_type3A_478, %cond3A_479 : i32
        scf.if %cond3A_480 {
          %add3A_504 = arith.constant 2 : i32
          %add3A_505 = arith.addi %mul3A_463, %add3A_504 : i32
          %mul3A_506 = arith.constant 16384 : i32
          %mul3A_507 = arith.muli %add3A_505, %mul3A_506 : i32
          %dma_start3A_508 = tpu.memref_slice %arg2[%add3A, %mul3A_507] : memref<32x524288xf32, #tpu.memory_space<hbm>> -> memref<1x16384xf32, #tpu.memory_space<hbm>>
          %dma_start3A_509 = tpu.memref_squeeze %dma_start3A_508 : memref<1x16384xf32, #tpu.memory_space<hbm>> -> memref<16384xf32, #tpu.memory_space<hbm>>
          %dma_start3A_510 = tpu.memref_slice %arg2[%add3A, %mul3A_507] : memref<32x524288xf32, #tpu.memory_space<hbm>> -> memref<1x16384xf32, #tpu.memory_space<hbm>>
          %dma_start3A_511 = tpu.memref_squeeze %dma_start3A_510 : memref<1x16384xf32, #tpu.memory_space<hbm>> -> memref<16384xf32, #tpu.memory_space<hbm>>
          tpu.enqueue_dma source(%dma_start3A_511 : memref<16384xf32, #tpu.memory_space<hbm>>) target(%arg8 : memref<16384xf32, #tpu.memory_space<vmem>>) target_semaphore(%arg21 : memref<!tpu.dma_semaphore, #tpu.memory_space<semaphore_mem>>)
        } else {
        }
        %add3A_481 = arith.constant 1 : i32
        %add3A_482 = arith.addi %mul3A_463, %add3A_481 : i32
        %mul3A_483 = arith.constant 16384 : i32
        %mul3A_484 = arith.muli %add3A_482, %mul3A_483 : i32
        %dma_wait3A_485 = tpu.memref_slice %arg2[%add3A, %mul3A_484] : memref<32x524288xf32, #tpu.memory_space<hbm>> -> memref<1x16384xf32, #tpu.memory_space<hbm>>
        %dma_wait3A_486 = tpu.memref_squeeze %dma_wait3A_485 : memref<1x16384xf32, #tpu.memory_space<hbm>> -> memref<16384xf32, #tpu.memory_space<hbm>>
        %dma_wait3A_487 = tpu.memref_slice %arg2[%add3A, %mul3A_484] : memref<32x524288xf32, #tpu.memory_space<hbm>> -> memref<1x16384xf32, #tpu.memory_space<hbm>>
        %dma_wait3A_488 = tpu.memref_squeeze %dma_wait3A_487 : memref<1x16384xf32, #tpu.memory_space<hbm>> -> memref<16384xf32, #tpu.memory_space<hbm>>
        tpu.wait_dma2 semaphore(%arg22 : memref<!tpu.dma_semaphore, #tpu.memory_space<semaphore_mem>>) src(%dma_wait3A_488 : memref<16384xf32, #tpu.memory_space<hbm>>) dst(%arg9 : memref<16384xf32, #tpu.memory_space<vmem>>)
        %add3A_489 = arith.constant 1 : i32
        %add3A_490 = arith.addi %mul3A_463, %add3A_489 : i32
        %scan3A_491 = arith.constant 0 : i32
        %scan3A_492 = arith.constant 1024 : i32
        %scan3A_493 = arith.addi %scan3A_491, %scan3A_492 : i32
        %scan3A_494 = arith.constant 1 : i32
        %scan3A_495 = scf.for %scan3A_504 = %scan3A_491 to %scan3A_493 step %scan3A_494 iter_args(%scan3A_505 = %scan3A_473) -> (i32)  : i32 {
          %mul3A_506 = arith.constant 16 : i32
          %mul3A_507 = arith.muli %scan3A_504, %mul3A_506 : i32
          %get3A_508 = arith.index_cast %mul3A_507 : i32 to index
          %get3A_509 = tpu.vector_load %arg9[%get3A_508] {strides = array<i32>} : memref<16384xf32, #tpu.memory_space<vmem>>, vector<16xf32>,
          %neg3A = arith.constant 0.000000e+00 : f32
          %neg3A_510 = vector.broadcast %neg3A : f32 to vector<16xf32>
          %neg3A_511 = arith.subf %neg3A_510, %get3A_509 : vector<16xf32>
          %exp3A = math.exp %neg3A_511 : vector<16xf32>
          %add3A_512 = arith.constant 1.000000e+00 : f32
          %add3A_513 = vector.broadcast %add3A_512 : f32 to vector<16xf32>
          %add3A_514 = arith.addf %add3A_513, %exp3A : vector<16xf32>
          %div3A_515 = arith.constant 1.000000e+00 : f32
          %div3A_516 = vector.broadcast %div3A_515 : f32 to vector<16xf32>
          %div3A_517 = arith.divf %div3A_516, %add3A_514 : vector<16xf32>
          %bitcast3A = vector.bitcast %div3A_517 : vector<16xf32> to vector<16xi32>
          %shift_right_logical3A = arith.constant 15 : i32
          %shift_right_logical3A_518 = vector.broadcast %shift_right_logical3A : i32 to vector<16xi32>
          %shift_right_logical3A_519 = arith.shrui %bitcast3A, %shift_right_logical3A_518 : vector<16xi32>
          tpu.vector_store_idx %arg10[%shift_right_logical3A_519], %broadcast_in_dim3A_3 {add = true} : memref<32768xi32, #tpu.memory_space<vmem>>[vector<16xi32>], vector<16xi32>,
          %scan3A_520 = arith.constant 0 : i32
          scf.yield %scan3A_520 : i32
        }
        %scan3A_496 = arith.constant 1024 : i32
        %add3A_497 = arith.constant 3 : i32
        %add3A_498 = arith.addi %mul3A_463, %add3A_497 : i32
        %lt3A_499 = arith.constant 32 : i32
        %lt3A_500 = arith.cmpi slt, %add3A_498, %lt3A_499 : i32
        %convert_element_type3A_501 = arith.extui %lt3A_500 : i1 to i32
        %cond3A_502 = arith.constant 0 : i32
        %cond3A_503 = arith.cmpi ne, %convert_element_type3A_501, %cond3A_502 : i32
        scf.if %cond3A_503 {
          %add3A_504 = arith.constant 3 : i32
          %add3A_505 = arith.addi %mul3A_463, %add3A_504 : i32
          %mul3A_506 = arith.constant 16384 : i32
          %mul3A_507 = arith.muli %add3A_505, %mul3A_506 : i32
          %dma_start3A_508 = tpu.memref_slice %arg2[%add3A, %mul3A_507] : memref<32x524288xf32, #tpu.memory_space<hbm>> -> memref<1x16384xf32, #tpu.memory_space<hbm>>
          %dma_start3A_509 = tpu.memref_squeeze %dma_start3A_508 : memref<1x16384xf32, #tpu.memory_space<hbm>> -> memref<16384xf32, #tpu.memory_space<hbm>>
          %dma_start3A_510 = tpu.memref_slice %arg2[%add3A, %mul3A_507] : memref<32x524288xf32, #tpu.memory_space<hbm>> -> memref<1x16384xf32, #tpu.memory_space<hbm>>
          %dma_start3A_511 = tpu.memref_squeeze %dma_start3A_510 : memref<1x16384xf32, #tpu.memory_space<hbm>> -> memref<16384xf32, #tpu.memory_space<hbm>>
          tpu.enqueue_dma source(%dma_start3A_511 : memref<16384xf32, #tpu.memory_space<hbm>>) target(%arg9 : memref<16384xf32, #tpu.memory_space<vmem>>) target_semaphore(%arg22 : memref<!tpu.dma_semaphore, #tpu.memory_space<semaphore_mem>>)
        } else {
        }
        scf.yield %scan3A_495 : i32
      }
      %scan3A_156 = arith.constant 16 : i32
      %while3A_157 = arith.constant 682 : i32
      %while3A_158 = arith.constant 0 : i32
      %while3A_159 = arith.constant 2047 : i32
      %while3A_160:2 = scf.while (%while3A_460 = %while3A_158, %while3A_461 = %while3A_159) : (i32, i32) -> (i32, i32) {
        %lt3A = arith.cmpi slt, %while3A_460, %while3A_157 : i32
        scf.condition(%lt3A) %while3A_460, %while3A_461 : i32, i32
      } do {
      ^bb0(%while3A_460: i32, %while3A_461: i32):
        %mul3A_462 = arith.constant 16 : i32
        %mul3A_463 = arith.muli %while3A_461, %mul3A_462 : i32
        %get3A_464 = arith.index_cast %mul3A_463 : i32 to index
        %get3A_465 = tpu.vector_load %arg10[%get3A_464] {strides = array<i32>} : memref<32768xi32, #tpu.memory_space<vmem>>, vector<16xi32>,
        %reduce_sum3A_466 = arith.constant true
        %reduce_sum3A_467 = vector.broadcast %reduce_sum3A_466 : i1 to vector<16xi1>
        %reduce_sum3A_468 = tpu.scan <sum>, %get3A_465 masked %reduce_sum3A_467 : vector<16xi32>, vector<16xi1> -> vector<16xi32>
        %reduce_sum3A_469 = vector.extract %reduce_sum3A_468[15] : i32 from vector<16xi32>
        %add3A_470 = arith.addi %while3A_460, %reduce_sum3A_469 : i32
        %sub3A_471 = arith.constant 1 : i32
        %sub3A_472 = arith.subi %while3A_461, %sub3A_471 : i32
        scf.yield %add3A_470, %sub3A_472 : i32, i32
      }
      %add3A_161 = arith.constant 1 : i32
      %add3A_162 = arith.addi %while3A_160#1, %add3A_161 : i32
      %mul3A_163 = arith.constant 16 : i32
      %mul3A_164 = arith.muli %add3A_162, %mul3A_163 : i32
      %get3A_165 = arith.index_cast %mul3A_164 : i32 to index
      %get3A_166 = tpu.vector_load %arg10[%get3A_165] {strides = array<i32>} : memref<32768xi32, #tpu.memory_space<vmem>>, vector<16xi32>,
      %reduce_sum3A_167 = arith.constant true
      %reduce_sum3A_168 = vector.broadcast %reduce_sum3A_167 : i1 to vector<16xi1>
      %reduce_sum3A_169 = tpu.scan <sum>, %get3A_166 masked %reduce_sum3A_168 : vector<16xi32>, vector<16xi1> -> vector<16xi32>
      %reduce_sum3A_170 = vector.extract %reduce_sum3A_169[15] : i32 from vector<16xi32>
      %sub3A_171 = arith.subi %while3A_160#0, %reduce_sum3A_170 : i32
      %rev3A_172 = arith.constant 15 : i32
      %rev3A_173 = vector.broadcast %rev3A_172 : i32 to vector<16xi32>
      %rev3A_174 = tpu.iota {dimensions = array<i32: 0>} : vector<16xi32>
      %rev3A_175 = arith.subi %rev3A_173, %rev3A_174 : vector<16xi32>
      %rev3A_176 = tpu.dynamic_gather %get3A_166[%rev3A_175] in [0] : vector<16xi32>, vector<16xi32> -> vector<16xi32>
      %broadcast_in_dim3A_177 = arith.constant true
      %broadcast_in_dim3A_178 = vector.broadcast %broadcast_in_dim3A_177 : i1 to vector<16xi1>
      %masked_cumsum3A_179 = tpu.scan <sum>, %rev3A_176 masked %broadcast_in_dim3A_178 : vector<16xi32>, vector<16xi1> -> vector<16xi32>
      %rev3A_180 = arith.constant 15 : i32
      %rev3A_181 = vector.broadcast %rev3A_180 : i32 to vector<16xi32>
      %rev3A_182 = tpu.iota {dimensions = array<i32: 0>} : vector<16xi32>
      %rev3A_183 = arith.subi %rev3A_181, %rev3A_182 : vector<16xi32>
      %rev3A_184 = tpu.dynamic_gather %masked_cumsum3A_179[%rev3A_183] in [0] : vector<16xi32>, vector<16xi32> -> vector<16xi32>
      %add3A_185 = vector.broadcast %sub3A_171 : i32 to vector<16xi32>
      %add3A_186 = arith.addi %add3A_185, %rev3A_184 : vector<16xi32>
      %ge3A_187 = arith.constant 682 : i32
      %ge3A_188 = vector.broadcast %ge3A_187 : i32 to vector<16xi32>
      %ge3A_189 = arith.cmpi sge, %add3A_186, %ge3A_188 : vector<16xi32>
      %convert_element_type3A_190 = arith.extui %ge3A_189 : vector<16xi1> to vector<16xi32>
      %reduce_sum3A_191 = arith.constant true
      %reduce_sum3A_192 = vector.broadcast %reduce_sum3A_191 : i1 to vector<16xi1>
      %reduce_sum3A_193 = tpu.scan <sum>, %convert_element_type3A_190 masked %reduce_sum3A_192 : vector<16xi32>, vector<16xi1> -> vector<16xi32>
      %reduce_sum3A_194 = vector.extract %reduce_sum3A_193[15] : i32 from vector<16xi32>
      %sub3A_195 = arith.constant 1 : i32
      %sub3A_196 = arith.subi %reduce_sum3A_194, %sub3A_195 : i32
      %eq3A_197 = vector.broadcast %sub3A_196 : i32 to vector<16xi32>
      %eq3A_198 = arith.cmpi eq, %iota3A, %eq3A_197 : vector<16xi32>
      %jit3A_199 = arith.constant 0 : i32
      %broadcast_in_dim3A_200 = vector.broadcast %jit3A_199 : i32 to vector<16xi32>
      %select_n3A_201 = arith.select %eq3A_198, %rev3A_184, %broadcast_in_dim3A_200 : vector<16xi1>, vector<16xi32>
      %reduce_sum3A_202 = arith.constant true
      %reduce_sum3A_203 = vector.broadcast %reduce_sum3A_202 : i1 to vector<16xi1>
      %reduce_sum3A_204 = tpu.scan <sum>, %select_n3A_201 masked %reduce_sum3A_203 : vector<16xi32>, vector<16xi1> -> vector<16xi32>
      %reduce_sum3A_205 = vector.extract %reduce_sum3A_204[15] : i32 from vector<16xi32>
      %eq3A_206 = vector.broadcast %sub3A_196 : i32 to vector<16xi32>
      %eq3A_207 = arith.cmpi eq, %iota3A, %eq3A_206 : vector<16xi32>
      %jit3A_208 = arith.constant 0 : i32
      %broadcast_in_dim3A_209 = vector.broadcast %jit3A_208 : i32 to vector<16xi32>
      %select_n3A_210 = arith.select %eq3A_207, %get3A_166, %broadcast_in_dim3A_209 : vector<16xi1>, vector<16xi32>
      %reduce_sum3A_211 = arith.constant true
      %reduce_sum3A_212 = vector.broadcast %reduce_sum3A_211 : i1 to vector<16xi1>
      %reduce_sum3A_213 = tpu.scan <sum>, %select_n3A_210 masked %reduce_sum3A_212 : vector<16xi32>, vector<16xi1> -> vector<16xi32>
      %reduce_sum3A_214 = vector.extract %reduce_sum3A_213[15] : i32 from vector<16xi32>
      %mul3A_215 = arith.constant 16 : i32
      %mul3A_216 = arith.muli %add3A_162, %mul3A_215 : i32
      %add3A_217 = arith.addi %mul3A_216, %sub3A_196 : i32
      %add3A_218 = arith.addi %sub3A_171, %reduce_sum3A_205 : i32
      %sub3A_219 = arith.subi %add3A_218, %reduce_sum3A_214 : i32
      %sub3A_220 = arith.constant 682 : i32
      %sub3A_221 = arith.subi %sub3A_220, %sub3A_219 : i32
      %gt3A = arith.constant 2048 : i32
      %gt3A_222 = arith.cmpi sgt, %reduce_sum3A_214, %gt3A : i32
      %convert_element_type3A_223 = arith.extui %gt3A_222 : i1 to i32
      %cond3A_224 = arith.constant 0 : i32
      %cond3A_225 = arith.cmpi ne, %convert_element_type3A_223, %cond3A_224 : i32
      %cond3A_226:3 = scf.if %cond3A_225 -> (i32, i32, i32) {
        %scan3A_460 = arith.constant 0 : i32
        %scan3A_461 = arith.constant 0 : i32
        %scan3A_462 = arith.constant 128 : i32
        %scan3A_463 = arith.addi %scan3A_461, %scan3A_462 : i32
        %scan3A_464 = arith.constant 1 : i32
        %scan3A_465 = scf.for %scan3A_549 = %scan3A_461 to %scan3A_463 step %scan3A_464 iter_args(%scan3A_550 = %scan3A_460) -> (i32)  : i32 {
          %mul3A_551 = arith.constant 16 : i32
          %mul3A_552 = arith.muli %scan3A_549, %mul3A_551 : i32
          %swap3A = arith.index_cast %mul3A_552 : i32 to index
          %swap3A_553 = tpu.vector_load %arg10[%swap3A] {strides = array<i32>} : memref<32768xi32, #tpu.memory_space<vmem>>, vector<16xi32>,
          tpu.vector_store %arg10[%swap3A], %broadcast_in_dim3A_1 {strides = array<i32>} : memref<32768xi32, #tpu.memory_space<vmem>>, vector<16xi32>,
          %scan3A_554 = arith.constant 0 : i32
          scf.yield %scan3A_554 : i32
        }
        %scan3A_466 = arith.constant 128 : i32
        %mul3A_467 = arith.constant 0 : i32
        %mul3A_468 = arith.constant 16384 : i32
        %mul3A_469 = arith.muli %mul3A_467, %mul3A_468 : i32
        %dma_start3A_470 = tpu.memref_slice %arg2[%add3A, %mul3A_469] : memref<32x524288xf32, #tpu.memory_space<hbm>> -> memref<1x16384xf32, #tpu.memory_space<hbm>>
        %dma_start3A_471 = tpu.memref_squeeze %dma_start3A_470 : memref<1x16384xf32, #tpu.memory_space<hbm>> -> memref<16384xf32, #tpu.memory_space<hbm>>
        %dma_start3A_472 = tpu.memref_slice %arg2[%add3A, %mul3A_469] : memref<32x524288xf32, #tpu.memory_space<hbm>> -> memref<1x16384xf32, #tpu.memory_space<hbm>>
        %dma_start3A_473 = tpu.memref_squeeze %dma_start3A_472 : memref<1x16384xf32, #tpu.memory_space<hbm>> -> memref<16384xf32, #tpu.memory_space<hbm>>
        tpu.enqueue_dma source(%dma_start3A_473 : memref<16384xf32, #tpu.memory_space<hbm>>) target(%arg8 : memref<16384xf32, #tpu.memory_space<vmem>>) target_semaphore(%arg21 : memref<!tpu.dma_semaphore, #tpu.memory_space<semaphore_mem>>)
        %mul3A_474 = arith.constant 1 : i32
        %mul3A_475 = arith.constant 16384 : i32
        %mul3A_476 = arith.muli %mul3A_474, %mul3A_475 : i32
        %dma_start3A_477 = tpu.memref_slice %arg2[%add3A, %mul3A_476] : memref<32x524288xf32, #tpu.memory_space<hbm>> -> memref<1x16384xf32, #tpu.memory_space<hbm>>
        %dma_start3A_478 = tpu.memref_squeeze %dma_start3A_477 : memref<1x16384xf32, #tpu.memory_space<hbm>> -> memref<16384xf32, #tpu.memory_space<hbm>>
        %dma_start3A_479 = tpu.memref_slice %arg2[%add3A, %mul3A_476] : memref<32x524288xf32, #tpu.memory_space<hbm>> -> memref<1x16384xf32, #tpu.memory_space<hbm>>
        %dma_start3A_480 = tpu.memref_squeeze %dma_start3A_479 : memref<1x16384xf32, #tpu.memory_space<hbm>> -> memref<16384xf32, #tpu.memory_space<hbm>>
        tpu.enqueue_dma source(%dma_start3A_480 : memref<16384xf32, #tpu.memory_space<hbm>>) target(%arg9 : memref<16384xf32, #tpu.memory_space<vmem>>) target_semaphore(%arg22 : memref<!tpu.dma_semaphore, #tpu.memory_space<semaphore_mem>>)
        %scan3A_481 = arith.constant 0 : i32
        %scan3A_482 = arith.constant 0 : i32
        %scan3A_483 = arith.constant 16 : i32
        %scan3A_484 = arith.addi %scan3A_482, %scan3A_483 : i32
        %scan3A_485 = arith.constant 1 : i32
        %scan3A_486 = scf.for %scan3A_549 = %scan3A_482 to %scan3A_484 step %scan3A_485 iter_args(%scan3A_550 = %scan3A_481) -> (i32)  : i32 {
          %mul3A_551 = arith.constant 2 : i32
          %mul3A_552 = arith.muli %scan3A_549, %mul3A_551 : i32
          %mul3A_553 = arith.constant 16384 : i32
          %mul3A_554 = arith.muli %mul3A_552, %mul3A_553 : i32
          %dma_wait3A = tpu.memref_slice %arg2[%add3A, %mul3A_554] : memref<32x524288xf32, #tpu.memory_space<hbm>> -> memref<1x16384xf32, #tpu.memory_space<hbm>>
          %dma_wait3A_555 = tpu.memref_squeeze %dma_wait3A : memref<1x16384xf32, #tpu.memory_space<hbm>> -> memref<16384xf32, #tpu.memory_space<hbm>>
          %dma_wait3A_556 = tpu.memref_slice %arg2[%add3A, %mul3A_554] : memref<32x524288xf32, #tpu.memory_space<hbm>> -> memref<1x16384xf32, #tpu.memory_space<hbm>>
          %dma_wait3A_557 = tpu.memref_squeeze %dma_wait3A_556 : memref<1x16384xf32, #tpu.memory_space<hbm>> -> memref<16384xf32, #tpu.memory_space<hbm>>
          tpu.wait_dma2 semaphore(%arg21 : memref<!tpu.dma_semaphore, #tpu.memory_space<semaphore_mem>>) src(%dma_wait3A_557 : memref<16384xf32, #tpu.memory_space<hbm>>) dst(%arg8 : memref<16384xf32, #tpu.memory_space<vmem>>)
          %scan3A_558 = arith.constant 0 : i32
          %scan3A_559 = arith.constant 1024 : i32
          %scan3A_560 = arith.addi %scan3A_558, %scan3A_559 : i32
          %scan3A_561 = arith.constant 1 : i32
          %scan3A_562 = scf.for %scan3A_593 = %scan3A_558 to %scan3A_560 step %scan3A_561 iter_args(%scan3A_594 = %scan3A_550) -> (i32)  : i32 {
            %mul3A_595 = arith.constant 16 : i32
            %mul3A_596 = arith.muli %scan3A_593, %mul3A_595 : i32
            %get3A_597 = arith.index_cast %mul3A_596 : i32 to index
            %get3A_598 = tpu.vector_load %arg8[%get3A_597] {strides = array<i32>} : memref<16384xf32, #tpu.memory_space<vmem>>, vector<16xf32>,
            %neg3A = arith.constant 0.000000e+00 : f32
            %neg3A_599 = vector.broadcast %neg3A : f32 to vector<16xf32>
            %neg3A_600 = arith.subf %neg3A_599, %get3A_598 : vector<16xf32>
            %exp3A = math.exp %neg3A_600 : vector<16xf32>
            %add3A_601 = arith.constant 1.000000e+00 : f32
            %add3A_602 = vector.broadcast %add3A_601 : f32 to vector<16xf32>
            %add3A_603 = arith.addf %add3A_602, %exp3A : vector<16xf32>
            %div3A_604 = arith.constant 1.000000e+00 : f32
            %div3A_605 = vector.broadcast %div3A_604 : f32 to vector<16xf32>
            %div3A_606 = arith.divf %div3A_605, %add3A_603 : vector<16xf32>
            %bitcast3A = vector.bitcast %div3A_606 : vector<16xf32> to vector<16xi32>
            %shift_right_logical3A = arith.constant 15 : i32
            %shift_right_logical3A_607 = vector.broadcast %shift_right_logical3A : i32 to vector<16xi32>
            %shift_right_logical3A_608 = arith.shrui %bitcast3A, %shift_right_logical3A_607 : vector<16xi32>
            %shift_right_logical3A_609 = arith.constant 4 : i32
            %shift_right_logical3A_610 = vector.broadcast %shift_right_logical3A_609 : i32 to vector<16xi32>
            %shift_right_logical3A_611 = arith.shrui %bitcast3A, %shift_right_logical3A_610 : vector<16xi32>
            %and3A_612 = arith.constant 2047 : i32
            %and3A_613 = vector.broadcast %and3A_612 : i32 to vector<16xi32>
            %and3A_614 = arith.andi %shift_right_logical3A_611, %and3A_613 : vector<16xi32>
            %eq3A_615 = vector.broadcast %add3A_217 : i32 to vector<16xi32>
            %eq3A_616 = arith.cmpi eq, %shift_right_logical3A_608, %eq3A_615 : vector<16xi32>
            tpu.vector_store_idx %arg10[%and3A_614], %broadcast_in_dim3A_3 masked %eq3A_616 {add = true} : memref<32768xi32, #tpu.memory_space<vmem>>[vector<16xi32>], vector<16xi32>, vector<16xi1>
            %scan3A_617 = arith.constant 0 : i32
            scf.yield %scan3A_617 : i32
          }
          %scan3A_563 = arith.constant 1024 : i32
          %add3A_564 = arith.constant 2 : i32
          %add3A_565 = arith.addi %mul3A_552, %add3A_564 : i32
          %lt3A = arith.constant 32 : i32
          %lt3A_566 = arith.cmpi slt, %add3A_565, %lt3A : i32
          %convert_element_type3A_567 = arith.extui %lt3A_566 : i1 to i32
          %cond3A_568 = arith.constant 0 : i32
          %cond3A_569 = arith.cmpi ne, %convert_element_type3A_567, %cond3A_568 : i32
          scf.if %cond3A_569 {
            %add3A_593 = arith.constant 2 : i32
            %add3A_594 = arith.addi %mul3A_552, %add3A_593 : i32
            %mul3A_595 = arith.constant 16384 : i32
            %mul3A_596 = arith.muli %add3A_594, %mul3A_595 : i32
            %dma_start3A_597 = tpu.memref_slice %arg2[%add3A, %mul3A_596] : memref<32x524288xf32, #tpu.memory_space<hbm>> -> memref<1x16384xf32, #tpu.memory_space<hbm>>
            %dma_start3A_598 = tpu.memref_squeeze %dma_start3A_597 : memref<1x16384xf32, #tpu.memory_space<hbm>> -> memref<16384xf32, #tpu.memory_space<hbm>>
            %dma_start3A_599 = tpu.memref_slice %arg2[%add3A, %mul3A_596] : memref<32x524288xf32, #tpu.memory_space<hbm>> -> memref<1x16384xf32, #tpu.memory_space<hbm>>
            %dma_start3A_600 = tpu.memref_squeeze %dma_start3A_599 : memref<1x16384xf32, #tpu.memory_space<hbm>> -> memref<16384xf32, #tpu.memory_space<hbm>>
            tpu.enqueue_dma source(%dma_start3A_600 : memref<16384xf32, #tpu.memory_space<hbm>>) target(%arg8 : memref<16384xf32, #tpu.memory_space<vmem>>) target_semaphore(%arg21 : memref<!tpu.dma_semaphore, #tpu.memory_space<semaphore_mem>>)
          } else {
          }
          %add3A_570 = arith.constant 1 : i32
          %add3A_571 = arith.addi %mul3A_552, %add3A_570 : i32
          %mul3A_572 = arith.constant 16384 : i32
          %mul3A_573 = arith.muli %add3A_571, %mul3A_572 : i32
          %dma_wait3A_574 = tpu.memref_slice %arg2[%add3A, %mul3A_573] : memref<32x524288xf32, #tpu.memory_space<hbm>> -> memref<1x16384xf32, #tpu.memory_space<hbm>>
          %dma_wait3A_575 = tpu.memref_squeeze %dma_wait3A_574 : memref<1x16384xf32, #tpu.memory_space<hbm>> -> memref<16384xf32, #tpu.memory_space<hbm>>
          %dma_wait3A_576 = tpu.memref_slice %arg2[%add3A, %mul3A_573] : memref<32x524288xf32, #tpu.memory_space<hbm>> -> memref<1x16384xf32, #tpu.memory_space<hbm>>
          %dma_wait3A_577 = tpu.memref_squeeze %dma_wait3A_576 : memref<1x16384xf32, #tpu.memory_space<hbm>> -> memref<16384xf32, #tpu.memory_space<hbm>>
          tpu.wait_dma2 semaphore(%arg22 : memref<!tpu.dma_semaphore, #tpu.memory_space<semaphore_mem>>) src(%dma_wait3A_577 : memref<16384xf32, #tpu.memory_space<hbm>>) dst(%arg9 : memref<16384xf32, #tpu.memory_space<vmem>>)
          %add3A_578 = arith.constant 1 : i32
          %add3A_579 = arith.addi %mul3A_552, %add3A_578 : i32
          %scan3A_580 = arith.constant 0 : i32
          %scan3A_581 = arith.constant 1024 : i32
          %scan3A_582 = arith.addi %scan3A_580, %scan3A_581 : i32
          %scan3A_583 = arith.constant 1 : i32
          %scan3A_584 = scf.for %scan3A_593 = %scan3A_580 to %scan3A_582 step %scan3A_583 iter_args(%scan3A_594 = %scan3A_562) -> (i32)  : i32 {
            %mul3A_595 = arith.constant 16 : i32
            %mul3A_596 = arith.muli %scan3A_593, %mul3A_595 : i32
            %get3A_597 = arith.index_cast %mul3A_596 : i32 to index
            %get3A_598 = tpu.vector_load %arg9[%get3A_597] {strides = array<i32>} : memref<16384xf32, #tpu.memory_space<vmem>>, vector<16xf32>,
            %neg3A = arith.constant 0.000000e+00 : f32
            %neg3A_599 = vector.broadcast %neg3A : f32 to vector<16xf32>
            %neg3A_600 = arith.subf %neg3A_599, %get3A_598 : vector<16xf32>
            %exp3A = math.exp %neg3A_600 : vector<16xf32>
            %add3A_601 = arith.constant 1.000000e+00 : f32
            %add3A_602 = vector.broadcast %add3A_601 : f32 to vector<16xf32>
            %add3A_603 = arith.addf %add3A_602, %exp3A : vector<16xf32>
            %div3A_604 = arith.constant 1.000000e+00 : f32
            %div3A_605 = vector.broadcast %div3A_604 : f32 to vector<16xf32>
            %div3A_606 = arith.divf %div3A_605, %add3A_603 : vector<16xf32>
            %bitcast3A = vector.bitcast %div3A_606 : vector<16xf32> to vector<16xi32>
            %shift_right_logical3A = arith.constant 15 : i32
            %shift_right_logical3A_607 = vector.broadcast %shift_right_logical3A : i32 to vector<16xi32>
            %shift_right_logical3A_608 = arith.shrui %bitcast3A, %shift_right_logical3A_607 : vector<16xi32>
            %shift_right_logical3A_609 = arith.constant 4 : i32
            %shift_right_logical3A_610 = vector.broadcast %shift_right_logical3A_609 : i32 to vector<16xi32>
            %shift_right_logical3A_611 = arith.shrui %bitcast3A, %shift_right_logical3A_610 : vector<16xi32>
            %and3A_612 = arith.constant 2047 : i32
            %and3A_613 = vector.broadcast %and3A_612 : i32 to vector<16xi32>
            %and3A_614 = arith.andi %shift_right_logical3A_611, %and3A_613 : vector<16xi32>
            %eq3A_615 = vector.broadcast %add3A_217 : i32 to vector<16xi32>
            %eq3A_616 = arith.cmpi eq, %shift_right_logical3A_608, %eq3A_615 : vector<16xi32>
            tpu.vector_store_idx %arg10[%and3A_614], %broadcast_in_dim3A_3 masked %eq3A_616 {add = true} : memref<32768xi32, #tpu.memory_space<vmem>>[vector<16xi32>], vector<16xi32>, vector<16xi1>
            %scan3A_617 = arith.constant 0 : i32
            scf.yield %scan3A_617 : i32
          }
          %scan3A_585 = arith.constant 1024 : i32
          %add3A_586 = arith.constant 3 : i32
          %add3A_587 = arith.addi %mul3A_552, %add3A_586 : i32
          %lt3A_588 = arith.constant 32 : i32
          %lt3A_589 = arith.cmpi slt, %add3A_587, %lt3A_588 : i32
          %convert_element_type3A_590 = arith.extui %lt3A_589 : i1 to i32
          %cond3A_591 = arith.constant 0 : i32
          %cond3A_592 = arith.cmpi ne, %convert_element_type3A_590, %cond3A_591 : i32
          scf.if %cond3A_592 {
            %add3A_593 = arith.constant 3 : i32
            %add3A_594 = arith.addi %mul3A_552, %add3A_593 : i32
            %mul3A_595 = arith.constant 16384 : i32
            %mul3A_596 = arith.muli %add3A_594, %mul3A_595 : i32
            %dma_start3A_597 = tpu.memref_slice %arg2[%add3A, %mul3A_596] : memref<32x524288xf32, #tpu.memory_space<hbm>> -> memref<1x16384xf32, #tpu.memory_space<hbm>>
            %dma_start3A_598 = tpu.memref_squeeze %dma_start3A_597 : memref<1x16384xf32, #tpu.memory_space<hbm>> -> memref<16384xf32, #tpu.memory_space<hbm>>
            %dma_start3A_599 = tpu.memref_slice %arg2[%add3A, %mul3A_596] : memref<32x524288xf32, #tpu.memory_space<hbm>> -> memref<1x16384xf32, #tpu.memory_space<hbm>>
            %dma_start3A_600 = tpu.memref_squeeze %dma_start3A_599 : memref<1x16384xf32, #tpu.memory_space<hbm>> -> memref<16384xf32, #tpu.memory_space<hbm>>
            tpu.enqueue_dma source(%dma_start3A_600 : memref<16384xf32, #tpu.memory_space<hbm>>) target(%arg9 : memref<16384xf32, #tpu.memory_space<vmem>>) target_semaphore(%arg22 : memref<!tpu.dma_semaphore, #tpu.memory_space<semaphore_mem>>)
          } else {
          }
          scf.yield %scan3A_584 : i32
        }
        %scan3A_487 = arith.constant 16 : i32
        %while3A_488 = arith.constant 0 : i32
        %while3A_489 = arith.constant 127 : i32
        %while3A_490:2 = scf.while (%while3A_549 = %while3A_488, %while3A_550 = %while3A_489) : (i32, i32) -> (i32, i32) {
          %lt3A = arith.cmpi slt, %while3A_549, %sub3A_221 : i32
          scf.condition(%lt3A) %while3A_549, %while3A_550 : i32, i32
        } do {
        ^bb0(%while3A_549: i32, %while3A_550: i32):
          %mul3A_551 = arith.constant 16 : i32
          %mul3A_552 = arith.muli %while3A_550, %mul3A_551 : i32
          %get3A_553 = arith.index_cast %mul3A_552 : i32 to index
          %get3A_554 = tpu.vector_load %arg10[%get3A_553] {strides = array<i32>} : memref<32768xi32, #tpu.memory_space<vmem>>, vector<16xi32>,
          %reduce_sum3A_555 = arith.constant true
          %reduce_sum3A_556 = vector.broadcast %reduce_sum3A_555 : i1 to vector<16xi1>
          %reduce_sum3A_557 = tpu.scan <sum>, %get3A_554 masked %reduce_sum3A_556 : vector<16xi32>, vector<16xi1> -> vector<16xi32>
          %reduce_sum3A_558 = vector.extract %reduce_sum3A_557[15] : i32 from vector<16xi32>
          %add3A_559 = arith.addi %while3A_549, %reduce_sum3A_558 : i32
          %sub3A_560 = arith.constant 1 : i32
          %sub3A_561 = arith.subi %while3A_550, %sub3A_560 : i32
          scf.yield %add3A_559, %sub3A_561 : i32, i32
        }
        %add3A_491 = arith.constant 1 : i32
        %add3A_492 = arith.addi %while3A_490#1, %add3A_491 : i32
        %mul3A_493 = arith.constant 16 : i32
        %mul3A_494 = arith.muli %add3A_492, %mul3A_493 : i32
        %get3A_495 = arith.index_cast %mul3A_494 : i32 to index
        %get3A_496 = tpu.vector_load %arg10[%get3A_495] {strides = array<i32>} : memref<32768xi32, #tpu.memory_space<vmem>>, vector<16xi32>,
        %reduce_sum3A_497 = arith.constant true
        %reduce_sum3A_498 = vector.broadcast %reduce_sum3A_497 : i1 to vector<16xi1>
        %reduce_sum3A_499 = tpu.scan <sum>, %get3A_496 masked %reduce_sum3A_498 : vector<16xi32>, vector<16xi1> -> vector<16xi32>
        %reduce_sum3A_500 = vector.extract %reduce_sum3A_499[15] : i32 from vector<16xi32>
        %sub3A_501 = arith.subi %while3A_490#0, %reduce_sum3A_500 : i32
        %rev3A_502 = arith.constant 15 : i32
        %rev3A_503 = vector.broadcast %rev3A_502 : i32 to vector<16xi32>
        %rev3A_504 = tpu.iota {dimensions = array<i32: 0>} : vector<16xi32>
        %rev3A_505 = arith.subi %rev3A_503, %rev3A_504 : vector<16xi32>
        %rev3A_506 = tpu.dynamic_gather %get3A_496[%rev3A_505] in [0] : vector<16xi32>, vector<16xi32> -> vector<16xi32>
        %broadcast_in_dim3A_507 = arith.constant true
        %broadcast_in_dim3A_508 = vector.broadcast %broadcast_in_dim3A_507 : i1 to vector<16xi1>
        %masked_cumsum3A_509 = tpu.scan <sum>, %rev3A_506 masked %broadcast_in_dim3A_508 : vector<16xi32>, vector<16xi1> -> vector<16xi32>
        %rev3A_510 = arith.constant 15 : i32
        %rev3A_511 = vector.broadcast %rev3A_510 : i32 to vector<16xi32>
        %rev3A_512 = tpu.iota {dimensions = array<i32: 0>} : vector<16xi32>
        %rev3A_513 = arith.subi %rev3A_511, %rev3A_512 : vector<16xi32>
        %rev3A_514 = tpu.dynamic_gather %masked_cumsum3A_509[%rev3A_513] in [0] : vector<16xi32>, vector<16xi32> -> vector<16xi32>
        %add3A_515 = vector.broadcast %sub3A_501 : i32 to vector<16xi32>
        %add3A_516 = arith.addi %add3A_515, %rev3A_514 : vector<16xi32>
        %ge3A_517 = vector.broadcast %sub3A_221 : i32 to vector<16xi32>
        %ge3A_518 = arith.cmpi sge, %add3A_516, %ge3A_517 : vector<16xi32>
        %convert_element_type3A_519 = arith.extui %ge3A_518 : vector<16xi1> to vector<16xi32>
        %reduce_sum3A_520 = arith.constant true
        %reduce_sum3A_521 = vector.broadcast %reduce_sum3A_520 : i1 to vector<16xi1>
        %reduce_sum3A_522 = tpu.scan <sum>, %convert_element_type3A_519 masked %reduce_sum3A_521 : vector<16xi32>, vector<16xi1> -> vector<16xi32>
        %reduce_sum3A_523 = vector.extract %reduce_sum3A_522[15] : i32 from vector<16xi32>
        %sub3A_524 = arith.constant 1 : i32
        %sub3A_525 = arith.subi %reduce_sum3A_523, %sub3A_524 : i32
        %eq3A_526 = vector.broadcast %sub3A_525 : i32 to vector<16xi32>
        %eq3A_527 = arith.cmpi eq, %iota3A, %eq3A_526 : vector<16xi32>
        %jit3A_528 = arith.constant 0 : i32
        %broadcast_in_dim3A_529 = vector.broadcast %jit3A_528 : i32 to vector<16xi32>
        %select_n3A_530 = arith.select %eq3A_527, %rev3A_514, %broadcast_in_dim3A_529 : vector<16xi1>, vector<16xi32>
        %reduce_sum3A_531 = arith.constant true
        %reduce_sum3A_532 = vector.broadcast %reduce_sum3A_531 : i1 to vector<16xi1>
        %reduce_sum3A_533 = tpu.scan <sum>, %select_n3A_530 masked %reduce_sum3A_532 : vector<16xi32>, vector<16xi1> -> vector<16xi32>
        %reduce_sum3A_534 = vector.extract %reduce_sum3A_533[15] : i32 from vector<16xi32>
        %eq3A_535 = vector.broadcast %sub3A_525 : i32 to vector<16xi32>
        %eq3A_536 = arith.cmpi eq, %iota3A, %eq3A_535 : vector<16xi32>
        %jit3A_537 = arith.constant 0 : i32
        %broadcast_in_dim3A_538 = vector.broadcast %jit3A_537 : i32 to vector<16xi32>
        %select_n3A_539 = arith.select %eq3A_536, %get3A_496, %broadcast_in_dim3A_538 : vector<16xi1>, vector<16xi32>
        %reduce_sum3A_540 = arith.constant true
        %reduce_sum3A_541 = vector.broadcast %reduce_sum3A_540 : i1 to vector<16xi1>
        %reduce_sum3A_542 = tpu.scan <sum>, %select_n3A_539 masked %reduce_sum3A_541 : vector<16xi32>, vector<16xi1> -> vector<16xi32>
        %reduce_sum3A_543 = vector.extract %reduce_sum3A_542[15] : i32 from vector<16xi32>
        %mul3A_544 = arith.constant 16 : i32
        %mul3A_545 = arith.muli %add3A_492, %mul3A_544 : i32
        %add3A_546 = arith.addi %mul3A_545, %sub3A_525 : i32
        %add3A_547 = arith.addi %sub3A_501, %reduce_sum3A_534 : i32
        %sub3A_548 = arith.subi %add3A_547, %reduce_sum3A_543 : i32
        scf.yield %add3A_546, %sub3A_548, %reduce_sum3A_543 : i32, i32, i32
      } else {
        %cond3A_460 = arith.constant -1 : i32
        %cond3A_461 = arith.constant 0 : i32
        %cond3A_462 = arith.constant 0 : i32
        scf.yield %cond3A_460, %cond3A_461, %cond3A_462 : i32, i32, i32
      }
      %sub3A_227 = arith.subi %sub3A_221, %cond3A_226#1 : i32
      %gt3A_228 = arith.constant 2048 : i32
      %gt3A_229 = arith.cmpi sgt, %cond3A_226#2, %gt3A_228 : i32
      %convert_element_type3A_230 = arith.extui %gt3A_229 : i1 to i32
      %cond3A_231 = arith.constant 0 : i32
      %cond3A_232 = arith.cmpi ne, %convert_element_type3A_230, %cond3A_231 : i32
      %cond3A_233:3 = scf.if %cond3A_232 -> (i32, i32, i32) {
        %scan3A_460 = arith.constant 0 : i32
        %scan3A_461 = arith.constant 0 : i32
        %mul3A_462 = arith.constant 16 : i32
        %mul3A_463 = arith.muli %scan3A_461, %mul3A_462 : i32
        %swap3A = arith.index_cast %mul3A_463 : i32 to index
        %swap3A_464 = tpu.vector_load %arg10[%swap3A] {strides = array<i32>} : memref<32768xi32, #tpu.memory_space<vmem>>, vector<16xi32>,
        tpu.vector_store %arg10[%swap3A], %broadcast_in_dim3A_1 {strides = array<i32>} : memref<32768xi32, #tpu.memory_space<vmem>>, vector<16xi32>,
        %scan3A_465 = arith.constant 0 : i32
        %scan3A_466 = arith.constant 1 : i32
        %mul3A_467 = arith.constant 0 : i32
        %mul3A_468 = arith.constant 16384 : i32
        %mul3A_469 = arith.muli %mul3A_467, %mul3A_468 : i32
        %dma_start3A_470 = tpu.memref_slice %arg2[%add3A, %mul3A_469] : memref<32x524288xf32, #tpu.memory_space<hbm>> -> memref<1x16384xf32, #tpu.memory_space<hbm>>
        %dma_start3A_471 = tpu.memref_squeeze %dma_start3A_470 : memref<1x16384xf32, #tpu.memory_space<hbm>> -> memref<16384xf32, #tpu.memory_space<hbm>>
        %dma_start3A_472 = tpu.memref_slice %arg2[%add3A, %mul3A_469] : memref<32x524288xf32, #tpu.memory_space<hbm>> -> memref<1x16384xf32, #tpu.memory_space<hbm>>
        %dma_start3A_473 = tpu.memref_squeeze %dma_start3A_472 : memref<1x16384xf32, #tpu.memory_space<hbm>> -> memref<16384xf32, #tpu.memory_space<hbm>>
        tpu.enqueue_dma source(%dma_start3A_473 : memref<16384xf32, #tpu.memory_space<hbm>>) target(%arg8 : memref<16384xf32, #tpu.memory_space<vmem>>) target_semaphore(%arg21 : memref<!tpu.dma_semaphore, #tpu.memory_space<semaphore_mem>>)
        %mul3A_474 = arith.constant 1 : i32
        %mul3A_475 = arith.constant 16384 : i32
        %mul3A_476 = arith.muli %mul3A_474, %mul3A_475 : i32
        %dma_start3A_477 = tpu.memref_slice %arg2[%add3A, %mul3A_476] : memref<32x524288xf32, #tpu.memory_space<hbm>> -> memref<1x16384xf32, #tpu.memory_space<hbm>>
        %dma_start3A_478 = tpu.memref_squeeze %dma_start3A_477 : memref<1x16384xf32, #tpu.memory_space<hbm>> -> memref<16384xf32, #tpu.memory_space<hbm>>
        %dma_start3A_479 = tpu.memref_slice %arg2[%add3A, %mul3A_476] : memref<32x524288xf32, #tpu.memory_space<hbm>> -> memref<1x16384xf32, #tpu.memory_space<hbm>>
        %dma_start3A_480 = tpu.memref_squeeze %dma_start3A_479 : memref<1x16384xf32, #tpu.memory_space<hbm>> -> memref<16384xf32, #tpu.memory_space<hbm>>
        tpu.enqueue_dma source(%dma_start3A_480 : memref<16384xf32, #tpu.memory_space<hbm>>) target(%arg9 : memref<16384xf32, #tpu.memory_space<vmem>>) target_semaphore(%arg22 : memref<!tpu.dma_semaphore, #tpu.memory_space<semaphore_mem>>)
        %scan3A_481 = arith.constant 0 : i32
        %scan3A_482 = arith.constant 0 : i32
        %scan3A_483 = arith.constant 16 : i32
        %scan3A_484 = arith.addi %scan3A_482, %scan3A_483 : i32
        %scan3A_485 = arith.constant 1 : i32
        %scan3A_486 = scf.for %scan3A_549 = %scan3A_482 to %scan3A_484 step %scan3A_485 iter_args(%scan3A_550 = %scan3A_481) -> (i32)  : i32 {
          %mul3A_551 = arith.constant 2 : i32
          %mul3A_552 = arith.muli %scan3A_549, %mul3A_551 : i32
          %mul3A_553 = arith.constant 16384 : i32
          %mul3A_554 = arith.muli %mul3A_552, %mul3A_553 : i32
          %dma_wait3A = tpu.memref_slice %arg2[%add3A, %mul3A_554] : memref<32x524288xf32, #tpu.memory_space<hbm>> -> memref<1x16384xf32, #tpu.memory_space<hbm>>
          %dma_wait3A_555 = tpu.memref_squeeze %dma_wait3A : memref<1x16384xf32, #tpu.memory_space<hbm>> -> memref<16384xf32, #tpu.memory_space<hbm>>
          %dma_wait3A_556 = tpu.memref_slice %arg2[%add3A, %mul3A_554] : memref<32x524288xf32, #tpu.memory_space<hbm>> -> memref<1x16384xf32, #tpu.memory_space<hbm>>
          %dma_wait3A_557 = tpu.memref_squeeze %dma_wait3A_556 : memref<1x16384xf32, #tpu.memory_space<hbm>> -> memref<16384xf32, #tpu.memory_space<hbm>>
          tpu.wait_dma2 semaphore(%arg21 : memref<!tpu.dma_semaphore, #tpu.memory_space<semaphore_mem>>) src(%dma_wait3A_557 : memref<16384xf32, #tpu.memory_space<hbm>>) dst(%arg8 : memref<16384xf32, #tpu.memory_space<vmem>>)
          %scan3A_558 = arith.constant 0 : i32
          %scan3A_559 = arith.constant 1024 : i32
          %scan3A_560 = arith.addi %scan3A_558, %scan3A_559 : i32
          %scan3A_561 = arith.constant 1 : i32
          %scan3A_562 = scf.for %scan3A_593 = %scan3A_558 to %scan3A_560 step %scan3A_561 iter_args(%scan3A_594 = %scan3A_550) -> (i32)  : i32 {
            %mul3A_595 = arith.constant 16 : i32
            %mul3A_596 = arith.muli %scan3A_593, %mul3A_595 : i32
            %get3A_597 = arith.index_cast %mul3A_596 : i32 to index
            %get3A_598 = tpu.vector_load %arg8[%get3A_597] {strides = array<i32>} : memref<16384xf32, #tpu.memory_space<vmem>>, vector<16xf32>,
            %neg3A = arith.constant 0.000000e+00 : f32
            %neg3A_599 = vector.broadcast %neg3A : f32 to vector<16xf32>
            %neg3A_600 = arith.subf %neg3A_599, %get3A_598 : vector<16xf32>
            %exp3A = math.exp %neg3A_600 : vector<16xf32>
            %add3A_601 = arith.constant 1.000000e+00 : f32
            %add3A_602 = vector.broadcast %add3A_601 : f32 to vector<16xf32>
            %add3A_603 = arith.addf %add3A_602, %exp3A : vector<16xf32>
            %div3A_604 = arith.constant 1.000000e+00 : f32
            %div3A_605 = vector.broadcast %div3A_604 : f32 to vector<16xf32>
            %div3A_606 = arith.divf %div3A_605, %add3A_603 : vector<16xf32>
            %bitcast3A = vector.bitcast %div3A_606 : vector<16xf32> to vector<16xi32>
            %shift_right_logical3A = arith.constant 15 : i32
            %shift_right_logical3A_607 = vector.broadcast %shift_right_logical3A : i32 to vector<16xi32>
            %shift_right_logical3A_608 = arith.shrui %bitcast3A, %shift_right_logical3A_607 : vector<16xi32>
            %shift_right_logical3A_609 = arith.constant 4 : i32
            %shift_right_logical3A_610 = vector.broadcast %shift_right_logical3A_609 : i32 to vector<16xi32>
            %shift_right_logical3A_611 = arith.shrui %bitcast3A, %shift_right_logical3A_610 : vector<16xi32>
            %and3A_612 = arith.constant 2047 : i32
            %and3A_613 = vector.broadcast %and3A_612 : i32 to vector<16xi32>
            %and3A_614 = arith.andi %shift_right_logical3A_611, %and3A_613 : vector<16xi32>
            %and3A_615 = arith.constant 15 : i32
            %and3A_616 = vector.broadcast %and3A_615 : i32 to vector<16xi32>
            %and3A_617 = arith.andi %bitcast3A, %and3A_616 : vector<16xi32>
            %eq3A_618 = vector.broadcast %add3A_217 : i32 to vector<16xi32>
            %eq3A_619 = arith.cmpi eq, %shift_right_logical3A_608, %eq3A_618 : vector<16xi32>
            %eq3A_620 = vector.broadcast %cond3A_226#0 : i32 to vector<16xi32>
            %eq3A_621 = arith.cmpi eq, %and3A_614, %eq3A_620 : vector<16xi32>
            %and3A_622 = arith.andi %eq3A_619, %eq3A_621 : vector<16xi1>
            tpu.vector_store_idx %arg10[%and3A_617], %broadcast_in_dim3A_3 masked %and3A_622 {add = true} : memref<32768xi32, #tpu.memory_space<vmem>>[vector<16xi32>], vector<16xi32>, vector<16xi1>
            %scan3A_623 = arith.constant 0 : i32
            scf.yield %scan3A_623 : i32
          }
          %scan3A_563 = arith.constant 1024 : i32
          %add3A_564 = arith.constant 2 : i32
          %add3A_565 = arith.addi %mul3A_552, %add3A_564 : i32
          %lt3A = arith.constant 32 : i32
          %lt3A_566 = arith.cmpi slt, %add3A_565, %lt3A : i32
          %convert_element_type3A_567 = arith.extui %lt3A_566 : i1 to i32
          %cond3A_568 = arith.constant 0 : i32
          %cond3A_569 = arith.cmpi ne, %convert_element_type3A_567, %cond3A_568 : i32
          scf.if %cond3A_569 {
            %add3A_593 = arith.constant 2 : i32
            %add3A_594 = arith.addi %mul3A_552, %add3A_593 : i32
            %mul3A_595 = arith.constant 16384 : i32
            %mul3A_596 = arith.muli %add3A_594, %mul3A_595 : i32
            %dma_start3A_597 = tpu.memref_slice %arg2[%add3A, %mul3A_596] : memref<32x524288xf32, #tpu.memory_space<hbm>> -> memref<1x16384xf32, #tpu.memory_space<hbm>>
            %dma_start3A_598 = tpu.memref_squeeze %dma_start3A_597 : memref<1x16384xf32, #tpu.memory_space<hbm>> -> memref<16384xf32, #tpu.memory_space<hbm>>
            %dma_start3A_599 = tpu.memref_slice %arg2[%add3A, %mul3A_596] : memref<32x524288xf32, #tpu.memory_space<hbm>> -> memref<1x16384xf32, #tpu.memory_space<hbm>>
            %dma_start3A_600 = tpu.memref_squeeze %dma_start3A_599 : memref<1x16384xf32, #tpu.memory_space<hbm>> -> memref<16384xf32, #tpu.memory_space<hbm>>
            tpu.enqueue_dma source(%dma_start3A_600 : memref<16384xf32, #tpu.memory_space<hbm>>) target(%arg8 : memref<16384xf32, #tpu.memory_space<vmem>>) target_semaphore(%arg21 : memref<!tpu.dma_semaphore, #tpu.memory_space<semaphore_mem>>)
          } else {
          }
          %add3A_570 = arith.constant 1 : i32
          %add3A_571 = arith.addi %mul3A_552, %add3A_570 : i32
          %mul3A_572 = arith.constant 16384 : i32
          %mul3A_573 = arith.muli %add3A_571, %mul3A_572 : i32
          %dma_wait3A_574 = tpu.memref_slice %arg2[%add3A, %mul3A_573] : memref<32x524288xf32, #tpu.memory_space<hbm>> -> memref<1x16384xf32, #tpu.memory_space<hbm>>
          %dma_wait3A_575 = tpu.memref_squeeze %dma_wait3A_574 : memref<1x16384xf32, #tpu.memory_space<hbm>> -> memref<16384xf32, #tpu.memory_space<hbm>>
          %dma_wait3A_576 = tpu.memref_slice %arg2[%add3A, %mul3A_573] : memref<32x524288xf32, #tpu.memory_space<hbm>> -> memref<1x16384xf32, #tpu.memory_space<hbm>>
          %dma_wait3A_577 = tpu.memref_squeeze %dma_wait3A_576 : memref<1x16384xf32, #tpu.memory_space<hbm>> -> memref<16384xf32, #tpu.memory_space<hbm>>
          tpu.wait_dma2 semaphore(%arg22 : memref<!tpu.dma_semaphore, #tpu.memory_space<semaphore_mem>>) src(%dma_wait3A_577 : memref<16384xf32, #tpu.memory_space<hbm>>) dst(%arg9 : memref<16384xf32, #tpu.memory_space<vmem>>)
          %add3A_578 = arith.constant 1 : i32
          %add3A_579 = arith.addi %mul3A_552, %add3A_578 : i32
          %scan3A_580 = arith.constant 0 : i32
          %scan3A_581 = arith.constant 1024 : i32
          %scan3A_582 = arith.addi %scan3A_580, %scan3A_581 : i32
          %scan3A_583 = arith.constant 1 : i32
          %scan3A_584 = scf.for %scan3A_593 = %scan3A_580 to %scan3A_582 step %scan3A_583 iter_args(%scan3A_594 = %scan3A_562) -> (i32)  : i32 {
            %mul3A_595 = arith.constant 16 : i32
            %mul3A_596 = arith.muli %scan3A_593, %mul3A_595 : i32
            %get3A_597 = arith.index_cast %mul3A_596 : i32 to index
            %get3A_598 = tpu.vector_load %arg9[%get3A_597] {strides = array<i32>} : memref<16384xf32, #tpu.memory_space<vmem>>, vector<16xf32>,
            %neg3A = arith.constant 0.000000e+00 : f32
            %neg3A_599 = vector.broadcast %neg3A : f32 to vector<16xf32>
            %neg3A_600 = arith.subf %neg3A_599, %get3A_598 : vector<16xf32>
            %exp3A = math.exp %neg3A_600 : vector<16xf32>
            %add3A_601 = arith.constant 1.000000e+00 : f32
            %add3A_602 = vector.broadcast %add3A_601 : f32 to vector<16xf32>
            %add3A_603 = arith.addf %add3A_602, %exp3A : vector<16xf32>
            %div3A_604 = arith.constant 1.000000e+00 : f32
            %div3A_605 = vector.broadcast %div3A_604 : f32 to vector<16xf32>
            %div3A_606 = arith.divf %div3A_605, %add3A_603 : vector<16xf32>
            %bitcast3A = vector.bitcast %div3A_606 : vector<16xf32> to vector<16xi32>
            %shift_right_logical3A = arith.constant 15 : i32
            %shift_right_logical3A_607 = vector.broadcast %shift_right_logical3A : i32 to vector<16xi32>
            %shift_right_logical3A_608 = arith.shrui %bitcast3A, %shift_right_logical3A_607 : vector<16xi32>
            %shift_right_logical3A_609 = arith.constant 4 : i32
            %shift_right_logical3A_610 = vector.broadcast %shift_right_logical3A_609 : i32 to vector<16xi32>
            %shift_right_logical3A_611 = arith.shrui %bitcast3A, %shift_right_logical3A_610 : vector<16xi32>
            %and3A_612 = arith.constant 2047 : i32
            %and3A_613 = vector.broadcast %and3A_612 : i32 to vector<16xi32>
            %and3A_614 = arith.andi %shift_right_logical3A_611, %and3A_613 : vector<16xi32>
            %and3A_615 = arith.constant 15 : i32
            %and3A_616 = vector.broadcast %and3A_615 : i32 to vector<16xi32>
            %and3A_617 = arith.andi %bitcast3A, %and3A_616 : vector<16xi32>
            %eq3A_618 = vector.broadcast %add3A_217 : i32 to vector<16xi32>
            %eq3A_619 = arith.cmpi eq, %shift_right_logical3A_608, %eq3A_618 : vector<16xi32>
            %eq3A_620 = vector.broadcast %cond3A_226#0 : i32 to vector<16xi32>
            %eq3A_621 = arith.cmpi eq, %and3A_614, %eq3A_620 : vector<16xi32>
            %and3A_622 = arith.andi %eq3A_619, %eq3A_621 : vector<16xi1>
            tpu.vector_store_idx %arg10[%and3A_617], %broadcast_in_dim3A_3 masked %and3A_622 {add = true} : memref<32768xi32, #tpu.memory_space<vmem>>[vector<16xi32>], vector<16xi32>, vector<16xi1>
            %scan3A_623 = arith.constant 0 : i32
            scf.yield %scan3A_623 : i32
          }
          %scan3A_585 = arith.constant 1024 : i32
          %add3A_586 = arith.constant 3 : i32
          %add3A_587 = arith.addi %mul3A_552, %add3A_586 : i32
          %lt3A_588 = arith.constant 32 : i32
          %lt3A_589 = arith.cmpi slt, %add3A_587, %lt3A_588 : i32
          %convert_element_type3A_590 = arith.extui %lt3A_589 : i1 to i32
          %cond3A_591 = arith.constant 0 : i32
          %cond3A_592 = arith.cmpi ne, %convert_element_type3A_590, %cond3A_591 : i32
          scf.if %cond3A_592 {
            %add3A_593 = arith.constant 3 : i32
            %add3A_594 = arith.addi %mul3A_552, %add3A_593 : i32
            %mul3A_595 = arith.constant 16384 : i32
            %mul3A_596 = arith.muli %add3A_594, %mul3A_595 : i32
            %dma_start3A_597 = tpu.memref_slice %arg2[%add3A, %mul3A_596] : memref<32x524288xf32, #tpu.memory_space<hbm>> -> memref<1x16384xf32, #tpu.memory_space<hbm>>
            %dma_start3A_598 = tpu.memref_squeeze %dma_start3A_597 : memref<1x16384xf32, #tpu.memory_space<hbm>> -> memref<16384xf32, #tpu.memory_space<hbm>>
            %dma_start3A_599 = tpu.memref_slice %arg2[%add3A, %mul3A_596] : memref<32x524288xf32, #tpu.memory_space<hbm>> -> memref<1x16384xf32, #tpu.memory_space<hbm>>
            %dma_start3A_600 = tpu.memref_squeeze %dma_start3A_599 : memref<1x16384xf32, #tpu.memory_space<hbm>> -> memref<16384xf32, #tpu.memory_space<hbm>>
            tpu.enqueue_dma source(%dma_start3A_600 : memref<16384xf32, #tpu.memory_space<hbm>>) target(%arg9 : memref<16384xf32, #tpu.memory_space<vmem>>) target_semaphore(%arg22 : memref<!tpu.dma_semaphore, #tpu.memory_space<semaphore_mem>>)
          } else {
          }
          scf.yield %scan3A_584 : i32
        }
        %scan3A_487 = arith.constant 16 : i32
        %while3A_488 = arith.constant 0 : i32
        %while3A_489 = arith.constant 0 : i32
        %while3A_490:2 = scf.while (%while3A_549 = %while3A_488, %while3A_550 = %while3A_489) : (i32, i32) -> (i32, i32) {
          %lt3A = arith.cmpi slt, %while3A_549, %sub3A_227 : i32
          scf.condition(%lt3A) %while3A_549, %while3A_550 : i32, i32
        } do {
        ^bb0(%while3A_549: i32, %while3A_550: i32):
          %mul3A_551 = arith.constant 16 : i32
          %mul3A_552 = arith.muli %while3A_550, %mul3A_551 : i32
          %get3A_553 = arith.index_cast %mul3A_552 : i32 to index
          %get3A_554 = tpu.vector_load %arg10[%get3A_553] {strides = array<i32>} : memref<32768xi32, #tpu.memory_space<vmem>>, vector<16xi32>,
          %reduce_sum3A_555 = arith.constant true
          %reduce_sum3A_556 = vector.broadcast %reduce_sum3A_555 : i1 to vector<16xi1>
          %reduce_sum3A_557 = tpu.scan <sum>, %get3A_554 masked %reduce_sum3A_556 : vector<16xi32>, vector<16xi1> -> vector<16xi32>
          %reduce_sum3A_558 = vector.extract %reduce_sum3A_557[15] : i32 from vector<16xi32>
          %add3A_559 = arith.addi %while3A_549, %reduce_sum3A_558 : i32
          %sub3A_560 = arith.constant 1 : i32
          %sub3A_561 = arith.subi %while3A_550, %sub3A_560 : i32
          scf.yield %add3A_559, %sub3A_561 : i32, i32
        }
        %add3A_491 = arith.constant 1 : i32
        %add3A_492 = arith.addi %while3A_490#1, %add3A_491 : i32
        %mul3A_493 = arith.constant 16 : i32
        %mul3A_494 = arith.muli %add3A_492, %mul3A_493 : i32
        %get3A_495 = arith.index_cast %mul3A_494 : i32 to index
        %get3A_496 = tpu.vector_load %arg10[%get3A_495] {strides = array<i32>} : memref<32768xi32, #tpu.memory_space<vmem>>, vector<16xi32>,
        %reduce_sum3A_497 = arith.constant true
        %reduce_sum3A_498 = vector.broadcast %reduce_sum3A_497 : i1 to vector<16xi1>
        %reduce_sum3A_499 = tpu.scan <sum>, %get3A_496 masked %reduce_sum3A_498 : vector<16xi32>, vector<16xi1> -> vector<16xi32>
        %reduce_sum3A_500 = vector.extract %reduce_sum3A_499[15] : i32 from vector<16xi32>
        %sub3A_501 = arith.subi %while3A_490#0, %reduce_sum3A_500 : i32
        %rev3A_502 = arith.constant 15 : i32
        %rev3A_503 = vector.broadcast %rev3A_502 : i32 to vector<16xi32>
        %rev3A_504 = tpu.iota {dimensions = array<i32: 0>} : vector<16xi32>
        %rev3A_505 = arith.subi %rev3A_503, %rev3A_504 : vector<16xi32>
        %rev3A_506 = tpu.dynamic_gather %get3A_496[%rev3A_505] in [0] : vector<16xi32>, vector<16xi32> -> vector<16xi32>
        %broadcast_in_dim3A_507 = arith.constant true
        %broadcast_in_dim3A_508 = vector.broadcast %broadcast_in_dim3A_507 : i1 to vector<16xi1>
        %masked_cumsum3A_509 = tpu.scan <sum>, %rev3A_506 masked %broadcast_in_dim3A_508 : vector<16xi32>, vector<16xi1> -> vector<16xi32>
        %rev3A_510 = arith.constant 15 : i32
        %rev3A_511 = vector.broadcast %rev3A_510 : i32 to vector<16xi32>
        %rev3A_512 = tpu.iota {dimensions = array<i32: 0>} : vector<16xi32>
        %rev3A_513 = arith.subi %rev3A_511, %rev3A_512 : vector<16xi32>
        %rev3A_514 = tpu.dynamic_gather %masked_cumsum3A_509[%rev3A_513] in [0] : vector<16xi32>, vector<16xi32> -> vector<16xi32>
        %add3A_515 = vector.broadcast %sub3A_501 : i32 to vector<16xi32>
        %add3A_516 = arith.addi %add3A_515, %rev3A_514 : vector<16xi32>
        %ge3A_517 = vector.broadcast %sub3A_227 : i32 to vector<16xi32>
        %ge3A_518 = arith.cmpi sge, %add3A_516, %ge3A_517 : vector<16xi32>
        %convert_element_type3A_519 = arith.extui %ge3A_518 : vector<16xi1> to vector<16xi32>
        %reduce_sum3A_520 = arith.constant true
        %reduce_sum3A_521 = vector.broadcast %reduce_sum3A_520 : i1 to vector<16xi1>
        %reduce_sum3A_522 = tpu.scan <sum>, %convert_element_type3A_519 masked %reduce_sum3A_521 : vector<16xi32>, vector<16xi1> -> vector<16xi32>
        %reduce_sum3A_523 = vector.extract %reduce_sum3A_522[15] : i32 from vector<16xi32>
        %sub3A_524 = arith.constant 1 : i32
        %sub3A_525 = arith.subi %reduce_sum3A_523, %sub3A_524 : i32
        %eq3A_526 = vector.broadcast %sub3A_525 : i32 to vector<16xi32>
        %eq3A_527 = arith.cmpi eq, %iota3A, %eq3A_526 : vector<16xi32>
        %jit3A_528 = arith.constant 0 : i32
        %broadcast_in_dim3A_529 = vector.broadcast %jit3A_528 : i32 to vector<16xi32>
        %select_n3A_530 = arith.select %eq3A_527, %rev3A_514, %broadcast_in_dim3A_529 : vector<16xi1>, vector<16xi32>
        %reduce_sum3A_531 = arith.constant true
        %reduce_sum3A_532 = vector.broadcast %reduce_sum3A_531 : i1 to vector<16xi1>
        %reduce_sum3A_533 = tpu.scan <sum>, %select_n3A_530 masked %reduce_sum3A_532 : vector<16xi32>, vector<16xi1> -> vector<16xi32>
        %reduce_sum3A_534 = vector.extract %reduce_sum3A_533[15] : i32 from vector<16xi32>
        %eq3A_535 = vector.broadcast %sub3A_525 : i32 to vector<16xi32>
        %eq3A_536 = arith.cmpi eq, %iota3A, %eq3A_535 : vector<16xi32>
        %jit3A_537 = arith.constant 0 : i32
        %broadcast_in_dim3A_538 = vector.broadcast %jit3A_537 : i32 to vector<16xi32>
        %select_n3A_539 = arith.select %eq3A_536, %get3A_496, %broadcast_in_dim3A_538 : vector<16xi1>, vector<16xi32>
        %reduce_sum3A_540 = arith.constant true
        %reduce_sum3A_541 = vector.broadcast %reduce_sum3A_540 : i1 to vector<16xi1>
        %reduce_sum3A_542 = tpu.scan <sum>, %select_n3A_539 masked %reduce_sum3A_541 : vector<16xi32>, vector<16xi1> -> vector<16xi32>
        %reduce_sum3A_543 = vector.extract %reduce_sum3A_542[15] : i32 from vector<16xi32>
        %mul3A_544 = arith.constant 16 : i32
        %mul3A_545 = arith.muli %add3A_492, %mul3A_544 : i32
        %add3A_546 = arith.addi %mul3A_545, %sub3A_525 : i32
        %add3A_547 = arith.addi %sub3A_501, %reduce_sum3A_534 : i32
        %sub3A_548 = arith.subi %add3A_547, %reduce_sum3A_543 : i32
        scf.yield %add3A_546, %sub3A_548, %reduce_sum3A_543 : i32, i32, i32
      } else {
        %cond3A_460 = arith.constant -1 : i32
        %cond3A_461 = arith.constant 0 : i32
        %cond3A_462 = arith.constant 0 : i32
        scf.yield %cond3A_460, %cond3A_461, %cond3A_462 : i32, i32, i32
      }
      %sub3A_234 = arith.subi %sub3A_227, %cond3A_233#1 : i32
      %gt3A_235 = arith.constant 2048 : i32
      %gt3A_236 = arith.cmpi sgt, %reduce_sum3A_214, %gt3A_235 : i32
      %gt3A_237 = arith.constant 2048 : i32
      %gt3A_238 = arith.cmpi sgt, %cond3A_226#2, %gt3A_237 : i32
      %sub3A_239 = arith.constant 1 : i32
      %sub3A_240 = arith.subi %cond3A_226#0, %sub3A_239 : i32
      %jit3A_241 = arith.constant -1 : i32
      %select_n3A_242 = arith.select %gt3A_236, %sub3A_240, %jit3A_241 : i32
      %select_n3A_243 = arith.select %gt3A_238, %cond3A_226#0, %select_n3A_242 : i32
      %jit3A_244 = arith.constant 16 : i32
      %select_n3A_245 = arith.select %gt3A_238, %cond3A_233#0, %jit3A_244 : i32
      %jit3A_246 = arith.constant 2746 : i32
      %select_n3A_247 = arith.select %gt3A_238, %sub3A_234, %jit3A_246 : i32
      %scan3A_248 = arith.constant 0 : i32
      %scan3A_249 = arith.constant 0 : i32
      %scan3A_250 = arith.constant 216 : i32
      %scan3A_251 = arith.addi %scan3A_249, %scan3A_250 : i32
      %scan3A_252 = arith.constant 1 : i32
      %scan3A_253 = scf.for %scan3A_460 = %scan3A_249 to %scan3A_251 step %scan3A_252 iter_args(%scan3A_461 = %scan3A_248) -> (i32)  : i32 {
        %mul3A_462 = arith.constant 16 : i32
        %mul3A_463 = arith.muli %scan3A_460, %mul3A_462 : i32
        %swap3A = arith.index_cast %mul3A_463 : i32 to index
        %swap3A_464 = tpu.vector_load %arg12[%swap3A] {strides = array<i32>} : memref<3456xi32, #tpu.memory_space<vmem>>, vector<16xi32>,
        tpu.vector_store %arg12[%swap3A], %broadcast_in_dim3A_1 {strides = array<i32>} : memref<3456xi32, #tpu.memory_space<vmem>>, vector<16xi32>,
        %scan3A_465 = arith.constant 0 : i32
        scf.yield %scan3A_465 : i32
      }
      %scan3A_254 = arith.constant 216 : i32
      %scan3A_255 = arith.constant 0 : i32
      %scan3A_256 = arith.constant 0 : i32
      %scan3A_257 = arith.constant 216 : i32
      %scan3A_258 = arith.addi %scan3A_256, %scan3A_257 : i32
      %scan3A_259 = arith.constant 1 : i32
      %scan3A_260 = scf.for %scan3A_460 = %scan3A_256 to %scan3A_258 step %scan3A_259 iter_args(%scan3A_461 = %scan3A_255) -> (i32)  : i32 {
        %mul3A_462 = arith.constant 16 : i32
        %mul3A_463 = arith.muli %scan3A_460, %mul3A_462 : i32
        %swap3A = arith.index_cast %mul3A_463 : i32 to index
        %swap3A_464 = tpu.vector_load %arg13[%swap3A] {strides = array<i32>} : memref<3456xi32, #tpu.memory_space<vmem>>, vector<16xi32>,
        tpu.vector_store %arg13[%swap3A], %broadcast_in_dim3A_1 {strides = array<i32>} : memref<3456xi32, #tpu.memory_space<vmem>>, vector<16xi32>,
        %scan3A_465 = arith.constant 0 : i32
        scf.yield %scan3A_465 : i32
      }
      %scan3A_261 = arith.constant 216 : i32
      %mul3A_262 = arith.constant 0 : i32
      %mul3A_263 = arith.constant 16384 : i32
      %mul3A_264 = arith.muli %mul3A_262, %mul3A_263 : i32
      %dma_start3A_265 = tpu.memref_slice %arg2[%add3A, %mul3A_264] : memref<32x524288xf32, #tpu.memory_space<hbm>> -> memref<1x16384xf32, #tpu.memory_space<hbm>>
      %dma_start3A_266 = tpu.memref_squeeze %dma_start3A_265 : memref<1x16384xf32, #tpu.memory_space<hbm>> -> memref<16384xf32, #tpu.memory_space<hbm>>
      %dma_start3A_267 = tpu.memref_slice %arg2[%add3A, %mul3A_264] : memref<32x524288xf32, #tpu.memory_space<hbm>> -> memref<1x16384xf32, #tpu.memory_space<hbm>>
      %dma_start3A_268 = tpu.memref_squeeze %dma_start3A_267 : memref<1x16384xf32, #tpu.memory_space<hbm>> -> memref<16384xf32, #tpu.memory_space<hbm>>
      tpu.enqueue_dma source(%dma_start3A_268 : memref<16384xf32, #tpu.memory_space<hbm>>) target(%arg8 : memref<16384xf32, #tpu.memory_space<vmem>>) target_semaphore(%arg21 : memref<!tpu.dma_semaphore, #tpu.memory_space<semaphore_mem>>)
      %mul3A_269 = arith.constant 1 : i32
      %mul3A_270 = arith.constant 16384 : i32
      %mul3A_271 = arith.muli %mul3A_269, %mul3A_270 : i32
      %dma_start3A_272 = tpu.memref_slice %arg2[%add3A, %mul3A_271] : memref<32x524288xf32, #tpu.memory_space<hbm>> -> memref<1x16384xf32, #tpu.memory_space<hbm>>
      %dma_start3A_273 = tpu.memref_squeeze %dma_start3A_272 : memref<1x16384xf32, #tpu.memory_space<hbm>> -> memref<16384xf32, #tpu.memory_space<hbm>>
      %dma_start3A_274 = tpu.memref_slice %arg2[%add3A, %mul3A_271] : memref<32x524288xf32, #tpu.memory_space<hbm>> -> memref<1x16384xf32, #tpu.memory_space<hbm>>
      %dma_start3A_275 = tpu.memref_squeeze %dma_start3A_274 : memref<1x16384xf32, #tpu.memory_space<hbm>> -> memref<16384xf32, #tpu.memory_space<hbm>>
      tpu.enqueue_dma source(%dma_start3A_275 : memref<16384xf32, #tpu.memory_space<hbm>>) target(%arg9 : memref<16384xf32, #tpu.memory_space<vmem>>) target_semaphore(%arg22 : memref<!tpu.dma_semaphore, #tpu.memory_space<semaphore_mem>>)
      %scan3A_276 = arith.constant 0 : i32
      %scan3A_277 = arith.constant 0 : i32
      %scan3A_278 = arith.constant 0 : i32
      %scan3A_279 = arith.constant 16 : i32
      %scan3A_280 = arith.addi %scan3A_278, %scan3A_279 : i32
      %scan3A_281 = arith.constant 1 : i32
      %scan3A_282:2 = scf.for %scan3A_460 = %scan3A_278 to %scan3A_280 step %scan3A_281 iter_args(%scan3A_461 = %scan3A_276, %scan3A_462 = %scan3A_277) -> (i32, i32)  : i32 {
        %mul3A_463 = arith.constant 2 : i32
        %mul3A_464 = arith.muli %scan3A_460, %mul3A_463 : i32
        %mul3A_465 = arith.constant 16384 : i32
        %mul3A_466 = arith.muli %mul3A_464, %mul3A_465 : i32
        %dma_wait3A = tpu.memref_slice %arg2[%add3A, %mul3A_466] : memref<32x524288xf32, #tpu.memory_space<hbm>> -> memref<1x16384xf32, #tpu.memory_space<hbm>>
        %dma_wait3A_467 = tpu.memref_squeeze %dma_wait3A : memref<1x16384xf32, #tpu.memory_space<hbm>> -> memref<16384xf32, #tpu.memory_space<hbm>>
        %dma_wait3A_468 = tpu.memref_slice %arg2[%add3A, %mul3A_466] : memref<32x524288xf32, #tpu.memory_space<hbm>> -> memref<1x16384xf32, #tpu.memory_space<hbm>>
        %dma_wait3A_469 = tpu.memref_squeeze %dma_wait3A_468 : memref<1x16384xf32, #tpu.memory_space<hbm>> -> memref<16384xf32, #tpu.memory_space<hbm>>
        tpu.wait_dma2 semaphore(%arg21 : memref<!tpu.dma_semaphore, #tpu.memory_space<semaphore_mem>>) src(%dma_wait3A_469 : memref<16384xf32, #tpu.memory_space<hbm>>) dst(%arg8 : memref<16384xf32, #tpu.memory_space<vmem>>)
        %scan3A_470 = arith.constant 0 : i32
        %scan3A_471 = arith.constant 1024 : i32
        %scan3A_472 = arith.addi %scan3A_470, %scan3A_471 : i32
        %scan3A_473 = arith.constant 1 : i32
        %scan3A_474:2 = scf.for %scan3A_505 = %scan3A_470 to %scan3A_472 step %scan3A_473 iter_args(%scan3A_506 = %scan3A_461, %scan3A_507 = %scan3A_462) -> (i32, i32)  : i32 {
          %mul3A_508 = arith.constant 16 : i32
          %mul3A_509 = arith.muli %scan3A_505, %mul3A_508 : i32
          %get3A_510 = arith.index_cast %mul3A_509 : i32 to index
          %get3A_511 = tpu.vector_load %arg8[%get3A_510] {strides = array<i32>} : memref<16384xf32, #tpu.memory_space<vmem>>, vector<16xf32>,
          %neg3A = arith.constant 0.000000e+00 : f32
          %neg3A_512 = vector.broadcast %neg3A : f32 to vector<16xf32>
          %neg3A_513 = arith.subf %neg3A_512, %get3A_511 : vector<16xf32>
          %exp3A = math.exp %neg3A_513 : vector<16xf32>
          %add3A_514 = arith.constant 1.000000e+00 : f32
          %add3A_515 = vector.broadcast %add3A_514 : f32 to vector<16xf32>
          %add3A_516 = arith.addf %add3A_515, %exp3A : vector<16xf32>
          %div3A_517 = arith.constant 1.000000e+00 : f32
          %div3A_518 = vector.broadcast %div3A_517 : f32 to vector<16xf32>
          %div3A_519 = arith.divf %div3A_518, %add3A_516 : vector<16xf32>
          %bitcast3A = vector.bitcast %div3A_519 : vector<16xf32> to vector<16xi32>
          %shift_right_logical3A = arith.constant 15 : i32
          %shift_right_logical3A_520 = vector.broadcast %shift_right_logical3A : i32 to vector<16xi32>
          %shift_right_logical3A_521 = arith.shrui %bitcast3A, %shift_right_logical3A_520 : vector<16xi32>
          %shift_right_logical3A_522 = arith.constant 4 : i32
          %shift_right_logical3A_523 = vector.broadcast %shift_right_logical3A_522 : i32 to vector<16xi32>
          %shift_right_logical3A_524 = arith.shrui %bitcast3A, %shift_right_logical3A_523 : vector<16xi32>
          %and3A_525 = arith.constant 2047 : i32
          %and3A_526 = vector.broadcast %and3A_525 : i32 to vector<16xi32>
          %and3A_527 = arith.andi %shift_right_logical3A_524, %and3A_526 : vector<16xi32>
          %and3A_528 = arith.constant 15 : i32
          %and3A_529 = vector.broadcast %and3A_528 : i32 to vector<16xi32>
          %and3A_530 = arith.andi %bitcast3A, %and3A_529 : vector<16xi32>
          %gt3A_531 = vector.broadcast %add3A_217 : i32 to vector<16xi32>
          %gt3A_532 = arith.cmpi sgt, %shift_right_logical3A_521, %gt3A_531 : vector<16xi32>
          %eq3A_533 = vector.broadcast %add3A_217 : i32 to vector<16xi32>
          %eq3A_534 = arith.cmpi eq, %shift_right_logical3A_521, %eq3A_533 : vector<16xi32>
          %gt3A_535 = vector.broadcast %select_n3A_243 : i32 to vector<16xi32>
          %gt3A_536 = arith.cmpi sgt, %and3A_527, %gt3A_535 : vector<16xi32>
          %eq3A_537 = vector.broadcast %select_n3A_243 : i32 to vector<16xi32>
          %eq3A_538 = arith.cmpi eq, %and3A_527, %eq3A_537 : vector<16xi32>
          %gt3A_539 = vector.broadcast %select_n3A_245 : i32 to vector<16xi32>
          %gt3A_540 = arith.cmpi sgt, %and3A_530, %gt3A_539 : vector<16xi32>
          %and3A_541 = arith.andi %eq3A_538, %gt3A_540 : vector<16xi1>
          %or3A = arith.ori %gt3A_536, %and3A_541 : vector<16xi1>
          %and3A_542 = arith.andi %eq3A_534, %or3A : vector<16xi1>
          %or3A_543 = arith.ori %gt3A_532, %and3A_542 : vector<16xi1>
          %eq3A_544 = vector.broadcast %add3A_217 : i32 to vector<16xi32>
          %eq3A_545 = arith.cmpi eq, %shift_right_logical3A_521, %eq3A_544 : vector<16xi32>
          %eq3A_546 = vector.broadcast %select_n3A_243 : i32 to vector<16xi32>
          %eq3A_547 = arith.cmpi eq, %and3A_527, %eq3A_546 : vector<16xi32>
          %and3A_548 = arith.andi %eq3A_545, %eq3A_547 : vector<16xi1>
          %eq3A_549 = vector.broadcast %select_n3A_245 : i32 to vector<16xi32>
          %eq3A_550 = arith.cmpi eq, %and3A_530, %eq3A_549 : vector<16xi32>
          %and3A_551 = arith.andi %and3A_548, %eq3A_550 : vector<16xi1>
          %convert_element_type3A_552 = arith.extui %and3A_551 : vector<16xi1> to vector<16xi32>
          %broadcast_in_dim3A_553 = arith.constant true
          %broadcast_in_dim3A_554 = vector.broadcast %broadcast_in_dim3A_553 : i1 to vector<16xi1>
          %masked_cumsum3A_555 = tpu.scan <sum>, %convert_element_type3A_552 masked %broadcast_in_dim3A_554 : vector<16xi32>, vector<16xi1> -> vector<16xi32>
          %add3A_556 = vector.broadcast %scan3A_507 : i32 to vector<16xi32>
          %add3A_557 = arith.addi %add3A_556, %masked_cumsum3A_555 : vector<16xi32>
          %le3A_558 = vector.broadcast %select_n3A_247 : i32 to vector<16xi32>
          %le3A_559 = arith.cmpi sle, %add3A_557, %le3A_558 : vector<16xi32>
          %and3A_560 = arith.andi %and3A_551, %le3A_559 : vector<16xi1>
          %or3A_561 = arith.ori %or3A_543, %and3A_560 : vector<16xi1>
          %swap3A = arith.index_cast %scan3A_506 : i32 to index
          %swap3A_562 = tpu.vector_load %arg12[%swap3A] masked %or3A_561 {strides = array<i32>} : memref<3456xi32, #tpu.memory_space<vmem>>, vector<16xi32>, vector<16xi1>
          tpu.vector_store %arg12[%swap3A], %bitcast3A masked %or3A_561 {strides = array<i32>} : memref<3456xi32, #tpu.memory_space<vmem>>, vector<16xi32>, vector<16xi1>
          %mul3A_563 = arith.constant 16384 : i32
          %mul3A_564 = arith.muli %mul3A_464, %mul3A_563 : i32
          %mul3A_565 = arith.constant 16 : i32
          %mul3A_566 = arith.muli %scan3A_505, %mul3A_565 : i32
          %add3A_567 = arith.addi %mul3A_564, %mul3A_566 : i32
          %add3A_568 = vector.broadcast %add3A_567 : i32 to vector<16xi32>
          %add3A_569 = arith.addi %add3A_568, %iota3A : vector<16xi32>
          %swap3A_570 = arith.index_cast %scan3A_506 : i32 to index
          %swap3A_571 = tpu.vector_load %arg13[%swap3A_570] masked %or3A_561 {strides = array<i32>} : memref<3456xi32, #tpu.memory_space<vmem>>, vector<16xi32>, vector<16xi1>
          tpu.vector_store %arg13[%swap3A_570], %add3A_569 masked %or3A_561 {strides = array<i32>} : memref<3456xi32, #tpu.memory_space<vmem>>, vector<16xi32>, vector<16xi1>
          %convert_element_type3A_572 = arith.extui %or3A_561 : vector<16xi1> to vector<16xi32>
          %reduce_sum3A_573 = arith.constant true
          %reduce_sum3A_574 = vector.broadcast %reduce_sum3A_573 : i1 to vector<16xi1>
          %reduce_sum3A_575 = tpu.scan <sum>, %convert_element_type3A_572 masked %reduce_sum3A_574 : vector<16xi32>, vector<16xi1> -> vector<16xi32>
          %reduce_sum3A_576 = vector.extract %reduce_sum3A_575[15] : i32 from vector<16xi32>
          %add3A_577 = arith.addi %scan3A_506, %reduce_sum3A_576 : i32
          %convert_element_type3A_578 = arith.extui %and3A_551 : vector<16xi1> to vector<16xi32>
          %reduce_sum3A_579 = arith.constant true
          %reduce_sum3A_580 = vector.broadcast %reduce_sum3A_579 : i1 to vector<16xi1>
          %reduce_sum3A_581 = tpu.scan <sum>, %convert_element_type3A_578 masked %reduce_sum3A_580 : vector<16xi32>, vector<16xi1> -> vector<16xi32>
          %reduce_sum3A_582 = vector.extract %reduce_sum3A_581[15] : i32 from vector<16xi32>
          %add3A_583 = arith.addi %scan3A_507, %reduce_sum3A_582 : i32
          scf.yield %add3A_577, %add3A_583 : i32, i32
        }
        %scan3A_475 = arith.constant 1024 : i32
        %add3A_476 = arith.constant 2 : i32
        %add3A_477 = arith.addi %mul3A_464, %add3A_476 : i32
        %lt3A = arith.constant 32 : i32
        %lt3A_478 = arith.cmpi slt, %add3A_477, %lt3A : i32
        %convert_element_type3A_479 = arith.extui %lt3A_478 : i1 to i32
        %cond3A_480 = arith.constant 0 : i32
        %cond3A_481 = arith.cmpi ne, %convert_element_type3A_479, %cond3A_480 : i32
        scf.if %cond3A_481 {
          %add3A_505 = arith.constant 2 : i32
          %add3A_506 = arith.addi %mul3A_464, %add3A_505 : i32
          %mul3A_507 = arith.constant 16384 : i32
          %mul3A_508 = arith.muli %add3A_506, %mul3A_507 : i32
          %dma_start3A_509 = tpu.memref_slice %arg2[%add3A, %mul3A_508] : memref<32x524288xf32, #tpu.memory_space<hbm>> -> memref<1x16384xf32, #tpu.memory_space<hbm>>
          %dma_start3A_510 = tpu.memref_squeeze %dma_start3A_509 : memref<1x16384xf32, #tpu.memory_space<hbm>> -> memref<16384xf32, #tpu.memory_space<hbm>>
          %dma_start3A_511 = tpu.memref_slice %arg2[%add3A, %mul3A_508] : memref<32x524288xf32, #tpu.memory_space<hbm>> -> memref<1x16384xf32, #tpu.memory_space<hbm>>
          %dma_start3A_512 = tpu.memref_squeeze %dma_start3A_511 : memref<1x16384xf32, #tpu.memory_space<hbm>> -> memref<16384xf32, #tpu.memory_space<hbm>>
          tpu.enqueue_dma source(%dma_start3A_512 : memref<16384xf32, #tpu.memory_space<hbm>>) target(%arg8 : memref<16384xf32, #tpu.memory_space<vmem>>) target_semaphore(%arg21 : memref<!tpu.dma_semaphore, #tpu.memory_space<semaphore_mem>>)
        } else {
        }
        %add3A_482 = arith.constant 1 : i32
        %add3A_483 = arith.addi %mul3A_464, %add3A_482 : i32
        %mul3A_484 = arith.constant 16384 : i32
        %mul3A_485 = arith.muli %add3A_483, %mul3A_484 : i32
        %dma_wait3A_486 = tpu.memref_slice %arg2[%add3A, %mul3A_485] : memref<32x524288xf32, #tpu.memory_space<hbm>> -> memref<1x16384xf32, #tpu.memory_space<hbm>>
        %dma_wait3A_487 = tpu.memref_squeeze %dma_wait3A_486 : memref<1x16384xf32, #tpu.memory_space<hbm>> -> memref<16384xf32, #tpu.memory_space<hbm>>
        %dma_wait3A_488 = tpu.memref_slice %arg2[%add3A, %mul3A_485] : memref<32x524288xf32, #tpu.memory_space<hbm>> -> memref<1x16384xf32, #tpu.memory_space<hbm>>
        %dma_wait3A_489 = tpu.memref_squeeze %dma_wait3A_488 : memref<1x16384xf32, #tpu.memory_space<hbm>> -> memref<16384xf32, #tpu.memory_space<hbm>>
        tpu.wait_dma2 semaphore(%arg22 : memref<!tpu.dma_semaphore, #tpu.memory_space<semaphore_mem>>) src(%dma_wait3A_489 : memref<16384xf32, #tpu.memory_space<hbm>>) dst(%arg9 : memref<16384xf32, #tpu.memory_space<vmem>>)
        %add3A_490 = arith.constant 1 : i32
        %add3A_491 = arith.addi %mul3A_464, %add3A_490 : i32
        %scan3A_492 = arith.constant 0 : i32
        %scan3A_493 = arith.constant 1024 : i32
        %scan3A_494 = arith.addi %scan3A_492, %scan3A_493 : i32
        %scan3A_495 = arith.constant 1 : i32
        %scan3A_496:2 = scf.for %scan3A_505 = %scan3A_492 to %scan3A_494 step %scan3A_495 iter_args(%scan3A_506 = %scan3A_474#0, %scan3A_507 = %scan3A_474#1) -> (i32, i32)  : i32 {
          %mul3A_508 = arith.constant 16 : i32
          %mul3A_509 = arith.muli %scan3A_505, %mul3A_508 : i32
          %get3A_510 = arith.index_cast %mul3A_509 : i32 to index
          %get3A_511 = tpu.vector_load %arg9[%get3A_510] {strides = array<i32>} : memref<16384xf32, #tpu.memory_space<vmem>>, vector<16xf32>,
          %neg3A = arith.constant 0.000000e+00 : f32
          %neg3A_512 = vector.broadcast %neg3A : f32 to vector<16xf32>
          %neg3A_513 = arith.subf %neg3A_512, %get3A_511 : vector<16xf32>
          %exp3A = math.exp %neg3A_513 : vector<16xf32>
          %add3A_514 = arith.constant 1.000000e+00 : f32
          %add3A_515 = vector.broadcast %add3A_514 : f32 to vector<16xf32>
          %add3A_516 = arith.addf %add3A_515, %exp3A : vector<16xf32>
          %div3A_517 = arith.constant 1.000000e+00 : f32
          %div3A_518 = vector.broadcast %div3A_517 : f32 to vector<16xf32>
          %div3A_519 = arith.divf %div3A_518, %add3A_516 : vector<16xf32>
          %bitcast3A = vector.bitcast %div3A_519 : vector<16xf32> to vector<16xi32>
          %shift_right_logical3A = arith.constant 15 : i32
          %shift_right_logical3A_520 = vector.broadcast %shift_right_logical3A : i32 to vector<16xi32>
          %shift_right_logical3A_521 = arith.shrui %bitcast3A, %shift_right_logical3A_520 : vector<16xi32>
          %shift_right_logical3A_522 = arith.constant 4 : i32
          %shift_right_logical3A_523 = vector.broadcast %shift_right_logical3A_522 : i32 to vector<16xi32>
          %shift_right_logical3A_524 = arith.shrui %bitcast3A, %shift_right_logical3A_523 : vector<16xi32>
          %and3A_525 = arith.constant 2047 : i32
          %and3A_526 = vector.broadcast %and3A_525 : i32 to vector<16xi32>
          %and3A_527 = arith.andi %shift_right_logical3A_524, %and3A_526 : vector<16xi32>
          %and3A_528 = arith.constant 15 : i32
          %and3A_529 = vector.broadcast %and3A_528 : i32 to vector<16xi32>
          %and3A_530 = arith.andi %bitcast3A, %and3A_529 : vector<16xi32>
          %gt3A_531 = vector.broadcast %add3A_217 : i32 to vector<16xi32>
          %gt3A_532 = arith.cmpi sgt, %shift_right_logical3A_521, %gt3A_531 : vector<16xi32>
          %eq3A_533 = vector.broadcast %add3A_217 : i32 to vector<16xi32>
          %eq3A_534 = arith.cmpi eq, %shift_right_logical3A_521, %eq3A_533 : vector<16xi32>
          %gt3A_535 = vector.broadcast %select_n3A_243 : i32 to vector<16xi32>
          %gt3A_536 = arith.cmpi sgt, %and3A_527, %gt3A_535 : vector<16xi32>
          %eq3A_537 = vector.broadcast %select_n3A_243 : i32 to vector<16xi32>
          %eq3A_538 = arith.cmpi eq, %and3A_527, %eq3A_537 : vector<16xi32>
          %gt3A_539 = vector.broadcast %select_n3A_245 : i32 to vector<16xi32>
          %gt3A_540 = arith.cmpi sgt, %and3A_530, %gt3A_539 : vector<16xi32>
          %and3A_541 = arith.andi %eq3A_538, %gt3A_540 : vector<16xi1>
          %or3A = arith.ori %gt3A_536, %and3A_541 : vector<16xi1>
          %and3A_542 = arith.andi %eq3A_534, %or3A : vector<16xi1>
          %or3A_543 = arith.ori %gt3A_532, %and3A_542 : vector<16xi1>
          %eq3A_544 = vector.broadcast %add3A_217 : i32 to vector<16xi32>
          %eq3A_545 = arith.cmpi eq, %shift_right_logical3A_521, %eq3A_544 : vector<16xi32>
          %eq3A_546 = vector.broadcast %select_n3A_243 : i32 to vector<16xi32>
          %eq3A_547 = arith.cmpi eq, %and3A_527, %eq3A_546 : vector<16xi32>
          %and3A_548 = arith.andi %eq3A_545, %eq3A_547 : vector<16xi1>
          %eq3A_549 = vector.broadcast %select_n3A_245 : i32 to vector<16xi32>
          %eq3A_550 = arith.cmpi eq, %and3A_530, %eq3A_549 : vector<16xi32>
          %and3A_551 = arith.andi %and3A_548, %eq3A_550 : vector<16xi1>
          %convert_element_type3A_552 = arith.extui %and3A_551 : vector<16xi1> to vector<16xi32>
          %broadcast_in_dim3A_553 = arith.constant true
          %broadcast_in_dim3A_554 = vector.broadcast %broadcast_in_dim3A_553 : i1 to vector<16xi1>
          %masked_cumsum3A_555 = tpu.scan <sum>, %convert_element_type3A_552 masked %broadcast_in_dim3A_554 : vector<16xi32>, vector<16xi1> -> vector<16xi32>
          %add3A_556 = vector.broadcast %scan3A_507 : i32 to vector<16xi32>
          %add3A_557 = arith.addi %add3A_556, %masked_cumsum3A_555 : vector<16xi32>
          %le3A_558 = vector.broadcast %select_n3A_247 : i32 to vector<16xi32>
          %le3A_559 = arith.cmpi sle, %add3A_557, %le3A_558 : vector<16xi32>
          %and3A_560 = arith.andi %and3A_551, %le3A_559 : vector<16xi1>
          %or3A_561 = arith.ori %or3A_543, %and3A_560 : vector<16xi1>
          %swap3A = arith.index_cast %scan3A_506 : i32 to index
          %swap3A_562 = tpu.vector_load %arg12[%swap3A] masked %or3A_561 {strides = array<i32>} : memref<3456xi32, #tpu.memory_space<vmem>>, vector<16xi32>, vector<16xi1>
          tpu.vector_store %arg12[%swap3A], %bitcast3A masked %or3A_561 {strides = array<i32>} : memref<3456xi32, #tpu.memory_space<vmem>>, vector<16xi32>, vector<16xi1>
          %mul3A_563 = arith.constant 16384 : i32
          %mul3A_564 = arith.muli %add3A_491, %mul3A_563 : i32
          %mul3A_565 = arith.constant 16 : i32
          %mul3A_566 = arith.muli %scan3A_505, %mul3A_565 : i32
          %add3A_567 = arith.addi %mul3A_564, %mul3A_566 : i32
          %add3A_568 = vector.broadcast %add3A_567 : i32 to vector<16xi32>
          %add3A_569 = arith.addi %add3A_568, %iota3A : vector<16xi32>
          %swap3A_570 = arith.index_cast %scan3A_506 : i32 to index
          %swap3A_571 = tpu.vector_load %arg13[%swap3A_570] masked %or3A_561 {strides = array<i32>} : memref<3456xi32, #tpu.memory_space<vmem>>, vector<16xi32>, vector<16xi1>
          tpu.vector_store %arg13[%swap3A_570], %add3A_569 masked %or3A_561 {strides = array<i32>} : memref<3456xi32, #tpu.memory_space<vmem>>, vector<16xi32>, vector<16xi1>
          %convert_element_type3A_572 = arith.extui %or3A_561 : vector<16xi1> to vector<16xi32>
          %reduce_sum3A_573 = arith.constant true
          %reduce_sum3A_574 = vector.broadcast %reduce_sum3A_573 : i1 to vector<16xi1>
          %reduce_sum3A_575 = tpu.scan <sum>, %convert_element_type3A_572 masked %reduce_sum3A_574 : vector<16xi32>, vector<16xi1> -> vector<16xi32>
          %reduce_sum3A_576 = vector.extract %reduce_sum3A_575[15] : i32 from vector<16xi32>
          %add3A_577 = arith.addi %scan3A_506, %reduce_sum3A_576 : i32
          %convert_element_type3A_578 = arith.extui %and3A_551 : vector<16xi1> to vector<16xi32>
          %reduce_sum3A_579 = arith.constant true
          %reduce_sum3A_580 = vector.broadcast %reduce_sum3A_579 : i1 to vector<16xi1>
          %reduce_sum3A_581 = tpu.scan <sum>, %convert_element_type3A_578 masked %reduce_sum3A_580 : vector<16xi32>, vector<16xi1> -> vector<16xi32>
          %reduce_sum3A_582 = vector.extract %reduce_sum3A_581[15] : i32 from vector<16xi32>
          %add3A_583 = arith.addi %scan3A_507, %reduce_sum3A_582 : i32
          scf.yield %add3A_577, %add3A_583 : i32, i32
        }
        %scan3A_497 = arith.constant 1024 : i32
        %add3A_498 = arith.constant 3 : i32
        %add3A_499 = arith.addi %mul3A_464, %add3A_498 : i32
        %lt3A_500 = arith.constant 32 : i32
        %lt3A_501 = arith.cmpi slt, %add3A_499, %lt3A_500 : i32
        %convert_element_type3A_502 = arith.extui %lt3A_501 : i1 to i32
        %cond3A_503 = arith.constant 0 : i32
        %cond3A_504 = arith.cmpi ne, %convert_element_type3A_502, %cond3A_503 : i32
        scf.if %cond3A_504 {
          %add3A_505 = arith.constant 3 : i32
          %add3A_506 = arith.addi %mul3A_464, %add3A_505 : i32
          %mul3A_507 = arith.constant 16384 : i32
          %mul3A_508 = arith.muli %add3A_506, %mul3A_507 : i32
          %dma_start3A_509 = tpu.memref_slice %arg2[%add3A, %mul3A_508] : memref<32x524288xf32, #tpu.memory_space<hbm>> -> memref<1x16384xf32, #tpu.memory_space<hbm>>
          %dma_start3A_510 = tpu.memref_squeeze %dma_start3A_509 : memref<1x16384xf32, #tpu.memory_space<hbm>> -> memref<16384xf32, #tpu.memory_space<hbm>>
          %dma_start3A_511 = tpu.memref_slice %arg2[%add3A, %mul3A_508] : memref<32x524288xf32, #tpu.memory_space<hbm>> -> memref<1x16384xf32, #tpu.memory_space<hbm>>
          %dma_start3A_512 = tpu.memref_squeeze %dma_start3A_511 : memref<1x16384xf32, #tpu.memory_space<hbm>> -> memref<16384xf32, #tpu.memory_space<hbm>>
          tpu.enqueue_dma source(%dma_start3A_512 : memref<16384xf32, #tpu.memory_space<hbm>>) target(%arg9 : memref<16384xf32, #tpu.memory_space<vmem>>) target_semaphore(%arg22 : memref<!tpu.dma_semaphore, #tpu.memory_space<semaphore_mem>>)
        } else {
        }
        scf.yield %scan3A_496#0, %scan3A_496#1 : i32, i32
      }
      %scan3A_283 = arith.constant 16 : i32
      %add3A_284 = arith.constant 16 : i32
      %add3A_285 = arith.addi %scan3A_282#0, %add3A_284 : i32
      %sub3A_286 = arith.constant 1 : i32
      %sub3A_287 = arith.subi %add3A_285, %sub3A_286 : i32
      %jit3A_288 = arith.constant 16 : i32
      %div3A = arith.divsi %sub3A_287, %jit3A_288 : i32
      %sign3A = arith.constant 0 : i32
      %sign3A_289 = arith.cmpi sgt, %sub3A_287, %sign3A : i32
      %sign3A_290 = arith.extui %sign3A_289 : i1 to i32
      %sign3A_291 = arith.constant 0 : i32
      %sign3A_292 = arith.cmpi slt, %sub3A_287, %sign3A_291 : i32
      %sign3A_293 = arith.extui %sign3A_292 : i1 to i32
      %sign3A_294 = arith.subi %sign3A_290, %sign3A_293 : i32
      %sign3A_295 = arith.constant 0 : i32
      %sign3A_296 = arith.cmpi sgt, %jit3A_288, %sign3A_295 : i32
      %sign3A_297 = arith.extui %sign3A_296 : i1 to i32
      %sign3A_298 = arith.constant 0 : i32
      %sign3A_299 = arith.cmpi slt, %jit3A_288, %sign3A_298 : i32
      %sign3A_300 = arith.extui %sign3A_299 : i1 to i32
      %sign3A_301 = arith.subi %sign3A_297, %sign3A_300 : i32
      %ne3A = arith.cmpi ne, %sign3A_294, %sign3A_301 : i32
      %rem3A = arith.remsi %sub3A_287, %jit3A_288 : i32
      %ne3A_302 = arith.constant 0 : i32
      %ne3A_303 = arith.cmpi ne, %rem3A, %ne3A_302 : i32
      %and3A = arith.andi %ne3A, %ne3A_303 : i1
      %sub3A_304 = arith.constant 1 : i32
      %sub3A_305 = arith.subi %div3A, %sub3A_304 : i32
      %select_n3A_306 = arith.select %and3A, %sub3A_305, %div3A : i32
      %max3A = arith.constant 43 : i32
      %max3A_307 = arith.maxsi %select_n3A_306, %max3A : i32
      %scan3A_308 = arith.constant 0 : i32
      %scan3A_309 = arith.constant 0 : i32
      %scan3A_310 = arith.constant 256 : i32
      %scan3A_311 = arith.addi %scan3A_309, %scan3A_310 : i32
      %scan3A_312 = arith.constant 1 : i32
      %scan3A_313 = scf.for %scan3A_460 = %scan3A_309 to %scan3A_311 step %scan3A_312 iter_args(%scan3A_461 = %scan3A_308) -> (i32)  : i32 {
        %mul3A_462 = arith.constant 16 : i32
        %mul3A_463 = arith.muli %scan3A_460, %mul3A_462 : i32
        %swap3A = arith.index_cast %mul3A_463 : i32 to index
        %swap3A_464 = tpu.vector_load %arg11[%swap3A] {strides = array<i32>} : memref<4096xi32, #tpu.memory_space<vmem>>, vector<16xi32>,
        tpu.vector_store %arg11[%swap3A], %broadcast_in_dim3A_1 {strides = array<i32>} : memref<4096xi32, #tpu.memory_space<vmem>>, vector<16xi32>,
        %scan3A_465 = arith.constant 0 : i32
        scf.yield %scan3A_465 : i32
      }
      %scan3A_314 = arith.constant 256 : i32
      %while3A_315 = arith.constant 0 : i32
      %while3A_316 = arith.constant 0 : i32
      %while3A_317 = arith.subi %max3A_307, %while3A_315 : i32
      %while3A_318 = arith.addi %while3A_315, %while3A_317 : i32
      %while3A_319 = arith.constant 1 : i32
      %while3A_320 = arith.divsi %while3A_317, %while3A_319 : i32
      %while3A_321 = arith.muli %while3A_320, %while3A_319 : i32
      %while3A_322 = arith.addi %while3A_315, %while3A_321 : i32
      %while3A_323 = arith.constant 1 : i32
      %while3A_324 = scf.for %while3A_460 = %while3A_315 to %while3A_322 step %while3A_323 iter_args(%while3A_461 = %while3A_316) -> (i32)  : i32 {
        %mul3A_462 = vector.broadcast %max3A_307 : i32 to vector<16xi32>
        %mul3A_463 = arith.muli %iota3A, %mul3A_462 : vector<16xi32>
        %add3A_464 = vector.broadcast %while3A_460 : i32 to vector<16xi32>
        %add3A_465 = arith.addi %mul3A_463, %add3A_464 : vector<16xi32>
        %gather3A = tpu.vector_load_idx %arg12[%add3A_465] : memref<3456xi32, #tpu.memory_space<vmem>>[vector<16xi32>], vector<16xi32>,
        %shift_right_logical3A = arith.constant 0 : i32
        %shift_right_logical3A_466 = vector.broadcast %shift_right_logical3A : i32 to vector<16xi32>
        %shift_right_logical3A_467 = arith.shrui %gather3A, %shift_right_logical3A_466 : vector<16xi32>
        %and3A_468 = arith.constant 255 : i32
        %and3A_469 = vector.broadcast %and3A_468 : i32 to vector<16xi32>
        %and3A_470 = arith.andi %shift_right_logical3A_467, %and3A_469 : vector<16xi32>
        %sub3A_471 = arith.constant 255 : i32
        %sub3A_472 = vector.broadcast %sub3A_471 : i32 to vector<16xi32>
        %sub3A_473 = arith.subi %sub3A_472, %and3A_470 : vector<16xi32>
        %mul3A_474 = arith.constant 16 : i32
        %mul3A_475 = vector.broadcast %mul3A_474 : i32 to vector<16xi32>
        %mul3A_476 = arith.muli %sub3A_473, %mul3A_475 : vector<16xi32>
        %add3A_477 = arith.addi %mul3A_476, %iota3A : vector<16xi32>
        tpu.vector_store_idx %arg11[%add3A_477], %broadcast_in_dim3A_3 {add = true} : memref<4096xi32, #tpu.memory_space<vmem>>[vector<16xi32>], vector<16xi32>,
        %while3A_478 = arith.constant 0 : i32
        scf.yield %while3A_478 : i32
      }
      %while3A_325 = arith.constant 1 : i32
      %while3A_326 = scf.for %while3A_460 = %while3A_322 to %while3A_318 step %while3A_325 iter_args(%while3A_461 = %while3A_324) -> (i32)  : i32 {
        %mul3A_462 = vector.broadcast %max3A_307 : i32 to vector<16xi32>
        %mul3A_463 = arith.muli %iota3A, %mul3A_462 : vector<16xi32>
        %add3A_464 = vector.broadcast %while3A_460 : i32 to vector<16xi32>
        %add3A_465 = arith.addi %mul3A_463, %add3A_464 : vector<16xi32>
        %gather3A = tpu.vector_load_idx %arg12[%add3A_465] : memref<3456xi32, #tpu.memory_space<vmem>>[vector<16xi32>], vector<16xi32>,
        %shift_right_logical3A = arith.constant 0 : i32
        %shift_right_logical3A_466 = vector.broadcast %shift_right_logical3A : i32 to vector<16xi32>
        %shift_right_logical3A_467 = arith.shrui %gather3A, %shift_right_logical3A_466 : vector<16xi32>
        %and3A_468 = arith.constant 255 : i32
        %and3A_469 = vector.broadcast %and3A_468 : i32 to vector<16xi32>
        %and3A_470 = arith.andi %shift_right_logical3A_467, %and3A_469 : vector<16xi32>
        %sub3A_471 = arith.constant 255 : i32
        %sub3A_472 = vector.broadcast %sub3A_471 : i32 to vector<16xi32>
        %sub3A_473 = arith.subi %sub3A_472, %and3A_470 : vector<16xi32>
        %mul3A_474 = arith.constant 16 : i32
        %mul3A_475 = vector.broadcast %mul3A_474 : i32 to vector<16xi32>
        %mul3A_476 = arith.muli %sub3A_473, %mul3A_475 : vector<16xi32>
        %add3A_477 = arith.addi %mul3A_476, %iota3A : vector<16xi32>
        tpu.vector_store_idx %arg11[%add3A_477], %broadcast_in_dim3A_3 {add = true} : memref<4096xi32, #tpu.memory_space<vmem>>[vector<16xi32>], vector<16xi32>,
        %while3A_478 = arith.constant 0 : i32
        scf.yield %while3A_478 : i32
      }
      %scan3A_327 = arith.constant 0 : i32
      %scan3A_328 = arith.constant 0 : i32
      %scan3A_329 = arith.constant 256 : i32
      %scan3A_330 = arith.addi %scan3A_328, %scan3A_329 : i32
      %scan3A_331 = arith.constant 1 : i32
      %scan3A_332 = scf.for %scan3A_460 = %scan3A_328 to %scan3A_330 step %scan3A_331 iter_args(%scan3A_461 = %scan3A_327) -> (i32)  : i32 {
        %mul3A_462 = arith.constant 16 : i32
        %mul3A_463 = arith.muli %scan3A_460, %mul3A_462 : i32
        %get3A_464 = arith.index_cast %mul3A_463 : i32 to index
        %get3A_465 = tpu.vector_load %arg11[%get3A_464] {strides = array<i32>} : memref<4096xi32, #tpu.memory_space<vmem>>, vector<16xi32>,
        %broadcast_in_dim3A_466 = arith.constant true
        %broadcast_in_dim3A_467 = vector.broadcast %broadcast_in_dim3A_466 : i1 to vector<16xi1>
        %masked_cumsum3A_468 = tpu.scan <sum>, %get3A_465 masked %broadcast_in_dim3A_467 : vector<16xi32>, vector<16xi1> -> vector<16xi32>
        %add3A_469 = vector.broadcast %scan3A_461 : i32 to vector<16xi32>
        %add3A_470 = arith.addi %add3A_469, %masked_cumsum3A_468 : vector<16xi32>
        %sub3A_471 = arith.subi %add3A_470, %get3A_465 : vector<16xi32>
        %mul3A_472 = arith.constant 16 : i32
        %mul3A_473 = arith.muli %scan3A_460, %mul3A_472 : i32
        %swap3A = arith.index_cast %mul3A_473 : i32 to index
        %swap3A_474 = tpu.vector_load %arg11[%swap3A] {strides = array<i32>} : memref<4096xi32, #tpu.memory_space<vmem>>, vector<16xi32>,
        tpu.vector_store %arg11[%swap3A], %sub3A_471 {strides = array<i32>} : memref<4096xi32, #tpu.memory_space<vmem>>, vector<16xi32>,
        %eq3A_475 = arith.constant 15 : i32
        %eq3A_476 = vector.broadcast %eq3A_475 : i32 to vector<16xi32>
        %eq3A_477 = arith.cmpi eq, %iota3A, %eq3A_476 : vector<16xi32>
        %jit3A_478 = arith.constant 0 : i32
        %broadcast_in_dim3A_479 = vector.broadcast %jit3A_478 : i32 to vector<16xi32>
        %select_n3A_480 = arith.select %eq3A_477, %masked_cumsum3A_468, %broadcast_in_dim3A_479 : vector<16xi1>, vector<16xi32>
        %reduce_sum3A_481 = arith.constant true
        %reduce_sum3A_482 = vector.broadcast %reduce_sum3A_481 : i1 to vector<16xi1>
        %reduce_sum3A_483 = tpu.scan <sum>, %select_n3A_480 masked %reduce_sum3A_482 : vector<16xi32>, vector<16xi1> -> vector<16xi32>
        %reduce_sum3A_484 = vector.extract %reduce_sum3A_483[15] : i32 from vector<16xi32>
        %add3A_485 = arith.addi %scan3A_461, %reduce_sum3A_484 : i32
        scf.yield %add3A_485 : i32
      }
      %scan3A_333 = arith.constant 256 : i32
      %while3A_334 = arith.constant 0 : i32
      %while3A_335 = arith.constant 0 : i32
      %while3A_336 = arith.subi %max3A_307, %while3A_334 : i32
      %while3A_337 = arith.addi %while3A_334, %while3A_336 : i32
      %while3A_338 = arith.constant 1 : i32
      %while3A_339 = arith.divsi %while3A_336, %while3A_338 : i32
      %while3A_340 = arith.muli %while3A_339, %while3A_338 : i32
      %while3A_341 = arith.addi %while3A_334, %while3A_340 : i32
      %while3A_342 = arith.constant 1 : i32
      %while3A_343 = scf.for %while3A_460 = %while3A_334 to %while3A_341 step %while3A_342 iter_args(%while3A_461 = %while3A_335) -> (i32)  : i32 {
        %mul3A_462 = vector.broadcast %max3A_307 : i32 to vector<16xi32>
        %mul3A_463 = arith.muli %iota3A, %mul3A_462 : vector<16xi32>
        %add3A_464 = vector.broadcast %while3A_460 : i32 to vector<16xi32>
        %add3A_465 = arith.addi %mul3A_463, %add3A_464 : vector<16xi32>
        %gather3A = tpu.vector_load_idx %arg12[%add3A_465] : memref<3456xi32, #tpu.memory_space<vmem>>[vector<16xi32>], vector<16xi32>,
        %gather3A_466 = tpu.vector_load_idx %arg13[%add3A_465] : memref<3456xi32, #tpu.memory_space<vmem>>[vector<16xi32>], vector<16xi32>,
        %shift_right_logical3A = arith.constant 0 : i32
        %shift_right_logical3A_467 = vector.broadcast %shift_right_logical3A : i32 to vector<16xi32>
        %shift_right_logical3A_468 = arith.shrui %gather3A, %shift_right_logical3A_467 : vector<16xi32>
        %and3A_469 = arith.constant 255 : i32
        %and3A_470 = vector.broadcast %and3A_469 : i32 to vector<16xi32>
        %and3A_471 = arith.andi %shift_right_logical3A_468, %and3A_470 : vector<16xi32>
        %sub3A_472 = arith.constant 255 : i32
        %sub3A_473 = vector.broadcast %sub3A_472 : i32 to vector<16xi32>
        %sub3A_474 = arith.subi %sub3A_473, %and3A_471 : vector<16xi32>
        %mul3A_475 = arith.constant 16 : i32
        %mul3A_476 = vector.broadcast %mul3A_475 : i32 to vector<16xi32>
        %mul3A_477 = arith.muli %sub3A_474, %mul3A_476 : vector<16xi32>
        %add3A_478 = arith.addi %mul3A_477, %iota3A : vector<16xi32>
        %gather3A_479 = tpu.vector_load_idx %arg11[%add3A_478] : memref<4096xi32, #tpu.memory_space<vmem>>[vector<16xi32>], vector<16xi32>,
        tpu.vector_store_idx %arg14[%gather3A_479], %gather3A : memref<3456xi32, #tpu.memory_space<vmem>>[vector<16xi32>], vector<16xi32>,
        tpu.vector_store_idx %arg15[%gather3A_479], %gather3A_466 : memref<3456xi32, #tpu.memory_space<vmem>>[vector<16xi32>], vector<16xi32>,
        %mul3A_480 = arith.constant 16 : i32
        %mul3A_481 = vector.broadcast %mul3A_480 : i32 to vector<16xi32>
        %mul3A_482 = arith.muli %sub3A_474, %mul3A_481 : vector<16xi32>
        %add3A_483 = arith.addi %mul3A_482, %iota3A : vector<16xi32>
        tpu.vector_store_idx %arg11[%add3A_483], %broadcast_in_dim3A_3 {add = true} : memref<4096xi32, #tpu.memory_space<vmem>>[vector<16xi32>], vector<16xi32>,
        %while3A_484 = arith.constant 0 : i32
        scf.yield %while3A_484 : i32
      }
      %while3A_344 = arith.constant 1 : i32
      %while3A_345 = scf.for %while3A_460 = %while3A_341 to %while3A_337 step %while3A_344 iter_args(%while3A_461 = %while3A_343) -> (i32)  : i32 {
        %mul3A_462 = vector.broadcast %max3A_307 : i32 to vector<16xi32>
        %mul3A_463 = arith.muli %iota3A, %mul3A_462 : vector<16xi32>
        %add3A_464 = vector.broadcast %while3A_460 : i32 to vector<16xi32>
        %add3A_465 = arith.addi %mul3A_463, %add3A_464 : vector<16xi32>
        %gather3A = tpu.vector_load_idx %arg12[%add3A_465] : memref<3456xi32, #tpu.memory_space<vmem>>[vector<16xi32>], vector<16xi32>,
        %gather3A_466 = tpu.vector_load_idx %arg13[%add3A_465] : memref<3456xi32, #tpu.memory_space<vmem>>[vector<16xi32>], vector<16xi32>,
        %shift_right_logical3A = arith.constant 0 : i32
        %shift_right_logical3A_467 = vector.broadcast %shift_right_logical3A : i32 to vector<16xi32>
        %shift_right_logical3A_468 = arith.shrui %gather3A, %shift_right_logical3A_467 : vector<16xi32>
        %and3A_469 = arith.constant 255 : i32
        %and3A_470 = vector.broadcast %and3A_469 : i32 to vector<16xi32>
        %and3A_471 = arith.andi %shift_right_logical3A_468, %and3A_470 : vector<16xi32>
        %sub3A_472 = arith.constant 255 : i32
        %sub3A_473 = vector.broadcast %sub3A_472 : i32 to vector<16xi32>
        %sub3A_474 = arith.subi %sub3A_473, %and3A_471 : vector<16xi32>
        %mul3A_475 = arith.constant 16 : i32
        %mul3A_476 = vector.broadcast %mul3A_475 : i32 to vector<16xi32>
        %mul3A_477 = arith.muli %sub3A_474, %mul3A_476 : vector<16xi32>
        %add3A_478 = arith.addi %mul3A_477, %iota3A : vector<16xi32>
        %gather3A_479 = tpu.vector_load_idx %arg11[%add3A_478] : memref<4096xi32, #tpu.memory_space<vmem>>[vector<16xi32>], vector<16xi32>,
        tpu.vector_store_idx %arg14[%gather3A_479], %gather3A : memref<3456xi32, #tpu.memory_space<vmem>>[vector<16xi32>], vector<16xi32>,
        tpu.vector_store_idx %arg15[%gather3A_479], %gather3A_466 : memref<3456xi32, #tpu.memory_space<vmem>>[vector<16xi32>], vector<16xi32>,
        %mul3A_480 = arith.constant 16 : i32
        %mul3A_481 = vector.broadcast %mul3A_480 : i32 to vector<16xi32>
        %mul3A_482 = arith.muli %sub3A_474, %mul3A_481 : vector<16xi32>
        %add3A_483 = arith.addi %mul3A_482, %iota3A : vector<16xi32>
        tpu.vector_store_idx %arg11[%add3A_483], %broadcast_in_dim3A_3 {add = true} : memref<4096xi32, #tpu.memory_space<vmem>>[vector<16xi32>], vector<16xi32>,
        %while3A_484 = arith.constant 0 : i32
        scf.yield %while3A_484 : i32
      }
      %scan3A_346 = arith.constant 0 : i32
      %scan3A_347 = arith.constant 0 : i32
      %scan3A_348 = arith.constant 256 : i32
      %scan3A_349 = arith.addi %scan3A_347, %scan3A_348 : i32
      %scan3A_350 = arith.constant 1 : i32
      %scan3A_351 = scf.for %scan3A_460 = %scan3A_347 to %scan3A_349 step %scan3A_350 iter_args(%scan3A_461 = %scan3A_346) -> (i32)  : i32 {
        %mul3A_462 = arith.constant 16 : i32
        %mul3A_463 = arith.muli %scan3A_460, %mul3A_462 : i32
        %swap3A = arith.index_cast %mul3A_463 : i32 to index
        %swap3A_464 = tpu.vector_load %arg11[%swap3A] {strides = array<i32>} : memref<4096xi32, #tpu.memory_space<vmem>>, vector<16xi32>,
        tpu.vector_store %arg11[%swap3A], %broadcast_in_dim3A_1 {strides = array<i32>} : memref<4096xi32, #tpu.memory_space<vmem>>, vector<16xi32>,
        %scan3A_465 = arith.constant 0 : i32
        scf.yield %scan3A_465 : i32
      }
      %scan3A_352 = arith.constant 256 : i32
      %while3A_353 = arith.constant 0 : i32
      %while3A_354 = arith.constant 0 : i32
      %while3A_355 = arith.subi %max3A_307, %while3A_353 : i32
      %while3A_356 = arith.addi %while3A_353, %while3A_355 : i32
      %while3A_357 = arith.constant 1 : i32
      %while3A_358 = arith.divsi %while3A_355, %while3A_357 : i32
      %while3A_359 = arith.muli %while3A_358, %while3A_357 : i32
      %while3A_360 = arith.addi %while3A_353, %while3A_359 : i32
      %while3A_361 = arith.constant 1 : i32
      %while3A_362 = scf.for %while3A_460 = %while3A_353 to %while3A_360 step %while3A_361 iter_args(%while3A_461 = %while3A_354) -> (i32)  : i32 {
        %mul3A_462 = vector.broadcast %max3A_307 : i32 to vector<16xi32>
        %mul3A_463 = arith.muli %iota3A, %mul3A_462 : vector<16xi32>
        %add3A_464 = vector.broadcast %while3A_460 : i32 to vector<16xi32>
        %add3A_465 = arith.addi %mul3A_463, %add3A_464 : vector<16xi32>
        %gather3A = tpu.vector_load_idx %arg14[%add3A_465] : memref<3456xi32, #tpu.memory_space<vmem>>[vector<16xi32>], vector<16xi32>,
        %shift_right_logical3A = arith.constant 8 : i32
        %shift_right_logical3A_466 = vector.broadcast %shift_right_logical3A : i32 to vector<16xi32>
        %shift_right_logical3A_467 = arith.shrui %gather3A, %shift_right_logical3A_466 : vector<16xi32>
        %and3A_468 = arith.constant 255 : i32
        %and3A_469 = vector.broadcast %and3A_468 : i32 to vector<16xi32>
        %and3A_470 = arith.andi %shift_right_logical3A_467, %and3A_469 : vector<16xi32>
        %sub3A_471 = arith.constant 255 : i32
        %sub3A_472 = vector.broadcast %sub3A_471 : i32 to vector<16xi32>
        %sub3A_473 = arith.subi %sub3A_472, %and3A_470 : vector<16xi32>
        %mul3A_474 = arith.constant 16 : i32
        %mul3A_475 = vector.broadcast %mul3A_474 : i32 to vector<16xi32>
        %mul3A_476 = arith.muli %sub3A_473, %mul3A_475 : vector<16xi32>
        %add3A_477 = arith.addi %mul3A_476, %iota3A : vector<16xi32>
        tpu.vector_store_idx %arg11[%add3A_477], %broadcast_in_dim3A_3 {add = true} : memref<4096xi32, #tpu.memory_space<vmem>>[vector<16xi32>], vector<16xi32>,
        %while3A_478 = arith.constant 0 : i32
        scf.yield %while3A_478 : i32
      }
      %while3A_363 = arith.constant 1 : i32
      %while3A_364 = scf.for %while3A_460 = %while3A_360 to %while3A_356 step %while3A_363 iter_args(%while3A_461 = %while3A_362) -> (i32)  : i32 {
        %mul3A_462 = vector.broadcast %max3A_307 : i32 to vector<16xi32>
        %mul3A_463 = arith.muli %iota3A, %mul3A_462 : vector<16xi32>
        %add3A_464 = vector.broadcast %while3A_460 : i32 to vector<16xi32>
        %add3A_465 = arith.addi %mul3A_463, %add3A_464 : vector<16xi32>
        %gather3A = tpu.vector_load_idx %arg14[%add3A_465] : memref<3456xi32, #tpu.memory_space<vmem>>[vector<16xi32>], vector<16xi32>,
        %shift_right_logical3A = arith.constant 8 : i32
        %shift_right_logical3A_466 = vector.broadcast %shift_right_logical3A : i32 to vector<16xi32>
        %shift_right_logical3A_467 = arith.shrui %gather3A, %shift_right_logical3A_466 : vector<16xi32>
        %and3A_468 = arith.constant 255 : i32
        %and3A_469 = vector.broadcast %and3A_468 : i32 to vector<16xi32>
        %and3A_470 = arith.andi %shift_right_logical3A_467, %and3A_469 : vector<16xi32>
        %sub3A_471 = arith.constant 255 : i32
        %sub3A_472 = vector.broadcast %sub3A_471 : i32 to vector<16xi32>
        %sub3A_473 = arith.subi %sub3A_472, %and3A_470 : vector<16xi32>
        %mul3A_474 = arith.constant 16 : i32
        %mul3A_475 = vector.broadcast %mul3A_474 : i32 to vector<16xi32>
        %mul3A_476 = arith.muli %sub3A_473, %mul3A_475 : vector<16xi32>
        %add3A_477 = arith.addi %mul3A_476, %iota3A : vector<16xi32>
        tpu.vector_store_idx %arg11[%add3A_477], %broadcast_in_dim3A_3 {add = true} : memref<4096xi32, #tpu.memory_space<vmem>>[vector<16xi32>], vector<16xi32>,
        %while3A_478 = arith.constant 0 : i32
        scf.yield %while3A_478 : i32
      }
      %scan3A_365 = arith.constant 0 : i32
      %scan3A_366 = arith.constant 0 : i32
      %scan3A_367 = arith.constant 256 : i32
      %scan3A_368 = arith.addi %scan3A_366, %scan3A_367 : i32
      %scan3A_369 = arith.constant 1 : i32
      %scan3A_370 = scf.for %scan3A_460 = %scan3A_366 to %scan3A_368 step %scan3A_369 iter_args(%scan3A_461 = %scan3A_365) -> (i32)  : i32 {
        %mul3A_462 = arith.constant 16 : i32
        %mul3A_463 = arith.muli %scan3A_460, %mul3A_462 : i32
        %get3A_464 = arith.index_cast %mul3A_463 : i32 to index
        %get3A_465 = tpu.vector_load %arg11[%get3A_464] {strides = array<i32>} : memref<4096xi32, #tpu.memory_space<vmem>>, vector<16xi32>,
        %broadcast_in_dim3A_466 = arith.constant true
        %broadcast_in_dim3A_467 = vector.broadcast %broadcast_in_dim3A_466 : i1 to vector<16xi1>
        %masked_cumsum3A_468 = tpu.scan <sum>, %get3A_465 masked %broadcast_in_dim3A_467 : vector<16xi32>, vector<16xi1> -> vector<16xi32>
        %add3A_469 = vector.broadcast %scan3A_461 : i32 to vector<16xi32>
        %add3A_470 = arith.addi %add3A_469, %masked_cumsum3A_468 : vector<16xi32>
        %sub3A_471 = arith.subi %add3A_470, %get3A_465 : vector<16xi32>
        %mul3A_472 = arith.constant 16 : i32
        %mul3A_473 = arith.muli %scan3A_460, %mul3A_472 : i32
        %swap3A = arith.index_cast %mul3A_473 : i32 to index
        %swap3A_474 = tpu.vector_load %arg11[%swap3A] {strides = array<i32>} : memref<4096xi32, #tpu.memory_space<vmem>>, vector<16xi32>,
        tpu.vector_store %arg11[%swap3A], %sub3A_471 {strides = array<i32>} : memref<4096xi32, #tpu.memory_space<vmem>>, vector<16xi32>,
        %eq3A_475 = arith.constant 15 : i32
        %eq3A_476 = vector.broadcast %eq3A_475 : i32 to vector<16xi32>
        %eq3A_477 = arith.cmpi eq, %iota3A, %eq3A_476 : vector<16xi32>
        %jit3A_478 = arith.constant 0 : i32
        %broadcast_in_dim3A_479 = vector.broadcast %jit3A_478 : i32 to vector<16xi32>
        %select_n3A_480 = arith.select %eq3A_477, %masked_cumsum3A_468, %broadcast_in_dim3A_479 : vector<16xi1>, vector<16xi32>
        %reduce_sum3A_481 = arith.constant true
        %reduce_sum3A_482 = vector.broadcast %reduce_sum3A_481 : i1 to vector<16xi1>
        %reduce_sum3A_483 = tpu.scan <sum>, %select_n3A_480 masked %reduce_sum3A_482 : vector<16xi32>, vector<16xi1> -> vector<16xi32>
        %reduce_sum3A_484 = vector.extract %reduce_sum3A_483[15] : i32 from vector<16xi32>
        %add3A_485 = arith.addi %scan3A_461, %reduce_sum3A_484 : i32
        scf.yield %add3A_485 : i32
      }
      %scan3A_371 = arith.constant 256 : i32
      %while3A_372 = arith.constant 0 : i32
      %while3A_373 = arith.constant 0 : i32
      %while3A_374 = arith.subi %max3A_307, %while3A_372 : i32
      %while3A_375 = arith.addi %while3A_372, %while3A_374 : i32
      %while3A_376 = arith.constant 1 : i32
      %while3A_377 = arith.divsi %while3A_374, %while3A_376 : i32
      %while3A_378 = arith.muli %while3A_377, %while3A_376 : i32
      %while3A_379 = arith.addi %while3A_372, %while3A_378 : i32
      %while3A_380 = arith.constant 1 : i32
      %while3A_381 = scf.for %while3A_460 = %while3A_372 to %while3A_379 step %while3A_380 iter_args(%while3A_461 = %while3A_373) -> (i32)  : i32 {
        %mul3A_462 = vector.broadcast %max3A_307 : i32 to vector<16xi32>
        %mul3A_463 = arith.muli %iota3A, %mul3A_462 : vector<16xi32>
        %add3A_464 = vector.broadcast %while3A_460 : i32 to vector<16xi32>
        %add3A_465 = arith.addi %mul3A_463, %add3A_464 : vector<16xi32>
        %gather3A = tpu.vector_load_idx %arg14[%add3A_465] : memref<3456xi32, #tpu.memory_space<vmem>>[vector<16xi32>], vector<16xi32>,
        %gather3A_466 = tpu.vector_load_idx %arg15[%add3A_465] : memref<3456xi32, #tpu.memory_space<vmem>>[vector<16xi32>], vector<16xi32>,
        %shift_right_logical3A = arith.constant 8 : i32
        %shift_right_logical3A_467 = vector.broadcast %shift_right_logical3A : i32 to vector<16xi32>
        %shift_right_logical3A_468 = arith.shrui %gather3A, %shift_right_logical3A_467 : vector<16xi32>
        %and3A_469 = arith.constant 255 : i32
        %and3A_470 = vector.broadcast %and3A_469 : i32 to vector<16xi32>
        %and3A_471 = arith.andi %shift_right_logical3A_468, %and3A_470 : vector<16xi32>
        %sub3A_472 = arith.constant 255 : i32
        %sub3A_473 = vector.broadcast %sub3A_472 : i32 to vector<16xi32>
        %sub3A_474 = arith.subi %sub3A_473, %and3A_471 : vector<16xi32>
        %mul3A_475 = arith.constant 16 : i32
        %mul3A_476 = vector.broadcast %mul3A_475 : i32 to vector<16xi32>
        %mul3A_477 = arith.muli %sub3A_474, %mul3A_476 : vector<16xi32>
        %add3A_478 = arith.addi %mul3A_477, %iota3A : vector<16xi32>
        %gather3A_479 = tpu.vector_load_idx %arg11[%add3A_478] : memref<4096xi32, #tpu.memory_space<vmem>>[vector<16xi32>], vector<16xi32>,
        tpu.vector_store_idx %arg12[%gather3A_479], %gather3A : memref<3456xi32, #tpu.memory_space<vmem>>[vector<16xi32>], vector<16xi32>,
        tpu.vector_store_idx %arg13[%gather3A_479], %gather3A_466 : memref<3456xi32, #tpu.memory_space<vmem>>[vector<16xi32>], vector<16xi32>,
        %mul3A_480 = arith.constant 16 : i32
        %mul3A_481 = vector.broadcast %mul3A_480 : i32 to vector<16xi32>
        %mul3A_482 = arith.muli %sub3A_474, %mul3A_481 : vector<16xi32>
        %add3A_483 = arith.addi %mul3A_482, %iota3A : vector<16xi32>
        tpu.vector_store_idx %arg11[%add3A_483], %broadcast_in_dim3A_3 {add = true} : memref<4096xi32, #tpu.memory_space<vmem>>[vector<16xi32>], vector<16xi32>,
        %while3A_484 = arith.constant 0 : i32
        scf.yield %while3A_484 : i32
      }
      %while3A_382 = arith.constant 1 : i32
      %while3A_383 = scf.for %while3A_460 = %while3A_379 to %while3A_375 step %while3A_382 iter_args(%while3A_461 = %while3A_381) -> (i32)  : i32 {
        %mul3A_462 = vector.broadcast %max3A_307 : i32 to vector<16xi32>
        %mul3A_463 = arith.muli %iota3A, %mul3A_462 : vector<16xi32>
        %add3A_464 = vector.broadcast %while3A_460 : i32 to vector<16xi32>
        %add3A_465 = arith.addi %mul3A_463, %add3A_464 : vector<16xi32>
        %gather3A = tpu.vector_load_idx %arg14[%add3A_465] : memref<3456xi32, #tpu.memory_space<vmem>>[vector<16xi32>], vector<16xi32>,
        %gather3A_466 = tpu.vector_load_idx %arg15[%add3A_465] : memref<3456xi32, #tpu.memory_space<vmem>>[vector<16xi32>], vector<16xi32>,
        %shift_right_logical3A = arith.constant 8 : i32
        %shift_right_logical3A_467 = vector.broadcast %shift_right_logical3A : i32 to vector<16xi32>
        %shift_right_logical3A_468 = arith.shrui %gather3A, %shift_right_logical3A_467 : vector<16xi32>
        %and3A_469 = arith.constant 255 : i32
        %and3A_470 = vector.broadcast %and3A_469 : i32 to vector<16xi32>
        %and3A_471 = arith.andi %shift_right_logical3A_468, %and3A_470 : vector<16xi32>
        %sub3A_472 = arith.constant 255 : i32
        %sub3A_473 = vector.broadcast %sub3A_472 : i32 to vector<16xi32>
        %sub3A_474 = arith.subi %sub3A_473, %and3A_471 : vector<16xi32>
        %mul3A_475 = arith.constant 16 : i32
        %mul3A_476 = vector.broadcast %mul3A_475 : i32 to vector<16xi32>
        %mul3A_477 = arith.muli %sub3A_474, %mul3A_476 : vector<16xi32>
        %add3A_478 = arith.addi %mul3A_477, %iota3A : vector<16xi32>
        %gather3A_479 = tpu.vector_load_idx %arg11[%add3A_478] : memref<4096xi32, #tpu.memory_space<vmem>>[vector<16xi32>], vector<16xi32>,
        tpu.vector_store_idx %arg12[%gather3A_479], %gather3A : memref<3456xi32, #tpu.memory_space<vmem>>[vector<16xi32>], vector<16xi32>,
        tpu.vector_store_idx %arg13[%gather3A_479], %gather3A_466 : memref<3456xi32, #tpu.memory_space<vmem>>[vector<16xi32>], vector<16xi32>,
        %mul3A_480 = arith.constant 16 : i32
        %mul3A_481 = vector.broadcast %mul3A_480 : i32 to vector<16xi32>
        %mul3A_482 = arith.muli %sub3A_474, %mul3A_481 : vector<16xi32>
        %add3A_483 = arith.addi %mul3A_482, %iota3A : vector<16xi32>
        tpu.vector_store_idx %arg11[%add3A_483], %broadcast_in_dim3A_3 {add = true} : memref<4096xi32, #tpu.memory_space<vmem>>[vector<16xi32>], vector<16xi32>,
        %while3A_484 = arith.constant 0 : i32
        scf.yield %while3A_484 : i32
      }
      %scan3A_384 = arith.constant 0 : i32
      %scan3A_385 = arith.constant 0 : i32
      %scan3A_386 = arith.constant 256 : i32
      %scan3A_387 = arith.addi %scan3A_385, %scan3A_386 : i32
      %scan3A_388 = arith.constant 1 : i32
      %scan3A_389 = scf.for %scan3A_460 = %scan3A_385 to %scan3A_387 step %scan3A_388 iter_args(%scan3A_461 = %scan3A_384) -> (i32)  : i32 {
        %mul3A_462 = arith.constant 16 : i32
        %mul3A_463 = arith.muli %scan3A_460, %mul3A_462 : i32
        %swap3A = arith.index_cast %mul3A_463 : i32 to index
        %swap3A_464 = tpu.vector_load %arg11[%swap3A] {strides = array<i32>} : memref<4096xi32, #tpu.memory_space<vmem>>, vector<16xi32>,
        tpu.vector_store %arg11[%swap3A], %broadcast_in_dim3A_1 {strides = array<i32>} : memref<4096xi32, #tpu.memory_space<vmem>>, vector<16xi32>,
        %scan3A_465 = arith.constant 0 : i32
        scf.yield %scan3A_465 : i32
      }
      %scan3A_390 = arith.constant 256 : i32
      %while3A_391 = arith.constant 0 : i32
      %while3A_392 = arith.constant 0 : i32
      %while3A_393 = arith.subi %max3A_307, %while3A_391 : i32
      %while3A_394 = arith.addi %while3A_391, %while3A_393 : i32
      %while3A_395 = arith.constant 1 : i32
      %while3A_396 = arith.divsi %while3A_393, %while3A_395 : i32
      %while3A_397 = arith.muli %while3A_396, %while3A_395 : i32
      %while3A_398 = arith.addi %while3A_391, %while3A_397 : i32
      %while3A_399 = arith.constant 1 : i32
      %while3A_400 = scf.for %while3A_460 = %while3A_391 to %while3A_398 step %while3A_399 iter_args(%while3A_461 = %while3A_392) -> (i32)  : i32 {
        %mul3A_462 = vector.broadcast %max3A_307 : i32 to vector<16xi32>
        %mul3A_463 = arith.muli %iota3A, %mul3A_462 : vector<16xi32>
        %add3A_464 = vector.broadcast %while3A_460 : i32 to vector<16xi32>
        %add3A_465 = arith.addi %mul3A_463, %add3A_464 : vector<16xi32>
        %gather3A = tpu.vector_load_idx %arg12[%add3A_465] : memref<3456xi32, #tpu.memory_space<vmem>>[vector<16xi32>], vector<16xi32>,
        %shift_right_logical3A = arith.constant 16 : i32
        %shift_right_logical3A_466 = vector.broadcast %shift_right_logical3A : i32 to vector<16xi32>
        %shift_right_logical3A_467 = arith.shrui %gather3A, %shift_right_logical3A_466 : vector<16xi32>
        %and3A_468 = arith.constant 255 : i32
        %and3A_469 = vector.broadcast %and3A_468 : i32 to vector<16xi32>
        %and3A_470 = arith.andi %shift_right_logical3A_467, %and3A_469 : vector<16xi32>
        %sub3A_471 = arith.constant 255 : i32
        %sub3A_472 = vector.broadcast %sub3A_471 : i32 to vector<16xi32>
        %sub3A_473 = arith.subi %sub3A_472, %and3A_470 : vector<16xi32>
        %mul3A_474 = arith.constant 16 : i32
        %mul3A_475 = vector.broadcast %mul3A_474 : i32 to vector<16xi32>
        %mul3A_476 = arith.muli %sub3A_473, %mul3A_475 : vector<16xi32>
        %add3A_477 = arith.addi %mul3A_476, %iota3A : vector<16xi32>
        tpu.vector_store_idx %arg11[%add3A_477], %broadcast_in_dim3A_3 {add = true} : memref<4096xi32, #tpu.memory_space<vmem>>[vector<16xi32>], vector<16xi32>,
        %while3A_478 = arith.constant 0 : i32
        scf.yield %while3A_478 : i32
      }
      %while3A_401 = arith.constant 1 : i32
      %while3A_402 = scf.for %while3A_460 = %while3A_398 to %while3A_394 step %while3A_401 iter_args(%while3A_461 = %while3A_400) -> (i32)  : i32 {
        %mul3A_462 = vector.broadcast %max3A_307 : i32 to vector<16xi32>
        %mul3A_463 = arith.muli %iota3A, %mul3A_462 : vector<16xi32>
        %add3A_464 = vector.broadcast %while3A_460 : i32 to vector<16xi32>
        %add3A_465 = arith.addi %mul3A_463, %add3A_464 : vector<16xi32>
        %gather3A = tpu.vector_load_idx %arg12[%add3A_465] : memref<3456xi32, #tpu.memory_space<vmem>>[vector<16xi32>], vector<16xi32>,
        %shift_right_logical3A = arith.constant 16 : i32
        %shift_right_logical3A_466 = vector.broadcast %shift_right_logical3A : i32 to vector<16xi32>
        %shift_right_logical3A_467 = arith.shrui %gather3A, %shift_right_logical3A_466 : vector<16xi32>
        %and3A_468 = arith.constant 255 : i32
        %and3A_469 = vector.broadcast %and3A_468 : i32 to vector<16xi32>
        %and3A_470 = arith.andi %shift_right_logical3A_467, %and3A_469 : vector<16xi32>
        %sub3A_471 = arith.constant 255 : i32
        %sub3A_472 = vector.broadcast %sub3A_471 : i32 to vector<16xi32>
        %sub3A_473 = arith.subi %sub3A_472, %and3A_470 : vector<16xi32>
        %mul3A_474 = arith.constant 16 : i32
        %mul3A_475 = vector.broadcast %mul3A_474 : i32 to vector<16xi32>
        %mul3A_476 = arith.muli %sub3A_473, %mul3A_475 : vector<16xi32>
        %add3A_477 = arith.addi %mul3A_476, %iota3A : vector<16xi32>
        tpu.vector_store_idx %arg11[%add3A_477], %broadcast_in_dim3A_3 {add = true} : memref<4096xi32, #tpu.memory_space<vmem>>[vector<16xi32>], vector<16xi32>,
        %while3A_478 = arith.constant 0 : i32
        scf.yield %while3A_478 : i32
      }
      %scan3A_403 = arith.constant 0 : i32
      %scan3A_404 = arith.constant 0 : i32
      %scan3A_405 = arith.constant 256 : i32
      %scan3A_406 = arith.addi %scan3A_404, %scan3A_405 : i32
      %scan3A_407 = arith.constant 1 : i32
      %scan3A_408 = scf.for %scan3A_460 = %scan3A_404 to %scan3A_406 step %scan3A_407 iter_args(%scan3A_461 = %scan3A_403) -> (i32)  : i32 {
        %mul3A_462 = arith.constant 16 : i32
        %mul3A_463 = arith.muli %scan3A_460, %mul3A_462 : i32
        %get3A_464 = arith.index_cast %mul3A_463 : i32 to index
        %get3A_465 = tpu.vector_load %arg11[%get3A_464] {strides = array<i32>} : memref<4096xi32, #tpu.memory_space<vmem>>, vector<16xi32>,
        %broadcast_in_dim3A_466 = arith.constant true
        %broadcast_in_dim3A_467 = vector.broadcast %broadcast_in_dim3A_466 : i1 to vector<16xi1>
        %masked_cumsum3A_468 = tpu.scan <sum>, %get3A_465 masked %broadcast_in_dim3A_467 : vector<16xi32>, vector<16xi1> -> vector<16xi32>
        %add3A_469 = vector.broadcast %scan3A_461 : i32 to vector<16xi32>
        %add3A_470 = arith.addi %add3A_469, %masked_cumsum3A_468 : vector<16xi32>
        %sub3A_471 = arith.subi %add3A_470, %get3A_465 : vector<16xi32>
        %mul3A_472 = arith.constant 16 : i32
        %mul3A_473 = arith.muli %scan3A_460, %mul3A_472 : i32
        %swap3A = arith.index_cast %mul3A_473 : i32 to index
        %swap3A_474 = tpu.vector_load %arg11[%swap3A] {strides = array<i32>} : memref<4096xi32, #tpu.memory_space<vmem>>, vector<16xi32>,
        tpu.vector_store %arg11[%swap3A], %sub3A_471 {strides = array<i32>} : memref<4096xi32, #tpu.memory_space<vmem>>, vector<16xi32>,
        %eq3A_475 = arith.constant 15 : i32
        %eq3A_476 = vector.broadcast %eq3A_475 : i32 to vector<16xi32>
        %eq3A_477 = arith.cmpi eq, %iota3A, %eq3A_476 : vector<16xi32>
        %jit3A_478 = arith.constant 0 : i32
        %broadcast_in_dim3A_479 = vector.broadcast %jit3A_478 : i32 to vector<16xi32>
        %select_n3A_480 = arith.select %eq3A_477, %masked_cumsum3A_468, %broadcast_in_dim3A_479 : vector<16xi1>, vector<16xi32>
        %reduce_sum3A_481 = arith.constant true
        %reduce_sum3A_482 = vector.broadcast %reduce_sum3A_481 : i1 to vector<16xi1>
        %reduce_sum3A_483 = tpu.scan <sum>, %select_n3A_480 masked %reduce_sum3A_482 : vector<16xi32>, vector<16xi1> -> vector<16xi32>
        %reduce_sum3A_484 = vector.extract %reduce_sum3A_483[15] : i32 from vector<16xi32>
        %add3A_485 = arith.addi %scan3A_461, %reduce_sum3A_484 : i32
        scf.yield %add3A_485 : i32
      }
      %scan3A_409 = arith.constant 256 : i32
      %while3A_410 = arith.constant 0 : i32
      %while3A_411 = arith.constant 0 : i32
      %while3A_412 = arith.subi %max3A_307, %while3A_410 : i32
      %while3A_413 = arith.addi %while3A_410, %while3A_412 : i32
      %while3A_414 = arith.constant 1 : i32
      %while3A_415 = arith.divsi %while3A_412, %while3A_414 : i32
      %while3A_416 = arith.muli %while3A_415, %while3A_414 : i32
      %while3A_417 = arith.addi %while3A_410, %while3A_416 : i32
      %while3A_418 = arith.constant 1 : i32
      %while3A_419 = scf.for %while3A_460 = %while3A_410 to %while3A_417 step %while3A_418 iter_args(%while3A_461 = %while3A_411) -> (i32)  : i32 {
        %mul3A_462 = vector.broadcast %max3A_307 : i32 to vector<16xi32>
        %mul3A_463 = arith.muli %iota3A, %mul3A_462 : vector<16xi32>
        %add3A_464 = vector.broadcast %while3A_460 : i32 to vector<16xi32>
        %add3A_465 = arith.addi %mul3A_463, %add3A_464 : vector<16xi32>
        %gather3A = tpu.vector_load_idx %arg12[%add3A_465] : memref<3456xi32, #tpu.memory_space<vmem>>[vector<16xi32>], vector<16xi32>,
        %gather3A_466 = tpu.vector_load_idx %arg13[%add3A_465] : memref<3456xi32, #tpu.memory_space<vmem>>[vector<16xi32>], vector<16xi32>,
        %shift_right_logical3A = arith.constant 16 : i32
        %shift_right_logical3A_467 = vector.broadcast %shift_right_logical3A : i32 to vector<16xi32>
        %shift_right_logical3A_468 = arith.shrui %gather3A, %shift_right_logical3A_467 : vector<16xi32>
        %and3A_469 = arith.constant 255 : i32
        %and3A_470 = vector.broadcast %and3A_469 : i32 to vector<16xi32>
        %and3A_471 = arith.andi %shift_right_logical3A_468, %and3A_470 : vector<16xi32>
        %sub3A_472 = arith.constant 255 : i32
        %sub3A_473 = vector.broadcast %sub3A_472 : i32 to vector<16xi32>
        %sub3A_474 = arith.subi %sub3A_473, %and3A_471 : vector<16xi32>
        %mul3A_475 = arith.constant 16 : i32
        %mul3A_476 = vector.broadcast %mul3A_475 : i32 to vector<16xi32>
        %mul3A_477 = arith.muli %sub3A_474, %mul3A_476 : vector<16xi32>
        %add3A_478 = arith.addi %mul3A_477, %iota3A : vector<16xi32>
        %gather3A_479 = tpu.vector_load_idx %arg11[%add3A_478] : memref<4096xi32, #tpu.memory_space<vmem>>[vector<16xi32>], vector<16xi32>,
        tpu.vector_store_idx %arg14[%gather3A_479], %gather3A : memref<3456xi32, #tpu.memory_space<vmem>>[vector<16xi32>], vector<16xi32>,
        tpu.vector_store_idx %arg15[%gather3A_479], %gather3A_466 : memref<3456xi32, #tpu.memory_space<vmem>>[vector<16xi32>], vector<16xi32>,
        %mul3A_480 = arith.constant 16 : i32
        %mul3A_481 = vector.broadcast %mul3A_480 : i32 to vector<16xi32>
        %mul3A_482 = arith.muli %sub3A_474, %mul3A_481 : vector<16xi32>
        %add3A_483 = arith.addi %mul3A_482, %iota3A : vector<16xi32>
        tpu.vector_store_idx %arg11[%add3A_483], %broadcast_in_dim3A_3 {add = true} : memref<4096xi32, #tpu.memory_space<vmem>>[vector<16xi32>], vector<16xi32>,
        %while3A_484 = arith.constant 0 : i32
        scf.yield %while3A_484 : i32
      }
      %while3A_420 = arith.constant 1 : i32
      %while3A_421 = scf.for %while3A_460 = %while3A_417 to %while3A_413 step %while3A_420 iter_args(%while3A_461 = %while3A_419) -> (i32)  : i32 {
        %mul3A_462 = vector.broadcast %max3A_307 : i32 to vector<16xi32>
        %mul3A_463 = arith.muli %iota3A, %mul3A_462 : vector<16xi32>
        %add3A_464 = vector.broadcast %while3A_460 : i32 to vector<16xi32>
        %add3A_465 = arith.addi %mul3A_463, %add3A_464 : vector<16xi32>
        %gather3A = tpu.vector_load_idx %arg12[%add3A_465] : memref<3456xi32, #tpu.memory_space<vmem>>[vector<16xi32>], vector<16xi32>,
        %gather3A_466 = tpu.vector_load_idx %arg13[%add3A_465] : memref<3456xi32, #tpu.memory_space<vmem>>[vector<16xi32>], vector<16xi32>,
        %shift_right_logical3A = arith.constant 16 : i32
        %shift_right_logical3A_467 = vector.broadcast %shift_right_logical3A : i32 to vector<16xi32>
        %shift_right_logical3A_468 = arith.shrui %gather3A, %shift_right_logical3A_467 : vector<16xi32>
        %and3A_469 = arith.constant 255 : i32
        %and3A_470 = vector.broadcast %and3A_469 : i32 to vector<16xi32>
        %and3A_471 = arith.andi %shift_right_logical3A_468, %and3A_470 : vector<16xi32>
        %sub3A_472 = arith.constant 255 : i32
        %sub3A_473 = vector.broadcast %sub3A_472 : i32 to vector<16xi32>
        %sub3A_474 = arith.subi %sub3A_473, %and3A_471 : vector<16xi32>
        %mul3A_475 = arith.constant 16 : i32
        %mul3A_476 = vector.broadcast %mul3A_475 : i32 to vector<16xi32>
        %mul3A_477 = arith.muli %sub3A_474, %mul3A_476 : vector<16xi32>
        %add3A_478 = arith.addi %mul3A_477, %iota3A : vector<16xi32>
        %gather3A_479 = tpu.vector_load_idx %arg11[%add3A_478] : memref<4096xi32, #tpu.memory_space<vmem>>[vector<16xi32>], vector<16xi32>,
        tpu.vector_store_idx %arg14[%gather3A_479], %gather3A : memref<3456xi32, #tpu.memory_space<vmem>>[vector<16xi32>], vector<16xi32>,
        tpu.vector_store_idx %arg15[%gather3A_479], %gather3A_466 : memref<3456xi32, #tpu.memory_space<vmem>>[vector<16xi32>], vector<16xi32>,
        %mul3A_480 = arith.constant 16 : i32
        %mul3A_481 = vector.broadcast %mul3A_480 : i32 to vector<16xi32>
        %mul3A_482 = arith.muli %sub3A_474, %mul3A_481 : vector<16xi32>
        %add3A_483 = arith.addi %mul3A_482, %iota3A : vector<16xi32>
        tpu.vector_store_idx %arg11[%add3A_483], %broadcast_in_dim3A_3 {add = true} : memref<4096xi32, #tpu.memory_space<vmem>>[vector<16xi32>], vector<16xi32>,
        %while3A_484 = arith.constant 0 : i32
        scf.yield %while3A_484 : i32
      }
      %scan3A_422 = arith.constant 0 : i32
      %scan3A_423 = arith.constant 0 : i32
      %scan3A_424 = arith.constant 256 : i32
      %scan3A_425 = arith.addi %scan3A_423, %scan3A_424 : i32
      %scan3A_426 = arith.constant 1 : i32
      %scan3A_427 = scf.for %scan3A_460 = %scan3A_423 to %scan3A_425 step %scan3A_426 iter_args(%scan3A_461 = %scan3A_422) -> (i32)  : i32 {
        %mul3A_462 = arith.constant 16 : i32
        %mul3A_463 = arith.muli %scan3A_460, %mul3A_462 : i32
        %swap3A = arith.index_cast %mul3A_463 : i32 to index
        %swap3A_464 = tpu.vector_load %arg11[%swap3A] {strides = array<i32>} : memref<4096xi32, #tpu.memory_space<vmem>>, vector<16xi32>,
        tpu.vector_store %arg11[%swap3A], %broadcast_in_dim3A_1 {strides = array<i32>} : memref<4096xi32, #tpu.memory_space<vmem>>, vector<16xi32>,
        %scan3A_465 = arith.constant 0 : i32
        scf.yield %scan3A_465 : i32
      }
      %scan3A_428 = arith.constant 256 : i32
      %while3A_429 = arith.constant 0 : i32
      %while3A_430 = arith.constant 0 : i32
      %while3A_431 = arith.subi %max3A_307, %while3A_429 : i32
      %while3A_432 = arith.addi %while3A_429, %while3A_431 : i32
      %while3A_433 = arith.constant 1 : i32
      %while3A_434 = arith.divsi %while3A_431, %while3A_433 : i32
      %while3A_435 = arith.muli %while3A_434, %while3A_433 : i32
      %while3A_436 = arith.addi %while3A_429, %while3A_435 : i32
      %while3A_437 = arith.constant 1 : i32
      %while3A_438 = scf.for %while3A_460 = %while3A_429 to %while3A_436 step %while3A_437 iter_args(%while3A_461 = %while3A_430) -> (i32)  : i32 {
        %mul3A_462 = vector.broadcast %max3A_307 : i32 to vector<16xi32>
        %mul3A_463 = arith.muli %iota3A, %mul3A_462 : vector<16xi32>
        %add3A_464 = vector.broadcast %while3A_460 : i32 to vector<16xi32>
        %add3A_465 = arith.addi %mul3A_463, %add3A_464 : vector<16xi32>
        %gather3A = tpu.vector_load_idx %arg14[%add3A_465] : memref<3456xi32, #tpu.memory_space<vmem>>[vector<16xi32>], vector<16xi32>,
        %shift_right_logical3A = arith.constant 24 : i32
        %shift_right_logical3A_466 = vector.broadcast %shift_right_logical3A : i32 to vector<16xi32>
        %shift_right_logical3A_467 = arith.shrui %gather3A, %shift_right_logical3A_466 : vector<16xi32>
        %and3A_468 = arith.constant 255 : i32
        %and3A_469 = vector.broadcast %and3A_468 : i32 to vector<16xi32>
        %and3A_470 = arith.andi %shift_right_logical3A_467, %and3A_469 : vector<16xi32>
        %sub3A_471 = arith.constant 255 : i32
        %sub3A_472 = vector.broadcast %sub3A_471 : i32 to vector<16xi32>
        %sub3A_473 = arith.subi %sub3A_472, %and3A_470 : vector<16xi32>
        %mul3A_474 = arith.constant 16 : i32
        %mul3A_475 = vector.broadcast %mul3A_474 : i32 to vector<16xi32>
        %mul3A_476 = arith.muli %sub3A_473, %mul3A_475 : vector<16xi32>
        %add3A_477 = arith.addi %mul3A_476, %iota3A : vector<16xi32>
        tpu.vector_store_idx %arg11[%add3A_477], %broadcast_in_dim3A_3 {add = true} : memref<4096xi32, #tpu.memory_space<vmem>>[vector<16xi32>], vector<16xi32>,
        %while3A_478 = arith.constant 0 : i32
        scf.yield %while3A_478 : i32
      }
      %while3A_439 = arith.constant 1 : i32
      %while3A_440 = scf.for %while3A_460 = %while3A_436 to %while3A_432 step %while3A_439 iter_args(%while3A_461 = %while3A_438) -> (i32)  : i32 {
        %mul3A_462 = vector.broadcast %max3A_307 : i32 to vector<16xi32>
        %mul3A_463 = arith.muli %iota3A, %mul3A_462 : vector<16xi32>
        %add3A_464 = vector.broadcast %while3A_460 : i32 to vector<16xi32>
        %add3A_465 = arith.addi %mul3A_463, %add3A_464 : vector<16xi32>
        %gather3A = tpu.vector_load_idx %arg14[%add3A_465] : memref<3456xi32, #tpu.memory_space<vmem>>[vector<16xi32>], vector<16xi32>,
        %shift_right_logical3A = arith.constant 24 : i32
        %shift_right_logical3A_466 = vector.broadcast %shift_right_logical3A : i32 to vector<16xi32>
        %shift_right_logical3A_467 = arith.shrui %gather3A, %shift_right_logical3A_466 : vector<16xi32>
        %and3A_468 = arith.constant 255 : i32
        %and3A_469 = vector.broadcast %and3A_468 : i32 to vector<16xi32>
        %and3A_470 = arith.andi %shift_right_logical3A_467, %and3A_469 : vector<16xi32>
        %sub3A_471 = arith.constant 255 : i32
        %sub3A_472 = vector.broadcast %sub3A_471 : i32 to vector<16xi32>
        %sub3A_473 = arith.subi %sub3A_472, %and3A_470 : vector<16xi32>
        %mul3A_474 = arith.constant 16 : i32
        %mul3A_475 = vector.broadcast %mul3A_474 : i32 to vector<16xi32>
        %mul3A_476 = arith.muli %sub3A_473, %mul3A_475 : vector<16xi32>
        %add3A_477 = arith.addi %mul3A_476, %iota3A : vector<16xi32>
        tpu.vector_store_idx %arg11[%add3A_477], %broadcast_in_dim3A_3 {add = true} : memref<4096xi32, #tpu.memory_space<vmem>>[vector<16xi32>], vector<16xi32>,
        %while3A_478 = arith.constant 0 : i32
        scf.yield %while3A_478 : i32
      }
      %scan3A_441 = arith.constant 0 : i32
      %scan3A_442 = arith.constant 0 : i32
      %scan3A_443 = arith.constant 256 : i32
      %scan3A_444 = arith.addi %scan3A_442, %scan3A_443 : i32
      %scan3A_445 = arith.constant 1 : i32
      %scan3A_446 = scf.for %scan3A_460 = %scan3A_442 to %scan3A_444 step %scan3A_445 iter_args(%scan3A_461 = %scan3A_441) -> (i32)  : i32 {
        %mul3A_462 = arith.constant 16 : i32
        %mul3A_463 = arith.muli %scan3A_460, %mul3A_462 : i32
        %get3A_464 = arith.index_cast %mul3A_463 : i32 to index
        %get3A_465 = tpu.vector_load %arg11[%get3A_464] {strides = array<i32>} : memref<4096xi32, #tpu.memory_space<vmem>>, vector<16xi32>,
        %broadcast_in_dim3A_466 = arith.constant true
        %broadcast_in_dim3A_467 = vector.broadcast %broadcast_in_dim3A_466 : i1 to vector<16xi1>
        %masked_cumsum3A_468 = tpu.scan <sum>, %get3A_465 masked %broadcast_in_dim3A_467 : vector<16xi32>, vector<16xi1> -> vector<16xi32>
        %add3A_469 = vector.broadcast %scan3A_461 : i32 to vector<16xi32>
        %add3A_470 = arith.addi %add3A_469, %masked_cumsum3A_468 : vector<16xi32>
        %sub3A_471 = arith.subi %add3A_470, %get3A_465 : vector<16xi32>
        %mul3A_472 = arith.constant 16 : i32
        %mul3A_473 = arith.muli %scan3A_460, %mul3A_472 : i32
        %swap3A = arith.index_cast %mul3A_473 : i32 to index
        %swap3A_474 = tpu.vector_load %arg11[%swap3A] {strides = array<i32>} : memref<4096xi32, #tpu.memory_space<vmem>>, vector<16xi32>,
        tpu.vector_store %arg11[%swap3A], %sub3A_471 {strides = array<i32>} : memref<4096xi32, #tpu.memory_space<vmem>>, vector<16xi32>,
        %eq3A_475 = arith.constant 15 : i32
        %eq3A_476 = vector.broadcast %eq3A_475 : i32 to vector<16xi32>
        %eq3A_477 = arith.cmpi eq, %iota3A, %eq3A_476 : vector<16xi32>
        %jit3A_478 = arith.constant 0 : i32
        %broadcast_in_dim3A_479 = vector.broadcast %jit3A_478 : i32 to vector<16xi32>
        %select_n3A_480 = arith.select %eq3A_477, %masked_cumsum3A_468, %broadcast_in_dim3A_479 : vector<16xi1>, vector<16xi32>
        %reduce_sum3A_481 = arith.constant true
        %reduce_sum3A_482 = vector.broadcast %reduce_sum3A_481 : i1 to vector<16xi1>
        %reduce_sum3A_483 = tpu.scan <sum>, %select_n3A_480 masked %reduce_sum3A_482 : vector<16xi32>, vector<16xi1> -> vector<16xi32>
        %reduce_sum3A_484 = vector.extract %reduce_sum3A_483[15] : i32 from vector<16xi32>
        %add3A_485 = arith.addi %scan3A_461, %reduce_sum3A_484 : i32
        scf.yield %add3A_485 : i32
      }
      %scan3A_447 = arith.constant 256 : i32
      %while3A_448 = arith.constant 0 : i32
      %while3A_449 = arith.constant 0 : i32
      %while3A_450 = arith.subi %max3A_307, %while3A_448 : i32
      %while3A_451 = arith.addi %while3A_448, %while3A_450 : i32
      %while3A_452 = arith.constant 1 : i32
      %while3A_453 = arith.divsi %while3A_450, %while3A_452 : i32
      %while3A_454 = arith.muli %while3A_453, %while3A_452 : i32
      %while3A_455 = arith.addi %while3A_448, %while3A_454 : i32
      %while3A_456 = arith.constant 1 : i32
      %while3A_457 = scf.for %while3A_460 = %while3A_448 to %while3A_455 step %while3A_456 iter_args(%while3A_461 = %while3A_449) -> (i32)  : i32 {
        %mul3A_462 = vector.broadcast %max3A_307 : i32 to vector<16xi32>
        %mul3A_463 = arith.muli %iota3A, %mul3A_462 : vector<16xi32>
        %add3A_464 = vector.broadcast %while3A_460 : i32 to vector<16xi32>
        %add3A_465 = arith.addi %mul3A_463, %add3A_464 : vector<16xi32>
        %gather3A = tpu.vector_load_idx %arg14[%add3A_465] : memref<3456xi32, #tpu.memory_space<vmem>>[vector<16xi32>], vector<16xi32>,
        %gather3A_466 = tpu.vector_load_idx %arg15[%add3A_465] : memref<3456xi32, #tpu.memory_space<vmem>>[vector<16xi32>], vector<16xi32>,
        %shift_right_logical3A = arith.constant 24 : i32
        %shift_right_logical3A_467 = vector.broadcast %shift_right_logical3A : i32 to vector<16xi32>
        %shift_right_logical3A_468 = arith.shrui %gather3A, %shift_right_logical3A_467 : vector<16xi32>
        %and3A_469 = arith.constant 255 : i32
        %and3A_470 = vector.broadcast %and3A_469 : i32 to vector<16xi32>
        %and3A_471 = arith.andi %shift_right_logical3A_468, %and3A_470 : vector<16xi32>
        %sub3A_472 = arith.constant 255 : i32
        %sub3A_473 = vector.broadcast %sub3A_472 : i32 to vector<16xi32>
        %sub3A_474 = arith.subi %sub3A_473, %and3A_471 : vector<16xi32>
        %mul3A_475 = arith.constant 16 : i32
        %mul3A_476 = vector.broadcast %mul3A_475 : i32 to vector<16xi32>
        %mul3A_477 = arith.muli %sub3A_474, %mul3A_476 : vector<16xi32>
        %add3A_478 = arith.addi %mul3A_477, %iota3A : vector<16xi32>
        %gather3A_479 = tpu.vector_load_idx %arg11[%add3A_478] : memref<4096xi32, #tpu.memory_space<vmem>>[vector<16xi32>], vector<16xi32>,
        tpu.vector_store_idx %arg12[%gather3A_479], %gather3A : memref<3456xi32, #tpu.memory_space<vmem>>[vector<16xi32>], vector<16xi32>,
        tpu.vector_store_idx %arg13[%gather3A_479], %gather3A_466 : memref<3456xi32, #tpu.memory_space<vmem>>[vector<16xi32>], vector<16xi32>,
        %mul3A_480 = arith.constant 16 : i32
        %mul3A_481 = vector.broadcast %mul3A_480 : i32 to vector<16xi32>
        %mul3A_482 = arith.muli %sub3A_474, %mul3A_481 : vector<16xi32>
        %add3A_483 = arith.addi %mul3A_482, %iota3A : vector<16xi32>
        tpu.vector_store_idx %arg11[%add3A_483], %broadcast_in_dim3A_3 {add = true} : memref<4096xi32, #tpu.memory_space<vmem>>[vector<16xi32>], vector<16xi32>,
        %while3A_484 = arith.constant 0 : i32
        scf.yield %while3A_484 : i32
      }
      %while3A_458 = arith.constant 1 : i32
      %while3A_459 = scf.for %while3A_460 = %while3A_455 to %while3A_451 step %while3A_458 iter_args(%while3A_461 = %while3A_457) -> (i32)  : i32 {
        %mul3A_462 = vector.broadcast %max3A_307 : i32 to vector<16xi32>
        %mul3A_463 = arith.muli %iota3A, %mul3A_462 : vector<16xi32>
        %add3A_464 = vector.broadcast %while3A_460 : i32 to vector<16xi32>
        %add3A_465 = arith.addi %mul3A_463, %add3A_464 : vector<16xi32>
        %gather3A = tpu.vector_load_idx %arg14[%add3A_465] : memref<3456xi32, #tpu.memory_space<vmem>>[vector<16xi32>], vector<16xi32>,
        %gather3A_466 = tpu.vector_load_idx %arg15[%add3A_465] : memref<3456xi32, #tpu.memory_space<vmem>>[vector<16xi32>], vector<16xi32>,
        %shift_right_logical3A = arith.constant 24 : i32
        %shift_right_logical3A_467 = vector.broadcast %shift_right_logical3A : i32 to vector<16xi32>
        %shift_right_logical3A_468 = arith.shrui %gather3A, %shift_right_logical3A_467 : vector<16xi32>
        %and3A_469 = arith.constant 255 : i32
        %and3A_470 = vector.broadcast %and3A_469 : i32 to vector<16xi32>
        %and3A_471 = arith.andi %shift_right_logical3A_468, %and3A_470 : vector<16xi32>
        %sub3A_472 = arith.constant 255 : i32
        %sub3A_473 = vector.broadcast %sub3A_472 : i32 to vector<16xi32>
        %sub3A_474 = arith.subi %sub3A_473, %and3A_471 : vector<16xi32>
        %mul3A_475 = arith.constant 16 : i32
        %mul3A_476 = vector.broadcast %mul3A_475 : i32 to vector<16xi32>
        %mul3A_477 = arith.muli %sub3A_474, %mul3A_476 : vector<16xi32>
        %add3A_478 = arith.addi %mul3A_477, %iota3A : vector<16xi32>
        %gather3A_479 = tpu.vector_load_idx %arg11[%add3A_478] : memref<4096xi32, #tpu.memory_space<vmem>>[vector<16xi32>], vector<16xi32>,
        tpu.vector_store_idx %arg12[%gather3A_479], %gather3A : memref<3456xi32, #tpu.memory_space<vmem>>[vector<16xi32>], vector<16xi32>,
        tpu.vector_store_idx %arg13[%gather3A_479], %gather3A_466 : memref<3456xi32, #tpu.memory_space<vmem>>[vector<16xi32>], vector<16xi32>,
        %mul3A_480 = arith.constant 16 : i32
        %mul3A_481 = vector.broadcast %mul3A_480 : i32 to vector<16xi32>
        %mul3A_482 = arith.muli %sub3A_474, %mul3A_481 : vector<16xi32>
        %add3A_483 = arith.addi %mul3A_482, %iota3A : vector<16xi32>
        tpu.vector_store_idx %arg11[%add3A_483], %broadcast_in_dim3A_3 {add = true} : memref<4096xi32, #tpu.memory_space<vmem>>[vector<16xi32>], vector<16xi32>,
        %while3A_484 = arith.constant 0 : i32
        scf.yield %while3A_484 : i32
      }
    } else {
    }
    "tpu.region"() ({
      %run_scoped3A = tpu.sem_alloc : memref<!tpu.dma_semaphore, #tpu.memory_space<semaphore_mem>>
      %dma_start3A_129 = arith.constant 0 : i32
      %dma_start3A_130 = tpu.memref_slice %arg3[%add3A, %dma_start3A_129] : memref<32x10240xf32, #tpu.memory_space<hbm>> -> memref<1x10240xf32, #tpu.memory_space<hbm>>
      %dma_start3A_131 = tpu.memref_squeeze %dma_start3A_130 : memref<1x10240xf32, #tpu.memory_space<hbm>> -> memref<10240xf32, #tpu.memory_space<hbm>>
      %dma_start3A_132 = arith.constant 0 : i32
      %dma_start3A_133 = tpu.memref_slice %arg3[%add3A, %dma_start3A_132] : memref<32x10240xf32, #tpu.memory_space<hbm>> -> memref<1x10240xf32, #tpu.memory_space<hbm>>
      %dma_start3A_134 = tpu.memref_squeeze %dma_start3A_133 : memref<1x10240xf32, #tpu.memory_space<hbm>> -> memref<10240xf32, #tpu.memory_space<hbm>>
      tpu.enqueue_dma source(%dma_start3A_134 : memref<10240xf32, #tpu.memory_space<hbm>>) target(%arg16 : memref<10240xf32, #tpu.memory_space<vmem>>) target_semaphore(%run_scoped3A : memref<!tpu.dma_semaphore, #tpu.memory_space<semaphore_mem>>)
      %dma_wait3A = arith.constant 0 : i32
      %dma_wait3A_135 = tpu.memref_slice %arg3[%add3A, %dma_wait3A] : memref<32x10240xf32, #tpu.memory_space<hbm>> -> memref<1x10240xf32, #tpu.memory_space<hbm>>
      %dma_wait3A_136 = tpu.memref_squeeze %dma_wait3A_135 : memref<1x10240xf32, #tpu.memory_space<hbm>> -> memref<10240xf32, #tpu.memory_space<hbm>>
      %dma_wait3A_137 = arith.constant 0 : i32
      %dma_wait3A_138 = tpu.memref_slice %arg3[%add3A, %dma_wait3A_137] : memref<32x10240xf32, #tpu.memory_space<hbm>> -> memref<1x10240xf32, #tpu.memory_space<hbm>>
      %dma_wait3A_139 = tpu.memref_squeeze %dma_wait3A_138 : memref<1x10240xf32, #tpu.memory_space<hbm>> -> memref<10240xf32, #tpu.memory_space<hbm>>
      tpu.wait_dma2 semaphore(%run_scoped3A : memref<!tpu.dma_semaphore, #tpu.memory_space<semaphore_mem>>) src(%dma_wait3A_139 : memref<10240xf32, #tpu.memory_space<hbm>>) dst(%arg16 : memref<10240xf32, #tpu.memory_space<vmem>>)
      tpu.yield
    }) : () -> ()
    "tpu.region"() ({
      %run_scoped3A = tpu.sem_alloc : memref<!tpu.dma_semaphore, #tpu.memory_space<semaphore_mem>>
      %dma_start3A_129 = arith.constant 0 : i32
      %dma_start3A_130 = tpu.memref_slice %arg4[%add3A, %dma_start3A_129] : memref<32x16xf32, #tpu.memory_space<hbm>> -> memref<1x16xf32, #tpu.memory_space<hbm>>
      %dma_start3A_131 = tpu.memref_squeeze %dma_start3A_130 : memref<1x16xf32, #tpu.memory_space<hbm>> -> memref<16xf32, #tpu.memory_space<hbm>>
      %dma_start3A_132 = arith.constant 0 : i32
      %dma_start3A_133 = tpu.memref_slice %arg4[%add3A, %dma_start3A_132] : memref<32x16xf32, #tpu.memory_space<hbm>> -> memref<1x16xf32, #tpu.memory_space<hbm>>
      %dma_start3A_134 = tpu.memref_squeeze %dma_start3A_133 : memref<1x16xf32, #tpu.memory_space<hbm>> -> memref<16xf32, #tpu.memory_space<hbm>>
      tpu.enqueue_dma source(%dma_start3A_134 : memref<16xf32, #tpu.memory_space<hbm>>) target(%arg20 : memref<16xf32, #tpu.memory_space<vmem>>) target_semaphore(%run_scoped3A : memref<!tpu.dma_semaphore, #tpu.memory_space<semaphore_mem>>)
      %dma_wait3A = arith.constant 0 : i32
      %dma_wait3A_135 = tpu.memref_slice %arg4[%add3A, %dma_wait3A] : memref<32x16xf32, #tpu.memory_space<hbm>> -> memref<1x16xf32, #tpu.memory_space<hbm>>
      %dma_wait3A_136 = tpu.memref_squeeze %dma_wait3A_135 : memref<1x16xf32, #tpu.memory_space<hbm>> -> memref<16xf32, #tpu.memory_space<hbm>>
      %dma_wait3A_137 = arith.constant 0 : i32
      %dma_wait3A_138 = tpu.memref_slice %arg4[%add3A, %dma_wait3A_137] : memref<32x16xf32, #tpu.memory_space<hbm>> -> memref<1x16xf32, #tpu.memory_space<hbm>>
      %dma_wait3A_139 = tpu.memref_squeeze %dma_wait3A_138 : memref<1x16xf32, #tpu.memory_space<hbm>> -> memref<16xf32, #tpu.memory_space<hbm>>
      tpu.wait_dma2 semaphore(%run_scoped3A : memref<!tpu.dma_semaphore, #tpu.memory_space<semaphore_mem>>) src(%dma_wait3A_139 : memref<16xf32, #tpu.memory_space<hbm>>) dst(%arg20 : memref<16xf32, #tpu.memory_space<vmem>>)
      tpu.yield
    }) : () -> ()
    %get3A_97 = arith.constant 0 : index
    %get3A_98 = tpu.vector_load %arg20[%get3A_97] {strides = array<i32>} : memref<16xf32, #tpu.memory_space<vmem>>, vector<16xf32>,
    %eq3A_99 = arith.constant 0 : i32
    %eq3A_100 = vector.broadcast %eq3A_99 : i32 to vector<16xi32>
    %eq3A_101 = arith.cmpi eq, %iota3A, %eq3A_100 : vector<16xi32>
    %jit3A_102 = arith.constant 0.000000e+00 : f32
    %broadcast_in_dim3A_103 = vector.broadcast %jit3A_102 : f32 to vector<16xf32>
    %select_n3A_104 = arith.select %eq3A_101, %get3A_98, %broadcast_in_dim3A_103 : vector<16xi1>, vector<16xf32>
    %reduce_sum3A_105 = arith.constant true
    %reduce_sum3A_106 = vector.broadcast %reduce_sum3A_105 : i1 to vector<16xi1>
    %reduce_sum3A_107 = tpu.scan <sum>, %select_n3A_104 masked %reduce_sum3A_106 : vector<16xf32>, vector<16xi1> -> vector<16xf32>
    %reduce_sum3A_108 = vector.extract %reduce_sum3A_107[15] : f32 from vector<16xf32>
    %eq3A_109 = arith.constant 1 : i32
    %eq3A_110 = vector.broadcast %eq3A_109 : i32 to vector<16xi32>
    %eq3A_111 = arith.cmpi eq, %iota3A, %eq3A_110 : vector<16xi32>
    %jit3A_112 = arith.constant 0.000000e+00 : f32
    %broadcast_in_dim3A_113 = vector.broadcast %jit3A_112 : f32 to vector<16xf32>
    %select_n3A_114 = arith.select %eq3A_111, %get3A_98, %broadcast_in_dim3A_113 : vector<16xi1>, vector<16xf32>
    %reduce_sum3A_115 = arith.constant true
    %reduce_sum3A_116 = vector.broadcast %reduce_sum3A_115 : i1 to vector<16xi1>
    %reduce_sum3A_117 = tpu.scan <sum>, %select_n3A_114 masked %reduce_sum3A_116 : vector<16xf32>, vector<16xi1> -> vector<16xf32>
    %reduce_sum3A_118 = vector.extract %reduce_sum3A_117[15] : f32 from vector<16xf32>
    %scan3A_119 = arith.constant 1.500000e+02 : f32
    %scan3A_120 = arith.constant 2.000000e+00 : f32
    %scan3A_121 = arith.constant 1.000000e+01 : f32
    %scan3A_122 = arith.constant 0 : i32
    %scan3A_123 = arith.constant 0 : i32
    %scan3A_124 = arith.constant 43 : i32
    %scan3A_125 = arith.addi %scan3A_123, %scan3A_124 : i32
    %scan3A_126 = arith.constant 1 : i32
    %scan3A_127 = scf.for %scan3A_129 = %scan3A_123 to %scan3A_125 step %scan3A_126 iter_args(%scan3A_130 = %scan3A_122) -> (i32)  : i32 {
      %mul3A_131 = arith.constant 16 : i32
      %mul3A_132 = arith.muli %scan3A_129, %mul3A_131 : i32
      %get3A_133 = arith.index_cast %mul3A_132 : i32 to index
      %get3A_134 = tpu.vector_load %arg12[%get3A_133] {strides = array<i32>} : memref<3456xi32, #tpu.memory_space<vmem>>, vector<16xi32>,
      %mul3A_135 = arith.constant 16 : i32
      %mul3A_136 = arith.muli %scan3A_129, %mul3A_135 : i32
      %get3A_137 = arith.index_cast %mul3A_136 : i32 to index
      %get3A_138 = tpu.vector_load %arg13[%get3A_137] {strides = array<i32>} : memref<3456xi32, #tpu.memory_space<vmem>>, vector<16xi32>,
      %bitcast3A = vector.bitcast %get3A_134 : vector<16xi32> to vector<16xf32>
      %mul3A_139 = arith.constant 16 : i32
      %mul3A_140 = arith.muli %scan3A_129, %mul3A_139 : i32
      %swap3A = arith.index_cast %mul3A_140 : i32 to index
      %swap3A_141 = tpu.vector_load %arg19[%swap3A] {strides = array<i32>} : memref<688xf32, #tpu.memory_space<vmem>>, vector<16xf32>,
      tpu.vector_store %arg19[%swap3A], %bitcast3A {strides = array<i32>} : memref<688xf32, #tpu.memory_space<vmem>>, vector<16xf32>,
      %and3A = arith.constant 255 : i32
      %and3A_142 = vector.broadcast %and3A : i32 to vector<16xi32>
      %and3A_143 = arith.andi %get3A_138, %and3A_142 : vector<16xi32>
      %mul3A_144 = arith.constant 16 : i32
      %mul3A_145 = arith.muli %scan3A_129, %mul3A_144 : i32
      %swap3A_146 = arith.index_cast %mul3A_145 : i32 to index
      %swap3A_147 = tpu.vector_load %arg18[%swap3A_146] {strides = array<i32>} : memref<688xi32, #tpu.memory_space<vmem>>, vector<16xi32>,
      tpu.vector_store %arg18[%swap3A_146], %and3A_143 {strides = array<i32>} : memref<688xi32, #tpu.memory_space<vmem>>, vector<16xi32>,
      %shift_right_logical3A = arith.constant 8 : i32
      %shift_right_logical3A_148 = vector.broadcast %shift_right_logical3A : i32 to vector<16xi32>
      %shift_right_logical3A_149 = arith.shrui %get3A_138, %shift_right_logical3A_148 : vector<16xi32>
      %mul3A_150 = arith.constant 5 : i32
      %mul3A_151 = vector.broadcast %mul3A_150 : i32 to vector<16xi32>
      %mul3A_152 = arith.muli %shift_right_logical3A_149, %mul3A_151 : vector<16xi32>
      %mul3A_153 = arith.constant 16 : i32
      %mul3A_154 = arith.muli %scan3A_129, %mul3A_153 : i32
      %add3A_155 = vector.broadcast %mul3A_154 : i32 to vector<16xi32>
      %add3A_156 = arith.addi %add3A_155, %iota3A : vector<16xi32>
      %mul3A_157 = arith.constant 5 : i32
      %mul3A_158 = vector.broadcast %mul3A_157 : i32 to vector<16xi32>
      %mul3A_159 = arith.muli %add3A_156, %mul3A_158 : vector<16xi32>
      %add3A_160 = arith.constant 0 : i32
      %add3A_161 = vector.broadcast %add3A_160 : i32 to vector<16xi32>
      %add3A_162 = arith.addi %mul3A_152, %add3A_161 : vector<16xi32>
      %gather3A = tpu.vector_load_idx %arg16[%add3A_162] : memref<10240xf32, #tpu.memory_space<vmem>>[vector<16xi32>], vector<16xf32>,
      %add3A_163 = arith.constant 0 : i32
      %add3A_164 = vector.broadcast %add3A_163 : i32 to vector<16xi32>
      %add3A_165 = arith.addi %mul3A_159, %add3A_164 : vector<16xi32>
      %mul3A_166 = vector.broadcast %reduce_sum3A_108 : f32 to vector<16xf32>
      %mul3A_167 = arith.mulf %gather3A, %mul3A_166 : vector<16xf32>
      %add3A_168 = arith.constant 0.000000e+00 : f32
      %add3A_169 = vector.broadcast %add3A_168 : f32 to vector<16xf32>
      %add3A_170 = arith.addf %mul3A_167, %add3A_169 : vector<16xf32>
      tpu.vector_store_idx %arg17[%add3A_165], %add3A_170 : memref<3440xf32, #tpu.memory_space<vmem>>[vector<16xi32>], vector<16xf32>,
      %add3A_171 = arith.constant 1 : i32
      %add3A_172 = vector.broadcast %add3A_171 : i32 to vector<16xi32>
      %add3A_173 = arith.addi %mul3A_152, %add3A_172 : vector<16xi32>
      %gather3A_174 = tpu.vector_load_idx %arg16[%add3A_173] : memref<10240xf32, #tpu.memory_space<vmem>>[vector<16xi32>], vector<16xf32>,
      %add3A_175 = arith.constant 1 : i32
      %add3A_176 = vector.broadcast %add3A_175 : i32 to vector<16xi32>
      %add3A_177 = arith.addi %mul3A_159, %add3A_176 : vector<16xi32>
      %mul3A_178 = vector.broadcast %reduce_sum3A_118 : f32 to vector<16xf32>
      %mul3A_179 = arith.mulf %gather3A_174, %mul3A_178 : vector<16xf32>
      %add3A_180 = arith.constant 0.000000e+00 : f32
      %add3A_181 = vector.broadcast %add3A_180 : f32 to vector<16xf32>
      %add3A_182 = arith.addf %mul3A_179, %add3A_181 : vector<16xf32>
      tpu.vector_store_idx %arg17[%add3A_177], %add3A_182 : memref<3440xf32, #tpu.memory_space<vmem>>[vector<16xi32>], vector<16xf32>,
      %add3A_183 = arith.constant 2 : i32
      %add3A_184 = vector.broadcast %add3A_183 : i32 to vector<16xi32>
      %add3A_185 = arith.addi %mul3A_152, %add3A_184 : vector<16xi32>
      %gather3A_186 = tpu.vector_load_idx %arg16[%add3A_185] : memref<10240xf32, #tpu.memory_space<vmem>>[vector<16xi32>], vector<16xf32>,
      %add3A_187 = arith.constant 2 : i32
      %add3A_188 = vector.broadcast %add3A_187 : i32 to vector<16xi32>
      %add3A_189 = arith.addi %mul3A_159, %add3A_188 : vector<16xi32>
      %mul3A_190 = vector.broadcast %scan3A_119 : f32 to vector<16xf32>
      %mul3A_191 = arith.mulf %gather3A_186, %mul3A_190 : vector<16xf32>
      %add3A_192 = arith.constant 0.000000e+00 : f32
      %add3A_193 = vector.broadcast %add3A_192 : f32 to vector<16xf32>
      %add3A_194 = arith.addf %mul3A_191, %add3A_193 : vector<16xf32>
      tpu.vector_store_idx %arg17[%add3A_189], %add3A_194 : memref<3440xf32, #tpu.memory_space<vmem>>[vector<16xi32>], vector<16xf32>,
      %add3A_195 = arith.constant 3 : i32
      %add3A_196 = vector.broadcast %add3A_195 : i32 to vector<16xi32>
      %add3A_197 = arith.addi %mul3A_152, %add3A_196 : vector<16xi32>
      %gather3A_198 = tpu.vector_load_idx %arg16[%add3A_197] : memref<10240xf32, #tpu.memory_space<vmem>>[vector<16xi32>], vector<16xf32>,
      %add3A_199 = arith.constant 3 : i32
      %add3A_200 = vector.broadcast %add3A_199 : i32 to vector<16xi32>
      %add3A_201 = arith.addi %mul3A_159, %add3A_200 : vector<16xi32>
      %mul3A_202 = vector.broadcast %scan3A_120 : f32 to vector<16xf32>
      %mul3A_203 = arith.mulf %gather3A_198, %mul3A_202 : vector<16xf32>
      %add3A_204 = arith.constant -1.000000e+00 : f32
      %add3A_205 = vector.broadcast %add3A_204 : f32 to vector<16xf32>
      %add3A_206 = arith.addf %mul3A_203, %add3A_205 : vector<16xf32>
      tpu.vector_store_idx %arg17[%add3A_201], %add3A_206 : memref<3440xf32, #tpu.memory_space<vmem>>[vector<16xi32>], vector<16xf32>,
      %add3A_207 = arith.constant 4 : i32
      %add3A_208 = vector.broadcast %add3A_207 : i32 to vector<16xi32>
      %add3A_209 = arith.addi %mul3A_152, %add3A_208 : vector<16xi32>
      %gather3A_210 = tpu.vector_load_idx %arg16[%add3A_209] : memref<10240xf32, #tpu.memory_space<vmem>>[vector<16xi32>], vector<16xf32>,
      %add3A_211 = arith.constant 4 : i32
      %add3A_212 = vector.broadcast %add3A_211 : i32 to vector<16xi32>
      %add3A_213 = arith.addi %mul3A_159, %add3A_212 : vector<16xi32>
      %mul3A_214 = vector.broadcast %scan3A_121 : f32 to vector<16xf32>
      %mul3A_215 = arith.mulf %gather3A_210, %mul3A_214 : vector<16xf32>
      %add3A_216 = arith.constant 0.000000e+00 : f32
      %add3A_217 = vector.broadcast %add3A_216 : f32 to vector<16xf32>
      %add3A_218 = arith.addf %mul3A_215, %add3A_217 : vector<16xf32>
      tpu.vector_store_idx %arg17[%add3A_213], %add3A_218 : memref<3440xf32, #tpu.memory_space<vmem>>[vector<16xi32>], vector<16xf32>,
      %scan3A_219 = arith.constant 0 : i32
      scf.yield %scan3A_219 : i32
    }
    %scan3A_128 = arith.constant 43 : i32
    "tpu.region"() ({
      %run_scoped3A = tpu.sem_alloc : memref<!tpu.dma_semaphore, #tpu.memory_space<semaphore_mem>>
      %dma_start3A_129 = arith.constant 0 : i32
      %dma_start3A_130 = tpu.memref_slice %arg7[%add3A, %dma_start3A_129] : memref<32x688xf32, #tpu.memory_space<hbm>> -> memref<1x688xf32, #tpu.memory_space<hbm>>
      %dma_start3A_131 = tpu.memref_squeeze %dma_start3A_130 : memref<1x688xf32, #tpu.memory_space<hbm>> -> memref<688xf32, #tpu.memory_space<hbm>>
      %dma_start3A_132 = arith.constant 0 : i32
      %dma_start3A_133 = tpu.memref_slice %arg7[%add3A, %dma_start3A_132] : memref<32x688xf32, #tpu.memory_space<hbm>> -> memref<1x688xf32, #tpu.memory_space<hbm>>
      %dma_start3A_134 = tpu.memref_squeeze %dma_start3A_133 : memref<1x688xf32, #tpu.memory_space<hbm>> -> memref<688xf32, #tpu.memory_space<hbm>>
      tpu.enqueue_dma source(%arg19 : memref<688xf32, #tpu.memory_space<vmem>>) target(%dma_start3A_134 : memref<688xf32, #tpu.memory_space<hbm>>) target_semaphore(%run_scoped3A : memref<!tpu.dma_semaphore, #tpu.memory_space<semaphore_mem>>)
      %dma_wait3A = arith.constant 0 : i32
      %dma_wait3A_135 = tpu.memref_slice %arg7[%add3A, %dma_wait3A] : memref<32x688xf32, #tpu.memory_space<hbm>> -> memref<1x688xf32, #tpu.memory_space<hbm>>
      %dma_wait3A_136 = tpu.memref_squeeze %dma_wait3A_135 : memref<1x688xf32, #tpu.memory_space<hbm>> -> memref<688xf32, #tpu.memory_space<hbm>>
      %dma_wait3A_137 = arith.constant 0 : i32
      %dma_wait3A_138 = tpu.memref_slice %arg7[%add3A, %dma_wait3A_137] : memref<32x688xf32, #tpu.memory_space<hbm>> -> memref<1x688xf32, #tpu.memory_space<hbm>>
      %dma_wait3A_139 = tpu.memref_squeeze %dma_wait3A_138 : memref<1x688xf32, #tpu.memory_space<hbm>> -> memref<688xf32, #tpu.memory_space<hbm>>
      tpu.wait_dma2 semaphore(%run_scoped3A : memref<!tpu.dma_semaphore, #tpu.memory_space<semaphore_mem>>) src(%arg19 : memref<688xf32, #tpu.memory_space<vmem>>) dst(%dma_wait3A_139 : memref<688xf32, #tpu.memory_space<hbm>>)
      tpu.yield
    }) : () -> ()
    "tpu.region"() ({
      %run_scoped3A = tpu.sem_alloc : memref<!tpu.dma_semaphore, #tpu.memory_space<semaphore_mem>>
      %dma_start3A_129 = arith.constant 0 : i32
      %dma_start3A_130 = tpu.memref_slice %arg6[%add3A, %dma_start3A_129] : memref<32x688xi32, #tpu.memory_space<hbm>> -> memref<1x688xi32, #tpu.memory_space<hbm>>
      %dma_start3A_131 = tpu.memref_squeeze %dma_start3A_130 : memref<1x688xi32, #tpu.memory_space<hbm>> -> memref<688xi32, #tpu.memory_space<hbm>>
      %dma_start3A_132 = arith.constant 0 : i32
      %dma_start3A_133 = tpu.memref_slice %arg6[%add3A, %dma_start3A_132] : memref<32x688xi32, #tpu.memory_space<hbm>> -> memref<1x688xi32, #tpu.memory_space<hbm>>
      %dma_start3A_134 = tpu.memref_squeeze %dma_start3A_133 : memref<1x688xi32, #tpu.memory_space<hbm>> -> memref<688xi32, #tpu.memory_space<hbm>>
      tpu.enqueue_dma source(%arg18 : memref<688xi32, #tpu.memory_space<vmem>>) target(%dma_start3A_134 : memref<688xi32, #tpu.memory_space<hbm>>) target_semaphore(%run_scoped3A : memref<!tpu.dma_semaphore, #tpu.memory_space<semaphore_mem>>)
      %dma_wait3A = arith.constant 0 : i32
      %dma_wait3A_135 = tpu.memref_slice %arg6[%add3A, %dma_wait3A] : memref<32x688xi32, #tpu.memory_space<hbm>> -> memref<1x688xi32, #tpu.memory_space<hbm>>
      %dma_wait3A_136 = tpu.memref_squeeze %dma_wait3A_135 : memref<1x688xi32, #tpu.memory_space<hbm>> -> memref<688xi32, #tpu.memory_space<hbm>>
      %dma_wait3A_137 = arith.constant 0 : i32
      %dma_wait3A_138 = tpu.memref_slice %arg6[%add3A, %dma_wait3A_137] : memref<32x688xi32, #tpu.memory_space<hbm>> -> memref<1x688xi32, #tpu.memory_space<hbm>>
      %dma_wait3A_139 = tpu.memref_squeeze %dma_wait3A_138 : memref<1x688xi32, #tpu.memory_space<hbm>> -> memref<688xi32, #tpu.memory_space<hbm>>
      tpu.wait_dma2 semaphore(%run_scoped3A : memref<!tpu.dma_semaphore, #tpu.memory_space<semaphore_mem>>) src(%arg18 : memref<688xi32, #tpu.memory_space<vmem>>) dst(%dma_wait3A_139 : memref<688xi32, #tpu.memory_space<hbm>>)
      tpu.yield
    }) : () -> ()
    "tpu.region"() ({
      %run_scoped3A = tpu.sem_alloc : memref<!tpu.dma_semaphore, #tpu.memory_space<semaphore_mem>>
      %dma_start3A_129 = arith.constant 0 : i32
      %dma_start3A_130 = tpu.memref_slice %arg5[%add3A, %dma_start3A_129] : memref<32x3440xf32, #tpu.memory_space<hbm>> -> memref<1x3440xf32, #tpu.memory_space<hbm>>
      %dma_start3A_131 = tpu.memref_squeeze %dma_start3A_130 : memref<1x3440xf32, #tpu.memory_space<hbm>> -> memref<3440xf32, #tpu.memory_space<hbm>>
      %dma_start3A_132 = arith.constant 0 : i32
      %dma_start3A_133 = tpu.memref_slice %arg5[%add3A, %dma_start3A_132] : memref<32x3440xf32, #tpu.memory_space<hbm>> -> memref<1x3440xf32, #tpu.memory_space<hbm>>
      %dma_start3A_134 = tpu.memref_squeeze %dma_start3A_133 : memref<1x3440xf32, #tpu.memory_space<hbm>> -> memref<3440xf32, #tpu.memory_space<hbm>>
      tpu.enqueue_dma source(%arg17 : memref<3440xf32, #tpu.memory_space<vmem>>) target(%dma_start3A_134 : memref<3440xf32, #tpu.memory_space<hbm>>) target_semaphore(%run_scoped3A : memref<!tpu.dma_semaphore, #tpu.memory_space<semaphore_mem>>)
      %dma_wait3A = arith.constant 0 : i32
      %dma_wait3A_135 = tpu.memref_slice %arg5[%add3A, %dma_wait3A] : memref<32x3440xf32, #tpu.memory_space<hbm>> -> memref<1x3440xf32, #tpu.memory_space<hbm>>
      %dma_wait3A_136 = tpu.memref_squeeze %dma_wait3A_135 : memref<1x3440xf32, #tpu.memory_space<hbm>> -> memref<3440xf32, #tpu.memory_space<hbm>>
      %dma_wait3A_137 = arith.constant 0 : i32
      %dma_wait3A_138 = tpu.memref_slice %arg5[%add3A, %dma_wait3A_137] : memref<32x3440xf32, #tpu.memory_space<hbm>> -> memref<1x3440xf32, #tpu.memory_space<hbm>>
      %dma_wait3A_139 = tpu.memref_squeeze %dma_wait3A_138 : memref<1x3440xf32, #tpu.memory_space<hbm>> -> memref<3440xf32, #tpu.memory_space<hbm>>
      tpu.wait_dma2 semaphore(%run_scoped3A : memref<!tpu.dma_semaphore, #tpu.memory_space<semaphore_mem>>) src(%arg17 : memref<3440xf32, #tpu.memory_space<vmem>>) dst(%dma_wait3A_139 : memref<3440xf32, #tpu.memory_space<hbm>>)
      tpu.yield
    }) : () -> ()
    return
  }
}

</mosaic_0001>

<sc_bundles>
// kernel: kernel.3.cloned.1.call-start
scs
__scs_entry_jumppad:
0x0: {  	(pc) =	sbr.rel $0x88, $3  }
0x1: {  	(tag) =	ssettag $0x0;
	lr =	simm.s32 $0x1  }
0x2: {  	[smem:$0x3F9E] =	sst lr;
	_ =	strace $0xD0000000  }
0x3: {  	_ = 	snop  }
0x4: {  	_ = 	snop  }
0x5: {  	_ = 	snop  }
0x6: {  	_ = 	snop  }
0x7: {  	_ = 	snop  }
__scs_overlays_trampoline_lowered:
0x8: {  	[smem:$0x3FAD] =	sst s0  }
0x9: {  	[smem:$0x3FAE] =	sst s1  }
0xa: {  	[smem:$0x3FAF] =	sst s2  }
0xb: {  	[smem:$0x3FB0] =	sst s3  }
0xc: {  	[smem:$0x3FB1] =	sst s4  }
0xd: {  	[smem:$0x3FB2] =	sst s5  }
0xe: {  	[smem:$0x3FB3] =	sst s6  }
0xf: {  	[smem:$0x3FB4] =	sst s7  }
0x10: {  	[smem:$0x3FB5] =	sst s8  }
0x11: {  	[smem:$0x3FB6] =	sst s9;
	s0 =	simm.s32 @!p0 $0x0  }
0x12: {  	s1 =	sld [smem:$0x3F9C];
	s0 =	simm.s32 @p0 $0x1  }
0x13: {  	[smem:$0x3FB7] =	sst s0;
	s0 =	simm.s32 @!p1 $0x0  }
0x14: {  	s2 =	sld [smem:$0x3F9B];
	s0 =	simm.s32 @p1 $0x1  }
0x15: {  	[smem:$0x3FB8] =	sst s0;
	s0 =	simm.s32 @!p2 $0x0  }
0x16: {  	s3 =	sld [smem:$0x3FDB];
	s0 =	simm.s32 @p2 $0x1  }
0x17: {  	s4 =	simm.s32 $0x1BF5;
	[smem:$0x3FBA] =	sst s0  }
0x18: {  	s0 =	sld [smem:$0x3F9D];
	_ =	swait.ge [sflag:s4], $0x0  }
0x19: {  	s7 =	sld [smem:$0x3F9E]  }
0x1a: {  	s8 =	sadd.s32 $0xFFFFE003, lr  }
0x1b: {  	s9 =	sadd.s32 $0xFFFFFEF7, lr;
	s5 =	simm.s32 $0xFFFFFFFF;
	p2 =	slt.u32 s8, $0xFFFFF086  }
0x1c: {  	p1 =	slt.u32 s9, $0xF7A;
	s5 =	simm.s32 @!p2 $0x0  }
0x1d: {  	s5 =	simm.s32 @p1 $0x1;
	p0 =	seq.s32 s7, s2  }
0x1e: {  	s7 =	smul.u32 @!p0 $0xF7A, s2;
	p2 =	seq.s32 @!p0 s5, $0x0  }
0x1f: {  	s9 =	smul.u32 $0xF7A, s1;
	s8 =	simm.s32 @!p0 $0x1BF5;
	p2 =	por !p2, p0  }
0x20: {  	[sflag:s8] =	ssyncset.s32 @!p0 $0xFFFFF086;
	s6 =	sadd.s32 @!p0 s3, s7;
	s7 =	simm.s32 @!p0 $0x108  }
0x21: {  	s3 =	sadd.s32 s3, s9;
	s6 =	sadd.s32 @!p0 $0x88, s6;
	s7 =	simm.s32 @p2 $0x1082  }
0x22: {  	[simem:s7], [sflag:s8] =	dma.local @!p0 [hbm:s6], $0xF7A  }
0x23: {  	s9 =	sor.u32 $0xD0000000, s2;
	s6 =	simm.s32 $0x108;
	_ =	swait.ge @!p0 [sflag:s8], $0x0  }
0x24: {  	s3 =	sadd.s32 $0x88, s3;
	s6 =	simm.s32 @!p1 $0x1082;
	[sflag:s4] =	ssyncset.s32 $0xFFFFF086  }
0x25: {  	[simem:s6], [sflag:s4] =	dma.local [hbm:s3], $0xF7A  }
0x26: {  	[smem:$0x3F9E] =	sst s1;
	(tag) =	ssettag s2;
	_ =	strace s9  }
0x27: {  	s1 =	sld [smem:$0x3FAE]  }
0x28: {  	s2 =	sld [smem:$0x3FAF]  }
0x29: {  	s4 =	sld [smem:$0x3FB1]  }
0x2a: {  	p0 =	seq.s32 s5, $0x0;
	s5 =	sld [smem:$0x3FB2]  }
0x2b: {  	s6 =	sld [smem:$0x3FB3]  }
0x2c: {  	s7 =	sld [smem:$0x3FB4]  }
0x2d: {  	s3 =	simm.s32 $0x108;
	s8 =	sld [smem:$0x3FB5]  }
0x2e: {  	s3 =	simm.s32 @!p0 $0x1082;
	s9 =	sld [smem:$0x3FB6]  }
0x2f: {  	lr =	sadd.s32 s0, s3;
	s0 =	sld [smem:$0x3FAD]  }
0x30: {  	s3 =	sld [smem:$0x3FB0]  }
0x31: {  	[smem:$0x3FB9] =	sst s10  }
0x32: {  	s10 =	sld [smem:$0x3FB7];
	_ =	sdelay $0x3  }
0x33: {  	p0 =	seq.s32 s10, $0x1;
	s10 =	sld [smem:$0x3FB9];
	_ =	sdelay $0x3  }
0x34: {  	[smem:$0x3FB9] =	sst s10  }
0x35: {  	s10 =	sld [smem:$0x3FB8];
	_ =	sdelay $0x3  }
0x36: {  	p1 =	seq.s32 s10, $0x1;
	s10 =	sld [smem:$0x3FB9];
	_ =	sdelay $0x3  }
0x37: {  	[smem:$0x3FB9] =	sst s10  }
0x38: {  	s10 =	sld [smem:$0x3FBA]  }
0x39: {  	_ = 	snop;
	(pc) =	sbr.ind lr, $3  }
0x3a: {  	_ = 	snop  }
0x3b: {  	_ = 	snop  }
0x3c: {  	p2 =	seq.s32 s10, $0x1;
	s10 =	sld [smem:$0x3FB9]  }
0x3d: {  	_ =	shalt  }
0x3e: {  	_ =	shalt  }
0x3f: {  	_ =	shalt  }
0x40: {  	_ =	shalt  }
0x41: {  	_ =	shalt  }
0x42: {  	_ =	shalt  }
0x43: {  	_ =	shalt  }
0x44: {  	_ =	shalt  }
0x45: {  	_ =	shalt  }
0x46: {  	_ =	shalt  }
0x47: {  	_ =	shalt  }
0x48: {  	_ =	shalt  }
0x49: {  	_ =	shalt  }
0x4a: {  	_ =	shalt  }
0x4b: {  	_ =	shalt  }
0x4c: {  	_ =	shalt  }
0x4d: {  	_ =	shalt  }
0x4e: {  	_ =	shalt  }
0x4f: {  	_ =	shalt  }
0x50: {  	_ =	shalt  }
0x51: {  	_ =	shalt  }
0x52: {  	_ =	shalt  }
0x53: {  	_ =	shalt  }
0x54: {  	_ =	shalt  }
0x55: {  	_ =	shalt  }
0x56: {  	_ =	shalt  }
0x57: {  	_ =	shalt  }
0x58: {  	_ =	shalt  }
0x59: {  	_ =	shalt  }
0x5a: {  	_ =	shalt  }
0x5b: {  	_ =	shalt  }
0x5c: {  	_ =	shalt  }
0x5d: {  	_ =	shalt  }
0x5e: {  	_ =	shalt  }
0x5f: {  	_ =	shalt  }
0x60: {  	_ =	shalt  }
0x61: {  	_ =	shalt  }
0x62: {  	_ =	shalt  }
0x63: {  	_ =	shalt  }
0x64: {  	_ =	shalt  }
0x65: {  	_ =	shalt  }
0x66: {  	_ =	shalt  }
0x67: {  	_ =	shalt  }
0x68: {  	_ =	shalt  }
0x69: {  	_ =	shalt  }
0x6a: {  	_ =	shalt  }
0x6b: {  	_ =	shalt  }
0x6c: {  	_ =	shalt  }
0x6d: {  	_ =	shalt  }
0x6e: {  	_ =	shalt  }
0x6f: {  	_ =	shalt  }
0x70: {  	_ =	shalt  }
0x71: {  	_ =	shalt  }
0x72: {  	_ =	shalt  }
0x73: {  	_ =	shalt  }
0x74: {  	_ =	shalt  }
0x75: {  	_ =	shalt  }
0x76: {  	_ =	shalt  }
0x77: {  	_ =	shalt  }
0x78: {  	_ =	shalt  }
0x79: {  	_ =	shalt  }
0x7a: {  	_ =	shalt  }
0x7b: {  	_ =	shalt  }
0x7c: {  	_ =	shalt  }
0x7d: {  	_ =	shalt  }
0x7e: {  	_ =	shalt  }
0x7f: {  	_ =	shalt  }
0x80: {  	_ =	shalt  }
0x81: {  	_ =	shalt  }
0x82: {  	_ =	shalt  }
0x83: {  	_ =	shalt  }
0x84: {  	_ =	shalt  }
0x85: {  	_ =	shalt  }
0x86: {  	_ =	shalt  }
0x87: {  	_ =	shalt  }
.Lfunc_end0:
.L_simem_size_0:
called_computation.1_lowered:
.L_overlay_start_0:
0x88: {  	s2 =	sld [smem:$0x3FD9]  }
0x89: {  	s3 =	sld [smem:$0x3FFE];
	_ =	sdelay $0x1  }
0x8a: {  	s1 =	srdreg.scid  }
0x8b: {  	s0 =	sand.u32 $0x1, s1  }
0x8c: {  	s14 =	sshll.u32 s0, $0xA;
	s2 =	sadd.s32 s3, s2  }
0x8d: {  	s2 =	sadd.s32 s2, s14  }
0x8e: {  	[smem:$0x3FC5] =	sst s2  }
0x8f: {  	_ = 	snop  }
0x90: {  	s2 =	sld [smem:$0x3FD0];
	_ =	sdelay $0x2  }
0x91: {  	s15 =	simm.s32 $0xA;
	s4 =	simm.s32 $0x10  }
0x92: {  	[smem:s4], [sflag:s15] =	dma.local [hbm:s2], $0x1  }
0x93: {  	_ =	swait.eq [sflag:s15], $0x1  }
0x94: {  	s16 =	sld [smem:$0x10];
	[sflag:s15] =	ssyncset.done $0x0  }
0x95: {  	s17 =	sld [smem:$0x11];
	[sflag:s15] =	ssyncadd.s32 $0xFFFFFFFF  }
0x96: {  	s18 =	sld [smem:$0x12];
	(tm) =	ssettm $0x1  }
0x97: {  	s5 =	sld [smem:$0x3FFB];
	_ =	sdelay $0x3  }
0x98: {  	_ =	strace s5  }
0x99: {  	s5 =	sld [smem:$0x3FFC];
	_ =	sdelay $0x3  }
0x9a: {  	_ =	strace s5  }
0x9b: {  	s5 =	sld [smem:$0x3FFD];
	_ =	sdelay $0x3  }
0x9c: {  	_ =	strace s5  }
0x9d: {  	_ =	strace $0x8FFFFFFF  }
0x9e: {  	s19 =	sld [smem:$0x3FDB];
	_ =	sdelay $0x1  }
0x9f: {  	s6 =	simm.s32 $_scs_section_size  }
0xa0: {  	s7 =	simm.s32 $_size__tile_overlayer_lowered;
	s8 =	simm.s32 $_tile_overlayer_lowered  }
0xa1: {  	s22 =	simm.s32 $0x1BFF;
	s21 =	sshll.u32 s8, $0x1;
	s5 =	sadd.s32 s6, s19  }
0xa2: {  	s9 =	simm.s32 $0x0;
	s20 =	sshll.u32 s7, $0x1;
	s7 =	sadd.s32 s21, s5  }
0xa3: {  	[timem:s9], [sflag:s22] =	dma.local [hbm:s7], s20  }
0xa4: {  	_ =	swait.ge [sflag:s22], s20  }
0xa5: {  	s6 =	ssub.s32 $0x0, s20;
	[sflag:s22] =	ssyncset.done $0x0  }
0xa6: {  	[sflag:s22] =	ssyncadd.s32 s6;
	_ =	sdelay $0x1  }
0xa7: {  	s23 =	simm.s32 $0x1B8B  }
0xa8: {  	_ =	swait.ge [sflag:s23], $0x1  }
0xa9: {  	[sflag:s23] =	ssyncset.done $0x0  }
0xaa: {  	s25 =	simm.s32 $0x1B8E;
	s24 =	sld [smem:$0x3FFE];
	[sflag:s23] =	ssyncadd.s32 $0xFFFFFFFF  }
0xab: {  	s26 =	simm.s32 $execute0_lowered;
	[smem:$0x3FD2] =	sst s25  }
0xac: {  	s7 =	sshll.u32 s26, $0x1;
	_ =	strace $0x80000049;
	[dreg:$0x1] =	wrdreg $0xFFFFFFFF  }
0xad: {  	s28 =	simm.s32 $_size_execute0_lowered;
	s5 =	sadd.s32 s5, s7;
	[dreg:$0x0] =	wrdreg $0x0  }
0xae: {  	s7 =	sshll.u32 s28, $0x1;
	[dreg:$0x2] =	wrdreg s5  }
0xaf: {  	[dreg:$0x3] =	wrdreg s7  }
0xb0: {  	[dreg:$0x4] =	wrdreg $0xC0  }
0xb1: {  	_ =	task [dreg:s9], $0x5FFFF  }
0xb2: {  	[dreg:$0x1] =	wrdreg $0xFFFFFFFF  }
0xb3: {  	[dreg:$0x0] =	wrdreg $0x60  }
0xb4: {  	[dreg:$0x2] =	wrdreg s24  }
0xb5: {  	[dreg:$0x3] =	wrdreg s16  }
0xb6: {  	[dreg:$0x4] =	wrdreg s17  }
0xb7: {  	[dreg:$0x5] =	wrdreg s18  }
0xb8: {  	[dreg:$0x6] =	wrdreg $0x9  }
0xb9: {  	_ =	task.clear_ibuf [dreg:s9], $0x7FFFF;
	_ =	strace $0x90000049  }
0xba: {  	s29 =	simm.s32 $0x9;
	_ =	strace $0x8000004B  }
0xbb: {  	_ =	swait.ge [sflag:s29], $0x1  }
0xbc: {  	[sflag:s29] =	ssyncadd.s32 $0xFFFFFFFF  }
0xbd: {  	_ =	strace $0x9000004B  }
0xbe: {  	_ =	sfence  }
0xbf: {  	s30 =	sld [smem:$0x0];
	_ =	sdelay $0x2  }
0xc0: {  	s31 =	sshll.u32 s1, $0xD;
	s1 =	sshrl.u32 s1, $0x2  }
0xc1: {  	s3 =	sand.u32 $0x4000, s31;
	s1 =	sadd.s32 s1, s30  }
0xc2: {  	s0 =	sor.u32 s3, s0;
	s1 =	sshll.u32 s1, $0x11  }
0xc3: {  	s0 =	sor.u32 s1, s0  }
0xc4: {  	s0 =	sadd.s32 $0x8F2B, s0  }
0xc5: {  	[sflag:s0] =	ssyncadd.remote.s32 $0x1  }
0xc6: {  	_ =	sfence.sel $0xFFFF  }
0xc7: {  	[dreg:$0x0] =	wrdreg $0xFFFFFFFF;
	(pc) =	sbr.abs _section_cstart, $3  }
0xc8: {  	[dreg:$0x1] =	wrdreg $0xFFFFFFFF  }
0xc9: {  	_ =	task.clear_ibuf [dreg:s9], $0x2FFFF;
	_ =	strace $0x9FFFFFFF  }
0xca: {  	(tm) =	ssettm $0x7FFFFFFF  }
0xcb: {  	_ =	shalt  }
tec
execute0_lowered:
.L_overlay_start_1:
0x0: {  	(tag) =	ssettag $0x1  }
0x1: {  	s0 =	rddreg [dreg:$0x0]  }
0x2: {  	s1 =	rddreg [dreg:$0x1]  }
0x3: {  	s5 =	rddreg [dreg:$0x2]  }
0x4: {  	s8 =	rddreg [dreg:$0x3];
	s2 =	simm.s32 $0x0;
	s3 =	srdreg.scid  }
0x5: {  	s7 =	stileid.u32;
	s14 =	simm.s32 $0x80;
	s29 =	simm.s32 $0x16E00  }
0x6: {  	s4 =	sand.u32 $0x1, s3;
	s6 =	sshrl.u32 s7, $0x2;
	s15 =	sshll.u32 s7, $0x8  }
0x7: {  	[smem:$0x7FF] =	sst s2;
	s16 =	sshll.u32 s4, $0x7;
	s3 =	sand.u32 $0x300, s15  }
0x8: {  	s9 =	smul.u32 $0x14000, s6;
	_ =	strace $0x8000004A;
	s17 =	sshll.u32 s6, $0xA  }
0x9: {  	s19 =	sshll.u32 s6, $0x16;
	s4 =	ssub.s32 $0x2, s4;
	s13 =	smul.u32 $0x1800, s6  }
0xa: {  	s22 =	smul.u32 $0x6C00, s6;
	s15 =	simm.s32 $0x400;
	s10 =	sor.u32 s16, s3  }
0xb: {  	s3 =	sadd.s32 $0xA00, s0;
	s21 =	sshrl.u32 s4, $0x1;
	s16 =	simm.s32 $0x4000  }
0xc: {  	s7 =	sor.u32 s9, s10;
	s9 =	sor.u32 s17, s10;
	s20 =	sor.u32 s19, s10  }
0xd: {  	s24 =	sor.u32 s13, s10;
	s10 =	sor.u32 s22, s10;
	s17 =	simm.s32 $0x1  }
0xe: {  	s19 =	simm.s32 $0x2;
	s22 =	simm.s32 $0x10000;
	s7 =	sshrl.u32 s7, $0x3  }
0xf: {  	s18 =	sshrl.u32 s9, $0x3;
	s12 =	sshrl.u32 s20, $0x3;
	s9 =	ssub.s32 s4, s21  }
0x10: {  	s6 =	sor.u32 $0x40000, s20;
	s25 =	sshrl.u32 s24, $0x3;
	s10 =	sshrl.u32 s10, $0x3  }
0x11: {  	s21 =	simm.s32 $0x11D80;
	s24 =	simm.s32 $0x13880;
	s26 =	sadd.s32 s8, s25  }
0x12: {  	s11 =	sadd.s32 s7, s0;
	s28 =	sadd.s32 s1, s10;
	[dreg:$0x9] =	wrdreg s26  }
0x13: {  	s0 =	sadd.s32 s18, s0;
	s30 =	smax.u32 s9, $0x1;
	[dreg:$0xb] =	wrdreg s28  }
0x14: {  	s31 =	sadd.s32 s3, s12;
	s7 =	sor.u32 $0x60000, s20;
	[dreg:$0xc] =	wrdreg s30  }
0x15: {  	s18 =	simm.s32 $0x8000;
	s11 =	sadd.s32 $0x200A00, s11;
	[dreg:$0x5] =	wrdreg s31  }
0x16: {  	v0 =	vlaneseq.u32;
	s13 =	sadd.s32 $0x20AA00, s0;
	s0 =	sadd.s32 s5, s25;
	[dreg:$0x7] =	wrdreg s11  }
0x17: {  	v3 =	vmul.u32 $0xFFFFFFFF, v0;
	s20 =	simm.s32 $0x11000;
	s23 =	sadd.s32 $0x4000, s31;
	[dreg:$0xa] =	wrdreg s0  }
0x18: {  	v1 =	vimm.s32 $0x0;
	v2 =	vimm.s32 $0x1;
	s25 =	simm.s32 $0x14600;
	s12 =	smov.u32 s23;
	[dreg:$0x8] =	wrdreg s13  }
0x19: {  	vm0 =	vcmask $0x2328;
	vm1 =	vcmask $0x308;
	v3 =	vadd.s32 $0xF, v3;
	s26 =	simm.s32 $0x3;
	s23 =	simm.s32 $0x12B00;
	[dreg:$0x6] =	wrdreg s12  }
.LBB2_1:
0x1a: {  	s0 =	simm.s32 $0x40;
	s1 =	simm.s32 $0x0  }
.LBB2_2:
0x1b: {  	p0 =	sne.s32 s0, $0x1FFC0;
	[tilespmem:s1+$0x8000] =	vst v1;
	s1 =	smov.u32 s0;
	s0 =	sadd.s32 $0x40, s0  }
.Ltmp0:
0x1c: {  	(pc) =	sbr.rel @p0 .LBB2_2-.Ltmp0, $2  }
0x1d: {  	_ =	sdelay $0x2  }
0x1e: {  	s1 =	sshra.s32 s1, $0x2  }
0x1f: {  	[tilespmem:s1+$0x8000] =	vst v1;
	s0 =	simm.s32 $0x0  }
0x20: {  	[tilespmem:s0], [sflag:$0x1] =	stream.strided.gather [hbm4b:s31+s14], $0x4000, s15, s14, $0x38;
	[tilespmem:$0x18200] =	vst v63  }
0x21: {  	_ = 	snop  }
0x22: {  	[tilespmem:s16], [sflag:$0x2] =	stream.strided.gather [hbm4b:s12+s14], $0x4000, s15, s14, $0x38;
	[tilespmem:$0x18200] =	vst v63  }
.LBB2_4:
0x23: {  	_ =	swait.ge [sflag:s17], $0x4000  }
0x24: {  	[sflag:s17] =	ssyncset.done $0x0  }
0x25: {  	s1 =	simm.s32 $0x80;
	[sflag:s17] =	ssyncadd.s32 $0xFFFFC000  }
0x26: {  	v4 =	vld [tilespmem:s1+$0x70]  }
0x27: {  	v5 =	vld [tilespmem:s1+$0xFFFFFF90]  }
0x28: {  	v6 =	vld [tilespmem:s1+$0xFFFFFFA0]  }
0x29: {  	v8 =	vld [tilespmem:s1+$0xFFFFFFC0]  }
0x2a: {  	v7 =	vld [tilespmem:s1+$0xFFFFFFB0]  }
0x2b: {  	v9 =	vld [tilespmem:s1+$0xFFFFFFD0];
	_ =	sdelay $0x1  }
0x2c: {  	v12 =	vld [tilespmem:s1+$0xFFFFFFE0];
	v10 =	vshra.s32 v4, $0x1F;
	v11 =	vshra.s32 v5, $0x1F;
	v13 =	vshra.s32 v6, $0x1F  }
0x2d: {  	v16 =	vshra.s32 v8, $0x1F;
	v10 =	vand.u32 $0x7FF80000, v10;
	v11 =	vand.u32 $0x7FF80000, v11  }
0x2e: {  	v14 =	vld [tilespmem:s1+$0xFFFFFFF0];
	v4 =	vxor.u32 v4, v10;
	v10 =	vand.u32 $0x7FF80000, v13;
	v13 =	vshra.s32 v7, $0x1F  }
0x2f: {  	v5 =	vxor.u32 v5, v11;
	v11 =	vand.u32 $0x7FF80000, v16;
	v16 =	vshra.s32 v9, $0x1F  }
0x30: {  	v15 =	vld [tilespmem:s1+$0x0];
	v4 =	vshra.s32 v4, $0x13;
	v13 =	vand.u32 $0x7FF80000, v13;
	v6 =	vxor.u32 v6, v10  }
0x31: {  	v17 =	vld [tilespmem:s1+$0x10];
	v10 =	vand.u32 $0x7FF80000, v16;
	v16 =	vshra.s32 v12, $0x1F;
	v8 =	vxor.u32 v8, v11  }
0x32: {  	v18 =	vld [tilespmem:s1+$0x20];
	v5 =	vshra.s32 v5, $0x13;
	v4 =	vadd.s32 $0x7000, v4;
	v7 =	vxor.u32 v7, v13  }
0x33: {  	v19 =	vld [tilespmem:s1+$0x30];
	v13 =	vand.u32 $0x7FF80000, v16;
	v16 =	vshra.s32 v14, $0x1F;
	v9 =	vxor.u32 v9, v10  }
0x34: {  	v20 =	vld [tilespmem:s1+$0x40];
	v6 =	vshra.s32 v6, $0x13;
	v8 =	vshra.s32 v8, $0x13;
	v11 =	vand.u32 $0x7FF80000, v16  }
0x35: {  	v21 =	vld [tilespmem:s1+$0x50];
	v16 =	vshra.s32 v15, $0x1F;
	v12 =	vxor.u32 v12, v13;
	v7 =	vshra.s32 v7, $0x13  }
0x36: {  	v22 =	vld [tilespmem:s1+$0x60];
	v9 =	vshra.s32 v9, $0x13;
	v10 =	vand.u32 $0x7FF80000, v16;
	v16 =	vshra.s32 v17, $0x1F  }
0x37: {  	v11 =	vxor.u32 v14, v11;
	v12 =	vshra.s32 v12, $0x13;
	v13 =	vand.u32 $0x7FF80000, v16  }
0x38: {  	v16 =	vshra.s32 v18, $0x1F;
	v10 =	vxor.u32 v15, v10;
	v15 =	vshra.s32 v19, $0x1F  }
0x39: {  	v16 =	vand.u32 $0x7FF80000, v16;
	v15 =	vand.u32 $0x7FF80000, v15;
	v13 =	vxor.u32 v17, v13  }
0x3a: {  	v14 =	vld [tilespmem:s1+$0xFFFFFF80];
	v17 =	vshra.s32 v20, $0x1F;
	v16 =	vxor.u32 v18, v16;
	v18 =	vshra.s32 v21, $0x1F  }
0x3b: {  	v17 =	vand.u32 $0x7FF80000, v17;
	v15 =	vxor.u32 v19, v15;
	v19 =	vshra.s32 v22, $0x1F  }
0x3c: {  	v23 =	vshra.s32 v13, $0x13;
	v13 =	vadd.s32 $0x3000, v9;
	v18 =	vand.u32 $0x7FF80000, v18  }
0x3d: {  	v17 =	vxor.u32 v20, v17;
	v19 =	vand.u32 $0x7FF80000, v19;
	v24 =	vshra.s32 v16, $0x13  }
0x3e: {  	v25 =	vshra.s32 v15, $0x13;
	v16 =	vadd.s32 $0x5000, v6;
	v15 =	vadd.s32 $0x7000, v7  }
0x3f: {  	v6 =	vadd.s32 $0x3000, v23;
	v18 =	vxor.u32 v21, v18;
	v20 =	vshra.s32 v14, $0x1F  }
0x40: {  	v19 =	vxor.u32 v22, v19;
	v21 =	vshra.s32 v11, $0x13;
	v22 =	vshra.s32 v10, $0x13  }
0x41: {  	v26 =	vshra.s32 v17, $0x13;
	v11 =	vadd.s32 $0x5000, v12;
	v7 =	vadd.s32 $0x5000, v24  }
0x42: {  	v20 =	vand.u32 $0x7FF80000, v20;
	v19 =	vshra.s32 v19, $0x13;
	v10 =	vadd.s32 $0x7000, v21  }
0x43: {  	[tilespmem:v4+s18+$0x0] =	vst.idx.add.s32.msk $0xffff, v2;
	v4 =	vadd.s32 $0x1000, v26;
	v14 =	vxor.u32 v14, v20;
	v20 =	vshra.s32 v18, $0x13  }
0x44: {  	v18 =	vadd.s32 $0x3000, v5;
	v5 =	vadd.s32 $0x7000, v25;
	v14 =	vshra.s32 v14, $0x13  }
0x45: {  	s8 =	simm.s32 $0x180;
	s1 =	simm.s32 $0x0;
	v17 =	vadd.s32 $0x1000, v14;
	v14 =	vadd.s32 $0x1000, v8;
	v8 =	vadd.s32 $0x1000, v22  }
.LBB2_5:
0x46: {  	v21 =	vld [tilespmem:s8+$0x70];
	s1 =	sadd.s32 $0x10, s1;
	v12 =	vadd.s32 $0x3000, v20;
	v9 =	vadd.s32 $0x5000, v19  }
0x47: {  	v19 =	vld [tilespmem:s8+$0xFFFFFF90];
	p0 =	slt.u32 s1, $0x3F0  }
0x48: {  	v20 =	vld [tilespmem:s8+$0xFFFFFFA0]  }
0x49: {  	v22 =	vld [tilespmem:s8+$0xFFFFFFB0]  }
0x4a: {  	v23 =	vld [tilespmem:s8+$0xFFFFFFC0]  }
0x4b: {  	v24 =	vld [tilespmem:s8+$0xFFFFFFD0];
	v25 =	vshra.s32 v21, $0x1F  }
0x4c: {  	v26 =	vshra.s32 v19, $0x1F;
	v27 =	vld [tilespmem:s8+$0xFFFFFFE0];
	v25 =	vand.u32 $0x7FF80000, v25  }
0x4d: {  	v26 =	vand.u32 $0x7FF80000, v26;
	v28 =	vshra.s32 v20, $0x1F;
	v29 =	vld [tilespmem:s8+$0xFFFFFFF0];
	v21 =	vxor.u32 v21, v25  }
0x4e: {  	v25 =	vand.u32 $0x7FF80000, v28;
	v28 =	vshra.s32 v22, $0x1F;
	v30 =	vld [tilespmem:s8+$0x0];
	v21 =	vshra.s32 v21, $0x13  }
0x4f: {  	v28 =	vand.u32 $0x7FF80000, v28;
	v31 =	vshra.s32 v23, $0x1F;
	v32 =	vld [tilespmem:s8+$0x10];
	v21 =	vadd.s32 $0x7000, v21  }
0x50: {  	v19 =	vxor.u32 v19, v26;
	v26 =	vand.u32 $0x7FF80000, v31;
	v31 =	vshra.s32 v24, $0x1F;
	v33 =	vld [tilespmem:s8+$0x20]  }
0x51: {  	v20 =	vxor.u32 v20, v25;
	v25 =	vand.u32 $0x7FF80000, v31;
	v31 =	vshra.s32 v27, $0x1F;
	v34 =	vld [tilespmem:s8+$0x30]  }
0x52: {  	v22 =	vxor.u32 v22, v28;
	v28 =	vand.u32 $0x7FF80000, v31;
	v31 =	vshra.s32 v29, $0x1F;
	v35 =	vld [tilespmem:s8+$0x40]  }
0x53: {  	v23 =	vxor.u32 v23, v26;
	v26 =	vand.u32 $0x7FF80000, v31;
	v31 =	vshra.s32 v30, $0x1F;
	v36 =	vld [tilespmem:s8+$0x50]  }
0x54: {  	v24 =	vxor.u32 v24, v25;
	v25 =	vand.u32 $0x7FF80000, v31;
	v31 =	vshra.s32 v32, $0x1F;
	[tilespmem:v21+s18+$0x0] =	vst.idx.add.s32.msk $0xffff, v2  }
0x55: {  	v21 =	vxor.u32 v27, v28;
	v27 =	vand.u32 $0x7FF80000, v31;
	v28 =	vshra.s32 v33, $0x1F;
	v31 =	vld [tilespmem:s8+$0x60]  }
0x56: {  	v26 =	vxor.u32 v29, v26;
	v37 =	vld [tilespmem:s8+$0xFFFFFF80];
	v28 =	vand.u32 $0x7FF80000, v28;
	v29 =	vshra.s32 v34, $0x1F  }
0x57: {  	v25 =	vxor.u32 v30, v25;
	v29 =	vand.u32 $0x7FF80000, v29;
	v30 =	vshra.s32 v35, $0x1F;
	[tilespmem:v17+s18+$0x0] =	vst.idx.add.s32.msk $0xffff, v2  }
0x58: {  	v17 =	vxor.u32 v32, v27;
	v27 =	vand.u32 $0x7FF80000, v30;
	v30 =	vshra.s32 v36, $0x1F;
	[tilespmem:v18+s18+$0x0] =	vst.idx.add.s32.msk $0xffff, v2  }
0x59: {  	v18 =	vxor.u32 v33, v28;
	v28 =	vxor.u32 v34, v29;
	v29 =	vand.u32 $0x7FF80000, v30;
	[tilespmem:v16+s18+$0x0] =	vst.idx.add.s32.msk $0xffff, v2  }
0x5a: {  	v16 =	vxor.u32 v35, v27;
	v27 =	vxor.u32 v36, v29;
	v29 =	vshra.s32 v31, $0x1F;
	[tilespmem:v15+s18+$0x0] =	vst.idx.add.s32.msk $0xffff, v2  }
0x5b: {  	v30 =	vshra.s32 v19, $0x13;
	v15 =	vshra.s32 v37, $0x1F;
	v19 =	vand.u32 $0x7FF80000, v29;
	[tilespmem:v14+s18+$0x0] =	vst.idx.add.s32.msk $0xffff, v2  }
0x5c: {  	v14 =	vand.u32 $0x7FF80000, v15;
	v15 =	vshra.s32 v20, $0x13;
	v19 =	vxor.u32 v31, v19;
	[tilespmem:v13+s18+$0x0] =	vst.idx.add.s32.msk $0xffff, v2  }
0x5d: {  	v13 =	vxor.u32 v37, v14;
	v14 =	vshra.s32 v22, $0x13;
	v22 =	vshra.s32 v23, $0x13;
	[tilespmem:v11+s18+$0x0] =	vst.idx.add.s32.msk $0xffff, v2  }
0x5e: {  	v21 =	vshra.s32 v21, $0x13;
	v11 =	vshra.s32 v13, $0x13;
	v13 =	vshra.s32 v24, $0x13;
	[tilespmem:v10+s18+$0x0] =	vst.idx.add.s32.msk $0xffff, v2  }
0x5f: {  	v23 =	vshra.s32 v25, $0x13;
	v10 =	vshra.s32 v26, $0x13;
	v24 =	vshra.s32 v17, $0x13;
	[tilespmem:v8+s18+$0x0] =	vst.idx.add.s32.msk $0xffff, v2  }
0x60: {  	v25 =	vshra.s32 v18, $0x13;
	v26 =	vshra.s32 v28, $0x13;
	v28 =	vshra.s32 v16, $0x13;
	[tilespmem:v6+s18+$0x0] =	vst.idx.add.s32.msk $0xffff, v2  }
.Ltmp1:
0x61: {  	v20 =	vshra.s32 v27, $0x13;
	v19 =	vshra.s32 v19, $0x13;
	v17 =	vadd.s32 $0x1000, v11;
	[tilespmem:v7+s18+$0x0] =	vst.idx.add.s32.msk $0xffff, v2;
	(pc) =	sbr.rel @p0 .LBB2_5-.Ltmp1, $4  }
0x62: {  	v18 =	vadd.s32 $0x3000, v30;
	v16 =	vadd.s32 $0x5000, v15;
	v15 =	vadd.s32 $0x7000, v14;
	[tilespmem:v5+s18+$0x0] =	vst.idx.add.s32.msk $0xffff, v2  }
0x63: {  	v14 =	vadd.s32 $0x1000, v22;
	v13 =	vadd.s32 $0x3000, v13;
	v11 =	vadd.s32 $0x5000, v21;
	[tilespmem:v4+s18+$0x0] =	vst.idx.add.s32.msk $0xffff, v2  }
0x64: {  	v10 =	vadd.s32 $0x7000, v10;
	v8 =	vadd.s32 $0x1000, v23;
	v6 =	vadd.s32 $0x3000, v24;
	[tilespmem:v12+s18+$0x0] =	vst.idx.add.s32.msk $0xffff, v2  }
0x65: {  	s8 =	sadd.s32 $0x100, s8;
	v7 =	vadd.s32 $0x5000, v25;
	v5 =	vadd.s32 $0x7000, v26;
	v4 =	vadd.s32 $0x1000, v28;
	[tilespmem:v9+s18+$0x0] =	vst.idx.add.s32.msk $0xffff, v2  }
0x66: {  	_ =	sdelay $0x3  }
0x67: {  	[tilespmem:v17+s18+$0x0] =	vst.idx.add.s32.msk $0xffff, v2  }
0x68: {  	[tilespmem:v18+s18+$0x0] =	vst.idx.add.s32.msk $0xffff, v2  }
0x69: {  	[tilespmem:v16+s18+$0x0] =	vst.idx.add.s32.msk $0xffff, v2  }
0x6a: {  	[tilespmem:v15+s18+$0x0] =	vst.idx.add.s32.msk $0xffff, v2  }
0x6b: {  	[tilespmem:v14+s18+$0x0] =	vst.idx.add.s32.msk $0xffff, v2  }
0x6c: {  	[tilespmem:v13+s18+$0x0] =	vst.idx.add.s32.msk $0xffff, v2  }
0x6d: {  	[tilespmem:v11+s18+$0x0] =	vst.idx.add.s32.msk $0xffff, v2  }
0x6e: {  	[tilespmem:v10+s18+$0x0] =	vst.idx.add.s32.msk $0xffff, v2  }
0x6f: {  	v9 =	vadd.s32 $0x3000, v20;
	[tilespmem:v8+s18+$0x0] =	vst.idx.add.s32.msk $0xffff, v2  }
0x70: {  	v8 =	vadd.s32 $0x5000, v19;
	[tilespmem:v6+s18+$0x0] =	vst.idx.add.s32.msk $0xffff, v2  }
0x71: {  	[tilespmem:v7+s18+$0x0] =	vst.idx.add.s32.msk $0xffff, v2  }
0x72: {  	s1 =	sshll.u32 s0, $0x12;
	p0 =	seq.s32 s0, $0xF;
	[tilespmem:v5+s18+$0x0] =	vst.idx.add.s32.msk $0xffff, v2  }
0x73: {  	[tilespmem:v4+s18+$0x0] =	vst.idx.add.s32.msk $0xffff, v2;
	s5 =	sadd.s32 @!p0 s1, s6  }
0x74: {  	s8 =	simm.s32 @!p0 $0x80;
	s5 =	sshrl.u32 @!p0 s5, $0x3;
	[tilespmem:v9+s18+$0x0] =	vst.idx.add.s32.msk $0xffff, v2  }
0x75: {  	s9 =	simm.s32 @!p0 $0x400;
	s10 =	simm.s32 @!p0 $0x0;
	s5 =	sadd.s32 @!p0 s3, s5;
	[tilespmem:v8+s18+$0x0] =	vst.idx.add.s32.msk $0xffff, v2  }
0x76: {  	[tilespmem:s10], [sflag:$0x1] =	stream.strided.gather @!p0 [hbm4b:s5+s8], $0x4000, s9, s8, $0x38;
	[tilespmem:$0x18200] =	vst v63  }
0x77: {  	_ =	swait.ge [sflag:s19], $0x4000  }
0x78: {  	[sflag:s19] =	ssyncset.done $0x0  }
0x79: {  	s30 =	simm.s32 $0x4080;
	[sflag:s19] =	ssyncadd.s32 $0xFFFFC000  }
0x7a: {  	v4 =	vld [tilespmem:s30+$0x70]  }
0x7b: {  	v5 =	vld [tilespmem:s30+$0xFFFFFF90]  }
0x7c: {  	v6 =	vld [tilespmem:s30+$0xFFFFFFA0]  }
0x7d: {  	v8 =	vld [tilespmem:s30+$0xFFFFFFC0]  }
0x7e: {  	v7 =	vld [tilespmem:s30+$0xFFFFFFB0]  }
0x7f: {  	v9 =	vld [tilespmem:s30+$0xFFFFFFD0];
	_ =	sdelay $0x1  }
0x80: {  	v12 =	vld [tilespmem:s30+$0xFFFFFFE0];
	v10 =	vshra.s32 v4, $0x1F;
	v11 =	vshra.s32 v5, $0x1F;
	v13 =	vshra.s32 v6, $0x1F  }
0x81: {  	v16 =	vshra.s32 v8, $0x1F;
	v10 =	vand.u32 $0x7FF80000, v10;
	v11 =	vand.u32 $0x7FF80000, v11  }
0x82: {  	v14 =	vld [tilespmem:s30+$0xFFFFFFF0];
	v4 =	vxor.u32 v4, v10;
	v10 =	vand.u32 $0x7FF80000, v13;
	v13 =	vshra.s32 v7, $0x1F  }
0x83: {  	v5 =	vxor.u32 v5, v11;
	v11 =	vand.u32 $0x7FF80000, v16;
	v16 =	vshra.s32 v9, $0x1F  }
0x84: {  	v15 =	vld [tilespmem:s30+$0x0];
	v4 =	vshra.s32 v4, $0x13;
	v13 =	vand.u32 $0x7FF80000, v13;
	v6 =	vxor.u32 v6, v10  }
0x85: {  	v17 =	vld [tilespmem:s30+$0x10];
	v10 =	vand.u32 $0x7FF80000, v16;
	v16 =	vshra.s32 v12, $0x1F;
	v8 =	vxor.u32 v8, v11  }
0x86: {  	v18 =	vld [tilespmem:s30+$0x20];
	v5 =	vshra.s32 v5, $0x13;
	v4 =	vadd.s32 $0x7000, v4;
	v7 =	vxor.u32 v7, v13  }
0x87: {  	v19 =	vld [tilespmem:s30+$0x30];
	v13 =	vand.u32 $0x7FF80000, v16;
	v16 =	vshra.s32 v14, $0x1F;
	v9 =	vxor.u32 v9, v10  }
0x88: {  	v20 =	vld [tilespmem:s30+$0x40];
	v6 =	vshra.s32 v6, $0x13;
	v8 =	vshra.s32 v8, $0x13;
	v11 =	vand.u32 $0x7FF80000, v16  }
0x89: {  	v21 =	vld [tilespmem:s30+$0x50];
	v16 =	vshra.s32 v15, $0x1F;
	v12 =	vxor.u32 v12, v13;
	v7 =	vshra.s32 v7, $0x13  }
0x8a: {  	v22 =	vld [tilespmem:s30+$0x60];
	v9 =	vshra.s32 v9, $0x13;
	v10 =	vand.u32 $0x7FF80000, v16;
	v16 =	vshra.s32 v17, $0x1F  }
0x8b: {  	v11 =	vxor.u32 v14, v11;
	v12 =	vshra.s32 v12, $0x13;
	v13 =	vand.u32 $0x7FF80000, v16  }
0x8c: {  	v16 =	vshra.s32 v18, $0x1F;
	v10 =	vxor.u32 v15, v10;
	v15 =	vshra.s32 v19, $0x1F  }
0x8d: {  	v16 =	vand.u32 $0x7FF80000, v16;
	v15 =	vand.u32 $0x7FF80000, v15;
	v13 =	vxor.u32 v17, v13  }
0x8e: {  	v14 =	vld [tilespmem:s30+$0xFFFFFF80];
	v17 =	vshra.s32 v20, $0x1F;
	v16 =	vxor.u32 v18, v16;
	v18 =	vshra.s32 v21, $0x1F  }
0x8f: {  	v17 =	vand.u32 $0x7FF80000, v17;
	v15 =	vxor.u32 v19, v15;
	v19 =	vshra.s32 v22, $0x1F  }
0x90: {  	v23 =	vshra.s32 v13, $0x13;
	v13 =	vadd.s32 $0x3000, v9;
	v18 =	vand.u32 $0x7FF80000, v18  }
0x91: {  	v17 =	vxor.u32 v20, v17;
	v19 =	vand.u32 $0x7FF80000, v19;
	v24 =	vshra.s32 v16, $0x13  }
0x92: {  	v25 =	vshra.s32 v15, $0x13;
	v16 =	vadd.s32 $0x5000, v6;
	v15 =	vadd.s32 $0x7000, v7  }
0x93: {  	v6 =	vadd.s32 $0x3000, v23;
	v18 =	vxor.u32 v21, v18;
	v20 =	vshra.s32 v14, $0x1F  }
0x94: {  	v19 =	vxor.u32 v22, v19;
	v21 =	vshra.s32 v11, $0x13;
	v22 =	vshra.s32 v10, $0x13  }
0x95: {  	v26 =	vshra.s32 v17, $0x13;
	v11 =	vadd.s32 $0x5000, v12;
	v7 =	vadd.s32 $0x5000, v24  }
0x96: {  	v20 =	vand.u32 $0x7FF80000, v20;
	v19 =	vshra.s32 v19, $0x13;
	v10 =	vadd.s32 $0x7000, v21  }
0x97: {  	[tilespmem:v4+s18+$0x0] =	vst.idx.add.s32.msk $0xffff, v2;
	v4 =	vadd.s32 $0x1000, v26;
	v14 =	vxor.u32 v14, v20;
	v20 =	vshra.s32 v18, $0x13  }
0x98: {  	v18 =	vadd.s32 $0x3000, v5;
	v5 =	vadd.s32 $0x7000, v25;
	v14 =	vshra.s32 v14, $0x13  }
0x99: {  	s8 =	simm.s32 $0x0;
	s9 =	simm.s32 $0x4180;
	v17 =	vadd.s32 $0x1000, v14;
	v14 =	vadd.s32 $0x1000, v8;
	v8 =	vadd.s32 $0x1000, v22  }
.LBB2_7:
0x9a: {  	v21 =	vld [tilespmem:s9+$0x70];
	s8 =	sadd.s32 $0x10, s8;
	v12 =	vadd.s32 $0x3000, v20;
	v9 =	vadd.s32 $0x5000, v19  }
0x9b: {  	v19 =	vld [tilespmem:s9+$0xFFFFFF90];
	p1 =	slt.u32 s8, $0x3F0  }
0x9c: {  	v20 =	vld [tilespmem:s9+$0xFFFFFFA0]  }
0x9d: {  	v22 =	vld [tilespmem:s9+$0xFFFFFFB0]  }
0x9e: {  	v23 =	vld [tilespmem:s9+$0xFFFFFFC0]  }
0x9f: {  	v24 =	vld [tilespmem:s9+$0xFFFFFFD0];
	v25 =	vshra.s32 v21, $0x1F  }
0xa0: {  	v26 =	vshra.s32 v19, $0x1F;
	v27 =	vld [tilespmem:s9+$0xFFFFFFE0];
	v25 =	vand.u32 $0x7FF80000, v25  }
0xa1: {  	v26 =	vand.u32 $0x7FF80000, v26;
	v28 =	vshra.s32 v20, $0x1F;
	v29 =	vld [tilespmem:s9+$0xFFFFFFF0];
	v21 =	vxor.u32 v21, v25  }
0xa2: {  	v25 =	vand.u32 $0x7FF80000, v28;
	v28 =	vshra.s32 v22, $0x1F;
	v30 =	vld [tilespmem:s9+$0x0];
	v21 =	vshra.s32 v21, $0x13  }
0xa3: {  	v28 =	vand.u32 $0x7FF80000, v28;
	v31 =	vshra.s32 v23, $0x1F;
	v32 =	vld [tilespmem:s9+$0x10];
	v21 =	vadd.s32 $0x7000, v21  }
0xa4: {  	v19 =	vxor.u32 v19, v26;
	v26 =	vand.u32 $0x7FF80000, v31;
	v31 =	vshra.s32 v24, $0x1F;
	v33 =	vld [tilespmem:s9+$0x20]  }
0xa5: {  	v20 =	vxor.u32 v20, v25;
	v25 =	vand.u32 $0x7FF80000, v31;
	v31 =	vshra.s32 v27, $0x1F;
	v34 =	vld [tilespmem:s9+$0x30]  }
0xa6: {  	v22 =	vxor.u32 v22, v28;
	v28 =	vand.u32 $0x7FF80000, v31;
	v31 =	vshra.s32 v29, $0x1F;
	v35 =	vld [tilespmem:s9+$0x40]  }
0xa7: {  	v23 =	vxor.u32 v23, v26;
	v26 =	vand.u32 $0x7FF80000, v31;
	v31 =	vshra.s32 v30, $0x1F;
	v36 =	vld [tilespmem:s9+$0x50]  }
0xa8: {  	v24 =	vxor.u32 v24, v25;
	v25 =	vand.u32 $0x7FF80000, v31;
	v31 =	vshra.s32 v32, $0x1F;
	[tilespmem:v21+s18+$0x0] =	vst.idx.add.s32.msk $0xffff, v2  }
0xa9: {  	v21 =	vxor.u32 v27, v28;
	v27 =	vand.u32 $0x7FF80000, v31;
	v28 =	vshra.s32 v33, $0x1F;
	v31 =	vld [tilespmem:s9+$0x60]  }
0xaa: {  	v26 =	vxor.u32 v29, v26;
	v37 =	vld [tilespmem:s9+$0xFFFFFF80];
	v28 =	vand.u32 $0x7FF80000, v28;
	v29 =	vshra.s32 v34, $0x1F  }
0xab: {  	v25 =	vxor.u32 v30, v25;
	v29 =	vand.u32 $0x7FF80000, v29;
	v30 =	vshra.s32 v35, $0x1F;
	[tilespmem:v17+s18+$0x0] =	vst.idx.add.s32.msk $0xffff, v2  }
0xac: {  	v17 =	vxor.u32 v32, v27;
	v27 =	vand.u32 $0x7FF80000, v30;
	v30 =	vshra.s32 v36, $0x1F;
	[tilespmem:v18+s18+$0x0] =	vst.idx.add.s32.msk $0xffff, v2  }
0xad: {  	v18 =	vxor.u32 v33, v28;
	v28 =	vxor.u32 v34, v29;
	v29 =	vand.u32 $0x7FF80000, v30;
	[tilespmem:v16+s18+$0x0] =	vst.idx.add.s32.msk $0xffff, v2  }
0xae: {  	v16 =	vxor.u32 v35, v27;
	v27 =	vxor.u32 v36, v29;
	v29 =	vshra.s32 v31, $0x1F;
	[tilespmem:v15+s18+$0x0] =	vst.idx.add.s32.msk $0xffff, v2  }
0xaf: {  	v30 =	vshra.s32 v19, $0x13;
	v15 =	vshra.s32 v37, $0x1F;
	v19 =	vand.u32 $0x7FF80000, v29;
	[tilespmem:v14+s18+$0x0] =	vst.idx.add.s32.msk $0xffff, v2  }
0xb0: {  	v14 =	vand.u32 $0x7FF80000, v15;
	v15 =	vshra.s32 v20, $0x13;
	v19 =	vxor.u32 v31, v19;
	[tilespmem:v13+s18+$0x0] =	vst.idx.add.s32.msk $0xffff, v2  }
0xb1: {  	v13 =	vxor.u32 v37, v14;
	v14 =	vshra.s32 v22, $0x13;
	v22 =	vshra.s32 v23, $0x13;
	[tilespmem:v11+s18+$0x0] =	vst.idx.add.s32.msk $0xffff, v2  }
0xb2: {  	v21 =	vshra.s32 v21, $0x13;
	v11 =	vshra.s32 v13, $0x13;
	v13 =	vshra.s32 v24, $0x13;
	[tilespmem:v10+s18+$0x0] =	vst.idx.add.s32.msk $0xffff, v2  }
0xb3: {  	v23 =	vshra.s32 v25, $0x13;
	v10 =	vshra.s32 v26, $0x13;
	v24 =	vshra.s32 v17, $0x13;
	[tilespmem:v8+s18+$0x0] =	vst.idx.add.s32.msk $0xffff, v2  }
0xb4: {  	v25 =	vshra.s32 v18, $0x13;
	v26 =	vshra.s32 v28, $0x13;
	v28 =	vshra.s32 v16, $0x13;
	[tilespmem:v6+s18+$0x0] =	vst.idx.add.s32.msk $0xffff, v2  }
.Ltmp2:
0xb5: {  	v20 =	vshra.s32 v27, $0x13;
	v19 =	vshra.s32 v19, $0x13;
	v17 =	vadd.s32 $0x1000, v11;
	[tilespmem:v7+s18+$0x0] =	vst.idx.add.s32.msk $0xffff, v2;
	(pc) =	sbr.rel @p1 .LBB2_7-.Ltmp2, $4  }
0xb6: {  	v18 =	vadd.s32 $0x3000, v30;
	v16 =	vadd.s32 $0x5000, v15;
	v15 =	vadd.s32 $0x7000, v14;
	[tilespmem:v5+s18+$0x0] =	vst.idx.add.s32.msk $0xffff, v2  }
0xb7: {  	v14 =	vadd.s32 $0x1000, v22;
	v13 =	vadd.s32 $0x3000, v13;
	v11 =	vadd.s32 $0x5000, v21;
	[tilespmem:v4+s18+$0x0] =	vst.idx.add.s32.msk $0xffff, v2  }
0xb8: {  	v10 =	vadd.s32 $0x7000, v10;
	v8 =	vadd.s32 $0x1000, v23;
	v6 =	vadd.s32 $0x3000, v24;
	[tilespmem:v12+s18+$0x0] =	vst.idx.add.s32.msk $0xffff, v2  }
0xb9: {  	s9 =	sadd.s32 $0x100, s9;
	v7 =	vadd.s32 $0x5000, v25;
	v5 =	vadd.s32 $0x7000, v26;
	v4 =	vadd.s32 $0x1000, v28;
	[tilespmem:v9+s18+$0x0] =	vst.idx.add.s32.msk $0xffff, v2  }
0xba: {  	_ =	sdelay $0x3  }
0xbb: {  	[tilespmem:v17+s18+$0x0] =	vst.idx.add.s32.msk $0xffff, v2  }
0xbc: {  	[tilespmem:v18+s18+$0x0] =	vst.idx.add.s32.msk $0xffff, v2  }
0xbd: {  	[tilespmem:v16+s18+$0x0] =	vst.idx.add.s32.msk $0xffff, v2  }
0xbe: {  	[tilespmem:v15+s18+$0x0] =	vst.idx.add.s32.msk $0xffff, v2  }
0xbf: {  	[tilespmem:v14+s18+$0x0] =	vst.idx.add.s32.msk $0xffff, v2  }
0xc0: {  	[tilespmem:v13+s18+$0x0] =	vst.idx.add.s32.msk $0xffff, v2  }
0xc1: {  	[tilespmem:v11+s18+$0x0] =	vst.idx.add.s32.msk $0xffff, v2  }
0xc2: {  	[tilespmem:v10+s18+$0x0] =	vst.idx.add.s32.msk $0xffff, v2  }
0xc3: {  	v9 =	vadd.s32 $0x3000, v20;
	[tilespmem:v8+s18+$0x0] =	vst.idx.add.s32.msk $0xffff, v2  }
0xc4: {  	v63 =	vadd.s32 $0x5000, v19;
	[tilespmem:v6+s18+$0x0] =	vst.idx.add.s32.msk $0xffff, v2  }
.Ltmp3:
0xc5: {  	[tilespmem:v7+s18+$0x0] =	vst.idx.add.s32.msk $0xffff, v2;
	(pc) =	sbr.rel @p0 .LBB2_9-.Ltmp3, $4  }
0xc6: {  	[tilespmem:v5+s18+$0x0] =	vst.idx.add.s32.msk $0xffff, v2  }
0xc7: {  	[tilespmem:v4+s18+$0x0] =	vst.idx.add.s32.msk $0xffff, v2  }
0xc8: {  	[tilespmem:v9+s18+$0x0] =	vst.idx.add.s32.msk $0xffff, v2  }
0xc9: {  	[tilespmem:v63+s18+$0x0] =	vst.idx.add.s32.msk $0xffff, v2  }
.Ltmp4:
0xca: {  	(pc) =	sbr.rel .LBB2_4-.Ltmp4, $4  }
0xcb: {  	s1 =	sadd.s32 s1, s7  }
0xcc: {  	s1 =	sshrl.u32 s1, $0x3  }
0xcd: {  	s0 =	sadd.s32 $0x1, s0;
	s1 =	sadd.s32 s3, s1  }
0xce: {  	[tilespmem:s16], [sflag:$0x2] =	stream.strided.gather [hbm4b:s1+s14], $0x4000, s15, s14, $0x38;
	[tilespmem:$0x18200] =	vst v63  }
.LBB2_9:
0xcf: {  	s0 =	simm.s32 $0x0  }
0xd0: {  	s8 =	sand.u32 $0x1FF0, s0  }
0xd1: {  	s1 =	simm.s32 $0x8000;
	s5 =	simm.s32 $0x10;
	v4 =	vld [tilespmem:s8+$0xA000]  }
.LBB2_10:
0xd2: {  	p0 =	sne.s32 s5, $0x1FF0;
	v5 =	vld [tilespmem:s1+$0x0]  }
0xd3: {  	v6 =	vld [tilespmem:s8+$0xC000]  }
0xd4: {  	v7 =	vld [tilespmem:s8+$0xE000];
	_ =	sdelay $0x2  }
.Ltmp5:
0xd5: {  	v4 =	vadd.s32 v5, v4;
	(pc) =	sbr.rel @p0 .LBB2_10-.Ltmp5, $4  }
0xd6: {  	v4 =	vadd.s32 v6, v4  }
0xd7: {  	v4 =	vadd.s32 v7, v4  }
0xd8: {  	s8 =	sand.u32 $0x1FF0, s5;
	[tilespmem:s1+$0x0] =	vst v4  }
0xd9: {  	s5 =	sadd.s32 $0x10, s5;
	s1 =	sadd.s32 $0x10, s1;
	v4 =	vld [tilespmem:s8+$0xA000]  }
0xda: {  	v5 =	vld [tilespmem:s1+$0x0]  }
0xdb: {  	v6 =	vld [tilespmem:s8+$0xC000]  }
0xdc: {  	v7 =	vld [tilespmem:s8+$0xE000];
	_ =	sdelay $0x2  }
0xdd: {  	v4 =	vadd.s32 v5, v4  }
0xde: {  	v4 =	vadd.s32 v6, v4  }
0xdf: {  	v4 =	vadd.s32 v7, v4  }
0xe0: {  	s8 =	simm.s32 $0xA000;
	[tilespmem:s1+$0x0] =	vst v4;
	s1 =	simm.s32 $0x1FFF  }
.LBB2_12:
0xe1: {  	v4 =	vld [tilespmem:s8+$0xFFFFFFF0];
	_ =	sdelay $0x4  }
0xe2: {  	(xrf0) =	vadd.scan.msk.s32 $0xffff, v4;
	_ =	sdelay $0x5  }
0xe3: {  	v4, _, _ =	vpop (xrf0)  }
0xe4: {  	(v2sf) =	vpush v4, $0xF;
	_ =	sdelay $0xe  }
0xe5: {  	s30 =	spop (v2sf)  }
0xe6: {  	s0 =	sadd.s32 s0, s30  }
0xe7: {  	p0 =	slt.s32 s0, $0x2AA  }
.Ltmp6:
0xe8: {  	_ = 	snop;
	(pc) =	sbr.rel @p0 .LBB2_12-.Ltmp6, $3  }
0xe9: {  	_ =	sdelay $0x1  }
0xea: {  	s5 =	smov.u32 s8  }
0xeb: {  	s1 =	sadd.s32 $0xFFFFFFF0, s1;
	s8 =	sadd.s32 $0xFFFFFFF0, s5  }
0xec: {  	v4 =	vld [tilespmem:s5+$0xFFFFFFF0];
	_ =	sdelay $0x4  }
0xed: {  	(xrf0) =	vadd.scan.msk.s32 $0xffff, v4;
	_ =	sdelay $0x5  }
0xee: {  	v5, _, _ =	vpop (xrf0)  }
0xef: {  	(v2sf) =	vpush v5, $0xF;
	_ =	sdelay $0x5  }
0xf0: {  	v5 =	vperm.xlane v4, v3;
	_ =	sdelay $0x1  }
0xf1: {  	(xrf0) =	vadd.scan.msk.s32 $0xffff, v5;
	_ =	sdelay $0x5  }
0xf2: {  	v5, _, _ =	vpop (xrf0)  }
0xf3: {  	v5 =	vperm.xlane v5, v3;
	s11 =	spop (v2sf)  }
0xf4: {  	s0 =	ssub.s32 s0, s11  }
0xf5: {  	v5 =	vadd.s32 s0, v5  }
0xf6: {  	vm2 =	vgt.s32 v5, $0x2A9  }
0xf7: {  	v5 =	vsel vm2, $0x1, v1  }
0xf8: {  	(xrf0) =	vadd.scan.msk.s32 $0xffff, v5;
	_ =	sdelay $0x5  }
0xf9: {  	v5, _, _ =	vpop (xrf0)  }
0xfa: {  	(v2sf) =	vpush v5, $0xF;
	_ =	sdelay $0xe  }
0xfb: {  	s0 =	spop (v2sf)  }
0xfc: {  	s28 =	sadd.s32 $0xFFFFFFFF, s0  }
0xfd: {  	v5 =	vmov s28  }
0xfe: {  	vm2 =	veq.s32 v5, v0  }
0xff: {  	v4 =	vnsel vm2, $0x0, v4  }
0x100: {  	(xrf0) =	vadd.scan.msk.s32 $0xffff, v4;
	_ =	sdelay $0x5  }
0x101: {  	v4, _, _ =	vpop (xrf0)  }
0x102: {  	(v2sf) =	vpush v4, $0xF;
	_ =	sdelay $0xe  }
0x103: {  	s30 =	spop (v2sf)  }
0x104: {  	p0 =	sgt.s32 s30, $0x800  }
.Ltmp7:
0x105: {  	_ = 	snop;
	(pc) =	sbr.rel @p0 .LBB2_59-.Ltmp7, $1  }
0x106: {  	_ =	sdelay $0x3  }
0x107: {  	s0 =	sadd.s32 s1, s0;
	s1 =	simm.s32 $0x40;
	s5 =	simm.s32 $0x0  }
.LBB2_15:
0x108: {  	p0 =	sne.s32 s1, $0x35C0;
	[tilespmem:s5+$0x11000] =	vst v1;
	s5 =	smov.u32 s1;
	s1 =	sadd.s32 $0x40, s1  }
.Ltmp8:
0x109: {  	(pc) =	sbr.rel @p0 .LBB2_15-.Ltmp8, $2  }
0x10a: {  	_ =	sdelay $0x2  }
0x10b: {  	s5 =	sshra.s32 s5, $0x2  }
0x10c: {  	[tilespmem:s5+$0x11000] =	vst v1;
	s1 =	simm.s32 $0x40;
	s5 =	simm.s32 $0x0  }
.LBB2_17:
0x10d: {  	p0 =	sne.s32 s1, $0x35C0;
	[tilespmem:s5+$0x11D80] =	vst v1;
	s5 =	smov.u32 s1;
	s1 =	sadd.s32 $0x40, s1  }
.Ltmp9:
0x10e: {  	(pc) =	sbr.rel @p0 .LBB2_17-.Ltmp9, $2  }
0x10f: {  	_ =	sdelay $0x2  }
0x110: {  	s5 =	sshra.s32 s5, $0x2  }
0x111: {  	[tilespmem:s5+$0x11D80] =	vst v1;
	s1 =	simm.s32 $0x0  }
0x112: {  	[tilespmem:s1], [sflag:$0x1] =	stream.strided.gather [hbm4b:s31+s14], $0x4000, s15, s14, $0x38;
	[tilespmem:$0x18200] =	vst v63  }
0x113: {  	[dreg:$0xd] =	wrdreg s0;
	s8 =	simm.s32 $0x70;
	s30 =	simm.s32 $0x4070  }
0x114: {  	v4 =	vmov s0;
	v7 =	vimm.s32 $0x0;
	[tilespmem:s16], [sflag:$0x2] =	stream.strided.gather [hbm4b:s12+s14], $0x4000, s15, s14, $0x38;
	[tilespmem:$0x18200] =	vst v63  }
.LBB2_19:
0x115: {  	_ =	swait.ge [sflag:s17], $0x4000  }
0x116: {  	[sflag:s17] =	ssyncset.done $0x0  }
0x117: {  	s5 =	simm.s32 $0x40;
	[sflag:s17] =	ssyncadd.s32 $0xFFFFC000  }
0x118: {  	v5 =	vld [tilespmem:s5+$0xFFFFFFD0]  }
0x119: {  	v9 =	vld [tilespmem:s5+$0x0]  }
0x11a: {  	v12 =	vld [tilespmem:s5+$0x10]  }
0x11b: {  	v14 =	vld [tilespmem:s5+$0xFFFFFFE0]  }
0x11c: {  	v17 =	vld [tilespmem:s5+$0xFFFFFFF0]  }
0x11d: {  	v18 =	vld [tilespmem:s5+$0x30]  }
0x11e: {  	v16 =	vld [tilespmem:s5+$0xFFFFFFC0];
	_ =	sdelay $0x2  }
0x11f: {  	v6 =	vshra.s32 v5, $0x1F  }
0x120: {  	v10 =	vshra.s32 v9, $0x1F;
	v20 =	vshra.s32 v12, $0x1F;
	v21 =	vshra.s32 v14, $0x1F  }
0x121: {  	s9 =	sadd.s32 $0xFFFFFF90, s8;
	v11 =	vld [tilespmem:s5+$0x20];
	v22 =	vshra.s32 v17, $0x1F;
	v23 =	vshra.s32 v18, $0x1F;
	v25 =	vshra.s32 v16, $0x1F  }
0x122: {  	v8 =	vand.u32 $0x7FFFFFFF, v6;
	v6 =	vor.u32 s9, v0;
	v10 =	vand.u32 $0x7FFFFFFF, v10  }
0x123: {  	s10 =	sadd.s32 $0xFFFFFFD0, s8;
	v20 =	vand.u32 $0x7FFFFFFF, v20;
	v22 =	vand.u32 $0x7FFFFFFF, v22;
	v21 =	vand.u32 $0x7FFFFFFF, v21  }
0x124: {  	v23 =	vand.u32 $0x7FFFFFFF, v23;
	v13 =	vxor.u32 v5, v8;
	v8 =	vor.u32 s10, v0  }
0x125: {  	v5 =	vor.u32 s8, v0;
	v10 =	vxor.u32 v9, v10;
	v15 =	vshra.s32 v13, $0x13  }
0x126: {  	v9 =	vshra.s32 v11, $0x1F;
	v12 =	vxor.u32 v12, v20;
	v15 =	vadd.s32 $0x1000, v15  }
0x127: {  	v9 =	vand.u32 $0x7FFFFFFF, v9;
	vm3 =	vge.s32 v15, v4;
	v15 =	vshra.s32 v10, $0x13  }
0x128: {  	v19 =	vsel vm3, $0x1, v1;
	v15 =	vadd.s32 $0x1000, v15;
	v24 =	vmpcnt.ones.xlane vm3  }
0x129: {  	vm5 =	vge.s32 v15, v4;
	v15 =	vxor.u32 v11, v9;
	v9 =	vand.u32 $0x7FFFFFFF, v25  }
0x12a: {  	v11 =	vxor.u32 v14, v21;
	v14 =	vxor.u32 v17, v22;
	v25 =	vshra.s32 v15, $0x13  }
0x12b: {  	v16 =	vxor.u32 v16, v9;
	v21 =	vsel vm5, $0x1, v1;
	v9 =	vxor.u32 v18, v23  }
0x12c: {  	(xrf0) =	vadd.scan.msk.s32 $0xffff, v19;
	v22 =	vshra.s32 v14, $0x13;
	v17 =	vadd.s32 $0x1000, v25;
	v18 =	vshra.s32 v16, $0x13  }
0x12d: {  	v23 =	vshra.s32 v9, $0x13;
	v25 =	vshra.s32 v11, $0x13;
	(xrf0) =	vadd.scan.msk.s32 $0xffff, v21;
	v21 =	vadd.s32 $0x1000, v22  }
0x12e: {  	v22 =	vmpcnt.ones.xlane vm5;
	v18 =	vadd.s32 $0x1000, v18;
	vm9 =	vge.s32 v17, v4  }
0x12f: {  	v17 =	vshra.s32 v12, $0x13;
	vm7 =	vge.s32 v18, v4;
	v18 =	vadd.s32 $0x1000, v25  }
0x130: {  	vm8 =	vge.s32 v21, v4;
	vm6 =	vge.s32 v18, v4;
	v18 =	vadd.s32 $0x1000, v23  }
0x131: {  	v17 =	vadd.s32 $0x1000, v17;
	v21 =	vsel vm8, $0x1, v1;
	v19 =	vmpcnt.ones.xlane vm7  }
0x132: {  	vm4 =	vge.s32 v17, v4;
	v17 =	vsel vm9, $0x1, v1;
	v25 =	vsel vm7, $0x1, v1  }
0x133: {  	v20 =	vmpcnt.ones.xlane vm6;
	vm2 =	vge.s32 v18, v4;
	v19 =	vadd.s32 v7, v19;
	v18, _, _ =	vpop (xrf0);
	(xrf0) =	vadd.scan.msk.s32 $0xffff, v17  }
0x134: {  	v23 =	vmpcnt.ones.xlane vm8;
	v27 =	vsel vm6, $0x1, v1;
	v17 =	vadd.s32 v19, v24;
	(xrf0) =	vadd.scan.msk.s32 $0xffff, v21  }
0x135: {  	s31 =	simm.s32 $0x0;
	s4 =	sadd.s32 $0xFFFFFFF0, s8;
	v18 =	vadd.s32 v18, v19;
	v21 =	vadd.s32 v17, v20;
	v19 =	vmpcnt.ones.xlane vm9  }
0x136: {  	s13 =	sadd.s32 $0xFFFFFFA0, s8;
	s11 =	sadd.s32 $0xFFFFFFB0, s8;
	s12 =	sadd.s32 $0xFFFFFFC0, s8;
	v26, _, _ =	vpop (xrf0);
	v20 =	vadd.s32 $0xFFFFFFFF, v18;
	v24 =	vadd.s32 v21, v23;
	v23 =	vmpcnt.ones.xlane vm4;
	(xrf0) =	vadd.scan.msk.s32 $0xffff, v25  }
0x137: {  	s28 =	smov.u32 s8;
	s9 =	sadd.s32 $0x80, s8;
	s10 =	simm.s32 $0xC0;
	v18 =	vor.u32 s4, v0;
	v25 =	vadd.s32 v26, v24;
	v26 =	vsel vm2, $0x1, v1;
	(xrf0) =	vadd.scan.msk.s32 $0xffff, v27  }
.LBB2_20:
0x138: {  	s5 =	sadd.s32 $0xFFFFFF90, s9;
	v27 =	vld [tilespmem:s10+$0xFFFFFFD0];
	s4 =	sadd.s32 $0xFFFFFFD0, s9;
	s31 =	sadd.s32 $0x8, s31;
	v28 =	vor.u32 s13, v0;
	v29 =	vor.u32 s11, v0;
	v30 =	vor.u32 s12, v0  }
0x139: {  	v34 =	vor.u32 s9, v0;
	v31 =	vor.u32 s5, v0;
	v32 =	vld [tilespmem:s10+$0x0];
	v33 =	vor.u32 s4, v0;
	p0 =	slt.u32 s31, $0x3F8;
	s4 =	sadd.s32 $0xFFFFFFE0, s28;
	v35, _, _ =	vpop (xrf0);
	(xrf0) =	vadd.scan.msk.s32 $0xffff, v26;
	s28 =	smov.u32 s9  }
0x13a: {  	v22 =	vadd.s32 v24, v22;
	v36 =	vmpcnt.ones.xlane vm2;
	v26 =	vld [tilespmem:s10+$0x10];
	v24 =	vor.u32 s4, v0;
	v37, _, _ =	vpop (xrf0)  }
0x13b: {  	v25 =	vadd.s32 $0xFFFFFFFF, v25;
	v39 =	vadd.s32 v22, v23;
	v38 =	vld [tilespmem:s10+$0x30];
	[tilespmem:v20+s20+$0x0] =	vst.idx.msk vm3, v13;
	v21 =	vadd.s32 v37, v21  }
0x13c: {  	v35 =	vadd.s32 v35, v39;
	v19 =	vadd.s32 v39, v19;
	v37 =	vsel vm4, $0x1, v1;
	v23 =	vld [tilespmem:s10+$0x20];
	v13, _, _ =	vpop (xrf0)  }
0x13d: {  	v39 =	vshra.s32 v27, $0x1F;
	v40 =	vld [tilespmem:s10+$0xFFFFFFE0];
	v7 =	vadd.s32 v13, v7;
	[tilespmem:v20+s21+$0x0] =	vst.idx.msk vm3, v28;
	v20 =	vadd.s32 $0xFFFFFFFF, v35;
	v28, _, _ =	vpop (xrf0)  }
0x13e: {  	v35 =	vld [tilespmem:s10+$0xFFFFFFC0];
	v13 =	vand.u32 $0x7FFFFFFF, v39;
	v39 =	vshra.s32 v32, $0x1F;
	v41 =	vadd.s32 $0xFFFFFFFF, v7;
	(xrf0) =	vadd.scan.msk.s32 $0xffff, v37  }
0x13f: {  	v7 =	vadd.s32 v19, v36;
	v13 =	vxor.u32 v27, v13;
	v27 =	vld [tilespmem:s10+$0xFFFFFFF0];
	v37 =	vand.u32 $0x7FFFFFFF, v39;
	v36, _, _ =	vpop (xrf0)  }
0x140: {  	v39 =	vshra.s32 v13, $0x13;
	[tilespmem:v25+s20+$0x0] =	vst.idx.msk vm5, v10;
	v10 =	vxor.u32 v32, v37;
	v19 =	vadd.s32 v36, v19  }
0x141: {  	v32 =	vadd.s32 $0x1000, v39;
	v36 =	vshra.s32 v23, $0x1F;
	[tilespmem:v25+s21+$0x0] =	vst.idx.msk vm5, v8;
	v19 =	vadd.s32 $0xFFFFFFFF, v19;
	v8 =	vmovc v33  }
0x142: {  	v21 =	vadd.s32 $0xFFFFFFFF, v21;
	v25 =	vshra.s32 v10, $0x13;
	vm3 =	vge.s32 v32, v4;
	[tilespmem:v20+s20+$0x0] =	vst.idx.msk vm9, v15  }
0x143: {  	v37 =	vadd.s32 v28, v17;
	v32 =	vshra.s32 v26, $0x1F;
	v15 =	vsel vm3, $0x1, v1;
	[tilespmem:v41+s20+$0x0] =	vst.idx.msk vm7, v16  }
0x144: {  	v33 =	vadd.s32 $0xFFFFFFFF, v37;
	v17 =	vshra.s32 v40, $0x1F;
	v28 =	vshra.s32 v27, $0x1F;
	[tilespmem:v20+s21+$0x0] =	vst.idx.msk vm9, v18;
	v16, _, _ =	vpop (xrf0)  }
0x145: {  	v18 =	vadd.s32 $0x1000, v25;
	v20 =	vshra.s32 v38, $0x1F;
	(xrf0) =	vadd.scan.msk.s32 $0xffff, v15;
	v16 =	vadd.s32 v16, v22  }
0x146: {  	v22 =	vmpcnt.ones.xlane vm3;
	vm5 =	vge.s32 v18, v4;
	v18 =	vand.u32 $0x7FFFFFFF, v32;
	[tilespmem:v41+s21+$0x0] =	vst.idx.msk vm7, v6;
	v6 =	vmovc v31  }
0x147: {  	v25 =	vshra.s32 v35, $0x1F;
	v28 =	vand.u32 $0x7FFFFFFF, v28;
	v15 =	vand.u32 $0x7FFFFFFF, v36;
	[tilespmem:v21+s20+$0x0] =	vst.idx.msk vm8, v14  }
0x148: {  	v15 =	vxor.u32 v23, v15;
	v14 =	vand.u32 $0x7FFFFFFF, v17;
	v17 =	vadd.s32 $0xFFFFFFFF, v16;
	[tilespmem:v21+s21+$0x0] =	vst.idx.msk vm8, v30  }
0x149: {  	v20 =	vand.u32 $0x7FFFFFFF, v20;
	v16 =	vand.u32 $0x7FFFFFFF, v25;
	v21 =	vshra.s32 v15, $0x13;
	[tilespmem:v33+s20+$0x0] =	vst.idx.msk vm6, v11  }
0x14a: {  	v23 =	vsel vm5, $0x1, v1;
	v16 =	vxor.u32 v35, v16;
	v11 =	vxor.u32 v40, v14;
	[tilespmem:v33+s21+$0x0] =	vst.idx.msk vm6, v29  }
0x14b: {  	v20 =	vxor.u32 v38, v20;
	v14 =	vxor.u32 v27, v28;
	v21 =	vadd.s32 $0x1000, v21;
	v25, _, _ =	vpop (xrf0);
	(xrf0) =	vadd.scan.msk.s32 $0xffff, v23  }
0x14c: {  	v28 =	vshra.s32 v20, $0x13;
	v27 =	vshra.s32 v14, $0x13;
	v23 =	vshra.s32 v16, $0x13;
	[tilespmem:v19+s20+$0x0] =	vst.idx.msk vm2, v9;
	v9 =	vmovc v20  }
0x14d: {  	v20 =	vadd.s32 $0x1000, v23;
	v23 =	vshra.s32 v11, $0x13;
	[tilespmem:v17+s20+$0x0] =	vst.idx.msk vm4, v12;
	v12 =	vxor.u32 v26, v18  }
0x14e: {  	vm9 =	vge.s32 v21, v4;
	vm7 =	vge.s32 v20, v4;
	v18 =	vadd.s32 $0x1000, v23;
	[tilespmem:v17+s21+$0x0] =	vst.idx.msk vm4, v24  }
0x14f: {  	vm6 =	vge.s32 v18, v4;
	v17 =	vshra.s32 v12, $0x13;
	v18 =	vadd.s32 $0x1000, v28;
	[tilespmem:v19+s21+$0x0] =	vst.idx.msk vm2, v5;
	v5 =	vmovc v34  }
0x150: {  	v21 =	vadd.s32 $0x1000, v27;
	v19 =	vmpcnt.ones.xlane vm7;
	v20 =	vmpcnt.ones.xlane vm6  }
0x151: {  	vm8 =	vge.s32 v21, v4;
	v27 =	vsel vm6, $0x1, v1;
	v17 =	vadd.s32 $0x1000, v17;
	v26, _, _ =	vpop (xrf0)  }
0x152: {  	v21 =	vsel vm8, $0x1, v1;
	vm4 =	vge.s32 v17, v4;
	v17 =	vsel vm9, $0x1, v1  }
.Ltmp10:
0x153: {  	v28 =	vsel vm7, $0x1, v1;
	vm2 =	vge.s32 v18, v4;
	v19 =	vadd.s32 v7, v19;
	(xrf0) =	vadd.scan.msk.s32 $0xffff, v17;
	(pc) =	sbr.rel @p0 .LBB2_20-.Ltmp10, $4  }
0x154: {  	v18 =	vmpcnt.ones.xlane vm8;
	v17 =	vadd.s32 v19, v22;
	v22 =	vmpcnt.ones.xlane vm5;
	(xrf0) =	vadd.scan.msk.s32 $0xffff, v21  }
0x155: {  	v23 =	vadd.s32 v25, v19;
	v19 =	vmpcnt.ones.xlane vm9;
	v21 =	vadd.s32 v17, v20  }
0x156: {  	s9 =	sadd.s32 $0x80, s9;
	s4 =	sadd.s32 $0xFFFFFFF0, s28;
	s10 =	sadd.s32 $0x80, s10;
	v20 =	vadd.s32 $0xFFFFFFFF, v23;
	v23 =	vmpcnt.ones.xlane vm4;
	v24 =	vadd.s32 v21, v18;
	(xrf0) =	vadd.scan.msk.s32 $0xffff, v28  }
0x157: {  	s13 =	sadd.s32 $0xFFFFFFA0, s28;
	s11 =	sadd.s32 $0xFFFFFFB0, s28;
	s12 =	sadd.s32 $0xFFFFFFC0, s28;
	v18 =	vor.u32 s4, v0;
	v25 =	vadd.s32 v26, v24;
	v26 =	vsel vm2, $0x1, v1;
	(xrf0) =	vadd.scan.msk.s32 $0xffff, v27  }
0x158: {  	_ = 	snop  }
0x159: {  	v22 =	vadd.s32 v24, v22;
	v25 =	vadd.s32 $0xFFFFFFFF, v25  }
0x15a: {  	v27, _, _ =	vpop (xrf0);
	v23 =	vadd.s32 v22, v23  }
0x15b: {  	v24, _, _ =	vpop (xrf0);
	v27 =	vadd.s32 v27, v23  }
0x15c: {  	(xrf0) =	vadd.scan.msk.s32 $0xffff, v26;
	v27 =	vadd.s32 $0xFFFFFFFF, v27;
	v28, _, _ =	vpop (xrf0)  }
0x15d: {  	[tilespmem:v20+s20+$0x0] =	vst.idx.msk vm3, v13;
	v26 =	vsel vm4, $0x1, v1;
	v7 =	vadd.s32 v28, v7  }
0x15e: {  	v13 =	vadd.s32 v24, v21;
	(xrf0) =	vadd.scan.msk.s32 $0xffff, v26;
	[tilespmem:v25+s20+$0x0] =	vst.idx.msk vm5, v10;
	v7 =	vadd.s32 $0xFFFFFFFF, v7  }
0x15f: {  	v63 =	vor.u32 s13, v0;
	v10, _, _ =	vpop (xrf0);
	[tilespmem:v25+s21+$0x0] =	vst.idx.msk vm5, v8;
	v8 =	vadd.s32 $0xFFFFFFFF, v13  }
0x160: {  	[tilespmem:v20+s21+$0x0] =	vst.idx.msk vm3, v63;
	v10 =	vadd.s32 v10, v17  }
0x161: {  	v10 =	vadd.s32 $0xFFFFFFFF, v10;
	[tilespmem:v27+s20+$0x0] =	vst.idx.msk vm9, v15  }
0x162: {  	v13 =	vadd.s32 v23, v19;
	v15, _, _ =	vpop (xrf0);
	[tilespmem:v27+s21+$0x0] =	vst.idx.msk vm9, v18  }
0x163: {  	v15 =	vadd.s32 v15, v13;
	[tilespmem:v7+s20+$0x0] =	vst.idx.msk vm7, v16  }
0x164: {  	v15 =	vadd.s32 $0xFFFFFFFF, v15;
	v16, _, _ =	vpop (xrf0);
	[tilespmem:v8+s20+$0x0] =	vst.idx.msk vm8, v14  }
0x165: {  	v16 =	vadd.s32 v16, v22;
	[tilespmem:v7+s21+$0x0] =	vst.idx.msk vm7, v6  }
0x166: {  	v6 =	vor.u32 s12, v0;
	[tilespmem:v10+s20+$0x0] =	vst.idx.msk vm6, v11;
	v7 =	vadd.s32 $0xFFFFFFFF, v16  }
0x167: {  	[tilespmem:v8+s21+$0x0] =	vst.idx.msk vm8, v6;
	v6 =	vor.u32 s11, v0  }
0x168: {  	[tilespmem:v10+s21+$0x0] =	vst.idx.msk vm6, v6  }
0x169: {  	s31 =	sshll.u32 s1, $0x12;
	p0 =	seq.s32 s1, $0xF;
	[tilespmem:v15+s20+$0x0] =	vst.idx.msk vm2, v9  }
0x16a: {  	s4 =	sadd.s32 $0xFFFFFFE0, s28;
	s5 =	sadd.s32 @!p0 s31, s6;
	[tilespmem:v15+s21+$0x0] =	vst.idx.msk vm2, v5  }
0x16b: {  	s9 =	simm.s32 @!p0 $0x400;
	v6 =	vor.u32 s4, v0;
	s4 =	sshrl.u32 @!p0 s5, $0x3;
	[tilespmem:v7+s20+$0x0] =	vst.idx.msk vm4, v12  }
0x16c: {  	s10 =	simm.s32 @!p0 $0x0;
	s5 =	simm.s32 @!p0 $0x80;
	s4 =	sadd.s32 @!p0 s3, s4;
	[tilespmem:v7+s21+$0x0] =	vst.idx.msk vm4, v6  }
0x16d: {  	[tilespmem:s10], [sflag:$0x1] =	stream.strided.gather @!p0 [hbm4b:s4+s5], $0x4000, s9, s5, $0x38;
	[tilespmem:$0x18200] =	vst v63  }
0x16e: {  	_ =	swait.ge [sflag:s19], $0x4000  }
0x16f: {  	[sflag:s19] =	ssyncset.done $0x0  }
0x170: {  	s11 =	simm.s32 $0x4040;
	[sflag:s19] =	ssyncadd.s32 $0xFFFFC000  }
0x171: {  	v5 =	vld [tilespmem:s11+$0xFFFFFFD0]  }
0x172: {  	v8 =	vld [tilespmem:s11+$0x0]  }
0x173: {  	v11 =	vld [tilespmem:s11+$0x10]  }
0x174: {  	v10 =	vld [tilespmem:s11+$0xFFFFFFE0]  }
0x175: {  	v14 =	vld [tilespmem:s11+$0xFFFFFFF0]  }
0x176: {  	v17 =	vld [tilespmem:s11+$0x30]  }
0x177: {  	v6 =	vmpcnt.ones.xlane vm2  }
0x178: {  	s12 =	sadd.s32 $0xFFFFFF90, s30  }
0x179: {  	v12 =	vadd.s32 v13, v6;
	v6 =	vor.u32 s12, v0  }
0x17a: {  	v9 =	vld [tilespmem:s11+$0x20];
	v7 =	vshra.s32 v5, $0x1F;
	v15 =	vshra.s32 v8, $0x1F;
	v20 =	vshra.s32 v11, $0x1F  }
0x17b: {  	v21 =	vshra.s32 v10, $0x1F;
	v22 =	vshra.s32 v14, $0x1F;
	v23 =	vshra.s32 v17, $0x1F  }
0x17c: {  	v7 =	vand.u32 $0x7FFFFFFF, v7;
	v15 =	vand.u32 $0x7FFFFFFF, v15;
	v20 =	vand.u32 $0x7FFFFFFF, v20  }
0x17d: {  	s13 =	sadd.s32 $0xFFFFFFD0, s30;
	v22 =	vand.u32 $0x7FFFFFFF, v22;
	v21 =	vand.u32 $0x7FFFFFFF, v21;
	v23 =	vand.u32 $0x7FFFFFFF, v23  }
0x17e: {  	v13 =	vxor.u32 v5, v7;
	v7 =	vor.u32 s13, v0;
	v5 =	vor.u32 s30, v0  }
0x17f: {  	v18 =	vld [tilespmem:s11+$0xFFFFFFC0];
	v8 =	vxor.u32 v8, v15;
	v15 =	vshra.s32 v9, $0x1F;
	v10 =	vxor.u32 v10, v21  }
0x180: {  	v14 =	vxor.u32 v14, v22;
	v11 =	vxor.u32 v11, v20;
	v16 =	vshra.s32 v13, $0x13  }
0x181: {  	v15 =	vand.u32 $0x7FFFFFFF, v15;
	v22 =	vshra.s32 v14, $0x13;
	v16 =	vadd.s32 $0x1000, v16  }
0x182: {  	v15 =	vxor.u32 v9, v15;
	vm2 =	vge.s32 v16, v4;
	v16 =	vshra.s32 v8, $0x13  }
0x183: {  	v25 =	vshra.s32 v15, $0x13;
	v19 =	vsel vm2, $0x1, v1;
	v16 =	vadd.s32 $0x1000, v16  }
0x184: {  	v24 =	vmpcnt.ones.xlane vm2;
	vm3 =	vge.s32 v16, v4;
	v16 =	vshra.s32 v18, $0x1F  }
0x185: {  	v21 =	vadd.s32 $0x1000, v25;
	v25 =	vshra.s32 v10, $0x13;
	v9 =	vand.u32 $0x7FFFFFFF, v16  }
0x186: {  	vm9 =	vge.s32 v21, v4;
	v21 =	vadd.s32 $0x1000, v22;
	v16 =	vxor.u32 v18, v9  }
0x187: {  	vm8 =	vge.s32 v21, v4;
	v9 =	vxor.u32 v17, v23;
	v17 =	vshra.s32 v16, $0x13  }
0x188: {  	(xrf0) =	vadd.scan.msk.s32 $0xffff, v19;
	v22 =	vmpcnt.ones.xlane vm3;
	v18 =	vsel vm3, $0x1, v1;
	v17 =	vadd.s32 $0x1000, v17  }
0x189: {  	v21 =	vsel vm8, $0x1, v1;
	vm7 =	vge.s32 v17, v4;
	v17 =	vadd.s32 $0x1000, v25  }
0x18a: {  	v23 =	vshra.s32 v9, $0x13;
	(xrf0) =	vadd.scan.msk.s32 $0xffff, v18;
	vm5 =	vge.s32 v17, v4;
	v17 =	vshra.s32 v11, $0x13  }
0x18b: {  	v19 =	vadd.s32 $0x1000, v23;
	v18 =	vmpcnt.ones.xlane vm7;
	v17 =	vadd.s32 $0x1000, v17  }
0x18c: {  	v23 =	vmpcnt.ones.xlane vm8;
	vm4 =	vge.s32 v17, v4;
	v17 =	vsel vm9, $0x1, v1  }
0x18d: {  	vm6 =	vge.s32 v19, v4;
	v20 =	vmpcnt.ones.xlane vm5;
	v18 =	vadd.s32 v12, v18;
	(xrf0) =	vadd.scan.msk.s32 $0xffff, v17  }
0x18e: {  	v25 =	vsel vm7, $0x1, v1;
	v27 =	vsel vm5, $0x1, v1;
	v19, _, _ =	vpop (xrf0);
	v17 =	vadd.s32 v18, v24;
	(xrf0) =	vadd.scan.msk.s32 $0xffff, v21  }
0x18f: {  	s0 =	sadd.s32 $0xFFFFFFF0, s30;
	s28 =	smov.u32 s30;
	v18 =	vadd.s32 v19, v18;
	v19 =	vmpcnt.ones.xlane vm9;
	v21 =	vadd.s32 v17, v20  }
0x190: {  	s9 =	simm.s32 $0x0;
	s10 =	sadd.s32 $0x80, s30;
	s5 =	sadd.s32 $0xFFFFFFA0, s30;
	v26, _, _ =	vpop (xrf0);
	v20 =	vadd.s32 $0xFFFFFFFF, v18;
	v18 =	vor.u32 s0, v0;
	v24 =	vadd.s32 v21, v23;
	(xrf0) =	vadd.scan.msk.s32 $0xffff, v25  }
0x191: {  	s12 =	sadd.s32 $0xFFFFFFB0, s30;
	s11 =	simm.s32 $0x40C0;
	s13 =	sadd.s32 $0xFFFFFFC0, s30;
	v23 =	vmpcnt.ones.xlane vm4;
	v25 =	vadd.s32 v26, v24;
	v26 =	vsel vm6, $0x1, v1;
	(xrf0) =	vadd.scan.msk.s32 $0xffff, v27  }
.LBB2_22:
0x192: {  	s4 =	sadd.s32 $0xFFFFFF90, s10;
	v27 =	vld [tilespmem:s11+$0xFFFFFFD0];
	s0 =	sadd.s32 $0xFFFFFFD0, s10;
	s9 =	sadd.s32 $0x8, s9;
	v28 =	vor.u32 s5, v0;
	v29 =	vor.u32 s12, v0;
	v30 =	vor.u32 s13, v0  }
0x193: {  	v34 =	vor.u32 s10, v0;
	v31 =	vor.u32 s4, v0;
	v32 =	vld [tilespmem:s11+$0x0];
	v33 =	vor.u32 s0, v0;
	p1 =	slt.u32 s9, $0x3F8;
	s0 =	sadd.s32 $0xFFFFFFE0, s28;
	v35, _, _ =	vpop (xrf0);
	(xrf0) =	vadd.scan.msk.s32 $0xffff, v26;
	s28 =	smov.u32 s10  }
0x194: {  	v22 =	vadd.s32 v24, v22;
	v36 =	vmpcnt.ones.xlane vm6;
	v26 =	vld [tilespmem:s11+$0x10];
	v24 =	vor.u32 s0, v0;
	v37, _, _ =	vpop (xrf0)  }
0x195: {  	v25 =	vadd.s32 $0xFFFFFFFF, v25;
	v39 =	vadd.s32 v22, v23;
	v38 =	vld [tilespmem:s11+$0x30];
	[tilespmem:v20+s20+$0x0] =	vst.idx.msk vm2, v13;
	v21 =	vadd.s32 v37, v21  }
0x196: {  	v35 =	vadd.s32 v35, v39;
	v19 =	vadd.s32 v39, v19;
	v37 =	vsel vm4, $0x1, v1;
	v23 =	vld [tilespmem:s11+$0x20];
	v13, _, _ =	vpop (xrf0)  }
0x197: {  	v39 =	vshra.s32 v27, $0x1F;
	v40 =	vld [tilespmem:s11+$0xFFFFFFE0];
	v12 =	vadd.s32 v13, v12;
	[tilespmem:v20+s21+$0x0] =	vst.idx.msk vm2, v28;
	v20 =	vadd.s32 $0xFFFFFFFF, v35;
	v28, _, _ =	vpop (xrf0)  }
0x198: {  	v35 =	vld [tilespmem:s11+$0xFFFFFFC0];
	v13 =	vand.u32 $0x7FFFFFFF, v39;
	v39 =	vshra.s32 v32, $0x1F;
	v41 =	vadd.s32 $0xFFFFFFFF, v12;
	(xrf0) =	vadd.scan.msk.s32 $0xffff, v37  }
0x199: {  	v12 =	vadd.s32 v19, v36;
	v13 =	vxor.u32 v27, v13;
	v27 =	vld [tilespmem:s11+$0xFFFFFFF0];
	v37 =	vand.u32 $0x7FFFFFFF, v39;
	v36, _, _ =	vpop (xrf0)  }
0x19a: {  	v39 =	vshra.s32 v13, $0x13;
	[tilespmem:v25+s20+$0x0] =	vst.idx.msk vm3, v8;
	v8 =	vxor.u32 v32, v37;
	v19 =	vadd.s32 v36, v19  }
0x19b: {  	v32 =	vadd.s32 $0x1000, v39;
	v36 =	vshra.s32 v23, $0x1F;
	[tilespmem:v25+s21+$0x0] =	vst.idx.msk vm3, v7;
	v19 =	vadd.s32 $0xFFFFFFFF, v19;
	v7 =	vmovc v33  }
0x19c: {  	v21 =	vadd.s32 $0xFFFFFFFF, v21;
	v25 =	vshra.s32 v8, $0x13;
	vm2 =	vge.s32 v32, v4;
	[tilespmem:v20+s20+$0x0] =	vst.idx.msk vm9, v15  }
0x19d: {  	v37 =	vadd.s32 v28, v17;
	v32 =	vshra.s32 v26, $0x1F;
	v15 =	vsel vm2, $0x1, v1;
	[tilespmem:v41+s20+$0x0] =	vst.idx.msk vm7, v16  }
0x19e: {  	v33 =	vadd.s32 $0xFFFFFFFF, v37;
	v17 =	vshra.s32 v40, $0x1F;
	v28 =	vshra.s32 v27, $0x1F;
	[tilespmem:v20+s21+$0x0] =	vst.idx.msk vm9, v18;
	v16, _, _ =	vpop (xrf0)  }
0x19f: {  	v18 =	vadd.s32 $0x1000, v25;
	v20 =	vshra.s32 v38, $0x1F;
	(xrf0) =	vadd.scan.msk.s32 $0xffff, v15;
	v16 =	vadd.s32 v16, v22  }
0x1a0: {  	v22 =	vmpcnt.ones.xlane vm2;
	vm3 =	vge.s32 v18, v4;
	v18 =	vand.u32 $0x7FFFFFFF, v32;
	[tilespmem:v41+s21+$0x0] =	vst.idx.msk vm7, v6;
	v6 =	vmovc v31  }
0x1a1: {  	v25 =	vshra.s32 v35, $0x1F;
	v28 =	vand.u32 $0x7FFFFFFF, v28;
	v15 =	vand.u32 $0x7FFFFFFF, v36;
	[tilespmem:v21+s20+$0x0] =	vst.idx.msk vm8, v14  }
0x1a2: {  	v15 =	vxor.u32 v23, v15;
	v14 =	vand.u32 $0x7FFFFFFF, v17;
	v17 =	vadd.s32 $0xFFFFFFFF, v16;
	[tilespmem:v21+s21+$0x0] =	vst.idx.msk vm8, v30  }
0x1a3: {  	v20 =	vand.u32 $0x7FFFFFFF, v20;
	v16 =	vand.u32 $0x7FFFFFFF, v25;
	v21 =	vshra.s32 v15, $0x13;
	[tilespmem:v33+s20+$0x0] =	vst.idx.msk vm5, v10  }
0x1a4: {  	v23 =	vsel vm3, $0x1, v1;
	v16 =	vxor.u32 v35, v16;
	v10 =	vxor.u32 v40, v14;
	[tilespmem:v33+s21+$0x0] =	vst.idx.msk vm5, v29  }
0x1a5: {  	v20 =	vxor.u32 v38, v20;
	v14 =	vxor.u32 v27, v28;
	v21 =	vadd.s32 $0x1000, v21;
	v25, _, _ =	vpop (xrf0);
	(xrf0) =	vadd.scan.msk.s32 $0xffff, v23  }
0x1a6: {  	v28 =	vshra.s32 v20, $0x13;
	v27 =	vshra.s32 v14, $0x13;
	v23 =	vshra.s32 v16, $0x13;
	[tilespmem:v19+s20+$0x0] =	vst.idx.msk vm6, v9;
	v9 =	vmovc v20  }
0x1a7: {  	v20 =	vadd.s32 $0x1000, v23;
	v23 =	vshra.s32 v10, $0x13;
	[tilespmem:v17+s20+$0x0] =	vst.idx.msk vm4, v11;
	v11 =	vxor.u32 v26, v18  }
0x1a8: {  	vm9 =	vge.s32 v21, v4;
	vm7 =	vge.s32 v20, v4;
	v18 =	vadd.s32 $0x1000, v23;
	[tilespmem:v17+s21+$0x0] =	vst.idx.msk vm4, v24  }
0x1a9: {  	vm5 =	vge.s32 v18, v4;
	v17 =	vshra.s32 v11, $0x13;
	v18 =	vadd.s32 $0x1000, v28;
	[tilespmem:v19+s21+$0x0] =	vst.idx.msk vm6, v5;
	v5 =	vmovc v34  }
0x1aa: {  	v21 =	vadd.s32 $0x1000, v27;
	v19 =	vmpcnt.ones.xlane vm7;
	v20 =	vmpcnt.ones.xlane vm5  }
0x1ab: {  	vm8 =	vge.s32 v21, v4;
	v27 =	vsel vm5, $0x1, v1;
	v17 =	vadd.s32 $0x1000, v17;
	v26, _, _ =	vpop (xrf0)  }
0x1ac: {  	v21 =	vsel vm8, $0x1, v1;
	vm4 =	vge.s32 v17, v4;
	v17 =	vsel vm9, $0x1, v1  }
.Ltmp11:
0x1ad: {  	v28 =	vsel vm7, $0x1, v1;
	vm6 =	vge.s32 v18, v4;
	v19 =	vadd.s32 v12, v19;
	(xrf0) =	vadd.scan.msk.s32 $0xffff, v17;
	(pc) =	sbr.rel @p1 .LBB2_22-.Ltmp11, $4  }
0x1ae: {  	v18 =	vmpcnt.ones.xlane vm8;
	v17 =	vadd.s32 v19, v22;
	v22 =	vmpcnt.ones.xlane vm3;
	(xrf0) =	vadd.scan.msk.s32 $0xffff, v21  }
0x1af: {  	v23 =	vadd.s32 v25, v19;
	v19 =	vmpcnt.ones.xlane vm9;
	v21 =	vadd.s32 v17, v20  }
0x1b0: {  	s10 =	sadd.s32 $0x80, s10;
	s0 =	sadd.s32 $0xFFFFFFF0, s28;
	s11 =	sadd.s32 $0x80, s11;
	v20 =	vadd.s32 $0xFFFFFFFF, v23;
	v23 =	vmpcnt.ones.xlane vm4;
	v24 =	vadd.s32 v21, v18;
	(xrf0) =	vadd.scan.msk.s32 $0xffff, v28  }
0x1b1: {  	s5 =	sadd.s32 $0xFFFFFFA0, s28;
	s12 =	sadd.s32 $0xFFFFFFB0, s28;
	s13 =	sadd.s32 $0xFFFFFFC0, s28;
	v18 =	vor.u32 s0, v0;
	v25 =	vadd.s32 v26, v24;
	v26 =	vsel vm6, $0x1, v1;
	(xrf0) =	vadd.scan.msk.s32 $0xffff, v27  }
0x1b2: {  	_ = 	snop  }
0x1b3: {  	v22 =	vadd.s32 v24, v22;
	v25 =	vadd.s32 $0xFFFFFFFF, v25  }
0x1b4: {  	v27, _, _ =	vpop (xrf0);
	v23 =	vadd.s32 v22, v23  }
0x1b5: {  	v56, _, _ =	vpop (xrf0);
	v27 =	vadd.s32 v27, v23  }
0x1b6: {  	(xrf0) =	vadd.scan.msk.s32 $0xffff, v26;
	v27 =	vadd.s32 $0xFFFFFFFF, v27;
	v28, _, _ =	vpop (xrf0)  }
0x1b7: {  	v57 =	vsel vm4, $0x1, v1;
	[tilespmem:v20+s20+$0x0] =	vst.idx.msk vm2, v13;
	v12 =	vadd.s32 v28, v12  }
0x1b8: {  	(xrf0) =	vadd.scan.msk.s32 $0xffff, v57;
	v59 =	vadd.s32 v56, v21;
	[tilespmem:v25+s20+$0x0] =	vst.idx.msk vm3, v8;
	v12 =	vadd.s32 $0xFFFFFFFF, v12  }
0x1b9: {  	v58 =	vor.u32 s5, v0;
	v8, _, _ =	vpop (xrf0);
	[tilespmem:v25+s21+$0x0] =	vst.idx.msk vm3, v7;
	v7 =	vadd.s32 $0xFFFFFFFF, v59  }
0x1ba: {  	[tilespmem:v20+s21+$0x0] =	vst.idx.msk vm2, v58;
	v8 =	vadd.s32 v8, v17  }
0x1bb: {  	v8 =	vadd.s32 $0xFFFFFFFF, v8;
	[tilespmem:v27+s20+$0x0] =	vst.idx.msk vm9, v15  }
0x1bc: {  	v60 =	vadd.s32 v23, v19;
	v61, _, _ =	vpop (xrf0);
	[tilespmem:v27+s21+$0x0] =	vst.idx.msk vm9, v18  }
0x1bd: {  	v15 =	vadd.s32 v61, v60;
	[tilespmem:v12+s20+$0x0] =	vst.idx.msk vm7, v16  }
0x1be: {  	v62, _, _ =	vpop (xrf0);
	v15 =	vadd.s32 $0xFFFFFFFF, v15;
	[tilespmem:v7+s20+$0x0] =	vst.idx.msk vm8, v14  }
0x1bf: {  	v16 =	vadd.s32 v62, v22;
	[tilespmem:v12+s21+$0x0] =	vst.idx.msk vm7, v6  }
0x1c0: {  	v6 =	vor.u32 s13, v0;
	v63 =	vadd.s32 $0xFFFFFFFF, v16;
	[tilespmem:v8+s20+$0x0] =	vst.idx.msk vm5, v10  }
0x1c1: {  	[tilespmem:v7+s21+$0x0] =	vst.idx.msk vm8, v6;
	v6 =	vor.u32 s12, v0  }
.Ltmp12:
0x1c2: {  	[tilespmem:v8+s21+$0x0] =	vst.idx.msk vm5, v6;
	(pc) =	sbr.rel @p0 .LBB2_25-.Ltmp12, $4  }
0x1c3: {  	[tilespmem:v15+s20+$0x0] =	vst.idx.msk vm6, v9  }
0x1c4: {  	s0 =	sadd.s32 $0xFFFFFFE0, s28;
	v7 =	vmpcnt.ones.xlane vm6;
	[tilespmem:v15+s21+$0x0] =	vst.idx.msk vm6, v5  }
0x1c5: {  	v6 =	vor.u32 s0, v0;
	[tilespmem:v63+s20+$0x0] =	vst.idx.msk vm4, v11  }
0x1c6: {  	v7 =	vadd.s32 v60, v7;
	[tilespmem:v63+s21+$0x0] =	vst.idx.msk vm4, v6  }
.Ltmp13:
0x1c7: {  	(pc) =	sbr.rel .LBB2_19-.Ltmp13, $4  }
0x1c8: {  	s0 =	sadd.s32 s31, s7  }
0x1c9: {  	s1 =	sadd.s32 $0x1, s1;
	s0 =	sshrl.u32 s0, $0x3  }
0x1ca: {  	s8 =	sadd.s32 $0x8000, s8;
	s30 =	sadd.s32 $0x8000, s30;
	s0 =	sadd.s32 s3, s0  }
0x1cb: {  	[tilespmem:s16], [sflag:$0x2] =	stream.strided.gather [hbm4b:s0+s14], $0x4000, s15, s14, $0x38;
	[tilespmem:$0x18200] =	vst v63  }
.LBB2_25:
0x1cc: {  	vm2 =	vmmov $0x1  }
0x1cd: {  	v4 =	vnsel vm2, $0x0, v7  }
0x1ce: {  	(xrf0) =	vadd.scan.msk.s32 $0xffff, v4;
	_ =	sdelay $0x5  }
0x1cf: {  	v4, _, _ =	vpop (xrf0)  }
0x1d0: {  	(v2sf) =	vpush v4, $0xF;
	_ =	sdelay $0xe  }
0x1d1: {  	s0 =	spop (v2sf)  }
0x1d2: {  	s0 =	sadd.s32 $0xF, s0  }
0x1d3: {  	s1 =	sand.u32 $0xF, s0  }
0x1d4: {  	s30 =	sshra.s32 s0, $0x1F;
	p1 =	slt.s32 s0, $0x1;
	p0 =	sne.s32 s1, $0x0  }
0x1d5: {  	s1 =	sshrl.u32 s30, $0x1C;
	p0 =	por !p1, !p0  }
0x1d6: {  	s0 =	sadd.s32 s1, s0;
	s1 =	simm.s32 $0x1;
	p0 =	por !p0, !p0  }
0x1d7: {  	s0 =	sshra.s32 s0, $0x4;
	s1 =	simm.s32 @!p0 $0x0  }
0x1d8: {  	s1 =	ssub.s32 s0, s1  }
0x1d9: {  	p0 =	sgt.s32 s1, $0x0  }
.Ltmp14:
0x1da: {  	_ = 	snop;
	(pc) =	sbr.rel @!p0 .LBB2_26-.Ltmp14, $2  }
0x1db: {  	_ =	sdelay $0x2  }
0x1dc: {  	s31 =	rddreg [dreg:$0x5]  }
0x1dd: {  	p1 =	seq.s32 s1, $0x1  }
.Ltmp15:
0x1de: {  	_ = 	snop;
	(pc) =	sbr.rel @p1 .LBB2_80-.Ltmp15, $3  }
0x1df: {  	_ =	sdelay $0x1  }
0x1e0: {  	s8 =	simm.s32 $0x11000  }
0x1e1: {  	v4 =	vbroadcast v4, $0xF;
	s9 =	simm.s32 $0x0;
	s5 =	sadd.s32 $0xFFFFFFFF, s1;
	p0 =	por $0x0, $0x0;
	v5 =	vld [tilespmem:s8+$0x0]  }
0x1e2: {  	_ =	sdelay $0x3  }
0x1e3: {  	v6 =	vshra.s32 v5, $0x1F  }
0x1e4: {  	v6 =	vand.u32 $0x7FFFFFFF, v6  }
0x1e5: {  	v5 =	vxor.u32 v5, v6  }
0x1e6: {  	v5 =	vsub.f32 $0.0e+00, v5;
	_ =	sdelay $0x1  }
0x1e7: {  	v5 =	vmul.f32 $1.442695020e+00, v5;
	_ =	sdelay $0x1  }
0x1e8: {  	(erf) = vpow2.f32 v5;
	_ =	sdelay $0x8  }
0x1e9: {  	v5 =	vpop (erf)  }
0x1ea: {  	v5 =	vadd.f32 $1.000000000e+00, v5;
	_ =	sdelay $0x1  }
0x1eb: {  	(erf) = vrcp.f32 v5;
	_ =	sdelay $0x5  }
0x1ec: {  	v5 =	vor.u32 s9, v0  }
0x1ed: {  	p1 =	seq.s32 s5, $0x1  }
.Ltmp16:
0x1ee: {  	_ = 	snop;
	(pc) =	sbr.rel @p1 .LBB2_82-.Ltmp16, $4  }
0x1ef: {  	vm3 =	vlt.s32 v5, v4;
	v5 =	vpop (erf)  }
0x1f0: {  	v5 =	vnsel vm3, $0x0, v5  }
0x1f1: {  	[tilespmem:s8+$0x0] =	vst v5;
	s8 =	simm.s32 $0x11010  }
0x1f2: {  	s11 =	sadd.s32 $0xFFFFFFFF, s5;
	p0 =	por $0x1, $0x1;
	s10 =	simm.s32 $0x0;
	v5 =	vld [tilespmem:s8+$0x0]  }
.LBB2_83:
0x1f3: {  	p1 =	seq.s32 s11, $0x1;
	_ =	sdelay $0x3  }
0x1f4: {  	v6 =	vshra.s32 v5, $0x1F  }
0x1f5: {  	v6 =	vand.u32 $0x7FFFFFFF, v6  }
0x1f6: {  	v5 =	vxor.u32 v5, v6  }
0x1f7: {  	v5 =	vsub.f32 $0.0e+00, v5;
	_ =	sdelay $0x1  }
0x1f8: {  	v5 =	vmul.f32 $1.442695020e+00, v5;
	_ =	sdelay $0x1  }
0x1f9: {  	(erf) = vpow2.f32 v5;
	_ =	sdelay $0x8  }
0x1fa: {  	v5 =	vpop (erf)  }
0x1fb: {  	v5 =	vadd.f32 $1.000000000e+00, v5;
	_ =	sdelay $0x1  }
0x1fc: {  	(erf) = vrcp.f32 v5;
	_ =	sdelay $0x6  }
0x1fd: {  	s10 =	sadd.s32 $0x10, s10  }
.Ltmp17:
0x1fe: {  	v6 =	vor.u32 s10, v0;
	(pc) =	sbr.rel @!p1 .LBB2_83-.Ltmp17, $4  }
0x1ff: {  	vm3 =	vlt.s32 v6, v4;
	v5 =	vpop (erf)  }
0x200: {  	v5 =	vnsel vm3, $0x0, v5  }
0x201: {  	[tilespmem:s8+$0x0] =	vst v5;
	s8 =	sadd.s32 $0x10, s8  }
0x202: {  	s11 =	sadd.s32 $0xFFFFFFFF, s11;
	v5 =	vld [tilespmem:s8+$0x0]  }
.LBB2_84:
0x203: {  	_ =	sdelay $0x3  }
0x204: {  	v6 =	vshra.s32 v5, $0x1F  }
0x205: {  	v6 =	vand.u32 $0x7FFFFFFF, v6  }
0x206: {  	v5 =	vxor.u32 v5, v6  }
0x207: {  	v5 =	vsub.f32 $0.0e+00, v5;
	_ =	sdelay $0x1  }
0x208: {  	v5 =	vmul.f32 $1.442695020e+00, v5;
	_ =	sdelay $0x1  }
0x209: {  	(erf) = vpow2.f32 v5;
	_ =	sdelay $0x8  }
0x20a: {  	v5 =	vpop (erf)  }
0x20b: {  	v5 =	vadd.f32 $1.000000000e+00, v5;
	_ =	sdelay $0x1  }
0x20c: {  	(erf) = vrcp.f32 v5;
	_ =	sdelay $0x5  }
0x20d: {  	s0 =	sadd.s32 @p0 $0x10, s10  }
0x20e: {  	s9 =	smov.u32 @p0 s0  }
0x20f: {  	v5 =	vor.u32 s9, v0  }
0x210: {  	vm3 =	vlt.s32 v5, v4;
	v4 =	vpop (erf)  }
0x211: {  	v4 =	vnsel vm3, $0x0, v4  }
0x212: {  	[tilespmem:s8+$0x0] =	vst v4  }
.LBB2_26:
0x213: {  	s12 =	rddreg [dreg:$0x6]  }
0x214: {  	s13 =	rddreg [dreg:$0x8];
	s5 =	simm.s32 $0x40;
	s8 =	simm.s32 $0x0  }
.LBB2_27:
0x215: {  	p0 =	seq.s32 s5, $0x3FC0;
	[tilespmem:s8+$0x10000] =	vst v1;
	s0 =	smov.u32 s5;
	s5 =	sadd.s32 $0x40, s5  }
.Ltmp18:
0x216: {  	(pc) =	sbr.rel @!p0 .LBB2_27-.Ltmp18, $2  }
0x217: {  	_ =	sdelay $0x2  }
0x218: {  	s8 =	sshra.s32 s0, $0x2  }
0x219: {  	p0 =	sgt.s32 s1, $0x2B  }
0x21a: {  	s1 =	simm.s32 @!p0 $0x2B  }
0x21b: {  	v4 =	vmul.u32 s1, v0;
	_ =	sdelay $0x4  }
0x21c: {  	[tilespmem:s8+$0x10000] =	vst v1  }
0x21d: {  	v5 =	vld.idx.msk [tilespmem:v4+s20+$0x0], $0xffff;
	_ =	sdelay $0x2  }
0x21e: {  	p0 =	sne.s32 s1, $0x1  }
.Ltmp19:
0x21f: {  	_ = 	snop;
	(pc) =	sbr.rel @!p0 .LBB2_30-.Ltmp19, $4  }
0x220: {  	v5 =	vshll.u32 v5, $0x4  }
0x221: {  	v7 =	vand.u32 $0xFF0, v5;
	v5 =	vor.u32 $0xFF0, v0  }
0x222: {  	s8 =	simm.s32 $0x0;
	v6 =	vadd.s32 $0x1, v4;
	v7 =	vxor.u32 v5, v7  }
0x223: {  	s5 =	simm.s32 $0x1;
	v8 =	vadd.s32 s8, v6  }
.LBB2_29:
0x224: {  	_ =	sdelay $0x2  }
0x225: {  	[tilespmem:v7+s22+$0x0] =	vst.idx.add.s32.msk $0xffff, v2;
	s0 =	smov.u32 s5;
	s5 =	sadd.s32 $0x1, s5  }
0x226: {  	v5 =	vld.idx.msk [tilespmem:v8+s20+$0x0], $0xffff;
	p0 =	sne.s32 s1, s5;
	_ =	sdelay $0x4  }
.Ltmp20:
0x227: {  	(pc) =	sbr.rel @p0 .LBB2_29-.Ltmp20, $4  }
0x228: {  	v5 =	vshll.u32 v5, $0x4  }
0x229: {  	v7 =	vand.u32 $0xFF0, v5;
	v5 =	vor.u32 $0xFF0, v0  }
0x22a: {  	v7 =	vxor.u32 v5, v7  }
0x22b: {  	v8 =	vadd.s32 s0, v6  }
.LBB2_30:
0x22c: {  	_ =	sdelay $0x3  }
0x22d: {  	[tilespmem:v7+s22+$0x0] =	vst.idx.add.s32.msk $0xffff, v2;
	s0 =	simm.s32 $0x0  }
0x22e: {  	v6 =	vld [tilespmem:s0+$0x10000];
	_ =	sdelay $0x4  }
0x22f: {  	(xrf0) =	vadd.scan.msk.s32 $0xffff, v6;
	_ =	sdelay $0x5  }
0x230: {  	vm3 =	vmmov $0x7fff;
	v7, _, _ =	vpop (xrf0)  }
0x231: {  	v8 =	vsel vm3, $0x0, v7  }
0x232: {  	(xrf0) =	vadd.scan.msk.s32 $0xffff, v8;
	_ =	sdelay $0x1  }
0x233: {  	v6 =	vsub.s32 s8, v6  }
0x234: {  	v6 =	vadd.s32 v7, v6;
	_ =	sdelay $0x2  }
0x235: {  	s9 =	simm.s32 $0x10;
	s10 =	simm.s32 $0x80;
	[tilespmem:s0+$0x10000] =	vst v6;
	v6, _, _ =	vpop (xrf0)  }
.LBB2_31:
0x236: {  	p0 =	sne.s32 s10, $0x3FC0;
	v7 =	vld [tilespmem:s9+$0x10000];
	(v2sf) =	vpush v6, $0xF;
	_ =	sdelay $0x4  }
0x237: {  	(xrf0) =	vadd.scan.msk.s32 $0xffff, v7;
	_ =	sdelay $0x5  }
0x238: {  	v6, _, _ =	vpop (xrf0)  }
0x239: {  	v8 =	vsel vm3, $0x0, v6  }
0x23a: {  	(xrf0) =	vadd.scan.msk.s32 $0xffff, v8;
	_ =	sdelay $0x1  }
.Ltmp21:
0x23b: {  	s0 =	spop (v2sf);
	(pc) =	sbr.rel @p0 .LBB2_31-.Ltmp21, $4  }
0x23c: {  	s8 =	sadd.s32 s8, s0  }
0x23d: {  	v7 =	vsub.s32 s8, v7  }
0x23e: {  	v7 =	vadd.s32 v6, v7  }
0x23f: {  	[tilespmem:s9+$0x10000] =	vst v7;
	s9 =	sshra.s32 s10, $0x2;
	s10 =	sadd.s32 $0x40, s10;
	v6, _, _ =	vpop (xrf0)  }
0x240: {  	v7 =	vld [tilespmem:s9+$0x10000];
	_ =	sdelay $0x2  }
0x241: {  	(v2sf) =	vpush v6, $0xF;
	_ =	sdelay $0x1  }
0x242: {  	(xrf0) =	vadd.scan.msk.s32 $0xffff, v7;
	_ =	sdelay $0x5  }
0x243: {  	v6, _, _ =	vpop (xrf0)  }
0x244: {  	v8 =	vsel vm3, $0x0, v6  }
0x245: {  	(xrf0) =	vadd.scan.msk.s32 $0xffff, v8;
	_ =	sdelay $0x3  }
0x246: {  	s0 =	simm.s32 $0x0  }
0x247: {  	v9 =	vadd.s32 s0, v4;
	s28 =	spop (v2sf)  }
0x248: {  	s0 =	sadd.s32 s8, s28;
	v8, _, _ =	vpop (xrf0)  }
0x249: {  	v7 =	vsub.s32 s0, v7;
	(v2sf) =	vpush v8, $0xF  }
0x24a: {  	v6 =	vadd.s32 v6, v7  }
0x24b: {  	[tilespmem:s9+$0x10000] =	vst v6  }
0x24c: {  	v6 =	vld.idx.msk [tilespmem:v9+s20+$0x0], $0xffff;
	_ =	sdelay $0x4  }
0x24d: {  	v7 =	vshll.u32 v6, $0x4  }
0x24e: {  	v7 =	vand.u32 $0xFF0, v7  }
0x24f: {  	p0 =	sne.s32 s1, $0x1;
	v8 =	vxor.u32 v5, v7  }
.Ltmp22:
0x250: {  	_ = 	snop;
	(pc) =	sbr.rel @!p0 .LBB2_34-.Ltmp22, $3  }
0x251: {  	_ =	sdelay $0x1  }
0x252: {  	v7 =	vld.idx.msk [tilespmem:v9+s21+$0x0], $0xffff  }
0x253: {  	s8 =	simm.s32 $0x1;
	v9 =	vld.idx.msk [tilespmem:v8+s22+$0x0], $0xffff;
	s30 =	spop (v2sf)  }
.LBB2_33:
0x254: {  	_ =	sdelay $0x4  }
0x255: {  	v10 =	vadd.s32 s8, v4;
	_ =	sdelay $0x1  }
0x256: {  	s8 =	sadd.s32 $0x1, s8;
	[tilespmem:v9+s23+$0x0] =	vst.idx.msk $0xffff, v6  }
0x257: {  	p0 =	sne.s32 s1, s8;
	[tilespmem:v9+s24+$0x0] =	vst.idx.msk $0xffff, v7  }
0x258: {  	[tilespmem:v8+s22+$0x0] =	vst.idx.add.s32.msk $0xffff, v2  }
0x259: {  	v6 =	vld.idx.msk [tilespmem:v10+s20+$0x0], $0xffff  }
0x25a: {  	v7 =	vld.idx.msk [tilespmem:v10+s21+$0x0], $0xffff;
	_ =	sdelay $0x4  }
0x25b: {  	v8 =	vshll.u32 v6, $0x4  }
0x25c: {  	v8 =	vand.u32 $0xFF0, v8  }
0x25d: {  	v8 =	vxor.u32 v5, v8  }
.Ltmp23:
0x25e: {  	(pc) =	sbr.rel @p0 .LBB2_33-.Ltmp23, $2  }
0x25f: {  	_ =	sdelay $0x2  }
0x260: {  	v9 =	vld.idx.msk [tilespmem:v8+s22+$0x0], $0xffff  }
.LBB2_34:
0x261: {  	_ =	sdelay $0x7  }
0x262: {  	[tilespmem:v9+s23+$0x0] =	vst.idx.msk $0xffff, v6  }
0x263: {  	[tilespmem:v9+s24+$0x0] =	vst.idx.msk $0xffff, v7  }
0x264: {  	s5 =	simm.s32 $0x40;
	s9 =	simm.s32 $0x0;
	[tilespmem:v8+s22+$0x0] =	vst.idx.add.s32.msk $0xffff, v2  }
.LBB2_35:
0x265: {  	p0 =	sne.s32 s5, $0x3FC0;
	[tilespmem:s9+$0x10000] =	vst v1;
	s0 =	smov.u32 s5;
	s5 =	sadd.s32 $0x40, s5  }
.Ltmp24:
0x266: {  	(pc) =	sbr.rel @p0 .LBB2_35-.Ltmp24, $2  }
0x267: {  	_ =	sdelay $0x2  }
0x268: {  	s9 =	sshra.s32 s0, $0x2  }
0x269: {  	s8 =	simm.s32 $0x0  }
0x26a: {  	v6 =	vadd.s32 s8, v4;
	_ =	sdelay $0x3  }
0x26b: {  	[tilespmem:s9+$0x10000] =	vst v1  }
0x26c: {  	v6 =	vld.idx.msk [tilespmem:v6+s23+$0x0], $0xffff;
	_ =	sdelay $0x1  }
0x26d: {  	p0 =	sne.s32 s1, $0x1  }
.Ltmp25:
0x26e: {  	_ = 	snop;
	(pc) =	sbr.rel @!p0 .LBB2_38-.Ltmp25, $4  }
0x26f: {  	_ = 	snop  }
0x270: {  	v6 =	vshrl.u32 v6, $0x4  }
0x271: {  	v6 =	vand.u32 $0xFF0, v6  }
0x272: {  	s5 =	simm.s32 $0x1;
	v6 =	vxor.u32 v5, v6  }
.LBB2_37:
0x273: {  	v7 =	vadd.s32 s5, v4;
	s5 =	sadd.s32 $0x1, s5  }
0x274: {  	p0 =	sne.s32 s1, s5;
	_ =	sdelay $0x2  }
0x275: {  	[tilespmem:v6+s22+$0x0] =	vst.idx.add.s32.msk $0xffff, v2  }
0x276: {  	v6 =	vld.idx.msk [tilespmem:v7+s23+$0x0], $0xffff;
	_ =	sdelay $0x3  }
.Ltmp26:
0x277: {  	(pc) =	sbr.rel @p0 .LBB2_37-.Ltmp26, $4  }
0x278: {  	_ = 	snop  }
0x279: {  	v6 =	vshrl.u32 v6, $0x4  }
0x27a: {  	v6 =	vand.u32 $0xFF0, v6  }
0x27b: {  	v6 =	vxor.u32 v5, v6  }
.LBB2_38:
0x27c: {  	_ =	sdelay $0x3  }
0x27d: {  	[tilespmem:v6+s22+$0x0] =	vst.idx.add.s32.msk $0xffff, v2;
	s0 =	simm.s32 $0x0  }
0x27e: {  	v6 =	vld [tilespmem:s0+$0x10000];
	_ =	sdelay $0x4  }
0x27f: {  	(xrf0) =	vadd.scan.msk.s32 $0xffff, v6;
	_ =	sdelay $0x5  }
0x280: {  	v7, _, _ =	vpop (xrf0)  }
0x281: {  	v8 =	vsel vm3, $0x0, v7  }
0x282: {  	(xrf0) =	vadd.scan.msk.s32 $0xffff, v8;
	_ =	sdelay $0x1  }
0x283: {  	v6 =	vsub.s32 s8, v6  }
0x284: {  	v6 =	vadd.s32 v7, v6;
	_ =	sdelay $0x2  }
0x285: {  	s9 =	simm.s32 $0x10;
	s10 =	simm.s32 $0x80;
	[tilespmem:s0+$0x10000] =	vst v6;
	v6, _, _ =	vpop (xrf0)  }
.LBB2_39:
0x286: {  	p0 =	sne.s32 s10, $0x3FC0;
	v7 =	vld [tilespmem:s9+$0x10000];
	(v2sf) =	vpush v6, $0xF;
	_ =	sdelay $0x4  }
0x287: {  	(xrf0) =	vadd.scan.msk.s32 $0xffff, v7;
	_ =	sdelay $0x5  }
0x288: {  	v6, _, _ =	vpop (xrf0)  }
0x289: {  	v8 =	vsel vm3, $0x0, v6  }
0x28a: {  	(xrf0) =	vadd.scan.msk.s32 $0xffff, v8;
	_ =	sdelay $0x1  }
.Ltmp27:
0x28b: {  	s0 =	spop (v2sf);
	(pc) =	sbr.rel @p0 .LBB2_39-.Ltmp27, $4  }
0x28c: {  	s8 =	sadd.s32 s8, s0  }
0x28d: {  	v7 =	vsub.s32 s8, v7  }
0x28e: {  	v7 =	vadd.s32 v6, v7  }
0x28f: {  	[tilespmem:s9+$0x10000] =	vst v7;
	s9 =	sshra.s32 s10, $0x2;
	s10 =	sadd.s32 $0x40, s10;
	v6, _, _ =	vpop (xrf0)  }
0x290: {  	v7 =	vld [tilespmem:s9+$0x10000];
	_ =	sdelay $0x2  }
0x291: {  	(v2sf) =	vpush v6, $0xF;
	_ =	sdelay $0x1  }
0x292: {  	(xrf0) =	vadd.scan.msk.s32 $0xffff, v7;
	_ =	sdelay $0x5  }
0x293: {  	v6, _, _ =	vpop (xrf0)  }
0x294: {  	v8 =	vsel vm3, $0x0, v6  }
0x295: {  	(xrf0) =	vadd.scan.msk.s32 $0xffff, v8;
	_ =	sdelay $0x3  }
0x296: {  	s0 =	simm.s32 $0x0  }
0x297: {  	v9 =	vadd.s32 s0, v4;
	s28 =	spop (v2sf)  }
0x298: {  	s0 =	sadd.s32 s8, s28;
	v8, _, _ =	vpop (xrf0)  }
0x299: {  	v7 =	vsub.s32 s0, v7;
	(v2sf) =	vpush v8, $0xF  }
0x29a: {  	v6 =	vadd.s32 v6, v7  }
0x29b: {  	[tilespmem:s9+$0x10000] =	vst v6  }
0x29c: {  	v6 =	vld.idx.msk [tilespmem:v9+s23+$0x0], $0xffff;
	_ =	sdelay $0x4  }
0x29d: {  	v7 =	vshrl.u32 v6, $0x4  }
0x29e: {  	v7 =	vand.u32 $0xFF0, v7  }
0x29f: {  	p0 =	sne.s32 s1, $0x1;
	v8 =	vxor.u32 v5, v7  }
.Ltmp28:
0x2a0: {  	_ = 	snop;
	(pc) =	sbr.rel @!p0 .LBB2_42-.Ltmp28, $3  }
0x2a1: {  	_ =	sdelay $0x1  }
0x2a2: {  	v7 =	vld.idx.msk [tilespmem:v9+s24+$0x0], $0xffff  }
0x2a3: {  	s8 =	simm.s32 $0x1;
	v9 =	vld.idx.msk [tilespmem:v8+s22+$0x0], $0xffff;
	s30 =	spop (v2sf)  }
.LBB2_41:
0x2a4: {  	_ =	sdelay $0x4  }
0x2a5: {  	v10 =	vadd.s32 s8, v4;
	_ =	sdelay $0x1  }
0x2a6: {  	s8 =	sadd.s32 $0x1, s8;
	[tilespmem:v9+s20+$0x0] =	vst.idx.msk $0xffff, v6  }
0x2a7: {  	p0 =	sne.s32 s1, s8;
	[tilespmem:v9+s21+$0x0] =	vst.idx.msk $0xffff, v7  }
0x2a8: {  	[tilespmem:v8+s22+$0x0] =	vst.idx.add.s32.msk $0xffff, v2  }
0x2a9: {  	v6 =	vld.idx.msk [tilespmem:v10+s23+$0x0], $0xffff  }
0x2aa: {  	v7 =	vld.idx.msk [tilespmem:v10+s24+$0x0], $0xffff;
	_ =	sdelay $0x4  }
0x2ab: {  	v8 =	vshrl.u32 v6, $0x4  }
0x2ac: {  	v8 =	vand.u32 $0xFF0, v8  }
0x2ad: {  	v8 =	vxor.u32 v5, v8  }
.Ltmp29:
0x2ae: {  	(pc) =	sbr.rel @p0 .LBB2_41-.Ltmp29, $2  }
0x2af: {  	_ =	sdelay $0x2  }
0x2b0: {  	v9 =	vld.idx.msk [tilespmem:v8+s22+$0x0], $0xffff  }
.LBB2_42:
0x2b1: {  	_ =	sdelay $0x7  }
0x2b2: {  	[tilespmem:v9+s20+$0x0] =	vst.idx.msk $0xffff, v6  }
0x2b3: {  	[tilespmem:v9+s21+$0x0] =	vst.idx.msk $0xffff, v7  }
0x2b4: {  	s5 =	simm.s32 $0x40;
	s9 =	simm.s32 $0x0;
	[tilespmem:v8+s22+$0x0] =	vst.idx.add.s32.msk $0xffff, v2  }
.LBB2_43:
0x2b5: {  	p0 =	sne.s32 s5, $0x3FC0;
	[tilespmem:s9+$0x10000] =	vst v1;
	s0 =	smov.u32 s5;
	s5 =	sadd.s32 $0x40, s5  }
.Ltmp30:
0x2b6: {  	(pc) =	sbr.rel @p0 .LBB2_43-.Ltmp30, $2  }
0x2b7: {  	_ =	sdelay $0x2  }
0x2b8: {  	s9 =	sshra.s32 s0, $0x2  }
0x2b9: {  	s8 =	simm.s32 $0x0  }
0x2ba: {  	v6 =	vadd.s32 s8, v4;
	_ =	sdelay $0x3  }
0x2bb: {  	[tilespmem:s9+$0x10000] =	vst v1  }
0x2bc: {  	v6 =	vld.idx.msk [tilespmem:v6+s20+$0x0], $0xffff;
	_ =	sdelay $0x1  }
0x2bd: {  	p0 =	sne.s32 s1, $0x1  }
.Ltmp31:
0x2be: {  	_ = 	snop;
	(pc) =	sbr.rel @!p0 .LBB2_46-.Ltmp31, $4  }
0x2bf: {  	_ = 	snop  }
0x2c0: {  	v6 =	vshrl.u32 v6, $0xC  }
0x2c1: {  	v6 =	vand.u32 $0xFF0, v6  }
0x2c2: {  	s5 =	simm.s32 $0x1;
	v6 =	vxor.u32 v5, v6  }
.LBB2_45:
0x2c3: {  	v7 =	vadd.s32 s5, v4;
	s5 =	sadd.s32 $0x1, s5  }
0x2c4: {  	p0 =	sne.s32 s1, s5;
	_ =	sdelay $0x2  }
0x2c5: {  	[tilespmem:v6+s22+$0x0] =	vst.idx.add.s32.msk $0xffff, v2  }
0x2c6: {  	v6 =	vld.idx.msk [tilespmem:v7+s20+$0x0], $0xffff;
	_ =	sdelay $0x3  }
.Ltmp32:
0x2c7: {  	(pc) =	sbr.rel @p0 .LBB2_45-.Ltmp32, $4  }
0x2c8: {  	_ = 	snop  }
0x2c9: {  	v6 =	vshrl.u32 v6, $0xC  }
0x2ca: {  	v6 =	vand.u32 $0xFF0, v6  }
0x2cb: {  	v6 =	vxor.u32 v5, v6  }
.LBB2_46:
0x2cc: {  	_ =	sdelay $0x3  }
0x2cd: {  	[tilespmem:v6+s22+$0x0] =	vst.idx.add.s32.msk $0xffff, v2;
	s0 =	simm.s32 $0x0  }
0x2ce: {  	v6 =	vld [tilespmem:s0+$0x10000];
	_ =	sdelay $0x4  }
0x2cf: {  	(xrf0) =	vadd.scan.msk.s32 $0xffff, v6;
	_ =	sdelay $0x5  }
0x2d0: {  	v7, _, _ =	vpop (xrf0)  }
0x2d1: {  	v8 =	vsel vm3, $0x0, v7  }
0x2d2: {  	(xrf0) =	vadd.scan.msk.s32 $0xffff, v8;
	_ =	sdelay $0x1  }
0x2d3: {  	v6 =	vsub.s32 s8, v6  }
0x2d4: {  	v6 =	vadd.s32 v7, v6;
	_ =	sdelay $0x2  }
0x2d5: {  	s9 =	simm.s32 $0x10;
	s10 =	simm.s32 $0x80;
	[tilespmem:s0+$0x10000] =	vst v6;
	v6, _, _ =	vpop (xrf0)  }
.LBB2_47:
0x2d6: {  	p0 =	sne.s32 s10, $0x3FC0;
	v7 =	vld [tilespmem:s9+$0x10000];
	(v2sf) =	vpush v6, $0xF;
	_ =	sdelay $0x4  }
0x2d7: {  	(xrf0) =	vadd.scan.msk.s32 $0xffff, v7;
	_ =	sdelay $0x5  }
0x2d8: {  	v6, _, _ =	vpop (xrf0)  }
0x2d9: {  	v8 =	vsel vm3, $0x0, v6  }
0x2da: {  	(xrf0) =	vadd.scan.msk.s32 $0xffff, v8;
	_ =	sdelay $0x1  }
.Ltmp33:
0x2db: {  	s0 =	spop (v2sf);
	(pc) =	sbr.rel @p0 .LBB2_47-.Ltmp33, $4  }
0x2dc: {  	s8 =	sadd.s32 s8, s0  }
0x2dd: {  	v7 =	vsub.s32 s8, v7  }
0x2de: {  	v7 =	vadd.s32 v6, v7  }
0x2df: {  	[tilespmem:s9+$0x10000] =	vst v7;
	s9 =	sshra.s32 s10, $0x2;
	s10 =	sadd.s32 $0x40, s10;
	v6, _, _ =	vpop (xrf0)  }
0x2e0: {  	v7 =	vld [tilespmem:s9+$0x10000];
	_ =	sdelay $0x2  }
0x2e1: {  	(v2sf) =	vpush v6, $0xF;
	_ =	sdelay $0x1  }
0x2e2: {  	(xrf0) =	vadd.scan.msk.s32 $0xffff, v7;
	_ =	sdelay $0x5  }
0x2e3: {  	v6, _, _ =	vpop (xrf0)  }
0x2e4: {  	v8 =	vsel vm3, $0x0, v6  }
0x2e5: {  	(xrf0) =	vadd.scan.msk.s32 $0xffff, v8;
	_ =	sdelay $0x3  }
0x2e6: {  	s0 =	simm.s32 $0x0  }
0x2e7: {  	v9 =	vadd.s32 s0, v4;
	s28 =	spop (v2sf)  }
0x2e8: {  	s0 =	sadd.s32 s8, s28;
	v8, _, _ =	vpop (xrf0)  }
0x2e9: {  	v7 =	vsub.s32 s0, v7;
	(v2sf) =	vpush v8, $0xF  }
0x2ea: {  	v6 =	vadd.s32 v6, v7  }
0x2eb: {  	[tilespmem:s9+$0x10000] =	vst v6  }
0x2ec: {  	v6 =	vld.idx.msk [tilespmem:v9+s20+$0x0], $0xffff;
	_ =	sdelay $0x4  }
0x2ed: {  	v7 =	vshrl.u32 v6, $0xC  }
0x2ee: {  	v7 =	vand.u32 $0xFF0, v7  }
0x2ef: {  	p0 =	sne.s32 s1, $0x1;
	v8 =	vxor.u32 v5, v7  }
.Ltmp34:
0x2f0: {  	_ = 	snop;
	(pc) =	sbr.rel @!p0 .LBB2_50-.Ltmp34, $3  }
0x2f1: {  	_ =	sdelay $0x1  }
0x2f2: {  	v7 =	vld.idx.msk [tilespmem:v9+s21+$0x0], $0xffff  }
0x2f3: {  	s8 =	simm.s32 $0x1;
	v9 =	vld.idx.msk [tilespmem:v8+s22+$0x0], $0xffff;
	s30 =	spop (v2sf)  }
.LBB2_49:
0x2f4: {  	_ =	sdelay $0x4  }
0x2f5: {  	v10 =	vadd.s32 s8, v4;
	_ =	sdelay $0x1  }
0x2f6: {  	s8 =	sadd.s32 $0x1, s8;
	[tilespmem:v9+s23+$0x0] =	vst.idx.msk $0xffff, v6  }
0x2f7: {  	p0 =	sne.s32 s1, s8;
	[tilespmem:v9+s24+$0x0] =	vst.idx.msk $0xffff, v7  }
0x2f8: {  	[tilespmem:v8+s22+$0x0] =	vst.idx.add.s32.msk $0xffff, v2  }
0x2f9: {  	v6 =	vld.idx.msk [tilespmem:v10+s20+$0x0], $0xffff  }
0x2fa: {  	v7 =	vld.idx.msk [tilespmem:v10+s21+$0x0], $0xffff;
	_ =	sdelay $0x4  }
0x2fb: {  	v8 =	vshrl.u32 v6, $0xC  }
0x2fc: {  	v8 =	vand.u32 $0xFF0, v8  }
0x2fd: {  	v8 =	vxor.u32 v5, v8  }
.Ltmp35:
0x2fe: {  	(pc) =	sbr.rel @p0 .LBB2_49-.Ltmp35, $2  }
0x2ff: {  	_ =	sdelay $0x2  }
0x300: {  	v9 =	vld.idx.msk [tilespmem:v8+s22+$0x0], $0xffff  }
.LBB2_50:
0x301: {  	_ =	sdelay $0x7  }
0x302: {  	[tilespmem:v9+s23+$0x0] =	vst.idx.msk $0xffff, v6  }
0x303: {  	[tilespmem:v9+s24+$0x0] =	vst.idx.msk $0xffff, v7  }
0x304: {  	s5 =	simm.s32 $0x40;
	s9 =	simm.s32 $0x0;
	[tilespmem:v8+s22+$0x0] =	vst.idx.add.s32.msk $0xffff, v2  }
.LBB2_51:
0x305: {  	p0 =	sne.s32 s5, $0x3FC0;
	[tilespmem:s9+$0x10000] =	vst v1;
	s0 =	smov.u32 s5;
	s5 =	sadd.s32 $0x40, s5  }
.Ltmp36:
0x306: {  	(pc) =	sbr.rel @p0 .LBB2_51-.Ltmp36, $2  }
0x307: {  	_ =	sdelay $0x2  }
0x308: {  	s9 =	sshra.s32 s0, $0x2  }
0x309: {  	s8 =	simm.s32 $0x0  }
0x30a: {  	v5 =	vadd.s32 s8, v4;
	_ =	sdelay $0x3  }
0x30b: {  	[tilespmem:s9+$0x10000] =	vst v1  }
0x30c: {  	v5 =	vld.idx.msk [tilespmem:v5+s23+$0x0], $0xffff;
	_ =	sdelay $0x2  }
0x30d: {  	p0 =	sne.s32 s1, $0x1  }
.Ltmp37:
0x30e: {  	_ = 	snop;
	(pc) =	sbr.rel @!p0 .LBB2_54-.Ltmp37, $4  }
0x30f: {  	v5 =	vxor.u32 $0xFFFFFFFF, v5  }
0x310: {  	v5 =	vshrl.u32 v5, $0x14  }
0x311: {  	v5 =	vand.u32 $0xFF0, v5  }
0x312: {  	s5 =	simm.s32 $0x1;
	v5 =	vor.u32 v0, v5  }
.LBB2_53:
0x313: {  	v6 =	vadd.s32 s5, v4;
	s5 =	sadd.s32 $0x1, s5  }
0x314: {  	p0 =	sne.s32 s1, s5;
	_ =	sdelay $0x2  }
0x315: {  	[tilespmem:v5+s22+$0x0] =	vst.idx.add.s32.msk $0xffff, v2  }
0x316: {  	v5 =	vld.idx.msk [tilespmem:v6+s23+$0x0], $0xffff;
	_ =	sdelay $0x4  }
.Ltmp38:
0x317: {  	(pc) =	sbr.rel @p0 .LBB2_53-.Ltmp38, $4  }
0x318: {  	v5 =	vxor.u32 $0xFFFFFFFF, v5  }
0x319: {  	v5 =	vshrl.u32 v5, $0x14  }
0x31a: {  	v5 =	vand.u32 $0xFF0, v5  }
0x31b: {  	v5 =	vor.u32 v0, v5  }
.LBB2_54:
0x31c: {  	_ =	sdelay $0x3  }
0x31d: {  	[tilespmem:v5+s22+$0x0] =	vst.idx.add.s32.msk $0xffff, v2;
	s0 =	simm.s32 $0x0  }
0x31e: {  	v5 =	vld [tilespmem:s0+$0x10000];
	_ =	sdelay $0x4  }
0x31f: {  	(xrf0) =	vadd.scan.msk.s32 $0xffff, v5;
	_ =	sdelay $0x5  }
0x320: {  	v6, _, _ =	vpop (xrf0)  }
0x321: {  	v7 =	vsel vm3, $0x0, v6  }
0x322: {  	(xrf0) =	vadd.scan.msk.s32 $0xffff, v7;
	_ =	sdelay $0x1  }
0x323: {  	v5 =	vsub.s32 s8, v5  }
0x324: {  	v5 =	vadd.s32 v6, v5;
	_ =	sdelay $0x2  }
0x325: {  	s9 =	simm.s32 $0x10;
	s10 =	simm.s32 $0x80;
	[tilespmem:s0+$0x10000] =	vst v5;
	v5, _, _ =	vpop (xrf0)  }
.LBB2_55:
0x326: {  	p0 =	sne.s32 s10, $0x3FC0;
	v6 =	vld [tilespmem:s9+$0x10000];
	(v2sf) =	vpush v5, $0xF;
	_ =	sdelay $0x4  }
0x327: {  	(xrf0) =	vadd.scan.msk.s32 $0xffff, v6;
	_ =	sdelay $0x5  }
0x328: {  	v5, _, _ =	vpop (xrf0)  }
0x329: {  	v7 =	vsel vm3, $0x0, v5  }
0x32a: {  	(xrf0) =	vadd.scan.msk.s32 $0xffff, v7;
	_ =	sdelay $0x1  }
.Ltmp39:
0x32b: {  	s0 =	spop (v2sf);
	(pc) =	sbr.rel @p0 .LBB2_55-.Ltmp39, $4  }
0x32c: {  	s8 =	sadd.s32 s8, s0  }
0x32d: {  	v6 =	vsub.s32 s8, v6  }
0x32e: {  	v6 =	vadd.s32 v5, v6  }
0x32f: {  	[tilespmem:s9+$0x10000] =	vst v6;
	s9 =	sshra.s32 s10, $0x2;
	s10 =	sadd.s32 $0x40, s10;
	v5, _, _ =	vpop (xrf0)  }
0x330: {  	v6 =	vld [tilespmem:s9+$0x10000];
	_ =	sdelay $0x1  }
0x331: {  	(v2sf) =	vpush v5, $0xF;
	_ =	sdelay $0x2  }
0x332: {  	(xrf0) =	vadd.scan.msk.s32 $0xffff, v6;
	_ =	sdelay $0x5  }
0x333: {  	v5, _, _ =	vpop (xrf0)  }
0x334: {  	v7 =	vsel vm3, $0x0, v5  }
0x335: {  	(xrf0) =	vadd.scan.msk.s32 $0xffff, v7;
	_ =	sdelay $0x2  }
0x336: {  	s0 =	simm.s32 $0x0  }
0x337: {  	v8 =	vadd.s32 s0, v4;
	s28 =	spop (v2sf)  }
0x338: {  	s0 =	sadd.s32 s8, s28  }
0x339: {  	v6 =	vsub.s32 s0, v6;
	v7, _, _ =	vpop (xrf0)  }
0x33a: {  	v5 =	vadd.s32 v5, v6;
	(v2sf) =	vpush v7, $0xF  }
0x33b: {  	[tilespmem:s9+$0x10000] =	vst v5  }
0x33c: {  	v5 =	vld.idx.msk [tilespmem:v8+s23+$0x0], $0xffff;
	_ =	sdelay $0x4  }
0x33d: {  	v6 =	vxor.u32 $0xFFFFFFFF, v5  }
0x33e: {  	v6 =	vshrl.u32 v6, $0x14  }
0x33f: {  	v6 =	vand.u32 $0xFF0, v6  }
0x340: {  	p0 =	sne.s32 s1, $0x1;
	v7 =	vor.u32 v0, v6  }
.Ltmp40:
0x341: {  	_ = 	snop;
	(pc) =	sbr.rel @!p0 .LBB2_58-.Ltmp40, $3  }
0x342: {  	_ =	sdelay $0x1  }
0x343: {  	v6 =	vld.idx.msk [tilespmem:v8+s24+$0x0], $0xffff  }
0x344: {  	s8 =	simm.s32 $0x1;
	v8 =	vld.idx.msk [tilespmem:v7+s22+$0x0], $0xffff;
	s30 =	spop (v2sf)  }
.LBB2_57:
0x345: {  	_ =	sdelay $0x4  }
0x346: {  	v9 =	vadd.s32 s8, v4;
	_ =	sdelay $0x1  }
0x347: {  	s8 =	sadd.s32 $0x1, s8;
	[tilespmem:v8+s20+$0x0] =	vst.idx.msk $0xffff, v5  }
0x348: {  	p0 =	sne.s32 s1, s8;
	[tilespmem:v8+s21+$0x0] =	vst.idx.msk $0xffff, v6  }
0x349: {  	[tilespmem:v7+s22+$0x0] =	vst.idx.add.s32.msk $0xffff, v2  }
0x34a: {  	v5 =	vld.idx.msk [tilespmem:v9+s23+$0x0], $0xffff  }
0x34b: {  	v6 =	vld.idx.msk [tilespmem:v9+s24+$0x0], $0xffff;
	_ =	sdelay $0x4  }
0x34c: {  	v7 =	vxor.u32 $0xFFFFFFFF, v5  }
0x34d: {  	v7 =	vshrl.u32 v7, $0x14  }
0x34e: {  	v7 =	vand.u32 $0xFF0, v7  }
0x34f: {  	v7 =	vor.u32 v0, v7  }
.Ltmp41:
0x350: {  	(pc) =	sbr.rel @p0 .LBB2_57-.Ltmp41, $2  }
0x351: {  	_ =	sdelay $0x2  }
0x352: {  	v8 =	vld.idx.msk [tilespmem:v7+s22+$0x0], $0xffff  }
.LBB2_58:
0x353: {  	s4 =	rddreg [dreg:$0xd]  }
0x354: {  	s0 =	sadd.s32 $0xFFFFEFFF, s4  }
0x355: {  	p0 =	sgt.s32 s0, $0xFFFFF000  }
0x356: {  	s0 =	simm.s32 @!p0 $0xFFFFF000  }
0x357: {  	s0 =	sshll.u32 s0, $0x13  }
0x358: {  	s0 =	sor.u32 $0x7FFFF, s0  }
0x359: {  	v4 =	vmov s0  }
0x35a: {  	v4 =	vshra.s32 v4, $0x1F  }
0x35b: {  	v4 =	vand.u32 $0x7FFFFFFF, v4  }
0x35c: {  	v4 =	vxor.u32 s0, v4  }
0x35d: {  	v4 =	vsub.f32 $0.0e+00, v4;
	_ =	sdelay $0x1  }
0x35e: {  	v4 =	vmul.f32 $1.442695020e+00, v4;
	_ =	sdelay $0x1  }
0x35f: {  	(erf) = vpow2.f32 v4;
	_ =	sdelay $0x8  }
0x360: {  	v4 =	vpop (erf)  }
0x361: {  	v4 =	vadd.f32 $1.000000000e+00, v4;
	_ =	sdelay $0x1  }
0x362: {  	(erf) = vrcp.f32 v4  }
0x363: {  	[tilespmem:v8+s20+$0x0] =	vst.idx.msk $0xffff, v5  }
0x364: {  	[tilespmem:v8+s21+$0x0] =	vst.idx.msk $0xffff, v6  }
0x365: {  	[tilespmem:v7+s22+$0x0] =	vst.idx.add.s32.msk $0xffff, v2  }
0x366: {  	v4 =	vld [tilespmem:$0x112A0];
	_ =	sdelay $0x4  }
0x367: {  	v4 =	vsel vm0, $0x0, v4;
	v5 =	vpop (erf)  }
0x368: {  	(xrf0) =	vadd.scan.msk.s32 $0xffff, v4;
	v4 =	vnsel vm2, $0x0, v5  }
0x369: {  	(xrf0) =	vadd.scan.msk.s32 $0xffff, v4;
	_ =	sdelay $0x4  }
0x36a: {  	v4, _, _ =	vpop (xrf0)  }
0x36b: {  	(v2sf) =	vpush v4, $0xF;
	v4, _, _ =	vpop (xrf0)  }
0x36c: {  	(v2sf) =	vpush v4, $0xF;
	_ =	sdelay $0xd  }
0x36d: {  	s0 =	spop (v2sf)  }
0x36e: {  	p0 =	seq.s32 s4, $0x0;
	s1 =	spop (v2sf)  }
0x36f: {  	p1 =	slt.s32 @!p0 s1, s0  }
0x370: {  	p0 =	por p0, p1  }
.Ltmp42:
0x371: {  	_ = 	snop;
	(pc) =	sbr.rel @p0 .LBB2_144-.Ltmp42, $1  }
0x372: {  	_ =	sdelay $0x3  }
.LBB2_59:
0x373: {  	s0 =	simm.s32 $0x40;
	s1 =	simm.s32 $0x0  }
.LBB2_60:
0x374: {  	p0 =	sne.s32 s0, $0x1FFC0;
	[tilespmem:s1+$0x8000] =	vst v1;
	s1 =	smov.u32 s0;
	s0 =	sadd.s32 $0x40, s0  }
.Ltmp43:
0x375: {  	(pc) =	sbr.rel @p0 .LBB2_60-.Ltmp43, $2  }
0x376: {  	_ =	sdelay $0x2  }
0x377: {  	s1 =	sshra.s32 s1, $0x2  }
0x378: {  	[tilespmem:s1+$0x8000] =	vst v1;
	s0 =	simm.s32 $0x0  }
0x379: {  	[tilespmem:s0], [sflag:$0x1] =	stream.strided.gather [hbm4b:s31+s14], $0x4000, s15, s14, $0x38;
	[tilespmem:$0x18200] =	vst v63  }
0x37a: {  	_ = 	snop  }
0x37b: {  	[tilespmem:s16], [sflag:$0x2] =	stream.strided.gather [hbm4b:s12+s14], $0x4000, s15, s14, $0x38;
	[tilespmem:$0x18200] =	vst v63  }
.LBB2_62:
0x37c: {  	_ =	swait.ge [sflag:s17], $0x4000  }
0x37d: {  	[sflag:s17] =	ssyncset.done $0x0  }
0x37e: {  	s5 =	simm.s32 $0x0;
	s1 =	simm.s32 $0x40;
	[sflag:s17] =	ssyncadd.s32 $0xFFFFC000  }
.LBB2_63:
0x37f: {  	p0 =	sne.s32 s1, $0xFFC0;
	v4 =	vld [tilespmem:s5+$0x0];
	_ =	sdelay $0x4  }
0x380: {  	v4 =	vsub.f32 $0.0e+00, v4;
	_ =	sdelay $0x1  }
0x381: {  	v4 =	vmul.f32 $1.442695020e+00, v4;
	_ =	sdelay $0x1  }
0x382: {  	(erf) = vpow2.f32 v4;
	_ =	sdelay $0x8  }
0x383: {  	v4 =	vpop (erf)  }
0x384: {  	v4 =	vadd.f32 $1.000000000e+00, v4;
	_ =	sdelay $0x1  }
0x385: {  	(erf) = vrcp.f32 v4;
	_ =	sdelay $0x8  }
0x386: {  	v4 =	vpop (erf)  }
0x387: {  	v4 =	vshrl.u32 v4, $0xF  }
.Ltmp44:
0x388: {  	(pc) =	sbr.rel @p0 .LBB2_63-.Ltmp44, $2  }
0x389: {  	_ =	sdelay $0x2  }
0x38a: {  	s5 =	sshra.s32 s1, $0x2;
	s1 =	sadd.s32 $0x40, s1;
	[tilespmem:v4+s18+$0x0] =	vst.idx.add.s32.msk $0xffff, v2  }
0x38b: {  	v4 =	vld [tilespmem:s5+$0x0];
	_ =	sdelay $0x4  }
0x38c: {  	v4 =	vsub.f32 $0.0e+00, v4;
	_ =	sdelay $0x1  }
0x38d: {  	v4 =	vmul.f32 $1.442695020e+00, v4;
	_ =	sdelay $0x1  }
0x38e: {  	(erf) = vpow2.f32 v4;
	_ =	sdelay $0x8  }
0x38f: {  	v4 =	vpop (erf)  }
0x390: {  	v4 =	vadd.f32 $1.000000000e+00, v4;
	_ =	sdelay $0x1  }
0x391: {  	(erf) = vrcp.f32 v4;
	_ =	sdelay $0x8  }
0x392: {  	v4 =	vpop (erf)  }
0x393: {  	v4 =	vshrl.u32 v4, $0xF;
	_ =	sdelay $0x1  }
0x394: {  	s1 =	sshll.u32 s0, $0x12;
	p0 =	seq.s32 s0, $0xF  }
0x395: {  	s4 =	sadd.s32 @!p0 s1, s6  }
0x396: {  	s5 =	simm.s32 @!p0 $0x80;
	s4 =	sshrl.u32 @!p0 s4, $0x3  }
0x397: {  	s8 =	simm.s32 @!p0 $0x400;
	s9 =	simm.s32 @!p0 $0x0;
	s4 =	sadd.s32 @!p0 s3, s4;
	[tilespmem:v4+s18+$0x0] =	vst.idx.add.s32.msk $0xffff, v2  }
0x398: {  	[tilespmem:s9], [sflag:$0x1] =	stream.strided.gather @!p0 [hbm4b:s4+s5], $0x4000, s8, s5, $0x38;
	[tilespmem:$0x18200] =	vst v63  }
0x399: {  	_ =	swait.ge [sflag:s19], $0x4000  }
0x39a: {  	[sflag:s19] =	ssyncset.done $0x0  }
0x39b: {  	s5 =	simm.s32 $0x0;
	s8 =	simm.s32 $0x40;
	[sflag:s19] =	ssyncadd.s32 $0xFFFFC000  }
.LBB2_65:
0x39c: {  	p1 =	sne.s32 s8, $0xFFC0;
	v4 =	vld [tilespmem:s5+$0x4000];
	_ =	sdelay $0x4  }
0x39d: {  	v4 =	vsub.f32 $0.0e+00, v4;
	_ =	sdelay $0x1  }
0x39e: {  	v4 =	vmul.f32 $1.442695020e+00, v4;
	_ =	sdelay $0x1  }
0x39f: {  	(erf) = vpow2.f32 v4;
	_ =	sdelay $0x8  }
0x3a0: {  	v4 =	vpop (erf)  }
0x3a1: {  	v4 =	vadd.f32 $1.000000000e+00, v4;
	_ =	sdelay $0x1  }
0x3a2: {  	(erf) = vrcp.f32 v4;
	_ =	sdelay $0x8  }
0x3a3: {  	v4 =	vpop (erf)  }
0x3a4: {  	v4 =	vshrl.u32 v4, $0xF  }
.Ltmp45:
0x3a5: {  	(pc) =	sbr.rel @p1 .LBB2_65-.Ltmp45, $2  }
0x3a6: {  	_ =	sdelay $0x2  }
0x3a7: {  	s5 =	sshra.s32 s8, $0x2;
	s8 =	sadd.s32 $0x40, s8;
	[tilespmem:v4+s18+$0x0] =	vst.idx.add.s32.msk $0xffff, v2  }
0x3a8: {  	v4 =	vld [tilespmem:s5+$0x4000];
	_ =	sdelay $0x4  }
0x3a9: {  	v4 =	vsub.f32 $0.0e+00, v4;
	_ =	sdelay $0x1  }
0x3aa: {  	v4 =	vmul.f32 $1.442695020e+00, v4;
	_ =	sdelay $0x1  }
0x3ab: {  	(erf) = vpow2.f32 v4;
	_ =	sdelay $0x8  }
0x3ac: {  	v4 =	vpop (erf)  }
0x3ad: {  	v4 =	vadd.f32 $1.000000000e+00, v4;
	_ =	sdelay $0x1  }
0x3ae: {  	(erf) = vrcp.f32 v4;
	_ =	sdelay $0x8  }
0x3af: {  	v4 =	vpop (erf)  }
0x3b0: {  	v4 =	vshrl.u32 v4, $0xF  }
.Ltmp46:
0x3b1: {  	_ = 	snop;
	(pc) =	sbr.rel @p0 .LBB2_67-.Ltmp46, $2  }
0x3b2: {  	_ =	sdelay $0x2  }
0x3b3: {  	[tilespmem:v4+s18+$0x0] =	vst.idx.add.s32.msk $0xffff, v2  }
.Ltmp47:
0x3b4: {  	(pc) =	sbr.rel .LBB2_62-.Ltmp47, $4  }
0x3b5: {  	s1 =	sadd.s32 s1, s7  }
0x3b6: {  	s1 =	sshrl.u32 s1, $0x3  }
0x3b7: {  	s0 =	sadd.s32 $0x1, s0;
	s1 =	sadd.s32 s3, s1  }
0x3b8: {  	[tilespmem:s16], [sflag:$0x2] =	stream.strided.gather [hbm4b:s1+s14], $0x4000, s15, s14, $0x38;
	[tilespmem:$0x18200] =	vst v63  }
.LBB2_67:
0x3b9: {  	s1 =	simm.s32 $0x0;
	s8 =	simm.s32 $0xFFF0;
	s0 =	simm.s32 $0x7FFF  }
.LBB2_68:
0x3ba: {  	v4 =	vld [tilespmem:s8+$0x0];
	_ =	sdelay $0x4  }
0x3bb: {  	(xrf0) =	vadd.scan.msk.s32 $0xffff, v4;
	_ =	sdelay $0x5  }
0x3bc: {  	v4, _, _ =	vpop (xrf0)  }
0x3bd: {  	(v2sf) =	vpush v4, $0xF;
	_ =	sdelay $0xe  }
0x3be: {  	s4 =	spop (v2sf)  }
0x3bf: {  	s1 =	sadd.s32 s1, s4  }
0x3c0: {  	p0 =	slt.s32 s1, $0x2AA  }
.Ltmp48:
0x3c1: {  	_ = 	snop;
	(pc) =	sbr.rel @p0 .LBB2_68-.Ltmp48, $2  }
0x3c2: {  	_ =	sdelay $0x2  }
0x3c3: {  	s5 =	smov.u32 s8;
	s8 =	sadd.s32 $0xFFFFFFF0, s8;
	s0 =	sadd.s32 $0xFFFFFFF0, s0  }
0x3c4: {  	v4 =	vld [tilespmem:s5+$0x0];
	_ =	sdelay $0x4  }
0x3c5: {  	(xrf0) =	vadd.scan.msk.s32 $0xffff, v4;
	_ =	sdelay $0x5  }
0x3c6: {  	v5, _, _ =	vpop (xrf0)  }
0x3c7: {  	(v2sf) =	vpush v5, $0xF;
	_ =	sdelay $0x5  }
0x3c8: {  	v5 =	vperm.xlane v4, v3;
	_ =	sdelay $0x1  }
0x3c9: {  	(xrf0) =	vadd.scan.msk.s32 $0xffff, v5;
	_ =	sdelay $0x5  }
0x3ca: {  	v5, _, _ =	vpop (xrf0)  }
0x3cb: {  	v5 =	vperm.xlane v5, v3;
	s4 =	spop (v2sf)  }
0x3cc: {  	s5 =	ssub.s32 s1, s4  }
0x3cd: {  	v6 =	vadd.s32 s5, v5  }
0x3ce: {  	vm2 =	vgt.s32 v6, $0x2A9  }
0x3cf: {  	v6 =	vsel vm2, $0x1, v1  }
0x3d0: {  	(xrf0) =	vadd.scan.msk.s32 $0xffff, v6;
	_ =	sdelay $0x5  }
0x3d1: {  	v6, _, _ =	vpop (xrf0)  }
0x3d2: {  	(v2sf) =	vpush v6, $0xF;
	_ =	sdelay $0xe  }
0x3d3: {  	s11 =	spop (v2sf)  }
0x3d4: {  	s28 =	sadd.s32 $0xFFFFFFFF, s11  }
0x3d5: {  	v63 =	vmov s28  }
0x3d6: {  	vm2 =	veq.s32 v63, v0  }
0x3d7: {  	v5 =	vnsel vm2, $0x0, v5  }
0x3d8: {  	v4 =	vnsel vm2, $0x0, v4;
	(xrf0) =	vadd.scan.msk.s32 $0xffff, v5  }
0x3d9: {  	(xrf0) =	vadd.scan.msk.s32 $0xffff, v4;
	_ =	sdelay $0x4  }
0x3da: {  	v4, _, _ =	vpop (xrf0)  }
0x3db: {  	(v2sf) =	vpush v4, $0xF;
	v4, _, _ =	vpop (xrf0)  }
0x3dc: {  	(v2sf) =	vpush v4, $0xF;
	_ =	sdelay $0xd  }
0x3dd: {  	s8 =	spop (v2sf)  }
0x3de: {  	s1 =	spop (v2sf)  }
0x3df: {  	p0 =	slt.s32 s1, $0x801  }
.Ltmp49:
0x3e0: {  	_ = 	snop;
	(pc) =	sbr.rel @p0 .LBB2_97-.Ltmp49, $2  }
0x3e1: {  	_ =	sdelay $0x2  }
0x3e2: {  	s30 =	simm.s32 $0xFFFFFFFF;
	s0 =	sadd.s32 s0, s11  }
0x3e3: {  	s4 =	sadd.s32 s8, s5  }
0x3e4: {  	s4 =	ssub.s32 s1, s4  }
0x3e5: {  	s5 =	simm.s32 $0x40;
	s8 =	simm.s32 $0x0;
	s28 =	sadd.s32 $0x2AA, s4  }
.LBB2_71:
0x3e6: {  	p0 =	sne.s32 s5, $0x1FC0;
	[tilespmem:s8+$0x8000] =	vst v1;
	s4 =	smov.u32 s5;
	s5 =	sadd.s32 $0x40, s5  }
.Ltmp50:
0x3e7: {  	(pc) =	sbr.rel @p0 .LBB2_71-.Ltmp50, $2  }
0x3e8: {  	_ =	sdelay $0x2  }
0x3e9: {  	s8 =	sshra.s32 s4, $0x2  }
0x3ea: {  	[tilespmem:s8+$0x8000] =	vst v1;
	s8 =	simm.s32 $0x0  }
0x3eb: {  	[tilespmem:s8], [sflag:$0x1] =	stream.strided.gather [hbm4b:s31+s14], $0x4000, s15, s14, $0x38;
	[tilespmem:$0x18200] =	vst v63  }
0x3ec: {  	_ = 	snop  }
0x3ed: {  	v4 =	vmov s0;
	[tilespmem:s16], [sflag:$0x2] =	stream.strided.gather [hbm4b:s12+s14], $0x4000, s15, s14, $0x38;
	[tilespmem:$0x18200] =	vst v63  }
.LBB2_73:
0x3ee: {  	_ =	swait.ge [sflag:s17], $0x4000  }
0x3ef: {  	[sflag:s17] =	ssyncset.done $0x0  }
0x3f0: {  	s5 =	simm.s32 $0x0;
	s9 =	simm.s32 $0x40;
	[sflag:s17] =	ssyncadd.s32 $0xFFFFC000  }
.LBB2_74:
0x3f1: {  	p0 =	sne.s32 s9, $0xFFC0;
	v5 =	vld [tilespmem:s5+$0x0];
	_ =	sdelay $0x4  }
0x3f2: {  	v5 =	vsub.f32 $0.0e+00, v5;
	_ =	sdelay $0x1  }
0x3f3: {  	v5 =	vmul.f32 $1.442695020e+00, v5;
	_ =	sdelay $0x1  }
0x3f4: {  	(erf) = vpow2.f32 v5;
	_ =	sdelay $0x8  }
0x3f5: {  	v5 =	vpop (erf)  }
0x3f6: {  	v5 =	vadd.f32 $1.000000000e+00, v5;
	_ =	sdelay $0x1  }
0x3f7: {  	(erf) = vrcp.f32 v5;
	_ =	sdelay $0x8  }
0x3f8: {  	v5 =	vpop (erf)  }
0x3f9: {  	v6 =	vshrl.u32 v5, $0xF  }
0x3fa: {  	v5 =	vshrl.u32 v5, $0x4;
	vm2 =	veq.s32 v6, v4  }
0x3fb: {  	v5 =	vand.u32 $0x7FF, v5  }
.Ltmp51:
0x3fc: {  	(pc) =	sbr.rel @p0 .LBB2_74-.Ltmp51, $2  }
0x3fd: {  	_ =	sdelay $0x2  }
0x3fe: {  	s5 =	sshra.s32 s9, $0x2;
	s9 =	sadd.s32 $0x40, s9;
	[tilespmem:v5+s18+$0x0] =	vst.idx.add.s32.msk vm2, v2  }
0x3ff: {  	v5 =	vld [tilespmem:s5+$0x0];
	_ =	sdelay $0x4  }
0x400: {  	v5 =	vsub.f32 $0.0e+00, v5;
	_ =	sdelay $0x1  }
0x401: {  	v5 =	vmul.f32 $1.442695020e+00, v5;
	_ =	sdelay $0x1  }
0x402: {  	(erf) = vpow2.f32 v5;
	_ =	sdelay $0x8  }
0x403: {  	v5 =	vpop (erf)  }
0x404: {  	v5 =	vadd.f32 $1.000000000e+00, v5;
	_ =	sdelay $0x1  }
0x405: {  	(erf) = vrcp.f32 v5;
	_ =	sdelay $0x8  }
0x406: {  	v5 =	vpop (erf)  }
0x407: {  	v6 =	vshrl.u32 v5, $0xF  }
0x408: {  	v5 =	vshrl.u32 v5, $0x4;
	vm2 =	veq.s32 v6, v4  }
0x409: {  	v5 =	vand.u32 $0x7FF, v5;
	_ =	sdelay $0x1  }
0x40a: {  	s9 =	sshll.u32 s8, $0x12;
	p0 =	seq.s32 s8, $0xF  }
0x40b: {  	s4 =	sadd.s32 @!p0 s9, s6  }
0x40c: {  	s5 =	simm.s32 @!p0 $0x80;
	s4 =	sshrl.u32 @!p0 s4, $0x3  }
0x40d: {  	s10 =	simm.s32 @!p0 $0x400;
	s11 =	simm.s32 @!p0 $0x0;
	s4 =	sadd.s32 @!p0 s3, s4;
	[tilespmem:v5+s18+$0x0] =	vst.idx.add.s32.msk vm2, v2  }
0x40e: {  	[tilespmem:s11], [sflag:$0x1] =	stream.strided.gather @!p0 [hbm4b:s4+s5], $0x4000, s10, s5, $0x38;
	[tilespmem:$0x18200] =	vst v63  }
0x40f: {  	_ =	swait.ge [sflag:s19], $0x4000  }
0x410: {  	[sflag:s19] =	ssyncset.done $0x0  }
0x411: {  	s5 =	simm.s32 $0x0;
	s10 =	simm.s32 $0x40;
	[sflag:s19] =	ssyncadd.s32 $0xFFFFC000  }
.LBB2_76:
0x412: {  	p1 =	sne.s32 s10, $0xFFC0;
	v5 =	vld [tilespmem:s5+$0x4000];
	_ =	sdelay $0x4  }
0x413: {  	v5 =	vsub.f32 $0.0e+00, v5;
	_ =	sdelay $0x1  }
0x414: {  	v5 =	vmul.f32 $1.442695020e+00, v5;
	_ =	sdelay $0x1  }
0x415: {  	(erf) = vpow2.f32 v5;
	_ =	sdelay $0x8  }
0x416: {  	v5 =	vpop (erf)  }
0x417: {  	v5 =	vadd.f32 $1.000000000e+00, v5;
	_ =	sdelay $0x1  }
0x418: {  	(erf) = vrcp.f32 v5;
	_ =	sdelay $0x8  }
0x419: {  	v5 =	vpop (erf)  }
0x41a: {  	v6 =	vshrl.u32 v5, $0xF  }
0x41b: {  	v5 =	vshrl.u32 v5, $0x4;
	vm2 =	veq.s32 v6, v4  }
0x41c: {  	v5 =	vand.u32 $0x7FF, v5  }
.Ltmp52:
0x41d: {  	(pc) =	sbr.rel @p1 .LBB2_76-.Ltmp52, $2  }
0x41e: {  	_ =	sdelay $0x2  }
0x41f: {  	s5 =	sshra.s32 s10, $0x2;
	s10 =	sadd.s32 $0x40, s10;
	[tilespmem:v5+s18+$0x0] =	vst.idx.add.s32.msk vm2, v2  }
0x420: {  	v5 =	vld [tilespmem:s5+$0x4000];
	_ =	sdelay $0x4  }
0x421: {  	v5 =	vsub.f32 $0.0e+00, v5;
	_ =	sdelay $0x1  }
0x422: {  	v5 =	vmul.f32 $1.442695020e+00, v5;
	_ =	sdelay $0x1  }
0x423: {  	(erf) = vpow2.f32 v5;
	_ =	sdelay $0x8  }
0x424: {  	v5 =	vpop (erf)  }
0x425: {  	v5 =	vadd.f32 $1.000000000e+00, v5;
	_ =	sdelay $0x1  }
0x426: {  	(erf) = vrcp.f32 v5;
	_ =	sdelay $0x8  }
0x427: {  	v5 =	vpop (erf)  }
0x428: {  	v6 =	vshrl.u32 v5, $0xF  }
0x429: {  	v5 =	vshrl.u32 v5, $0x4;
	vm2 =	veq.s32 v6, v4  }
0x42a: {  	v5 =	vand.u32 $0x7FF, v5  }
.Ltmp53:
0x42b: {  	_ = 	snop;
	(pc) =	sbr.rel @p0 .LBB2_86-.Ltmp53, $2  }
0x42c: {  	_ =	sdelay $0x2  }
0x42d: {  	[tilespmem:v5+s18+$0x0] =	vst.idx.add.s32.msk vm2, v2  }
.Ltmp54:
0x42e: {  	(pc) =	sbr.rel .LBB2_73-.Ltmp54, $4  }
0x42f: {  	s4 =	sadd.s32 s9, s7  }
0x430: {  	s4 =	sshrl.u32 s4, $0x3  }
0x431: {  	s8 =	sadd.s32 $0x1, s8;
	s4 =	sadd.s32 s3, s4  }
0x432: {  	[tilespmem:s16], [sflag:$0x2] =	stream.strided.gather [hbm4b:s4+s14], $0x4000, s15, s14, $0x38;
	[tilespmem:$0x18200] =	vst v63  }
.LBB2_86:
0x433: {  	p0 =	sgt.s32 s28, $0x0  }
.Ltmp55:
0x434: {  	_ = 	snop;
	(pc) =	sbr.rel @!p0 .LBB2_88-.Ltmp55, $2  }
0x435: {  	_ =	sdelay $0x2  }
0x436: {  	s5 =	simm.s32 $0x0;
	s9 =	simm.s32 $0x87F0;
	s8 =	simm.s32 $0x800  }
.LBB2_87:
0x437: {  	v5 =	vld [tilespmem:s9+$0x0];
	_ =	sdelay $0x4  }
0x438: {  	(xrf0) =	vadd.scan.msk.s32 $0xffff, v5;
	_ =	sdelay $0x5  }
0x439: {  	v5, _, _ =	vpop (xrf0)  }
0x43a: {  	(v2sf) =	vpush v5, $0xF;
	_ =	sdelay $0xe  }
0x43b: {  	s4 =	spop (v2sf)  }
0x43c: {  	s5 =	sadd.s32 s5, s4  }
0x43d: {  	p0 =	slt.s32 s5, s28  }
.Ltmp56:
0x43e: {  	_ = 	snop;
	(pc) =	sbr.rel @p0 .LBB2_87-.Ltmp56, $2  }
0x43f: {  	_ =	sdelay $0x2  }
0x440: {  	s9 =	sadd.s32 $0xFFFFFFF0, s9;
	s8 =	sadd.s32 $0xFFFFFFF0, s8  }
.LBB2_88:
0x441: {  	v5 =	vld [tilespmem:s8+$0x8000];
	_ =	sdelay $0x4  }
0x442: {  	(xrf0) =	vadd.scan.msk.s32 $0xffff, v5;
	_ =	sdelay $0x5  }
0x443: {  	v6, _, _ =	vpop (xrf0)  }
0x444: {  	(v2sf) =	vpush v6, $0xF;
	_ =	sdelay $0x5  }
0x445: {  	v6 =	vperm.xlane v5, v3;
	_ =	sdelay $0x1  }
0x446: {  	(xrf0) =	vadd.scan.msk.s32 $0xffff, v6;
	_ =	sdelay $0x5  }
0x447: {  	v6, _, _ =	vpop (xrf0)  }
0x448: {  	v6 =	vperm.xlane v6, v3;
	s4 =	spop (v2sf)  }
0x449: {  	s5 =	ssub.s32 s5, s4  }
0x44a: {  	v7 =	vadd.s32 s5, v6  }
0x44b: {  	vm2 =	vge.s32 v7, s28  }
0x44c: {  	v7 =	vsel vm2, $0x1, v1  }
0x44d: {  	(xrf0) =	vadd.scan.msk.s32 $0xffff, v7;
	_ =	sdelay $0x5  }
0x44e: {  	v7, _, _ =	vpop (xrf0)  }
0x44f: {  	(v2sf) =	vpush v7, $0xF;
	_ =	sdelay $0xe  }
0x450: {  	s11 =	spop (v2sf)  }
0x451: {  	s4 =	sadd.s32 $0xFFFFFFFF, s11  }
0x452: {  	v7 =	vmov s4  }
0x453: {  	vm2 =	veq.s32 v7, v0  }
0x454: {  	v6 =	vnsel vm2, $0x0, v6  }
0x455: {  	v5 =	vnsel vm2, $0x0, v5;
	(xrf0) =	vadd.scan.msk.s32 $0xffff, v6  }
0x456: {  	(xrf0) =	vadd.scan.msk.s32 $0xffff, v5;
	_ =	sdelay $0x4  }
0x457: {  	v5, _, _ =	vpop (xrf0)  }
0x458: {  	(v2sf) =	vpush v5, $0xF;
	v5, _, _ =	vpop (xrf0)  }
0x459: {  	(v2sf) =	vpush v5, $0xF;
	_ =	sdelay $0xd  }
0x45a: {  	s10 =	spop (v2sf)  }
0x45b: {  	s9 =	spop (v2sf)  }
0x45c: {  	p0 =	slt.s32 s9, $0x801  }
.Ltmp57:
0x45d: {  	_ = 	snop;
	(pc) =	sbr.rel @p0 .LBB2_97-.Ltmp57, $2  }
0x45e: {  	_ =	sdelay $0x2  }
0x45f: {  	s30 =	sadd.s32 s8, s4  }
0x460: {  	[tilespmem:$0x8000] =	vst v1;
	s8 =	simm.s32 $0x0;
	s1 =	sadd.s32 s10, s5  }
0x461: {  	[tilespmem:s8], [sflag:$0x1] =	stream.strided.gather [hbm4b:s31+s14], $0x4000, s15, s14, $0x38;
	[tilespmem:$0x18200] =	vst v63  }
0x462: {  	s1 =	ssub.s32 s28, s1  }
0x463: {  	s1 =	sadd.s32 s9, s1  }
0x464: {  	v5 =	vmov s30;
	[tilespmem:s16], [sflag:$0x2] =	stream.strided.gather [hbm4b:s12+s14], $0x4000, s15, s14, $0x38;
	[tilespmem:$0x18200] =	vst v63  }
.LBB2_90:
0x465: {  	_ =	swait.ge [sflag:s17], $0x4000  }
0x466: {  	[sflag:s17] =	ssyncset.done $0x0  }
0x467: {  	s5 =	simm.s32 $0x0;
	s9 =	simm.s32 $0x40;
	[sflag:s17] =	ssyncadd.s32 $0xFFFFC000  }
.LBB2_91:
0x468: {  	p0 =	sne.s32 s9, $0xFFC0;
	v6 =	vld [tilespmem:s5+$0x0];
	_ =	sdelay $0x4  }
0x469: {  	v6 =	vsub.f32 $0.0e+00, v6;
	_ =	sdelay $0x1  }
0x46a: {  	v6 =	vmul.f32 $1.442695020e+00, v6;
	_ =	sdelay $0x1  }
0x46b: {  	(erf) = vpow2.f32 v6;
	_ =	sdelay $0x8  }
0x46c: {  	v6 =	vpop (erf)  }
0x46d: {  	v6 =	vadd.f32 $1.000000000e+00, v6;
	_ =	sdelay $0x1  }
0x46e: {  	(erf) = vrcp.f32 v6;
	_ =	sdelay $0x8  }
0x46f: {  	v6 =	vpop (erf)  }
0x470: {  	v7 =	vshrl.u32 v6, $0x4  }
0x471: {  	v8 =	vshrl.u32 v6, $0xF;
	v7 =	vand.u32 $0x7FF, v7  }
0x472: {  	vm2 =	veq.s32 v8, v4;
	vm3 =	veq.s32 v7, v5  }
0x473: {  	vm2 =	vmand vm2, vm3  }
0x474: {  	v6 =	vand.u32 $0xF, v6  }
.Ltmp58:
0x475: {  	(pc) =	sbr.rel @p0 .LBB2_91-.Ltmp58, $2  }
0x476: {  	_ =	sdelay $0x2  }
0x477: {  	s5 =	sshra.s32 s9, $0x2;
	s9 =	sadd.s32 $0x40, s9;
	[tilespmem:v6+s18+$0x0] =	vst.idx.add.s32.msk vm2, v2  }
0x478: {  	v6 =	vld [tilespmem:s5+$0x0];
	_ =	sdelay $0x4  }
0x479: {  	v6 =	vsub.f32 $0.0e+00, v6;
	_ =	sdelay $0x1  }
0x47a: {  	v6 =	vmul.f32 $1.442695020e+00, v6;
	_ =	sdelay $0x1  }
0x47b: {  	(erf) = vpow2.f32 v6;
	_ =	sdelay $0x8  }
0x47c: {  	v6 =	vpop (erf)  }
0x47d: {  	v6 =	vadd.f32 $1.000000000e+00, v6;
	_ =	sdelay $0x1  }
0x47e: {  	(erf) = vrcp.f32 v6;
	_ =	sdelay $0x8  }
0x47f: {  	v6 =	vpop (erf)  }
0x480: {  	v7 =	vshrl.u32 v6, $0x4  }
0x481: {  	v8 =	vshrl.u32 v6, $0xF;
	v7 =	vand.u32 $0x7FF, v7  }
0x482: {  	vm2 =	veq.s32 v8, v4;
	vm3 =	veq.s32 v7, v5  }
0x483: {  	vm2 =	vmand vm2, vm3  }
0x484: {  	v6 =	vand.u32 $0xF, v6;
	_ =	sdelay $0x1  }
0x485: {  	s9 =	sshll.u32 s8, $0x12;
	p0 =	seq.s32 s8, $0xF  }
0x486: {  	s4 =	sadd.s32 @!p0 s9, s6  }
0x487: {  	s5 =	simm.s32 @!p0 $0x80;
	s4 =	sshrl.u32 @!p0 s4, $0x3  }
0x488: {  	s10 =	simm.s32 @!p0 $0x400;
	s11 =	simm.s32 @!p0 $0x0;
	s4 =	sadd.s32 @!p0 s3, s4;
	[tilespmem:v6+s18+$0x0] =	vst.idx.add.s32.msk vm2, v2  }
0x489: {  	[tilespmem:s11], [sflag:$0x1] =	stream.strided.gather @!p0 [hbm4b:s4+s5], $0x4000, s10, s5, $0x38;
	[tilespmem:$0x18200] =	vst v63  }
0x48a: {  	_ =	swait.ge [sflag:s19], $0x4000  }
0x48b: {  	[sflag:s19] =	ssyncset.done $0x0  }
0x48c: {  	s5 =	simm.s32 $0x0;
	s10 =	simm.s32 $0x40;
	[sflag:s19] =	ssyncadd.s32 $0xFFFFC000  }
.LBB2_93:
0x48d: {  	p1 =	sne.s32 s10, $0xFFC0;
	v6 =	vld [tilespmem:s5+$0x4000];
	_ =	sdelay $0x4  }
0x48e: {  	v6 =	vsub.f32 $0.0e+00, v6;
	_ =	sdelay $0x1  }
0x48f: {  	v6 =	vmul.f32 $1.442695020e+00, v6;
	_ =	sdelay $0x1  }
0x490: {  	(erf) = vpow2.f32 v6;
	_ =	sdelay $0x8  }
0x491: {  	v6 =	vpop (erf)  }
0x492: {  	v6 =	vadd.f32 $1.000000000e+00, v6;
	_ =	sdelay $0x1  }
0x493: {  	(erf) = vrcp.f32 v6;
	_ =	sdelay $0x8  }
0x494: {  	v6 =	vpop (erf)  }
0x495: {  	v7 =	vshrl.u32 v6, $0x4  }
0x496: {  	v8 =	vshrl.u32 v6, $0xF;
	v7 =	vand.u32 $0x7FF, v7  }
0x497: {  	vm2 =	veq.s32 v8, v4;
	vm3 =	veq.s32 v7, v5  }
0x498: {  	vm2 =	vmand vm2, vm3  }
0x499: {  	v6 =	vand.u32 $0xF, v6  }
.Ltmp59:
0x49a: {  	(pc) =	sbr.rel @p1 .LBB2_93-.Ltmp59, $2  }
0x49b: {  	_ =	sdelay $0x2  }
0x49c: {  	s5 =	sshra.s32 s10, $0x2;
	s10 =	sadd.s32 $0x40, s10;
	[tilespmem:v6+s18+$0x0] =	vst.idx.add.s32.msk vm2, v2  }
0x49d: {  	v6 =	vld [tilespmem:s5+$0x4000];
	_ =	sdelay $0x4  }
0x49e: {  	v6 =	vsub.f32 $0.0e+00, v6;
	_ =	sdelay $0x1  }
0x49f: {  	v6 =	vmul.f32 $1.442695020e+00, v6;
	_ =	sdelay $0x1  }
0x4a0: {  	(erf) = vpow2.f32 v6;
	_ =	sdelay $0x8  }
0x4a1: {  	v6 =	vpop (erf)  }
0x4a2: {  	v6 =	vadd.f32 $1.000000000e+00, v6;
	_ =	sdelay $0x1  }
0x4a3: {  	(erf) = vrcp.f32 v6;
	_ =	sdelay $0x8  }
0x4a4: {  	v6 =	vpop (erf)  }
0x4a5: {  	v7 =	vshrl.u32 v6, $0x4  }
0x4a6: {  	v8 =	vshrl.u32 v6, $0xF;
	v7 =	vand.u32 $0x7FF, v7  }
0x4a7: {  	vm2 =	veq.s32 v8, v4;
	vm3 =	veq.s32 v7, v5  }
0x4a8: {  	vm2 =	vmand vm2, vm3  }
0x4a9: {  	v6 =	vand.u32 $0xF, v6  }
.Ltmp60:
0x4aa: {  	_ = 	snop;
	(pc) =	sbr.rel @p0 .LBB2_98-.Ltmp60, $2  }
0x4ab: {  	_ =	sdelay $0x2  }
0x4ac: {  	[tilespmem:v6+s18+$0x0] =	vst.idx.add.s32.msk vm2, v2  }
.Ltmp61:
0x4ad: {  	(pc) =	sbr.rel .LBB2_90-.Ltmp61, $4  }
0x4ae: {  	s4 =	sadd.s32 s9, s7  }
0x4af: {  	s4 =	sshrl.u32 s4, $0x3  }
0x4b0: {  	s8 =	sadd.s32 $0x1, s8;
	s4 =	sadd.s32 s3, s4  }
0x4b1: {  	[tilespmem:s16], [sflag:$0x2] =	stream.strided.gather [hbm4b:s4+s14], $0x4000, s15, s14, $0x38;
	[tilespmem:$0x18200] =	vst v63  }
.LBB2_97:
.Ltmp62:
0x4b2: {  	(pc) =	sbr.rel .LBB2_100-.Ltmp62, $3  }
0x4b3: {  	_ =	sdelay $0x1  }
0x4b4: {  	p0 =	sgt.s32 s1, $0x800;
	s30 =	sadd.s32 $0xFFFFFFFF, s30  }
0x4b5: {  	s8 =	simm.s32 $0xABA;
	s9 =	simm.s32 $0x10;
	s30 =	simm.s32 @!p0 $0xFFFFFFFF  }
.LBB2_98:
0x4b6: {  	p0 =	sgt.s32 s1, $0x0  }
.Ltmp63:
0x4b7: {  	_ = 	snop;
	(pc) =	sbr.rel @!p0 .LBB2_99-.Ltmp63, $2  }
0x4b8: {  	_ =	sdelay $0x2  }
0x4b9: {  	s5 =	simm.s32 $0x0;
	s9 =	simm.s32 $0x8000;
	s8 =	simm.s32 $0x10  }
.LBB2_96:
0x4ba: {  	v4 =	vld [tilespmem:s9+$0x0];
	_ =	sdelay $0x4  }
0x4bb: {  	(xrf0) =	vadd.scan.msk.s32 $0xffff, v4;
	_ =	sdelay $0x5  }
0x4bc: {  	v4, _, _ =	vpop (xrf0)  }
0x4bd: {  	(v2sf) =	vpush v4, $0xF;
	_ =	sdelay $0xe  }
0x4be: {  	s4 =	spop (v2sf)  }
0x4bf: {  	s5 =	sadd.s32 s5, s4  }
0x4c0: {  	p0 =	slt.s32 s5, s1  }
.Ltmp64:
0x4c1: {  	_ = 	snop;
	(pc) =	sbr.rel @p0 .LBB2_96-.Ltmp64, $2  }
0x4c2: {  	_ =	sdelay $0x2  }
0x4c3: {  	s9 =	sadd.s32 $0xFFFFFFF0, s9;
	s8 =	sadd.s32 $0xFFFFFFF0, s8  }
.LBB2_99:
0x4c4: {  	v4 =	vld [tilespmem:s8+$0x8000];
	_ =	sdelay $0x4  }
0x4c5: {  	(xrf0) =	vadd.scan.msk.s32 $0xffff, v4;
	_ =	sdelay $0x5  }
0x4c6: {  	v5, _, _ =	vpop (xrf0)  }
0x4c7: {  	(v2sf) =	vpush v5, $0xF;
	_ =	sdelay $0x5  }
0x4c8: {  	v5 =	vperm.xlane v4, v3;
	_ =	sdelay $0x1  }
0x4c9: {  	(xrf0) =	vadd.scan.msk.s32 $0xffff, v5;
	_ =	sdelay $0x5  }
0x4ca: {  	v5, _, _ =	vpop (xrf0)  }
0x4cb: {  	v5 =	vperm.xlane v5, v3;
	s4 =	spop (v2sf)  }
0x4cc: {  	s4 =	ssub.s32 s5, s4  }
0x4cd: {  	v6 =	vadd.s32 s4, v5  }
0x4ce: {  	vm2 =	vge.s32 v6, s1  }
0x4cf: {  	v6 =	vsel vm2, $0x1, v1  }
0x4d0: {  	(xrf0) =	vadd.scan.msk.s32 $0xffff, v6;
	_ =	sdelay $0x5  }
0x4d1: {  	v6, _, _ =	vpop (xrf0)  }
0x4d2: {  	(v2sf) =	vpush v6, $0xF;
	_ =	sdelay $0xe  }
0x4d3: {  	s11 =	spop (v2sf)  }
0x4d4: {  	s5 =	sadd.s32 $0xFFFFFFFF, s11  }
0x4d5: {  	v63 =	vmov s5  }
0x4d6: {  	vm2 =	veq.s32 v63, v0  }
0x4d7: {  	v5 =	vnsel vm2, $0x0, v5  }
0x4d8: {  	(xrf0) =	vadd.scan.msk.s32 $0xffff, v5  }
0x4d9: {  	v4 =	vnsel vm2, $0x0, v4  }
0x4da: {  	(xrf0) =	vadd.scan.msk.s32 $0xffff, v4;
	_ =	sdelay $0x3  }
0x4db: {  	v4, _, _ =	vpop (xrf0)  }
0x4dc: {  	(v2sf) =	vpush v4, $0xF  }
0x4dd: {  	v4, _, _ =	vpop (xrf0)  }
0x4de: {  	(v2sf) =	vpush v4, $0xF;
	_ =	sdelay $0xc  }
0x4df: {  	s9 =	spop (v2sf)  }
0x4e0: {  	s4 =	sadd.s32 s9, s4  }
0x4e1: {  	s10 =	spop (v2sf);
	s28 =	ssub.s32 s1, s4  }
0x4e2: {  	s9 =	sadd.s32 s8, s5;
	s8 =	sadd.s32 s10, s28  }
.LBB2_100:
0x4e3: {  	s1 =	simm.s32 $0x40;
	s5 =	simm.s32 $0x0  }
.LBB2_101:
0x4e4: {  	p0 =	sne.s32 s1, $0x35C0;
	[tilespmem:s5+$0x11000] =	vst v1;
	s4 =	smov.u32 s1;
	s1 =	sadd.s32 $0x40, s1  }
.Ltmp65:
0x4e5: {  	(pc) =	sbr.rel @p0 .LBB2_101-.Ltmp65, $2  }
0x4e6: {  	_ =	sdelay $0x2  }
0x4e7: {  	s5 =	sshra.s32 s4, $0x2  }
0x4e8: {  	[tilespmem:s5+$0x11000] =	vst v1;
	s1 =	simm.s32 $0x40;
	s5 =	simm.s32 $0x0  }
.LBB2_103:
0x4e9: {  	p0 =	sne.s32 s1, $0x35C0;
	[tilespmem:s5+$0x11D80] =	vst v1;
	s4 =	smov.u32 s1;
	s1 =	sadd.s32 $0x40, s1  }
.Ltmp66:
0x4ea: {  	(pc) =	sbr.rel @p0 .LBB2_103-.Ltmp66, $2  }
0x4eb: {  	_ =	sdelay $0x2  }
0x4ec: {  	s5 =	sshra.s32 s4, $0x2  }
0x4ed: {  	[tilespmem:s5+$0x11D80] =	vst v1;
	s1 =	simm.s32 $0x0;
	s28 =	simm.s32 $0x4000  }
0x4ee: {  	[tilespmem:s1], [sflag:$0x1] =	stream.strided.gather [hbm4b:s31+s14], $0x4000, s15, s14, $0x38;
	[tilespmem:$0x18200] =	vst v63  }
0x4ef: {  	v4 =	vmov s0;
	v6 =	vmov s9;
	v7 =	vmov s8;
	s9 =	simm.s32 $0x0;
	s8 =	simm.s32 $0x0;
	s0 =	simm.s32 $0x0  }
0x4f0: {  	v5 =	vmov s30;
	[tilespmem:s28], [sflag:$0x2] =	stream.strided.gather [hbm4b:s12+s14], $0x4000, s15, s14, $0x38;
	[tilespmem:$0x18200] =	vst v63  }
.LBB2_105:
0x4f1: {  	_ =	swait.ge [sflag:s17], $0x4000  }
0x4f2: {  	[sflag:s17] =	ssyncset.done $0x0  }
0x4f3: {  	s4 =	simm.s32 $0x0;
	[sflag:s17] =	ssyncadd.s32 $0xFFFFC000  }
0x4f4: {  	v8 =	vld [tilespmem:s4+$0x0];
	_ =	sdelay $0x4  }
0x4f5: {  	v8 =	vsub.f32 $0.0e+00, v8;
	_ =	sdelay $0x1  }
0x4f6: {  	v8 =	vmul.f32 $1.442695020e+00, v8;
	_ =	sdelay $0x1  }
0x4f7: {  	(erf) = vpow2.f32 v8;
	_ =	sdelay $0x8  }
0x4f8: {  	v8 =	vpop (erf)  }
0x4f9: {  	v8 =	vadd.f32 $1.000000000e+00, v8;
	_ =	sdelay $0x1  }
0x4fa: {  	(erf) = vrcp.f32 v8;
	_ =	sdelay $0x8  }
0x4fb: {  	v8 =	vpop (erf)  }
0x4fc: {  	v9 =	vshrl.u32 v8, $0x4  }
0x4fd: {  	v10 =	vand.u32 $0xF, v8;
	v9 =	vand.u32 $0x7FF, v9  }
0x4fe: {  	v11 =	vshrl.u32 v8, $0xF;
	vm3 =	veq.s32 v10, v6;
	vm2 =	veq.s32 v9, v5  }
0x4ff: {  	vm4 =	veq.s32 v11, v4;
	vm3 =	vmand vm3, vm2  }
0x500: {  	vm3 =	vmand vm4, vm3  }
0x501: {  	v12 =	vsel vm3, $0x1, v1  }
0x502: {  	(xrf0) =	vadd.scan.msk.s32 $0xffff, v12;
	_ =	sdelay $0x4  }
0x503: {  	vm5 =	vgt.s32 v10, v6  }
0x504: {  	vm6 =	vgt.s32 v9, v5;
	vm2 =	vmand vm5, vm2;
	v61, _, _ =	vpop (xrf0)  }
0x505: {  	vm2 =	vmor vm6, vm2;
	v62 =	vadd.s32 s9, v61;
	(v2sf) =	vpush v61, $0xF  }
0x506: {  	vm14 =	vgt.s32 v11, v4;
	vm2 =	vmand vm4, vm2;
	vm15 =	vle.s32 v62, v7  }
0x507: {  	vm2 =	vmor vm14, vm2;
	vm3 =	vmand vm3, vm15  }
0x508: {  	vm2 =	vmor vm2, vm3  }
0x509: {  	[tilespmem:s8+$0x11000] =	vst.msk vm2, v8;
	v8 =	vor.u32 s1, v0;
	v63 =	vsel vm2, $0x1, v1  }
0x50a: {  	s5 =	simm.s32 $0x10;
	s11 =	simm.s32 $0x80;
	s10 =	smov.u32 s1;
	[tilespmem:s8+$0x11D80] =	vst.msk vm2, v8;
	(xrf0) =	vadd.scan.msk.s32 $0xffff, v63  }
.LBB2_106:
0x50b: {  	p0 =	sne.s32 s11, $0xFFC0;
	v8 =	vld [tilespmem:s5+$0x0];
	_ =	sdelay $0x4  }
0x50c: {  	v8 =	vsub.f32 $0.0e+00, v8;
	v9, _, _ =	vpop (xrf0)  }
0x50d: {  	(v2sf) =	vpush v9, $0xF  }
0x50e: {  	v8 =	vmul.f32 $1.442695020e+00, v8;
	_ =	sdelay $0x1  }
0x50f: {  	(erf) = vpow2.f32 v8;
	s4 =	spop (v2sf)  }
0x510: {  	s9 =	sadd.s32 s9, s4;
	_ =	sdelay $0x7  }
0x511: {  	v8 =	vpop (erf)  }
0x512: {  	v8 =	vadd.f32 $1.000000000e+00, v8;
	_ =	sdelay $0x1  }
0x513: {  	(erf) = vrcp.f32 v8;
	s4 =	spop (v2sf)  }
0x514: {  	s8 =	sadd.s32 s8, s4;
	_ =	sdelay $0x7  }
0x515: {  	v8 =	vpop (erf)  }
0x516: {  	v9 =	vshrl.u32 v8, $0x4  }
0x517: {  	v10 =	vand.u32 $0xF, v8;
	v9 =	vand.u32 $0x7FF, v9  }
0x518: {  	v11 =	vshrl.u32 v8, $0xF;
	vm3 =	veq.s32 v10, v6;
	vm2 =	veq.s32 v9, v5  }
0x519: {  	vm4 =	veq.s32 v11, v4;
	vm3 =	vmand vm3, vm2  }
0x51a: {  	vm3 =	vmand vm4, vm3  }
0x51b: {  	v12 =	vsel vm3, $0x1, v1  }
0x51c: {  	(xrf0) =	vadd.scan.msk.s32 $0xffff, v12;
	_ =	sdelay $0x4  }
0x51d: {  	vm5 =	vgt.s32 v10, v6  }
0x51e: {  	vm6 =	vgt.s32 v9, v5;
	vm2 =	vmand vm5, vm2;
	v9, _, _ =	vpop (xrf0)  }
0x51f: {  	vm2 =	vmor vm6, vm2;
	v10 =	vadd.s32 s9, v9;
	(v2sf) =	vpush v9, $0xF  }
.Ltmp67:
0x520: {  	vm5 =	vgt.s32 v11, v4;
	vm2 =	vmand vm4, vm2;
	vm4 =	vle.s32 v10, v7;
	(pc) =	sbr.rel @p0 .LBB2_106-.Ltmp67, $4  }
0x521: {  	vm2 =	vmor vm5, vm2;
	vm3 =	vmand vm3, vm4  }
0x522: {  	s10 =	sadd.s32 $0x10, s10;
	vm2 =	vmor vm2, vm3  }
0x523: {  	[tilespmem:s8+$0x11000] =	vst.msk vm2, v8;
	v8 =	vor.u32 s10, v0;
	v9 =	vsel vm2, $0x1, v1  }
0x524: {  	s5 =	sshra.s32 s11, $0x2;
	s11 =	sadd.s32 $0x40, s11;
	[tilespmem:s8+$0x11D80] =	vst.msk vm2, v8;
	(xrf0) =	vadd.scan.msk.s32 $0xffff, v9  }
0x525: {  	v8 =	vld [tilespmem:s5+$0x0];
	_ =	sdelay $0x4  }
0x526: {  	v8 =	vsub.f32 $0.0e+00, v8;
	_ =	sdelay $0x1  }
0x527: {  	v8 =	vmul.f32 $1.442695020e+00, v8;
	_ =	sdelay $0x1  }
0x528: {  	(erf) = vpow2.f32 v8;
	_ =	sdelay $0x8  }
0x529: {  	v8 =	vpop (erf)  }
0x52a: {  	v8 =	vadd.f32 $1.000000000e+00, v8;
	_ =	sdelay $0x1  }
0x52b: {  	(erf) = vrcp.f32 v8;
	_ =	sdelay $0x8  }
0x52c: {  	v8 =	vpop (erf)  }
0x52d: {  	v9 =	vshrl.u32 v8, $0x4  }
0x52e: {  	v10 =	vand.u32 $0xF, v8;
	v9 =	vand.u32 $0x7FF, v9  }
0x52f: {  	v11 =	vshrl.u32 v8, $0xF;
	vm3 =	veq.s32 v10, v6;
	vm2 =	veq.s32 v9, v5  }
0x530: {  	vm4 =	veq.s32 v11, v4;
	vm3 =	vmand vm3, vm2  }
0x531: {  	vm3 =	vmand vm4, vm3  }
0x532: {  	v12 =	vsel vm3, $0x1, v1  }
0x533: {  	(xrf0) =	vadd.scan.msk.s32 $0xffff, v12;
	_ =	sdelay $0x4  }
0x534: {  	v52, _, _ =	vpop (xrf0);
	s4 =	spop (v2sf);
	vm5 =	vgt.s32 v10, v6  }
0x535: {  	s4 =	sadd.s32 s9, s4;
	vm6 =	vgt.s32 v9, v5;
	vm2 =	vmand vm5, vm2;
	v53, _, _ =	vpop (xrf0)  }
0x536: {  	vm2 =	vmor vm6, vm2;
	v54 =	vadd.s32 s4, v53  }
0x537: {  	vm9 =	vgt.s32 v11, v4;
	vm2 =	vmand vm4, vm2;
	vm10 =	vle.s32 v54, v7  }
0x538: {  	vm2 =	vmor vm9, vm2;
	vm3 =	vmand vm3, vm10  }
0x539: {  	vm2 =	vmor vm2, vm3  }
0x53a: {  	v55 =	vsel vm2, $0x1, v1  }
0x53b: {  	(xrf0) =	vadd.scan.msk.s32 $0xffff, v55  }
0x53c: {  	(v2sf) =	vpush v52, $0xF;
	_ =	sdelay $0x4  }
0x53d: {  	(v2sf) =	vpush v53, $0xF;
	v56, _, _ =	vpop (xrf0)  }
0x53e: {  	(v2sf) =	vpush v56, $0xF;
	_ =	sdelay $0x7  }
0x53f: {  	s30 =	sshll.u32 s0, $0x12;
	p0 =	seq.s32 s0, $0xF  }
0x540: {  	s9 =	sadd.s32 @!p0 s30, s6;
	s11 =	spop (v2sf)  }
0x541: {  	s10 =	sadd.s32 $0x10, s10;
	s9 =	sshrl.u32 @!p0 s9, $0x3;
	s5 =	sadd.s32 s8, s11  }
0x542: {  	s8 =	sadd.s32 @!p0 s3, s9;
	[tilespmem:s5+$0x11000] =	vst.msk vm2, v8;
	v8 =	vor.u32 s10, v0  }
0x543: {  	s9 =	simm.s32 @!p0 $0x80;
	s11 =	simm.s32 @!p0 $0x0;
	s10 =	simm.s32 @!p0 $0x400;
	[tilespmem:s5+$0x11D80] =	vst.msk vm2, v8  }
0x544: {  	[tilespmem:s11], [sflag:$0x1] =	stream.strided.gather @!p0 [hbm4b:s8+s9], $0x4000, s10, s9, $0x38;
	[tilespmem:$0x18200] =	vst v63  }
0x545: {  	s8 =	spop (v2sf)  }
0x546: {  	s10 =	spop (v2sf)  }
0x547: {  	_ =	swait.ge [sflag:s19], $0x4000  }
0x548: {  	[sflag:s19] =	ssyncset.done $0x0  }
0x549: {  	s11 =	simm.s32 $0x0;
	[sflag:s19] =	ssyncadd.s32 $0xFFFFC000  }
0x54a: {  	v8 =	vld [tilespmem:s11+$0x4000];
	_ =	sdelay $0x4  }
0x54b: {  	v8 =	vsub.f32 $0.0e+00, v8;
	_ =	sdelay $0x1  }
0x54c: {  	v8 =	vmul.f32 $1.442695020e+00, v8;
	_ =	sdelay $0x1  }
0x54d: {  	(erf) = vpow2.f32 v8;
	_ =	sdelay $0x8  }
0x54e: {  	v8 =	vpop (erf)  }
0x54f: {  	v8 =	vadd.f32 $1.000000000e+00, v8;
	_ =	sdelay $0x1  }
0x550: {  	(erf) = vrcp.f32 v8;
	_ =	sdelay $0x8  }
0x551: {  	v8 =	vpop (erf)  }
0x552: {  	v57 =	vshrl.u32 v8, $0x4  }
0x553: {  	v58 =	vand.u32 $0xF, v8;
	v9 =	vand.u32 $0x7FF, v57  }
0x554: {  	v59 =	vshrl.u32 v8, $0xF;
	vm3 =	veq.s32 v58, v6;
	vm2 =	veq.s32 v9, v5  }
0x555: {  	vm11 =	veq.s32 v59, v4;
	vm3 =	vmand vm3, vm2  }
0x556: {  	vm3 =	vmand vm11, vm3  }
0x557: {  	v60 =	vsel vm3, $0x1, v1  }
0x558: {  	(xrf0) =	vadd.scan.msk.s32 $0xffff, v60;
	_ =	sdelay $0x4  }
0x559: {  	vm12 =	vgt.s32 v58, v6  }
0x55a: {  	s9 =	sadd.s32 s4, s8;
	vm13 =	vgt.s32 v9, v5;
	vm2 =	vmand vm12, vm2;
	v61, _, _ =	vpop (xrf0)  }
0x55b: {  	vm2 =	vmor vm13, vm2;
	v62 =	vadd.s32 s9, v61;
	(v2sf) =	vpush v61, $0xF  }
0x55c: {  	vm14 =	vgt.s32 v59, v4;
	vm2 =	vmand vm11, vm2;
	vm15 =	vle.s32 v62, v7  }
0x55d: {  	vm2 =	vmor vm14, vm2;
	vm3 =	vmand vm3, vm15  }
0x55e: {  	s8 =	sadd.s32 s5, s10;
	vm2 =	vmor vm2, vm3  }
0x55f: {  	[tilespmem:s8+$0x11000] =	vst.msk vm2, v8;
	v8 =	vor.u32 s28, v0;
	v63 =	vsel vm2, $0x1, v1  }
0x560: {  	s5 =	simm.s32 $0x10;
	s10 =	smov.u32 s28;
	s11 =	simm.s32 $0x80;
	[tilespmem:s8+$0x11D80] =	vst.msk vm2, v8;
	(xrf0) =	vadd.scan.msk.s32 $0xffff, v63  }
.LBB2_108:
0x561: {  	p1 =	sne.s32 s11, $0xFFC0;
	v8 =	vld [tilespmem:s5+$0x4000];
	_ =	sdelay $0x4  }
0x562: {  	v8 =	vsub.f32 $0.0e+00, v8;
	v9, _, _ =	vpop (xrf0)  }
0x563: {  	(v2sf) =	vpush v9, $0xF  }
0x564: {  	v8 =	vmul.f32 $1.442695020e+00, v8;
	_ =	sdelay $0x1  }
0x565: {  	(erf) = vpow2.f32 v8;
	s4 =	spop (v2sf)  }
0x566: {  	s9 =	sadd.s32 s9, s4;
	_ =	sdelay $0x7  }
0x567: {  	v8 =	vpop (erf)  }
0x568: {  	v8 =	vadd.f32 $1.000000000e+00, v8;
	_ =	sdelay $0x1  }
0x569: {  	(erf) = vrcp.f32 v8;
	s4 =	spop (v2sf)  }
0x56a: {  	s8 =	sadd.s32 s8, s4;
	_ =	sdelay $0x7  }
0x56b: {  	v8 =	vpop (erf)  }
0x56c: {  	v9 =	vshrl.u32 v8, $0x4  }
0x56d: {  	v10 =	vand.u32 $0xF, v8;
	v9 =	vand.u32 $0x7FF, v9  }
0x56e: {  	v11 =	vshrl.u32 v8, $0xF;
	vm3 =	veq.s32 v10, v6;
	vm2 =	veq.s32 v9, v5  }
0x56f: {  	vm4 =	veq.s32 v11, v4;
	vm3 =	vmand vm3, vm2  }
0x570: {  	vm3 =	vmand vm4, vm3  }
0x571: {  	v12 =	vsel vm3, $0x1, v1  }
0x572: {  	(xrf0) =	vadd.scan.msk.s32 $0xffff, v12;
	_ =	sdelay $0x4  }
0x573: {  	vm5 =	vgt.s32 v10, v6  }
0x574: {  	vm6 =	vgt.s32 v9, v5;
	vm2 =	vmand vm5, vm2;
	v9, _, _ =	vpop (xrf0)  }
0x575: {  	vm2 =	vmor vm6, vm2;
	v10 =	vadd.s32 s9, v9;
	(v2sf) =	vpush v9, $0xF  }
.Ltmp68:
0x576: {  	vm5 =	vgt.s32 v11, v4;
	vm2 =	vmand vm4, vm2;
	vm4 =	vle.s32 v10, v7;
	(pc) =	sbr.rel @p1 .LBB2_108-.Ltmp68, $4  }
0x577: {  	vm2 =	vmor vm5, vm2;
	vm3 =	vmand vm3, vm4  }
0x578: {  	s10 =	sadd.s32 $0x10, s10;
	vm2 =	vmor vm2, vm3  }
0x579: {  	[tilespmem:s8+$0x11000] =	vst.msk vm2, v8;
	v8 =	vor.u32 s10, v0;
	v9 =	vsel vm2, $0x1, v1  }
0x57a: {  	s5 =	sshra.s32 s11, $0x2;
	s11 =	sadd.s32 $0x40, s11;
	[tilespmem:s8+$0x11D80] =	vst.msk vm2, v8;
	(xrf0) =	vadd.scan.msk.s32 $0xffff, v9  }
0x57b: {  	v8 =	vld [tilespmem:s5+$0x4000];
	_ =	sdelay $0x4  }
0x57c: {  	v8 =	vsub.f32 $0.0e+00, v8;
	_ =	sdelay $0x1  }
0x57d: {  	v8 =	vmul.f32 $1.442695020e+00, v8;
	_ =	sdelay $0x1  }
0x57e: {  	(erf) = vpow2.f32 v8;
	_ =	sdelay $0x8  }
0x57f: {  	v8 =	vpop (erf)  }
0x580: {  	v8 =	vadd.f32 $1.000000000e+00, v8;
	_ =	sdelay $0x1  }
0x581: {  	(erf) = vrcp.f32 v8;
	_ =	sdelay $0x8  }
0x582: {  	v8 =	vpop (erf)  }
0x583: {  	v9 =	vshrl.u32 v8, $0x4  }
0x584: {  	v10 =	vand.u32 $0xF, v8;
	v9 =	vand.u32 $0x7FF, v9  }
0x585: {  	v11 =	vshrl.u32 v8, $0xF;
	vm3 =	veq.s32 v10, v6;
	vm2 =	veq.s32 v9, v5  }
0x586: {  	vm4 =	veq.s32 v11, v4;
	vm3 =	vmand vm3, vm2  }
0x587: {  	vm3 =	vmand vm4, vm3  }
0x588: {  	v12 =	vsel vm3, $0x1, v1  }
0x589: {  	(xrf0) =	vadd.scan.msk.s32 $0xffff, v12;
	_ =	sdelay $0x4  }
0x58a: {  	v59, _, _ =	vpop (xrf0);
	s4 =	spop (v2sf);
	vm5 =	vgt.s32 v10, v6  }
0x58b: {  	s4 =	sadd.s32 s9, s4;
	vm6 =	vgt.s32 v9, v5;
	vm2 =	vmand vm5, vm2;
	v60, _, _ =	vpop (xrf0)  }
0x58c: {  	vm2 =	vmor vm6, vm2;
	v61 =	vadd.s32 s4, v60  }
0x58d: {  	vm14 =	vgt.s32 v11, v4;
	vm2 =	vmand vm4, vm2;
	vm15 =	vle.s32 v61, v7  }
0x58e: {  	vm2 =	vmor vm14, vm2;
	vm3 =	vmand vm3, vm15  }
0x58f: {  	vm2 =	vmor vm2, vm3  }
0x590: {  	v62 =	vsel vm2, $0x1, v1  }
0x591: {  	(xrf0) =	vadd.scan.msk.s32 $0xffff, v62;
	_ =	sdelay $0x4  }
0x592: {  	(v2sf) =	vpush v59, $0xF  }
0x593: {  	(v2sf) =	vpush v60, $0xF;
	v63, _, _ =	vpop (xrf0)  }
0x594: {  	(v2sf) =	vpush v63, $0xF;
	_ =	sdelay $0xb  }
.Ltmp69:
0x595: {  	_ = 	snop;
	(pc) =	sbr.rel @p0 .LBB2_111-.Ltmp69, $4  }
0x596: {  	s11 =	spop (v2sf)  }
0x597: {  	s9 =	sadd.s32 $0x10, s10;
	s5 =	sadd.s32 s8, s11;
	s10 =	spop (v2sf)  }
0x598: {  	[tilespmem:s5+$0x11000] =	vst.msk vm2, v8;
	v8 =	vor.u32 s9, v0;
	s11 =	spop (v2sf)  }
0x599: {  	[tilespmem:s5+$0x11D80] =	vst.msk vm2, v8;
	s9 =	sadd.s32 s4, s10;
	s8 =	sadd.s32 s5, s11  }
.Ltmp70:
0x59a: {  	(pc) =	sbr.rel .LBB2_105-.Ltmp70, $4  }
0x59b: {  	s4 =	sadd.s32 s30, s7  }
0x59c: {  	s0 =	sadd.s32 $0x1, s0;
	s4 =	sshrl.u32 s4, $0x3  }
0x59d: {  	s1 =	sadd.s32 $0x8000, s1;
	s28 =	sadd.s32 $0x8000, s28;
	s4 =	sadd.s32 s3, s4  }
0x59e: {  	[tilespmem:s16], [sflag:$0x2] =	stream.strided.gather [hbm4b:s4+s14], $0x4000, s15, s14, $0x38;
	[tilespmem:$0x18200] =	vst v63  }
.LBB2_111:
0x59f: {  	s0 =	simm.s32 $0x40;
	s1 =	simm.s32 $0x0  }
.LBB2_112:
0x5a0: {  	p0 =	seq.s32 s0, $0x3FC0;
	[tilespmem:s1+$0x10000] =	vst v1;
	s1 =	smov.u32 s0;
	s0 =	sadd.s32 $0x40, s0  }
.Ltmp71:
0x5a1: {  	(pc) =	sbr.rel @!p0 .LBB2_112-.Ltmp71, $2  }
0x5a2: {  	_ =	sdelay $0x2  }
0x5a3: {  	s1 =	sshra.s32 s1, $0x2  }
0x5a4: {  	s0 =	sadd.s32 $0xF, s8  }
0x5a5: {  	s28 =	sand.u32 $0xF, s0  }
0x5a6: {  	s30 =	sshra.s32 s0, $0x1F;
	p1 =	slt.s32 s0, $0x1;
	p0 =	sne.s32 s28, $0x0  }
0x5a7: {  	[tilespmem:s1+$0x10000] =	vst v1;
	s1 =	sshrl.u32 s30, $0x1C;
	p0 =	por !p1, !p0  }
0x5a8: {  	s0 =	sadd.s32 s1, s0;
	s1 =	simm.s32 $0x1;
	p0 =	por !p0, !p0  }
0x5a9: {  	s0 =	sshra.s32 s0, $0x4;
	s1 =	simm.s32 @!p0 $0x0  }
0x5aa: {  	s0 =	ssub.s32 s0, s1  }
0x5ab: {  	p0 =	sgt.s32 s0, $0x2B  }
0x5ac: {  	s0 =	simm.s32 @!p0 $0x2B  }
0x5ad: {  	v4 =	vmul.u32 s0, v0;
	_ =	sdelay $0x5  }
0x5ae: {  	v5 =	vld.idx.msk [tilespmem:v4+s20+$0x0], $0xffff;
	_ =	sdelay $0x2  }
0x5af: {  	p0 =	sne.s32 s0, $0x1  }
.Ltmp72:
0x5b0: {  	_ = 	snop;
	(pc) =	sbr.rel @!p0 .LBB2_115-.Ltmp72, $4  }
0x5b1: {  	v5 =	vshll.u32 v5, $0x4  }
0x5b2: {  	v7 =	vand.u32 $0xFF0, v5;
	v5 =	vor.u32 $0xFF0, v0  }
0x5b3: {  	s1 =	simm.s32 $0x0;
	v6 =	vadd.s32 $0x1, v4;
	v7 =	vxor.u32 v5, v7  }
0x5b4: {  	s5 =	simm.s32 $0x1;
	v8 =	vadd.s32 s1, v6  }
.LBB2_114:
0x5b5: {  	_ =	sdelay $0x2  }
0x5b6: {  	[tilespmem:v7+s22+$0x0] =	vst.idx.add.s32.msk $0xffff, v2;
	s4 =	smov.u32 s5;
	s5 =	sadd.s32 $0x1, s5  }
0x5b7: {  	v5 =	vld.idx.msk [tilespmem:v8+s20+$0x0], $0xffff;
	p0 =	sne.s32 s0, s5;
	_ =	sdelay $0x4  }
.Ltmp73:
0x5b8: {  	(pc) =	sbr.rel @p0 .LBB2_114-.Ltmp73, $4  }
0x5b9: {  	v5 =	vshll.u32 v5, $0x4  }
0x5ba: {  	v7 =	vand.u32 $0xFF0, v5;
	v5 =	vor.u32 $0xFF0, v0  }
0x5bb: {  	v7 =	vxor.u32 v5, v7  }
0x5bc: {  	v8 =	vadd.s32 s4, v6  }
.LBB2_115:
0x5bd: {  	_ =	sdelay $0x3  }
0x5be: {  	[tilespmem:v7+s22+$0x0] =	vst.idx.add.s32.msk $0xffff, v2;
	s4 =	simm.s32 $0x0  }
0x5bf: {  	v6 =	vld [tilespmem:s4+$0x10000];
	_ =	sdelay $0x4  }
0x5c0: {  	(xrf0) =	vadd.scan.msk.s32 $0xffff, v6;
	_ =	sdelay $0x5  }
0x5c1: {  	vm2 =	vmmov $0x7fff;
	v7, _, _ =	vpop (xrf0)  }
0x5c2: {  	v8 =	vsel vm2, $0x0, v7  }
0x5c3: {  	(xrf0) =	vadd.scan.msk.s32 $0xffff, v8;
	_ =	sdelay $0x1  }
0x5c4: {  	v6 =	vsub.s32 s1, v6  }
0x5c5: {  	v6 =	vadd.s32 v7, v6;
	_ =	sdelay $0x2  }
0x5c6: {  	s8 =	simm.s32 $0x10;
	s9 =	simm.s32 $0x80;
	[tilespmem:s4+$0x10000] =	vst v6;
	v6, _, _ =	vpop (xrf0)  }
.LBB2_116:
0x5c7: {  	p0 =	sne.s32 s9, $0x3FC0;
	v7 =	vld [tilespmem:s8+$0x10000];
	(v2sf) =	vpush v6, $0xF;
	_ =	sdelay $0x4  }
0x5c8: {  	(xrf0) =	vadd.scan.msk.s32 $0xffff, v7;
	_ =	sdelay $0x5  }
0x5c9: {  	v6, _, _ =	vpop (xrf0)  }
0x5ca: {  	v8 =	vsel vm2, $0x0, v6  }
0x5cb: {  	(xrf0) =	vadd.scan.msk.s32 $0xffff, v8;
	_ =	sdelay $0x1  }
.Ltmp74:
0x5cc: {  	s4 =	spop (v2sf);
	(pc) =	sbr.rel @p0 .LBB2_116-.Ltmp74, $4  }
0x5cd: {  	s1 =	sadd.s32 s1, s4  }
0x5ce: {  	v7 =	vsub.s32 s1, v7  }
0x5cf: {  	v7 =	vadd.s32 v6, v7  }
0x5d0: {  	[tilespmem:s8+$0x10000] =	vst v7;
	s8 =	sshra.s32 s9, $0x2;
	s9 =	sadd.s32 $0x40, s9;
	v6, _, _ =	vpop (xrf0)  }
0x5d1: {  	v7 =	vld [tilespmem:s8+$0x10000];
	_ =	sdelay $0x2  }
0x5d2: {  	(v2sf) =	vpush v6, $0xF;
	_ =	sdelay $0x1  }
0x5d3: {  	(xrf0) =	vadd.scan.msk.s32 $0xffff, v7;
	_ =	sdelay $0x5  }
0x5d4: {  	v6, _, _ =	vpop (xrf0)  }
0x5d5: {  	v8 =	vsel vm2, $0x0, v6  }
0x5d6: {  	(xrf0) =	vadd.scan.msk.s32 $0xffff, v8;
	_ =	sdelay $0x3  }
0x5d7: {  	s4 =	simm.s32 $0x0  }
0x5d8: {  	v9 =	vadd.s32 s4, v4;
	s28 =	spop (v2sf)  }
0x5d9: {  	s1 =	sadd.s32 s1, s28;
	v8, _, _ =	vpop (xrf0)  }
0x5da: {  	v7 =	vsub.s32 s1, v7;
	(v2sf) =	vpush v8, $0xF  }
0x5db: {  	v6 =	vadd.s32 v6, v7  }
0x5dc: {  	[tilespmem:s8+$0x10000] =	vst v6  }
0x5dd: {  	v6 =	vld.idx.msk [tilespmem:v9+s20+$0x0], $0xffff;
	_ =	sdelay $0x4  }
0x5de: {  	v7 =	vshll.u32 v6, $0x4  }
0x5df: {  	v7 =	vand.u32 $0xFF0, v7  }
0x5e0: {  	p0 =	sne.s32 s0, $0x1;
	v8 =	vxor.u32 v5, v7  }
.Ltmp75:
0x5e1: {  	_ = 	snop;
	(pc) =	sbr.rel @!p0 .LBB2_119-.Ltmp75, $3  }
0x5e2: {  	_ =	sdelay $0x1  }
0x5e3: {  	v7 =	vld.idx.msk [tilespmem:v9+s21+$0x0], $0xffff  }
0x5e4: {  	s1 =	simm.s32 $0x1;
	v9 =	vld.idx.msk [tilespmem:v8+s22+$0x0], $0xffff;
	s30 =	spop (v2sf)  }
.LBB2_118:
0x5e5: {  	_ =	sdelay $0x4  }
0x5e6: {  	v10 =	vadd.s32 s1, v4;
	_ =	sdelay $0x1  }
0x5e7: {  	s1 =	sadd.s32 $0x1, s1;
	[tilespmem:v9+s23+$0x0] =	vst.idx.msk $0xffff, v6  }
0x5e8: {  	p0 =	sne.s32 s0, s1;
	[tilespmem:v9+s24+$0x0] =	vst.idx.msk $0xffff, v7  }
0x5e9: {  	[tilespmem:v8+s22+$0x0] =	vst.idx.add.s32.msk $0xffff, v2  }
0x5ea: {  	v6 =	vld.idx.msk [tilespmem:v10+s20+$0x0], $0xffff  }
0x5eb: {  	v7 =	vld.idx.msk [tilespmem:v10+s21+$0x0], $0xffff;
	_ =	sdelay $0x4  }
0x5ec: {  	v8 =	vshll.u32 v6, $0x4  }
0x5ed: {  	v8 =	vand.u32 $0xFF0, v8  }
0x5ee: {  	v8 =	vxor.u32 v5, v8  }
.Ltmp76:
0x5ef: {  	(pc) =	sbr.rel @p0 .LBB2_118-.Ltmp76, $2  }
0x5f0: {  	_ =	sdelay $0x2  }
0x5f1: {  	v9 =	vld.idx.msk [tilespmem:v8+s22+$0x0], $0xffff  }
.LBB2_119:
0x5f2: {  	_ =	sdelay $0x7  }
0x5f3: {  	[tilespmem:v9+s23+$0x0] =	vst.idx.msk $0xffff, v6  }
0x5f4: {  	[tilespmem:v9+s24+$0x0] =	vst.idx.msk $0xffff, v7  }
0x5f5: {  	s1 =	simm.s32 $0x40;
	s5 =	simm.s32 $0x0;
	[tilespmem:v8+s22+$0x0] =	vst.idx.add.s32.msk $0xffff, v2  }
.LBB2_120:
0x5f6: {  	p0 =	sne.s32 s1, $0x3FC0;
	[tilespmem:s5+$0x10000] =	vst v1;
	s4 =	smov.u32 s1;
	s1 =	sadd.s32 $0x40, s1  }
.Ltmp77:
0x5f7: {  	(pc) =	sbr.rel @p0 .LBB2_120-.Ltmp77, $2  }
0x5f8: {  	_ =	sdelay $0x2  }
0x5f9: {  	s5 =	sshra.s32 s4, $0x2  }
0x5fa: {  	s1 =	simm.s32 $0x0  }
0x5fb: {  	v6 =	vadd.s32 s1, v4;
	_ =	sdelay $0x3  }
0x5fc: {  	[tilespmem:s5+$0x10000] =	vst v1  }
0x5fd: {  	v6 =	vld.idx.msk [tilespmem:v6+s23+$0x0], $0xffff;
	_ =	sdelay $0x1  }
0x5fe: {  	p0 =	sne.s32 s0, $0x1  }
.Ltmp78:
0x5ff: {  	_ = 	snop;
	(pc) =	sbr.rel @!p0 .LBB2_123-.Ltmp78, $4  }
0x600: {  	_ = 	snop  }
0x601: {  	v6 =	vshrl.u32 v6, $0x4  }
0x602: {  	v6 =	vand.u32 $0xFF0, v6  }
0x603: {  	s5 =	simm.s32 $0x1;
	v6 =	vxor.u32 v5, v6  }
.LBB2_122:
0x604: {  	v7 =	vadd.s32 s5, v4;
	s5 =	sadd.s32 $0x1, s5  }
0x605: {  	p0 =	sne.s32 s0, s5;
	_ =	sdelay $0x2  }
0x606: {  	[tilespmem:v6+s22+$0x0] =	vst.idx.add.s32.msk $0xffff, v2  }
0x607: {  	v6 =	vld.idx.msk [tilespmem:v7+s23+$0x0], $0xffff;
	_ =	sdelay $0x3  }
.Ltmp79:
0x608: {  	(pc) =	sbr.rel @p0 .LBB2_122-.Ltmp79, $4  }
0x609: {  	_ = 	snop  }
0x60a: {  	v6 =	vshrl.u32 v6, $0x4  }
0x60b: {  	v6 =	vand.u32 $0xFF0, v6  }
0x60c: {  	v6 =	vxor.u32 v5, v6  }
.LBB2_123:
0x60d: {  	_ =	sdelay $0x3  }
0x60e: {  	[tilespmem:v6+s22+$0x0] =	vst.idx.add.s32.msk $0xffff, v2;
	s4 =	simm.s32 $0x0  }
0x60f: {  	v6 =	vld [tilespmem:s4+$0x10000];
	_ =	sdelay $0x4  }
0x610: {  	(xrf0) =	vadd.scan.msk.s32 $0xffff, v6;
	_ =	sdelay $0x5  }
0x611: {  	v7, _, _ =	vpop (xrf0)  }
0x612: {  	v8 =	vsel vm2, $0x0, v7  }
0x613: {  	(xrf0) =	vadd.scan.msk.s32 $0xffff, v8;
	_ =	sdelay $0x1  }
0x614: {  	v6 =	vsub.s32 s1, v6  }
0x615: {  	v6 =	vadd.s32 v7, v6;
	_ =	sdelay $0x2  }
0x616: {  	s8 =	simm.s32 $0x10;
	s9 =	simm.s32 $0x80;
	[tilespmem:s4+$0x10000] =	vst v6;
	v6, _, _ =	vpop (xrf0)  }
.LBB2_124:
0x617: {  	p0 =	sne.s32 s9, $0x3FC0;
	v7 =	vld [tilespmem:s8+$0x10000];
	(v2sf) =	vpush v6, $0xF;
	_ =	sdelay $0x4  }
0x618: {  	(xrf0) =	vadd.scan.msk.s32 $0xffff, v7;
	_ =	sdelay $0x5  }
0x619: {  	v6, _, _ =	vpop (xrf0)  }
0x61a: {  	v8 =	vsel vm2, $0x0, v6  }
0x61b: {  	(xrf0) =	vadd.scan.msk.s32 $0xffff, v8;
	_ =	sdelay $0x1  }
.Ltmp80:
0x61c: {  	s4 =	spop (v2sf);
	(pc) =	sbr.rel @p0 .LBB2_124-.Ltmp80, $4  }
0x61d: {  	s1 =	sadd.s32 s1, s4  }
0x61e: {  	v7 =	vsub.s32 s1, v7  }
0x61f: {  	v7 =	vadd.s32 v6, v7  }
0x620: {  	[tilespmem:s8+$0x10000] =	vst v7;
	s8 =	sshra.s32 s9, $0x2;
	s9 =	sadd.s32 $0x40, s9;
	v6, _, _ =	vpop (xrf0)  }
0x621: {  	v7 =	vld [tilespmem:s8+$0x10000];
	_ =	sdelay $0x2  }
0x622: {  	(v2sf) =	vpush v6, $0xF;
	_ =	sdelay $0x1  }
0x623: {  	(xrf0) =	vadd.scan.msk.s32 $0xffff, v7;
	_ =	sdelay $0x5  }
0x624: {  	v6, _, _ =	vpop (xrf0)  }
0x625: {  	v8 =	vsel vm2, $0x0, v6  }
0x626: {  	(xrf0) =	vadd.scan.msk.s32 $0xffff, v8;
	_ =	sdelay $0x3  }
0x627: {  	s4 =	simm.s32 $0x0  }
0x628: {  	v9 =	vadd.s32 s4, v4;
	s28 =	spop (v2sf)  }
0x629: {  	s1 =	sadd.s32 s1, s28;
	v8, _, _ =	vpop (xrf0)  }
0x62a: {  	v7 =	vsub.s32 s1, v7;
	(v2sf) =	vpush v8, $0xF  }
0x62b: {  	v6 =	vadd.s32 v6, v7  }
0x62c: {  	[tilespmem:s8+$0x10000] =	vst v6  }
0x62d: {  	v6 =	vld.idx.msk [tilespmem:v9+s23+$0x0], $0xffff;
	_ =	sdelay $0x4  }
0x62e: {  	v7 =	vshrl.u32 v6, $0x4  }
0x62f: {  	v7 =	vand.u32 $0xFF0, v7  }
0x630: {  	p0 =	sne.s32 s0, $0x1;
	v8 =	vxor.u32 v5, v7  }
.Ltmp81:
0x631: {  	_ = 	snop;
	(pc) =	sbr.rel @!p0 .LBB2_127-.Ltmp81, $3  }
0x632: {  	_ =	sdelay $0x1  }
0x633: {  	v7 =	vld.idx.msk [tilespmem:v9+s24+$0x0], $0xffff  }
0x634: {  	s1 =	simm.s32 $0x1;
	v9 =	vld.idx.msk [tilespmem:v8+s22+$0x0], $0xffff;
	s30 =	spop (v2sf)  }
.LBB2_126:
0x635: {  	_ =	sdelay $0x4  }
0x636: {  	v10 =	vadd.s32 s1, v4;
	_ =	sdelay $0x1  }
0x637: {  	s1 =	sadd.s32 $0x1, s1;
	[tilespmem:v9+s20+$0x0] =	vst.idx.msk $0xffff, v6  }
0x638: {  	p0 =	sne.s32 s0, s1;
	[tilespmem:v9+s21+$0x0] =	vst.idx.msk $0xffff, v7  }
0x639: {  	[tilespmem:v8+s22+$0x0] =	vst.idx.add.s32.msk $0xffff, v2  }
0x63a: {  	v6 =	vld.idx.msk [tilespmem:v10+s23+$0x0], $0xffff  }
0x63b: {  	v7 =	vld.idx.msk [tilespmem:v10+s24+$0x0], $0xffff;
	_ =	sdelay $0x4  }
0x63c: {  	v8 =	vshrl.u32 v6, $0x4  }
0x63d: {  	v8 =	vand.u32 $0xFF0, v8  }
0x63e: {  	v8 =	vxor.u32 v5, v8  }
.Ltmp82:
0x63f: {  	(pc) =	sbr.rel @p0 .LBB2_126-.Ltmp82, $2  }
0x640: {  	_ =	sdelay $0x2  }
0x641: {  	v9 =	vld.idx.msk [tilespmem:v8+s22+$0x0], $0xffff  }
.LBB2_127:
0x642: {  	_ =	sdelay $0x7  }
0x643: {  	[tilespmem:v9+s20+$0x0] =	vst.idx.msk $0xffff, v6  }
0x644: {  	[tilespmem:v9+s21+$0x0] =	vst.idx.msk $0xffff, v7  }
0x645: {  	s1 =	simm.s32 $0x40;
	s5 =	simm.s32 $0x0;
	[tilespmem:v8+s22+$0x0] =	vst.idx.add.s32.msk $0xffff, v2  }
.LBB2_128:
0x646: {  	p0 =	sne.s32 s1, $0x3FC0;
	[tilespmem:s5+$0x10000] =	vst v1;
	s4 =	smov.u32 s1;
	s1 =	sadd.s32 $0x40, s1  }
.Ltmp83:
0x647: {  	(pc) =	sbr.rel @p0 .LBB2_128-.Ltmp83, $2  }
0x648: {  	_ =	sdelay $0x2  }
0x649: {  	s5 =	sshra.s32 s4, $0x2  }
0x64a: {  	s1 =	simm.s32 $0x0  }
0x64b: {  	v6 =	vadd.s32 s1, v4;
	_ =	sdelay $0x3  }
0x64c: {  	[tilespmem:s5+$0x10000] =	vst v1  }
0x64d: {  	v6 =	vld.idx.msk [tilespmem:v6+s20+$0x0], $0xffff;
	_ =	sdelay $0x1  }
0x64e: {  	p0 =	sne.s32 s0, $0x1  }
.Ltmp84:
0x64f: {  	_ = 	snop;
	(pc) =	sbr.rel @!p0 .LBB2_131-.Ltmp84, $4  }
0x650: {  	_ = 	snop  }
0x651: {  	v6 =	vshrl.u32 v6, $0xC  }
0x652: {  	v6 =	vand.u32 $0xFF0, v6  }
0x653: {  	s5 =	simm.s32 $0x1;
	v6 =	vxor.u32 v5, v6  }
.LBB2_130:
0x654: {  	v7 =	vadd.s32 s5, v4;
	s5 =	sadd.s32 $0x1, s5  }
0x655: {  	p0 =	sne.s32 s0, s5;
	_ =	sdelay $0x2  }
0x656: {  	[tilespmem:v6+s22+$0x0] =	vst.idx.add.s32.msk $0xffff, v2  }
0x657: {  	v6 =	vld.idx.msk [tilespmem:v7+s20+$0x0], $0xffff;
	_ =	sdelay $0x3  }
.Ltmp85:
0x658: {  	(pc) =	sbr.rel @p0 .LBB2_130-.Ltmp85, $4  }
0x659: {  	_ = 	snop  }
0x65a: {  	v6 =	vshrl.u32 v6, $0xC  }
0x65b: {  	v6 =	vand.u32 $0xFF0, v6  }
0x65c: {  	v6 =	vxor.u32 v5, v6  }
.LBB2_131:
0x65d: {  	_ =	sdelay $0x3  }
0x65e: {  	[tilespmem:v6+s22+$0x0] =	vst.idx.add.s32.msk $0xffff, v2;
	s4 =	simm.s32 $0x0  }
0x65f: {  	v6 =	vld [tilespmem:s4+$0x10000];
	_ =	sdelay $0x4  }
0x660: {  	(xrf0) =	vadd.scan.msk.s32 $0xffff, v6;
	_ =	sdelay $0x5  }
0x661: {  	v7, _, _ =	vpop (xrf0)  }
0x662: {  	v8 =	vsel vm2, $0x0, v7  }
0x663: {  	(xrf0) =	vadd.scan.msk.s32 $0xffff, v8;
	_ =	sdelay $0x1  }
0x664: {  	v6 =	vsub.s32 s1, v6  }
0x665: {  	v6 =	vadd.s32 v7, v6;
	_ =	sdelay $0x2  }
0x666: {  	s8 =	simm.s32 $0x10;
	s9 =	simm.s32 $0x80;
	[tilespmem:s4+$0x10000] =	vst v6;
	v6, _, _ =	vpop (xrf0)  }
.LBB2_132:
0x667: {  	p0 =	sne.s32 s9, $0x3FC0;
	v7 =	vld [tilespmem:s8+$0x10000];
	(v2sf) =	vpush v6, $0xF;
	_ =	sdelay $0x4  }
0x668: {  	(xrf0) =	vadd.scan.msk.s32 $0xffff, v7;
	_ =	sdelay $0x5  }
0x669: {  	v6, _, _ =	vpop (xrf0)  }
0x66a: {  	v8 =	vsel vm2, $0x0, v6  }
0x66b: {  	(xrf0) =	vadd.scan.msk.s32 $0xffff, v8;
	_ =	sdelay $0x1  }
.Ltmp86:
0x66c: {  	s4 =	spop (v2sf);
	(pc) =	sbr.rel @p0 .LBB2_132-.Ltmp86, $4  }
0x66d: {  	s1 =	sadd.s32 s1, s4  }
0x66e: {  	v7 =	vsub.s32 s1, v7  }
0x66f: {  	v7 =	vadd.s32 v6, v7  }
0x670: {  	[tilespmem:s8+$0x10000] =	vst v7;
	s8 =	sshra.s32 s9, $0x2;
	s9 =	sadd.s32 $0x40, s9;
	v6, _, _ =	vpop (xrf0)  }
0x671: {  	v7 =	vld [tilespmem:s8+$0x10000];
	_ =	sdelay $0x2  }
0x672: {  	(v2sf) =	vpush v6, $0xF;
	_ =	sdelay $0x1  }
0x673: {  	(xrf0) =	vadd.scan.msk.s32 $0xffff, v7;
	_ =	sdelay $0x5  }
0x674: {  	v6, _, _ =	vpop (xrf0)  }
0x675: {  	v8 =	vsel vm2, $0x0, v6  }
0x676: {  	(xrf0) =	vadd.scan.msk.s32 $0xffff, v8;
	_ =	sdelay $0x3  }
0x677: {  	s4 =	simm.s32 $0x0  }
0x678: {  	v9 =	vadd.s32 s4, v4;
	s28 =	spop (v2sf)  }
0x679: {  	s1 =	sadd.s32 s1, s28;
	v8, _, _ =	vpop (xrf0)  }
0x67a: {  	v7 =	vsub.s32 s1, v7;
	(v2sf) =	vpush v8, $0xF  }
0x67b: {  	v6 =	vadd.s32 v6, v7  }
0x67c: {  	[tilespmem:s8+$0x10000] =	vst v6  }
0x67d: {  	v6 =	vld.idx.msk [tilespmem:v9+s20+$0x0], $0xffff;
	_ =	sdelay $0x4  }
0x67e: {  	v7 =	vshrl.u32 v6, $0xC  }
0x67f: {  	v7 =	vand.u32 $0xFF0, v7  }
0x680: {  	p0 =	sne.s32 s0, $0x1;
	v8 =	vxor.u32 v5, v7  }
.Ltmp87:
0x681: {  	_ = 	snop;
	(pc) =	sbr.rel @!p0 .LBB2_135-.Ltmp87, $3  }
0x682: {  	_ =	sdelay $0x1  }
0x683: {  	v7 =	vld.idx.msk [tilespmem:v9+s21+$0x0], $0xffff  }
0x684: {  	s1 =	simm.s32 $0x1;
	v9 =	vld.idx.msk [tilespmem:v8+s22+$0x0], $0xffff;
	s30 =	spop (v2sf)  }
.LBB2_134:
0x685: {  	_ =	sdelay $0x4  }
0x686: {  	v10 =	vadd.s32 s1, v4;
	_ =	sdelay $0x1  }
0x687: {  	s1 =	sadd.s32 $0x1, s1;
	[tilespmem:v9+s23+$0x0] =	vst.idx.msk $0xffff, v6  }
0x688: {  	p0 =	sne.s32 s0, s1;
	[tilespmem:v9+s24+$0x0] =	vst.idx.msk $0xffff, v7  }
0x689: {  	[tilespmem:v8+s22+$0x0] =	vst.idx.add.s32.msk $0xffff, v2  }
0x68a: {  	v6 =	vld.idx.msk [tilespmem:v10+s20+$0x0], $0xffff  }
0x68b: {  	v7 =	vld.idx.msk [tilespmem:v10+s21+$0x0], $0xffff;
	_ =	sdelay $0x4  }
0x68c: {  	v8 =	vshrl.u32 v6, $0xC  }
0x68d: {  	v8 =	vand.u32 $0xFF0, v8  }
0x68e: {  	v8 =	vxor.u32 v5, v8  }
.Ltmp88:
0x68f: {  	(pc) =	sbr.rel @p0 .LBB2_134-.Ltmp88, $2  }
0x690: {  	_ =	sdelay $0x2  }
0x691: {  	v9 =	vld.idx.msk [tilespmem:v8+s22+$0x0], $0xffff  }
.LBB2_135:
0x692: {  	_ =	sdelay $0x7  }
0x693: {  	[tilespmem:v9+s23+$0x0] =	vst.idx.msk $0xffff, v6  }
0x694: {  	[tilespmem:v9+s24+$0x0] =	vst.idx.msk $0xffff, v7  }
0x695: {  	s1 =	simm.s32 $0x40;
	s5 =	simm.s32 $0x0;
	[tilespmem:v8+s22+$0x0] =	vst.idx.add.s32.msk $0xffff, v2  }
.LBB2_136:
0x696: {  	p0 =	sne.s32 s1, $0x3FC0;
	[tilespmem:s5+$0x10000] =	vst v1;
	s4 =	smov.u32 s1;
	s1 =	sadd.s32 $0x40, s1  }
.Ltmp89:
0x697: {  	(pc) =	sbr.rel @p0 .LBB2_136-.Ltmp89, $2  }
0x698: {  	_ =	sdelay $0x2  }
0x699: {  	s5 =	sshra.s32 s4, $0x2  }
0x69a: {  	s1 =	simm.s32 $0x0  }
0x69b: {  	v5 =	vadd.s32 s1, v4;
	_ =	sdelay $0x3  }
0x69c: {  	[tilespmem:s5+$0x10000] =	vst v1  }
0x69d: {  	v5 =	vld.idx.msk [tilespmem:v5+s23+$0x0], $0xffff;
	_ =	sdelay $0x2  }
0x69e: {  	p0 =	sne.s32 s0, $0x1  }
.Ltmp90:
0x69f: {  	_ = 	snop;
	(pc) =	sbr.rel @!p0 .LBB2_139-.Ltmp90, $4  }
0x6a0: {  	v5 =	vxor.u32 $0xFFFFFFFF, v5  }
0x6a1: {  	v5 =	vshrl.u32 v5, $0x14  }
0x6a2: {  	v5 =	vand.u32 $0xFF0, v5  }
0x6a3: {  	s5 =	simm.s32 $0x1;
	v5 =	vor.u32 v0, v5  }
.LBB2_138:
0x6a4: {  	v6 =	vadd.s32 s5, v4;
	s5 =	sadd.s32 $0x1, s5  }
0x6a5: {  	p0 =	sne.s32 s0, s5;
	_ =	sdelay $0x2  }
0x6a6: {  	[tilespmem:v5+s22+$0x0] =	vst.idx.add.s32.msk $0xffff, v2  }
0x6a7: {  	v5 =	vld.idx.msk [tilespmem:v6+s23+$0x0], $0xffff;
	_ =	sdelay $0x4  }
.Ltmp91:
0x6a8: {  	(pc) =	sbr.rel @p0 .LBB2_138-.Ltmp91, $4  }
0x6a9: {  	v5 =	vxor.u32 $0xFFFFFFFF, v5  }
0x6aa: {  	v5 =	vshrl.u32 v5, $0x14  }
0x6ab: {  	v5 =	vand.u32 $0xFF0, v5  }
0x6ac: {  	v5 =	vor.u32 v0, v5  }
.LBB2_139:
0x6ad: {  	_ =	sdelay $0x3  }
0x6ae: {  	[tilespmem:v5+s22+$0x0] =	vst.idx.add.s32.msk $0xffff, v2;
	s4 =	simm.s32 $0x0  }
0x6af: {  	v5 =	vld [tilespmem:s4+$0x10000];
	_ =	sdelay $0x4  }
0x6b0: {  	(xrf0) =	vadd.scan.msk.s32 $0xffff, v5;
	_ =	sdelay $0x5  }
0x6b1: {  	v6, _, _ =	vpop (xrf0)  }
0x6b2: {  	v7 =	vsel vm2, $0x0, v6  }
0x6b3: {  	(xrf0) =	vadd.scan.msk.s32 $0xffff, v7;
	_ =	sdelay $0x1  }
0x6b4: {  	v5 =	vsub.s32 s1, v5  }
0x6b5: {  	v5 =	vadd.s32 v6, v5;
	_ =	sdelay $0x2  }
0x6b6: {  	s8 =	simm.s32 $0x10;
	s9 =	simm.s32 $0x80;
	[tilespmem:s4+$0x10000] =	vst v5;
	v5, _, _ =	vpop (xrf0)  }
.LBB2_140:
0x6b7: {  	p0 =	sne.s32 s9, $0x3FC0;
	v6 =	vld [tilespmem:s8+$0x10000];
	(v2sf) =	vpush v5, $0xF;
	_ =	sdelay $0x4  }
0x6b8: {  	(xrf0) =	vadd.scan.msk.s32 $0xffff, v6;
	_ =	sdelay $0x5  }
0x6b9: {  	v5, _, _ =	vpop (xrf0)  }
0x6ba: {  	v7 =	vsel vm2, $0x0, v5  }
0x6bb: {  	(xrf0) =	vadd.scan.msk.s32 $0xffff, v7;
	_ =	sdelay $0x1  }
.Ltmp92:
0x6bc: {  	s4 =	spop (v2sf);
	(pc) =	sbr.rel @p0 .LBB2_140-.Ltmp92, $4  }
0x6bd: {  	s1 =	sadd.s32 s1, s4  }
0x6be: {  	v6 =	vsub.s32 s1, v6  }
0x6bf: {  	v6 =	vadd.s32 v5, v6  }
0x6c0: {  	[tilespmem:s8+$0x10000] =	vst v6;
	s8 =	sshra.s32 s9, $0x2;
	s9 =	sadd.s32 $0x40, s9;
	v5, _, _ =	vpop (xrf0)  }
0x6c1: {  	v6 =	vld [tilespmem:s8+$0x10000];
	_ =	sdelay $0x1  }
0x6c2: {  	(v2sf) =	vpush v5, $0xF;
	_ =	sdelay $0x2  }
0x6c3: {  	(xrf0) =	vadd.scan.msk.s32 $0xffff, v6;
	_ =	sdelay $0x5  }
0x6c4: {  	v5, _, _ =	vpop (xrf0)  }
0x6c5: {  	v7 =	vsel vm2, $0x0, v5  }
0x6c6: {  	(xrf0) =	vadd.scan.msk.s32 $0xffff, v7;
	_ =	sdelay $0x2  }
0x6c7: {  	s4 =	simm.s32 $0x0  }
0x6c8: {  	v8 =	vadd.s32 s4, v4;
	s28 =	spop (v2sf)  }
0x6c9: {  	s1 =	sadd.s32 s1, s28  }
0x6ca: {  	v6 =	vsub.s32 s1, v6;
	v7, _, _ =	vpop (xrf0)  }
0x6cb: {  	v5 =	vadd.s32 v5, v6;
	(v2sf) =	vpush v7, $0xF  }
0x6cc: {  	[tilespmem:s8+$0x10000] =	vst v5  }
0x6cd: {  	v5 =	vld.idx.msk [tilespmem:v8+s23+$0x0], $0xffff;
	_ =	sdelay $0x4  }
0x6ce: {  	v6 =	vxor.u32 $0xFFFFFFFF, v5  }
0x6cf: {  	v6 =	vshrl.u32 v6, $0x14  }
0x6d0: {  	v6 =	vand.u32 $0xFF0, v6  }
0x6d1: {  	p0 =	sne.s32 s0, $0x1;
	v7 =	vor.u32 v0, v6  }
.Ltmp93:
0x6d2: {  	_ = 	snop;
	(pc) =	sbr.rel @!p0 .LBB2_143-.Ltmp93, $3  }
0x6d3: {  	_ =	sdelay $0x1  }
0x6d4: {  	v6 =	vld.idx.msk [tilespmem:v8+s24+$0x0], $0xffff  }
0x6d5: {  	s1 =	simm.s32 $0x1;
	v8 =	vld.idx.msk [tilespmem:v7+s22+$0x0], $0xffff;
	s30 =	spop (v2sf)  }
.LBB2_142:
0x6d6: {  	_ =	sdelay $0x4  }
0x6d7: {  	v9 =	vadd.s32 s1, v4;
	_ =	sdelay $0x1  }
0x6d8: {  	s1 =	sadd.s32 $0x1, s1;
	[tilespmem:v8+s20+$0x0] =	vst.idx.msk $0xffff, v5  }
0x6d9: {  	p0 =	sne.s32 s0, s1;
	[tilespmem:v8+s21+$0x0] =	vst.idx.msk $0xffff, v6  }
0x6da: {  	[tilespmem:v7+s22+$0x0] =	vst.idx.add.s32.msk $0xffff, v2  }
0x6db: {  	v5 =	vld.idx.msk [tilespmem:v9+s23+$0x0], $0xffff  }
0x6dc: {  	v6 =	vld.idx.msk [tilespmem:v9+s24+$0x0], $0xffff;
	_ =	sdelay $0x4  }
0x6dd: {  	v7 =	vxor.u32 $0xFFFFFFFF, v5  }
0x6de: {  	v7 =	vshrl.u32 v7, $0x14  }
0x6df: {  	v7 =	vand.u32 $0xFF0, v7  }
0x6e0: {  	v7 =	vor.u32 v0, v7  }
.Ltmp94:
0x6e1: {  	(pc) =	sbr.rel @p0 .LBB2_142-.Ltmp94, $2  }
0x6e2: {  	_ =	sdelay $0x2  }
0x6e3: {  	v8 =	vld.idx.msk [tilespmem:v7+s22+$0x0], $0xffff  }
.LBB2_143:
0x6e4: {  	_ =	sdelay $0x7  }
0x6e5: {  	[tilespmem:v8+s20+$0x0] =	vst.idx.msk $0xffff, v5  }
0x6e6: {  	[tilespmem:v8+s21+$0x0] =	vst.idx.msk $0xffff, v6  }
0x6e7: {  	[tilespmem:v7+s22+$0x0] =	vst.idx.add.s32.msk $0xffff, v2  }
.LBB2_144:
0x6e8: {  	s0 =	rddreg [dreg:$0x7]  }
0x6e9: {  	[tilespmem:s25], [sflag:$0x3] =	stream.strided.gather [hbm4b:s0+s14], $0x2800, s15, s14, $0x38;
	[tilespmem:$0x18200] =	vst v63  }
0x6ea: {  	_ =	swait.ge [sflag:s26], $0x2800  }
0x6eb: {  	[sflag:s26] =	ssyncset.done $0x0  }
0x6ec: {  	s4 =	simm.s32 $0x0;
	s30 =	simm.s32 $0x18180;
	[sflag:s26] =	ssyncadd.s32 $0xFFFFD800  }
0x6ed: {  	[tilespmem:s30], [sflag:$0x3] =	stream.linear.gather [hbm4b:s13+s4], $0x80, $0x38;
	[tilespmem:$0x18200] =	vst v63  }
0x6ee: {  	_ =	swait.ge [sflag:s26], $0x80  }
0x6ef: {  	[sflag:s26] =	ssyncset.done $0x0  }
0x6f0: {  	[sflag:s26] =	ssyncadd.s32 $0xFFFFFF80  }
0x6f1: {  	v4 =	vld [tilespmem:$0x18180]  }
0x6f2: {  	s0 =	simm.s32 $0x11D80  }
0x6f3: {  	v5 =	vld [tilespmem:s0+$0x0];
	_ =	sdelay $0x1  }
0x6f4: {  	vm2 =	vmmov $0x1  }
0x6f5: {  	v6 =	vnsel vm2, $0x0, v4  }
0x6f6: {  	s1 =	simm.s32 $0x11000;
	(xrf2) =	vadd.scan.msk.f32 $0xffff, v6  }
0x6f7: {  	v7 =	vshrl.u32 v5, $0x8;
	v6 =	vld [tilespmem:s1+$0x0]  }
0x6f8: {  	v10 =	vmul.u32 $0x5, v7;
	_ =	sdelay $0x2  }
0x6f9: {  	s8 =	simm.s32 $0x17E80  }
0x6fa: {  	s5 =	simm.s32 $0x17B80;
	v5 =	vand.u32 $0xFF, v5;
	[tilespmem:s8+$0x0] =	vst v6  }
0x6fb: {  	[tilespmem:s5+$0x0] =	vst v5;
	v5 =	vmov s4  }
0x6fc: {  	v6 =	vld.idx.msk [tilespmem:v10+s25+$0x0], $0xffff;
	v5 =	vmul.u32 $0x5, v5  }
0x6fd: {  	v4 =	vsel vm1, $0x0, v4  }
0x6fe: {  	v11 =	vbroadcast v5, $0x0;
	v7, _, _ =	vpop (xrf2);
	(xrf2) =	vadd.scan.msk.f32 $0xffff, v4;
	v4 =	vmul.u32 $0x5, v0  }
0x6ff: {  	v5 =	vbroadcast v7, $0xF  }
0x700: {  	v7 =	vadd.s32 v4, v11  }
0x701: {  	v8 =	vadd.s32 $0x1, v10;
	v6 =	vmul.f32 v6, v5;
	_ =	sdelay $0x1  }
0x702: {  	v6 =	vadd.f32 $0.0e+00, v6;
	_ =	sdelay $0x1  }
0x703: {  	[tilespmem:v7+s29+$0x0] =	vst.idx.msk $0xffff, v6  }
0x704: {  	v8 =	vld.idx.msk [tilespmem:v8+s25+$0x0], $0xffff;
	_ =	sdelay $0x1  }
0x705: {  	v6, _, _ =	vpop (xrf2)  }
0x706: {  	v7 =	vadd.s32 $0x1, v4;
	v6 =	vbroadcast v6, $0xF  }
0x707: {  	v9 =	vadd.s32 v7, v11  }
0x708: {  	v12 =	vadd.s32 $0x2, v10;
	v8 =	vmul.f32 v8, v6;
	_ =	sdelay $0x1  }
0x709: {  	v8 =	vadd.f32 $0.0e+00, v8;
	_ =	sdelay $0x1  }
0x70a: {  	[tilespmem:v9+s29+$0x0] =	vst.idx.msk $0xffff, v8  }
0x70b: {  	v9 =	vld.idx.msk [tilespmem:v12+s25+$0x0], $0xffff;
	_ =	sdelay $0x2  }
0x70c: {  	v8 =	vadd.s32 $0x2, v4  }
0x70d: {  	v12 =	vadd.s32 v8, v11  }
0x70e: {  	v13 =	vadd.s32 $0x3, v10;
	v9 =	vmul.f32 $1.500000000e+02, v9;
	_ =	sdelay $0x1  }
0x70f: {  	v9 =	vadd.f32 $0.0e+00, v9;
	_ =	sdelay $0x1  }
0x710: {  	[tilespmem:v12+s29+$0x0] =	vst.idx.msk $0xffff, v9  }
0x711: {  	v12 =	vld.idx.msk [tilespmem:v13+s25+$0x0], $0xffff;
	_ =	sdelay $0x2  }
0x712: {  	v9 =	vadd.s32 $0x3, v4  }
0x713: {  	v13 =	vadd.s32 v9, v11  }
0x714: {  	v10 =	vadd.s32 $0x4, v10;
	v12 =	vadd.f32 v12, v12;
	_ =	sdelay $0x1  }
0x715: {  	v12 =	vadd.f32 $-1.000000000e+00, v12;
	_ =	sdelay $0x1  }
0x716: {  	[tilespmem:v13+s29+$0x0] =	vst.idx.msk $0xffff, v12  }
0x717: {  	v10 =	vld.idx.msk [tilespmem:v10+s25+$0x0], $0xffff;
	_ =	sdelay $0x4  }
0x718: {  	v12 =	vmul.f32 $1.000000000e+01, v10;
	v10 =	vadd.s32 $0x4, v4  }
0x719: {  	v11 =	vadd.s32 v10, v11;
	_ =	sdelay $0x2  }
0x71a: {  	v12 =	vadd.f32 $0.0e+00, v12  }
0x71b: {  	s9 =	simm.s32 $0x10;
	s10 =	simm.s32 $0x17B90  }
.LBB2_145:
0x71c: {  	[tilespmem:v11+s29+$0x0] =	vst.idx.msk $0xffff, v12;
	s1 =	sadd.s32 $0x10, s1;
	s0 =	sadd.s32 $0x10, s0;
	s8 =	sadd.s32 $0x10, s8  }
0x71d: {  	p0 =	sne.s32 s9, $0x2A0;
	s4 =	smov.u32 s9;
	s9 =	sadd.s32 $0x10, s9;
	v11 =	vld [tilespmem:s0+$0x0]  }
0x71e: {  	_ =	sdelay $0x3  }
0x71f: {  	v12 =	vld [tilespmem:s1+$0x0];
	v13 =	vand.u32 $0xFF, v11;
	v11 =	vshrl.u32 v11, $0x8  }
0x720: {  	v14 =	vmul.u32 $0x5, v11;
	_ =	sdelay $0x3  }
0x721: {  	[tilespmem:s8+$0x0] =	vst v12  }
0x722: {  	[tilespmem:s10+$0x0] =	vst v13  }
0x723: {  	v11 =	vmov s4;
	v12 =	vld.idx.msk [tilespmem:v14+s25+$0x0], $0xffff  }
0x724: {  	v11 =	vmul.u32 $0x5, v11;
	_ =	sdelay $0x1  }
0x725: {  	v13 =	vbroadcast v11, $0x0;
	_ =	sdelay $0x1  }
0x726: {  	v15 =	vadd.s32 v4, v13  }
0x727: {  	v16 =	vadd.s32 $0x1, v14;
	v11 =	vadd.s32 v10, v13;
	v12 =	vmul.f32 v12, v5;
	_ =	sdelay $0x1  }
0x728: {  	v12 =	vadd.f32 $0.0e+00, v12;
	_ =	sdelay $0x1  }
0x729: {  	[tilespmem:v15+s29+$0x0] =	vst.idx.msk $0xffff, v12  }
0x72a: {  	v12 =	vld.idx.msk [tilespmem:v16+s25+$0x0], $0xffff;
	_ =	sdelay $0x4  }
0x72b: {  	v15 =	vadd.s32 v7, v13  }
0x72c: {  	v16 =	vadd.s32 $0x2, v14;
	v12 =	vmul.f32 v12, v6;
	_ =	sdelay $0x1  }
0x72d: {  	v12 =	vadd.f32 $0.0e+00, v12;
	_ =	sdelay $0x1  }
0x72e: {  	[tilespmem:v15+s29+$0x0] =	vst.idx.msk $0xffff, v12  }
0x72f: {  	v12 =	vld.idx.msk [tilespmem:v16+s25+$0x0], $0xffff;
	_ =	sdelay $0x4  }
0x730: {  	v15 =	vadd.s32 v8, v13  }
0x731: {  	v16 =	vadd.s32 $0x3, v14;
	v12 =	vmul.f32 $1.500000000e+02, v12;
	_ =	sdelay $0x1  }
0x732: {  	v12 =	vadd.f32 $0.0e+00, v12;
	_ =	sdelay $0x1  }
0x733: {  	[tilespmem:v15+s29+$0x0] =	vst.idx.msk $0xffff, v12  }
0x734: {  	v12 =	vld.idx.msk [tilespmem:v16+s25+$0x0], $0xffff;
	_ =	sdelay $0x4  }
0x735: {  	v13 =	vadd.s32 v9, v13  }
0x736: {  	v14 =	vadd.s32 $0x4, v14;
	v12 =	vadd.f32 v12, v12;
	_ =	sdelay $0x1  }
0x737: {  	v12 =	vadd.f32 $-1.000000000e+00, v12;
	_ =	sdelay $0x1  }
0x738: {  	[tilespmem:v13+s29+$0x0] =	vst.idx.msk $0xffff, v12  }
0x739: {  	v12 =	vld.idx.msk [tilespmem:v14+s25+$0x0], $0xffff;
	_ =	sdelay $0x4  }
.Ltmp95:
0x73a: {  	(pc) =	sbr.rel @p0 .LBB2_145-.Ltmp95, $3  }
0x73b: {  	v12 =	vmul.f32 $1.000000000e+01, v12;
	_ =	sdelay $0x1  }
0x73c: {  	v12 =	vadd.f32 $0.0e+00, v12  }
0x73d: {  	s10 =	sadd.s32 $0x10, s10  }
0x73e: {  	_ =	sdelay $0x3  }
0x73f: {  	[tilespmem:v11+s29+$0x0] =	vst.idx.msk $0xffff, v12;
	s0 =	rddreg [dreg:$0x9];
	s1 =	simm.s32 $0x17E80  }
0x740: {  	[hbm4b:s0+s14] =	stream.strided.scatter [tilespmem:s1], [sflag:$0x3], $0x300, s15, s14, $0x38;
	[tilespmem:$0x18200] =	vst v63  }
0x741: {  	_ =	swait.ge [sflag:s26], $0x300  }
0x742: {  	[sflag:s26] =	ssyncset.done $0x0  }
0x743: {  	s11 =	simm.s32 $0x17B80;
	s10 =	rddreg [dreg:$0xa];
	[sflag:s26] =	ssyncadd.s32 $0xFFFFFD00  }
0x744: {  	[hbm4b:s10+s14] =	stream.strided.scatter [tilespmem:s11], [sflag:$0x3], $0x300, s15, s14, $0x38;
	[tilespmem:$0x18200] =	vst v63  }
0x745: {  	_ =	swait.ge [sflag:s26], $0x300  }
0x746: {  	[sflag:s26] =	ssyncset.done $0x0  }
0x747: {  	s28 =	rddreg [dreg:$0xb];
	[sflag:s26] =	ssyncadd.s32 $0xFFFFFD00  }
0x748: {  	[hbm4b:s28+s14] =	stream.strided.scatter [tilespmem:s29], [sflag:$0x3], $0xD80, s15, s14, $0x38;
	[tilespmem:$0x18200] =	vst v63  }
0x749: {  	_ =	swait.ge [sflag:s26], $0xD80  }
0x74a: {  	s2 =	sadd.s32 $0x1, s2;
	s30 =	rddreg [dreg:$0xc]  }
0x74b: {  	p0 =	sne.s32 s2, s30  }
.Ltmp96:
0x74c: {  	_ = 	snop;
	(pc) =	sbr.rel @p0 .LBB2_1-.Ltmp96, $4  }
.Ltmp97:
0x74d: {  	_ = 	snop;
	(pc) =	sbr.rel @!p0 .LBB2_147-.Ltmp97, $4  }
0x74e: {  	_ = 	snop  }
0x74f: {  	[sflag:s26] =	ssyncset.done $0x0  }
0x750: {  	[sflag:s26] =	ssyncadd.s32 $0xFFFFF280  }
0x751: {  	_ = 	snop  }
.LBB2_80:
.Ltmp98:
0x752: {  	(pc) =	sbr.rel .LBB2_84-.Ltmp98, $2  }
0x753: {  	_ =	sdelay $0x2  }
0x754: {  	s10 =	simm.s32 $0x0  }
.LBB2_82:
.Ltmp99:
0x755: {  	(pc) =	sbr.rel .LBB2_84-.Ltmp99, $2  }
0x756: {  	_ =	sdelay $0x2  }
0x757: {  	s10 =	simm.s32 $0x0  }
.LBB2_147:
0x758: {  	_ =	sfence.sel $0x180000  }
0x759: {  	[bflag:$0x0] =	sbarrier.arrive $0xFFFF  }
0x75a: {  	_ =	strace $0x9000004A  }
0x75b: {  	s0 =	stileid.u32;
	[bflag:$0x2] =	sbarrier.arrive $0xFFFF  }
0x75c: {  	p0 =	sne.s32 s0, $0x0;
	s0 =	rddreg [dreg:$0x4]  }
0x75d: {  	s0 =	sadd.s32 @!p0 $0x100000, s0  }
0x75e: {  	[sflag:s0] =	ssyncadd.tile.s32 @!p0 $0x1;
	_ =	shalt  }
.Lfunc_end2:
_tile_overlayer_lowered:
.L_overlay_start_2:
0x75f: {  	(tag) =	ssettag $0x2  }
0x760: {  	s0 =	rddreg [dreg:$0x0];
	s2 =	stileid.u32  }
0x761: {  	s1 =	rddreg [dreg:$0x1];
	p0 =	sne.s32 s2, $0x0  }
0x762: {  	s3 =	rddreg [dreg:$0x2];
	[bflag:$0x3] =	sbarrier.arrive $0xFFFF;
	s2 =	simm.s32 @!p0 $0x1C03  }
0x763: {  	[timem:s3], [sflag:s2] =	dma.local @!p0 [hbm:s0], s1  }
0x764: {  	s0 =	simm.s32 @!p0 $0x3  }
0x765: {  	_ =	swait.ge @!p0 [sflag:s0], s1  }
0x766: {  	s1 =	ssub.s32 @!p0 $0x0, s1;
	[sflag:s0] =	ssyncset.done @!p0 $0x0  }
0x767: {  	[sflag:s0] =	ssyncadd.s32 @!p0 s1  }
0x768: {  	[bflag:$0x3] =	sbarrier.arrive $0xFFFF  }
0x769: {  	_ =	shalt  }

// kernel: sparse-core-data-format-call.cloned.1.call-start
scs
called_computation_lowered:
.L_overlay_start_0:
0x0: {  	s2 =	sld [smem:$0x3FD9]  }
0x1: {  	s3 =	sld [smem:$0x3FFE];
	_ =	sdelay $0x1  }
0x2: {  	s1 =	srdreg.scid  }
0x3: {  	s0 =	sand.u32 $0x1, s1  }
0x4: {  	s18 =	sshll.u32 s0, $0xA;
	s2 =	sadd.s32 s3, s2  }
0x5: {  	s2 =	sadd.s32 s2, s18  }
0x6: {  	[smem:$0x3FC5] =	sst s2  }
0x7: {  	_ = 	snop  }
0x8: {  	s2 =	sld [smem:$0x3FC9];
	(tm) =	ssettm $0x1  }
0x9: {  	s19 =	sld [smem:$0x3FFB];
	_ =	sdelay $0x3  }
0xa: {  	_ =	strace s19  }
0xb: {  	s3 =	sld [smem:$0x3FFC];
	_ =	sdelay $0x3  }
0xc: {  	_ =	strace s3  }
0xd: {  	s3 =	sld [smem:$0x3FFD];
	_ =	sdelay $0x3  }
0xe: {  	_ =	strace s3  }
0xf: {  	_ =	strace $0x8FFFFFFF  }
0x10: {  	s20 =	sld [smem:$0x3FDB];
	_ =	sdelay $0x1  }
0x11: {  	s4 =	simm.s32 $_scs_section_size  }
0x12: {  	s5 =	simm.s32 $_size__tile_overlayer_lowered;
	s6 =	simm.s32 $_tile_overlayer_lowered  }
0x13: {  	s23 =	simm.s32 $0x1BFF;
	s22 =	sshll.u32 s6, $0x1;
	s3 =	sadd.s32 s4, s20  }
0x14: {  	s7 =	simm.s32 $0x0;
	s21 =	sshll.u32 s5, $0x1;
	s5 =	sadd.s32 s22, s3  }
0x15: {  	[timem:s7], [sflag:s23] =	dma.local [hbm:s5], s21  }
0x16: {  	_ =	swait.ge [sflag:s23], s21  }
0x17: {  	s4 =	ssub.s32 $0x0, s21;
	[sflag:s23] =	ssyncset.done $0x0  }
0x18: {  	[sflag:s23] =	ssyncadd.s32 s4;
	_ =	sdelay $0x1  }
0x19: {  	s24 =	simm.s32 $0x1B8B  }
0x1a: {  	_ =	swait.ge [sflag:s24], $0x1  }
0x1b: {  	[sflag:s24] =	ssyncset.done $0x0  }
0x1c: {  	s26 =	simm.s32 $0x1B8E;
	s25 =	sld [smem:$0x3FFE];
	[sflag:s24] =	ssyncadd.s32 $0xFFFFFFFF  }
0x1d: {  	s27 =	simm.s32 $execute0_lowered;
	[smem:$0x3FD2] =	sst s26  }
0x1e: {  	s5 =	sshll.u32 s27, $0x1;
	_ =	strace $0x80000046;
	[dreg:$0x1] =	wrdreg $0xFFFFFFFF  }
0x1f: {  	s28 =	simm.s32 $_size_execute0_lowered;
	s3 =	sadd.s32 s3, s5;
	[dreg:$0x0] =	wrdreg $0x0  }
0x20: {  	s5 =	sshll.u32 s28, $0x1;
	[dreg:$0x2] =	wrdreg s3  }
0x21: {  	[dreg:$0x3] =	wrdreg s5  }
0x22: {  	[dreg:$0x4] =	wrdreg $0xC0  }
0x23: {  	_ =	task [dreg:s7], $0x5FFFF  }
0x24: {  	[dreg:$0x1] =	wrdreg $0xFFFFFFFF  }
0x25: {  	[dreg:$0x0] =	wrdreg $0x60  }
0x26: {  	[dreg:$0x2] =	wrdreg s2  }
0x27: {  	[dreg:$0x3] =	wrdreg s25  }
0x28: {  	[dreg:$0x4] =	wrdreg $0x9  }
0x29: {  	_ =	task.clear_ibuf [dreg:s7], $0x5FFFF;
	_ =	strace $0x90000046  }
0x2a: {  	s29 =	simm.s32 $0x9;
	_ =	strace $0x80000048  }
0x2b: {  	_ =	swait.ge [sflag:s29], $0x1  }
0x2c: {  	[sflag:s29] =	ssyncadd.s32 $0xFFFFFFFF  }
0x2d: {  	_ =	strace $0x90000048  }
0x2e: {  	_ =	sfence  }
0x2f: {  	s30 =	sld [smem:$0x0];
	_ =	sdelay $0x2  }
0x30: {  	s31 =	sshll.u32 s1, $0xD;
	s1 =	sshrl.u32 s1, $0x2  }
0x31: {  	s3 =	sand.u32 $0x4000, s31;
	s1 =	sadd.s32 s1, s30  }
0x32: {  	s0 =	sor.u32 s3, s0;
	s1 =	sshll.u32 s1, $0x11  }
0x33: {  	s0 =	sor.u32 s1, s0  }
0x34: {  	s0 =	sadd.s32 $0x8F2B, s0  }
0x35: {  	[sflag:s0] =	ssyncadd.remote.s32 $0x1  }
0x36: {  	_ =	sfence.sel $0xFFFF  }
0x37: {  	[dreg:$0x0] =	wrdreg $0xFFFFFFFF;
	(pc) =	sbr.abs _section_cstart, $3  }
0x38: {  	[dreg:$0x1] =	wrdreg $0xFFFFFFFF  }
0x39: {  	_ =	task.clear_ibuf [dreg:s7], $0x2FFFF;
	_ =	strace $0x9FFFFFFF  }
0x3a: {  	(tm) =	ssettm $0x7FFFFFFF  }
0x3b: {  	_ =	shalt  }
tec
execute0_lowered:
.L_overlay_start_1:
0x0: {  	(tag) =	ssettag $0x1  }
0x1: {  	s2 =	rddreg [dreg:$0x0]  }
0x2: {  	s1 =	rddreg [dreg:$0x1]  }
0x3: {  	s0 =	rddreg [dreg:$0x2];
	s4 =	srdreg.scid  }
0x4: {  	_ =	strace $0x80000047;
	s7 =	simm.s32 $0x2;
	s13 =	simm.s32 $0x0  }
0x5: {  	p0 =	por $0x0, $0x0;
	s14 =	simm.s32 $0x0;
	s16 =	simm.s32 $0x0  }
0x6: {  	s15 =	simm.s32 $0x0;
	s9 =	simm.s32 $0x0;
	s10 =	simm.s32 $0x0  }
.Ltmp0:
0x7: {  	s3 =	sadd.s32 $0xA00, s1;
	s4 =	sshll.u32 s4, $0x4;
	(pc) =	sbr.rel .LBB1_1-.Ltmp0, $4  }
0x8: {  	s1 =	stileid.u32;
	s5 =	sand.u32 $0x10, s4;
	s4 =	simm.s32 $0x1  }
0x9: {  	s8 =	simm.s32 $0x0;
	s6 =	sor.u32 s1, s5;
	[sflag:s4] =	ssyncpa.u1 $0x0  }
0xa: {  	s5 =	sand.u32 $0x3, s1;
	s6 =	sshrl.u32 s6, $0x2;
	[sflag:s7] =	ssyncpa.u1 $0x0  }
0xb: {  	s7 =	simm.s32 $0x800;
	s12 =	smov.u32 s5;
	s11 =	smov.u32 s6  }
.LBB1_5:
0xc: {  	s17 =	sadd.s32 $0x80, s9  }
0xd: {  	s13 =	sadd.s32 $0x80, s10;
	s18 =	smov.u32 s10;
	p2 =	sgt.s32 s17, $0xFF  }
0xe: {  	s18 =	smov.u32 @p2 s13  }
0xf: {  	s19 =	smov.u32 s11;
	s13 =	sadd.s32 $0x8, s11;
	p3 =	sgt.s32 s18, $0x7FF  }
0x10: {  	s19 =	smov.u32 @p3 s13  }
0x11: {  	s20 =	smov.u32 s12;
	s13 =	sadd.s32 $0x4, s12;
	p4 =	sgt.s32 s19, $0x7  }
0x12: {  	p1 =	slt.u32 s8, $0x2;
	s20 =	smov.u32 @p4 s13  }
0x13: {  	s8 =	sadd.s32 $0x1, s8;
	s17 =	simm.s32 @p2 $0x0;
	p2 =	sgt.s32 s20, $0x3  }
0x14: {  	s21 =	simm.s32 @!p1 $0x2;
	s20 =	smov.u32 @p2 s5;
	p2 =	sne.s32 s8, $0x22  }
.Ltmp1:
0x15: {  	s14 =	smov.u32 s10;
	_ =	swait.ge @!p1 [sflag:s21], $0x4000;
	(pc) =	sbr.rel @!p2 .LBB1_6-.Ltmp1, $4  }
0x16: {  	s16 =	smov.u32 s11;
	s15 =	smov.u32 s12;
	[sflag:s21] =	ssyncset.done @!p1 $0x0  }
0x17: {  	p0 =	por !p0, !p0;
	s18 =	simm.s32 @p3 $0x0;
	[sflag:s21] =	ssyncadd.s32 @!p1 $0xFFFFC000  }
0x18: {  	s10 =	smov.u32 s18;
	s19 =	smov.u32 @p4 s6;
	s13 =	smov.u32 s9  }
0x19: {  	s9 =	smov.u32 s17;
	s11 =	smov.u32 s19;
	s12 =	smov.u32 s20  }
.LBB1_1:
0x1a: {  	p1 =	sgt.u32 s8, $0x1F  }
0x1b: {  	s17 =	sxor.u32 @!p1 $0xFFFFFFFF, s8;
	s18 =	sand.u32 @!p1 $0x78, s9;
	s19 =	sshll.u32 @!p1 s10, $0x8  }
0x1c: {  	s20 =	sshll.u32 @!p1 s9, $0x3;
	s21 =	sshll.u32 @!p1 s10, $0x7;
	s17 =	sshll.u32 @!p1 s17, $0xE  }
0x1d: {  	s19 =	sand.u32 @!p1 $0x7F800, s19;
	s20 =	sand.u32 @!p1 $0x7FC00, s20;
	s17 =	sand.u32 @!p1 $0x4000, s17  }
0x1e: {  	s19 =	sadd.s32 @!p1 s19, s20;
	s20 =	sand.u32 @!p1 $0x300, s21;
	s21 =	sand.u32 @!p1 $0x80, s21  }
0x1f: {  	s19 =	sor.u32 @!p1 s20, s19;
	s18 =	sor.u32 @!p1 s18, s21;
	s20 =	sshll.u32 @!p1 s12, $0x13  }
0x20: {  	s21 =	sshll.u32 @!p1 s11, $0x10;
	s19 =	sshrl.u32 @!p1 s19, $0x3;
	s20 =	sadd.s32 @!p1 s2, s20  }
0x21: {  	s18 =	sshrl.u32 @!p1 s18, $0x3;
	s20 =	sadd.s32 @!p1 s21, s20;
	s21 =	sand.u32 @!p1 $0x7, s9  }
0x22: {  	s19 =	sand.u32 @!p1 $0xFFE0, s19;
	s18 =	sadd.s32 @!p1 s18, s20;
	s20 =	sshll.u32 @!p1 s21, $0x12  }
0x23: {  	s18 =	sadd.s32 @!p1 s19, s18;
	s19 =	sor.u32 @!p1 $0x400, s20;
	s20 =	simm.s32 @!p1 $0x800  }
0x24: {  	[tilespmem:s17], [sflag:$0x1] =	stream.strided.gather @!p1 [hbm4b:s18+s19], $0x4000, s20, s19, $0x38;
	[tilespmem:$0x10000] =	vst v63  }
0x25: {  	p1 =	seq.s32 s8, $0x0  }
0x26: {  	p2 =	seq.s32 @!p1 s8, $0x21  }
0x27: {  	p1 =	por p1, p2  }
.Ltmp2:
0x28: {  	_ = 	snop;
	(pc) =	sbr.rel @p1 .LBB1_5-.Ltmp2, $1  }
0x29: {  	_ =	sdelay $0x3  }
0x2a: {  	s17 =	simm.s32 $0x1  }
0x2b: {  	s17 =	simm.s32 @!p0 $0x0  }
0x2c: {  	s17 =	sshll.u32 s17, $0xE  }
0x2d: {  	s18 =	sor.u32 $0x40, s17  }
0x2e: {  	v1 =	vmov s18;
	_ =	sdelay $0x1  }
0x2f: {  	_ =	swait.ge [sflag:s4], $0x4000  }
0x30: {  	[sflag:s4] =	ssyncset.done $0x0  }
0x31: {  	s19 =	simm.s32 $0x0;
	[sflag:s4] =	ssyncadd.s32 $0xFFFFC000  }
0x32: {  	s17 =	sor.u32 $0x8070, s17;
	v7 =	vld.idx.msk [tilespmem:v1+s19+$0x30 ss:$0x1], $0xffff  }
0x33: {  	v0 =	vmov s17;
	v8 =	vld.idx.msk [tilespmem:v1+s19+$0xFFFFFFC0 ss:$0x1], $0xffff  }
0x34: {  	v6 =	vld.idx.msk [tilespmem:v1+s19+$0xFFFFFFD0 ss:$0x1], $0xffff  }
0x35: {  	v4 =	vld.idx.msk [tilespmem:v1+s19+$0xFFFFFFE0 ss:$0x1], $0xffff  }
0x36: {  	v2 =	vld.idx.msk [tilespmem:v1+s19+$0xFFFFFFF0 ss:$0x1], $0xffff  }
0x37: {  	s31 =	sshll.u32 s8, $0xE;
	v3 =	vld.idx.msk [tilespmem:v1+s19+$0x0 ss:$0x1], $0xffff  }
0x38: {  	s17 =	sand.u32 $0x4000, s31;
	v5 =	vld.idx.msk [tilespmem:v1+s19+$0x10 ss:$0x1], $0xffff;
	[tilespmem:v0+s19+$0x0 ss:$0x1] =	vst.idx.msk $0xffff, v7  }
0x39: {  	s20 =	simm.s32 $0x400;
	s18 =	simm.s32 $0x80;
	s17 =	sor.u32 $0x8000, s17;
	[tilespmem:v0+s19+$0xFFFFFF90 ss:$0x1] =	vst.idx.msk $0xffff, v8;
	v7 =	vld.idx.msk [tilespmem:v1+s19+$0x20 ss:$0x1], $0xffff  }
.LBB1_3:
0x3a: {  	p1 =	sne.s32 s20, $0xFE00;
	v8 =	vld.idx.msk [tilespmem:v1+s18+$0x30 ss:$0x1], $0xffff;
	[tilespmem:v0+s19+$0xFFFFFFA0 ss:$0x1] =	vst.idx.msk $0xffff, v6  }
0x3b: {  	v9 =	vld.idx.msk [tilespmem:v1+s18+$0xFFFFFFC0 ss:$0x1], $0xffff;
	[tilespmem:v0+s19+$0xFFFFFFB0 ss:$0x1] =	vst.idx.msk $0xffff, v4  }
0x3c: {  	v6 =	vld.idx.msk [tilespmem:v1+s18+$0xFFFFFFD0 ss:$0x1], $0xffff;
	[tilespmem:v0+s19+$0xFFFFFFC0 ss:$0x1] =	vst.idx.msk $0xffff, v2  }
.Ltmp3:
0x3d: {  	v4 =	vld.idx.msk [tilespmem:v1+s18+$0xFFFFFFE0 ss:$0x1], $0xffff;
	[tilespmem:v0+s19+$0xFFFFFFD0 ss:$0x1] =	vst.idx.msk $0xffff, v3;
	(pc) =	sbr.rel @p1 .LBB1_3-.Ltmp3, $4  }
0x3e: {  	v2 =	vld.idx.msk [tilespmem:v1+s18+$0xFFFFFFF0 ss:$0x1], $0xffff;
	[tilespmem:v0+s19+$0xFFFFFFE0 ss:$0x1] =	vst.idx.msk $0xffff, v5  }
0x3f: {  	v3 =	vld.idx.msk [tilespmem:v1+s18+$0x0 ss:$0x1], $0xffff;
	[tilespmem:v0+s19+$0xFFFFFFF0 ss:$0x1] =	vst.idx.msk $0xffff, v7;
	s19 =	smov.u32 s18  }
0x40: {  	v5 =	vld.idx.msk [tilespmem:v1+s19+$0x10 ss:$0x1], $0xffff;
	[tilespmem:v0+s19+$0x0 ss:$0x1] =	vst.idx.msk $0xffff, v8  }
0x41: {  	s18 =	sshra.s32 s20, $0x2;
	s20 =	sadd.s32 $0x200, s20;
	[tilespmem:v0+s19+$0xFFFFFF90 ss:$0x1] =	vst.idx.msk $0xffff, v9;
	v7 =	vld.idx.msk [tilespmem:v1+s19+$0x20 ss:$0x1], $0xffff  }
0x42: {  	_ =	sdelay $0x3  }
0x43: {  	[tilespmem:v0+s19+$0xFFFFFFA0 ss:$0x1] =	vst.idx.msk $0xffff, v6  }
0x44: {  	v56 =	vld.idx.msk [tilespmem:v1+s18+$0x30 ss:$0x1], $0xffff;
	[tilespmem:v0+s19+$0xFFFFFFB0 ss:$0x1] =	vst.idx.msk $0xffff, v4  }
0x45: {  	v57 =	vld.idx.msk [tilespmem:v1+s18+$0xFFFFFFC0 ss:$0x1], $0xffff;
	[tilespmem:v0+s19+$0xFFFFFFC0 ss:$0x1] =	vst.idx.msk $0xffff, v2  }
0x46: {  	v58 =	vld.idx.msk [tilespmem:v1+s18+$0xFFFFFFD0 ss:$0x1], $0xffff;
	[tilespmem:v0+s19+$0xFFFFFFD0 ss:$0x1] =	vst.idx.msk $0xffff, v3  }
0x47: {  	v59 =	vld.idx.msk [tilespmem:v1+s18+$0xFFFFFFE0 ss:$0x1], $0xffff;
	[tilespmem:v0+s19+$0xFFFFFFE0 ss:$0x1] =	vst.idx.msk $0xffff, v5  }
0x48: {  	v60 =	vld.idx.msk [tilespmem:v1+s18+$0xFFFFFFF0 ss:$0x1], $0xffff;
	[tilespmem:v0+s19+$0xFFFFFFF0 ss:$0x1] =	vst.idx.msk $0xffff, v7  }
0x49: {  	v61 =	vld.idx.msk [tilespmem:v1+s18+$0x0 ss:$0x1], $0xffff;
	[tilespmem:v0+s18+$0x0 ss:$0x1] =	vst.idx.msk $0xffff, v56  }
0x4a: {  	v62 =	vld.idx.msk [tilespmem:v1+s18+$0x10 ss:$0x1], $0xffff;
	[tilespmem:v0+s18+$0xFFFFFF90 ss:$0x1] =	vst.idx.msk $0xffff, v57  }
0x4b: {  	s16 =	sshll.u32 s16, $0x7;
	v63 =	vld.idx.msk [tilespmem:v1+s18+$0x20 ss:$0x1], $0xffff;
	s29 =	sand.u32 $0x78, s13;
	s30 =	sshll.u32 s13, $0x3;
	[tilespmem:v0+s18+$0xFFFFFFA0 ss:$0x1] =	vst.idx.msk $0xffff, v58  }
0x4c: {  	s15 =	sshll.u32 s15, $0x13;
	s14 =	sshll.u32 s14, $0x8;
	s16 =	sand.u32 $0x380, s16;
	[tilespmem:v0+s18+$0xFFFFFFB0 ss:$0x1] =	vst.idx.msk $0xffff, v59  }
.Ltmp4:
0x4d: {  	s16 =	sor.u32 s29, s16;
	s19 =	sand.u32 $0x400, s30;
	[tilespmem:v0+s18+$0xFFFFFFC0 ss:$0x1] =	vst.idx.msk $0xffff, v60;
	(pc) =	sbr.rel .LBB1_5-.Ltmp4, $4  }
0x4e: {  	s31 =	sand.u32 $0x7, s13;
	s15 =	sadd.s32 s3, s15;
	[tilespmem:v0+s18+$0xFFFFFFD0 ss:$0x1] =	vst.idx.msk $0xffff, v61;
	s16 =	sor.u32 s19, s16  }
0x4f: {  	s13 =	sshll.u32 s31, $0x12;
	s14 =	sadd.s32 s14, s15;
	[tilespmem:v0+s18+$0xFFFFFFE0 ss:$0x1] =	vst.idx.msk $0xffff, v62;
	s16 =	sshrl.u32 s16, $0x3  }
0x50: {  	s13 =	sor.u32 $0x80, s13;
	[tilespmem:v0+s18+$0xFFFFFFF0 ss:$0x1] =	vst.idx.msk $0xffff, v63;
	s14 =	sadd.s32 s16, s14  }
0x51: {  	[hbm4b:s14+s13] =	stream.strided.scatter [tilespmem:s17], [sflag:$0x2], $0x4000, s7, s13, $0x38;
	[tilespmem:$0x10000] =	vst v63  }
.LBB1_6:
0x52: {  	_ =	sfence.sel $0x180000  }
0x53: {  	s2 =	simm.s32 $0x1;
	[bflag:$0x0] =	sbarrier.arrive $0xFFFF  }
0x54: {  	s31 =	simm.s32 $0x2;
	[sflag:s2] =	ssyncpa.u1 $0x1  }
0x55: {  	[sflag:s31] =	ssyncpa.u1 $0x1  }
0x56: {  	p0 =	sne.s32 s1, $0x0;
	_ =	strace $0x90000047  }
0x57: {  	s0 =	sadd.s32 @!p0 $0x100000, s0;
	[bflag:$0x2] =	sbarrier.arrive $0xFFFF  }
0x58: {  	[sflag:s0] =	ssyncadd.tile.s32 @!p0 $0x1;
	_ =	shalt  }
.Lfunc_end1:
_tile_overlayer_lowered:
.L_overlay_start_2:
0x59: {  	(tag) =	ssettag $0x2  }
0x5a: {  	s0 =	rddreg [dreg:$0x0];
	s2 =	stileid.u32  }
0x5b: {  	s1 =	rddreg [dreg:$0x1];
	p0 =	sne.s32 s2, $0x0  }
0x5c: {  	s3 =	rddreg [dreg:$0x2];
	[bflag:$0x3] =	sbarrier.arrive $0xFFFF;
	s2 =	simm.s32 @!p0 $0x1C01  }
0x5d: {  	[timem:s3], [sflag:s2] =	dma.local @!p0 [hbm:s0], s1  }
0x5e: {  	s0 =	simm.s32 @!p0 $0x1  }
0x5f: {  	_ =	swait.ge @!p0 [sflag:s0], s1  }
0x60: {  	s1 =	ssub.s32 @!p0 $0x0, s1;
	[sflag:s0] =	ssyncset.done @!p0 $0x0  }
0x61: {  	[sflag:s0] =	ssyncadd.s32 @!p0 s1  }
0x62: {  	[bflag:$0x3] =	sbarrier.arrive $0xFFFF  }
0x63: {  	_ =	shalt  }

</sc_bundles>
